<compile_context>
chip_gen: v7x
topology: tpu7x:2x2x1
jax: 0.10.2.dev20260603
libtpu: 0.0.44.dev20260713+nightly
codegen_flags: <defaults>
</compile_context>

<pallas_src>
import numpy as np
import jax
import jax.numpy as jnp
from jax import lax
from jax.experimental import pallas as pl
from jax.experimental.pallas import tpu as pltpu
from jax.experimental.pallas import tpu_sc as plsc

_ANCHORS = np.array([
    [[0.28, 0.22], [0.38, 0.48], [0.90, 0.78]],
    [[0.07, 0.15], [0.15, 0.11], [0.14, 0.29]],
    [[0.02, 0.03], [0.04, 0.07], [0.08, 0.06]],
], dtype=np.float32)
_S_LIST = [13, 26, 52]
_BATCH = 32
_NC, _NS = 2, 16
_NW = _NC * _NS

_N_CELLS = [_BATCH * 3 * s * s for s in _S_LIST]
_CH = [512, 2032, 8112]
_SS = [s * s for s in _S_LIST]

_anch_tab = np.zeros(32, np.float32)
for _i in range(3):
    for _k in range(3):
        _anch_tab[_i * 8 + 2 * _k] = 1.0 / (_ANCHORS[_i, _k, 0] * _S_LIST[_i])
        _anch_tab[_i * 8 + 2 * _k + 1] = 1.0 / (_ANCHORS[_i, _k, 1] * _S_LIST[_i])

_LN2 = 0.6931471805599453
_SQRT2 = 1.4142135623730951


def _softlog(x):
    b = plsc.bitcast(x, jnp.int32)
    e = lax.shift_right_logical(b, 23) - 127
    m = plsc.bitcast((b & 0x007FFFFF) | 0x3F800000, jnp.float32)
    big = m >= _SQRT2
    m = jnp.where(big, m * 0.5, m)
    e = e + jnp.where(big, 1, 0)
    t = (m - 1.0) / (m + 1.0)
    t2 = t * t
    p = 1.0 + t2 * (1.0 / 3.0 + t2 * (0.2 + t2 * (1.0 / 7.0 + t2 * (1.0 / 9.0))))
    return e.astype(jnp.float32) * _LN2 + 2.0 * t * p


def _do_scale(i, pred_ref, tgt_ref, out_ref, tgt_buf, idx_cell, idx_ebuf,
              gath_buf, anch_v, stage, sem, wid):
    n_cells, ch, ss = _N_CELLS[i], _CH[i], _SS[i]
    lane = lax.iota(jnp.int32, 16)
    base_owned = wid * ch
    base_read = jnp.minimum(base_owned, n_cells - ch)
    skip = base_owned - base_read

    pltpu.sync_copy(tgt_ref.at[pl.ds(base_read * 6, ch * 6)],
                    tgt_buf.at[pl.ds(0, ch * 6)])

    def scan_body(j, m_vec):
        lidx = j * 16 + lane
        t0 = plsc.load_gather(tgt_buf, [lidx * 6])
        msk = (t0 == 1.0) & (lidx >= skip)
        pos = m_vec + plsc.cumsum(msk.astype(jnp.int32)) - 1
        plsc.store_scatter(idx_cell, [pos], lidx, mask=msk)
        return m_vec + plsc.all_reduce_population_count(msk)

    m_vec = lax.fori_loop(0, ch // 16, scan_body, jnp.zeros(16, jnp.int32))
    m = jnp.max(m_vec)
    nch = (m + 31) // 32

    def chunk_body(ci, acc):
        cells = []
        for v in range(2):
            cpos = ci * 32 + v * 16 + lane
            vld = cpos < m
            cell = plsc.load_gather(idx_cell, [cpos])
            cell = jnp.where(vld, cell, 0)
            cells.append((cell, vld))
            fb = (base_read + cell) * 4
            for c in range(4):
                idx_ebuf[pl.ds(c * 32 + v * 16, 16)] = fb + c
        pltpu.async_copy(pred_ref.at[idx_ebuf], gath_buf, sem).wait()
        for v in range(2):
            cell, vld = cells[v]
            tb = cell * 6
            tx = plsc.load_gather(tgt_buf, [tb + 1])
            ty = plsc.load_gather(tgt_buf, [tb + 2])
            tw = plsc.load_gather(tgt_buf, [tb + 3])
            th = plsc.load_gather(tgt_buf, [tb + 4])
            px = gath_buf[pl.ds(0 * 32 + v * 16, 16)]
            py = gath_buf[pl.ds(1 * 32 + v * 16, 16)]
            pw = gath_buf[pl.ds(2 * 32 + v * 16, 16)]
            ph = gath_buf[pl.ds(3 * 32 + v * 16, 16)]
            k = ((base_read + cell) // ss) % 3
            iw = plsc.load_gather(anch_v, [i * 8 + 2 * k])
            ih = plsc.load_gather(anch_v, [i * 8 + 2 * k + 1])
            sx = 1.0 / (1.0 + jnp.exp(-px))
            sy = 1.0 / (1.0 + jnp.exp(-py))
            lw = _softlog(1e-16 + tw * iw)
            lh = _softlog(1e-16 + th * ih)
            dx, dy, dw, dh = sx - tx, sy - ty, pw - lw, ph - lh
            d = dx * dx + dy * dy + dw * dw + dh * dh
            acc = acc + jnp.where(vld, d, 0.0)
        return acc

    acc = lax.fori_loop(0, nch, chunk_body, jnp.zeros(16, jnp.float32))

    stage[...] = acc
    pltpu.sync_copy(stage, out_ref.at[wid, i])
    stage[...] = m_vec.astype(jnp.float32)
    pltpu.sync_copy(stage, out_ref.at[wid, 3 + i])


def _body(p0, p1, p2, t0, t1, t2, anch, out_ref, tgt_buf, idx_cell, idx_ebuf,
          gath_buf, anch_v, stage, sem):
    wid = lax.axis_index("s") * _NC + lax.axis_index("c")
    pltpu.sync_copy(anch, anch_v)
    preds = [p0, p1, p2]
    tgts = [t0, t1, t2]
    for i in range(3):
        _do_scale(i, preds[i], tgts[i], out_ref, tgt_buf, idx_cell, idx_ebuf,
                  gath_buf, anch_v, stage, sem, wid)


_sc_call = pl.kernel(
    _body,
    out_type=jax.ShapeDtypeStruct((_NW, 8, 16), jnp.float32),
    mesh=plsc.VectorSubcoreMesh(core_axis_name="c", subcore_axis_name="s",
                                num_cores=_NC, num_subcores=_NS),
    compiler_params=pltpu.CompilerParams(needs_layout_passes=False),
    scratch_types=[
        pltpu.VMEM((_CH[2] * 6,), jnp.float32),
        pltpu.VMEM((8192,), jnp.int32),
        pltpu.VMEM((128,), jnp.int32),
        pltpu.VMEM((128,), jnp.float32),
        pltpu.VMEM((32,), jnp.float32),
        pltpu.VMEM((16,), jnp.float32),
        pltpu.SemaphoreType.DMA,
    ],
)


def kernel(pred_0, pred_1, pred_2, target_0, target_1, target_2):
    p = [x[..., 1:5].reshape(-1) for x in (pred_0, pred_1, pred_2)]
    t = [x.reshape(-1) for x in (target_0, target_1, target_2)]
    anch = jnp.asarray(_anch_tab)
    parts = _sc_call(p[0], p[1], p[2], t[0], t[1], t[2], anch)
    s = parts[:, 0:3, :].sum(axis=(0, 2))
    cnt = parts[:, 3:6, 0].sum(axis=0)
    return (10.0 * s / jnp.maximum(4.0 * cnt, 1.0)).sum()

# --- scband reference (transcript-rebuilt; emitter-appended) ---
"""Pipeline reference for scband-yolo-loss-22986664968626 (READ-ONLY COPY).

The authoritative reference and input builder live on the scoring server;
editing this copy changes nothing except your own understanding.
"""

import jax, jax.numpy as jnp
import numpy as np

ANCHORS = np.array([
    [[0.28, 0.22], [0.38, 0.48], [0.90, 0.78]],
    [[0.07, 0.15], [0.15, 0.11], [0.14, 0.29]],
    [[0.02, 0.03], [0.04, 0.07], [0.08, 0.06]],
], dtype=np.float32)
S_LIST = [13, 26, 52]
SCALED_ANCHORS = [jnp.asarray(ANCHORS[i] * S_LIST[i]) for i in range(3)]
LAMBDA_CLASS = 1.0
LAMBDA_NOOBJ = 10.0
LAMBDA_OBJ = 1.0
LAMBDA_BOX = 10.0
NUM_CLASSES = 80
BATCH = 32


def _iou_midpoint(b1, b2):
    b1x1 = b1[..., 0:1] - b1[..., 2:3] / 2
    b1y1 = b1[..., 1:2] - b1[..., 3:4] / 2
    b1x2 = b1[..., 0:1] + b1[..., 2:3] / 2
    b1y2 = b1[..., 1:2] + b1[..., 3:4] / 2
    b2x1 = b2[..., 0:1] - b2[..., 2:3] / 2
    b2y1 = b2[..., 1:2] - b2[..., 3:4] / 2
    b2x2 = b2[..., 0:1] + b2[..., 2:3] / 2
    b2y2 = b2[..., 1:2] + b2[..., 3:4] / 2
    x1 = jnp.maximum(b1x1, b2x1)
    y1 = jnp.maximum(b1y1, b2y1)
    x2 = jnp.minimum(b1x2, b2x2)
    y2 = jnp.minimum(b1y2, b2y2)
    inter = jnp.maximum(x2 - x1, 0.0) * jnp.maximum(y2 - y1, 0.0)
    a1 = jnp.abs((b1x2 - b1x1) * (b1y2 - b1y1))
    a2 = jnp.abs((b2x2 - b2x1) * (b2y2 - b2y1))
    return inter / (a1 + a2 - inter + 1e-6)


def _scale_loss(pred, tgt, anchors):
    objm = (tgt[..., 0:1] == 1.0).astype(pred.dtype)
    noobjm = (tgt[..., 0:1] == 0.0).astype(pred.dtype)
    logits = pred[..., 0:1]
    # BCEWithLogits (stable form), mean over noobj elements
    bce = jnp.maximum(logits, 0.0) - logits * tgt[..., 0:1] + jnp.log1p(jnp.exp(-jnp.abs(logits)))
    no_object_loss = (bce * noobjm).sum() / jnp.maximum(noobjm.sum(), 1.0)
    a = anchors.reshape(1, 3, 1, 1, 2)
    box_preds = jnp.concatenate([jax.nn.sigmoid(pred[..., 1:3]), jnp.exp(pred[..., 3:5]) * a], axis=-1)
    ious = jax.lax.stop_gradient(_iou_midpoint(box_preds, tgt[..., 1:5]))
    object_loss = (((jax.nn.sigmoid(pred[..., 0:1]) - ious * tgt[..., 0:1]) ** 2) * objm).sum() / jnp.maximum(objm.sum(), 1.0)
    pred_box = jnp.concatenate([jax.nn.sigmoid(pred[..., 1:3]), pred[..., 3:5]], axis=-1)
    tgt_box = jnp.concatenate([tgt[..., 1:3], jnp.log(1e-16 + tgt[..., 3:5] / a)], axis=-1)
    box_loss = (((pred_box - tgt_box) ** 2) * objm).sum() / jnp.maximum(objm.sum() * 4.0, 1.0)
    cls_logits = pred[..., 5:]
    labels = jax.lax.stop_gradient(tgt[..., 5]).astype(jnp.int32)
    lse = jax.nn.logsumexp(cls_logits, axis=-1)
    picked = jnp.take_along_axis(cls_logits, labels[..., None], axis=-1)[..., 0]
    class_loss = ((lse - picked) * objm[..., 0]).sum() / jnp.maximum(objm.sum(), 1.0)
    # Faithful to the original code: due to stray unary '+' statements, only
    # lambda_box * box_loss accumulates into combined_loss; the other three
    # terms are computed (and printed) but discarded.
    _ = LAMBDA_OBJ * object_loss + LAMBDA_NOOBJ * no_object_loss + LAMBDA_CLASS * class_loss
    return LAMBDA_BOX * box_loss


def setup_inputs(seed: int = 0) -> dict:
    key = jax.random.key(seed)
    out = {}
    for i, s in enumerate(S_LIST):
        kp = jax.random.fold_in(key, 10 + i)
        kt = jax.random.fold_in(key, 20 + i)
        k1, k2, k3, k4 = jax.random.split(kt, 4)
        out[f"pred_{i}"] = jax.random.normal(kp, (BATCH, 3, s, s, 5 + NUM_CLASSES), dtype=jnp.float32)
        objness = jax.random.bernoulli(k1, 0.03, (BATCH, 3, s, s, 1)).astype(jnp.float32)
        xy = jax.random.uniform(k2, (BATCH, 3, s, s, 2), minval=0.0, maxval=1.0, dtype=jnp.float32)
        wh = jax.random.uniform(k3, (BATCH, 3, s, s, 2), minval=0.05, maxval=float(s) * 0.5, dtype=jnp.float32)
        cls = jax.random.randint(k4, (BATCH, 3, s, s, 1), 0, NUM_CLASSES).astype(jnp.float32)
        out[f"target_{i}"] = jnp.concatenate([objness, xy, wh, cls], axis=-1)
    return out


def reference(pred_0, pred_1, pred_2, target_0, target_1, target_2):
    preds = [pred_0, pred_1, pred_2]
    tgts = [target_0, target_1, target_2]
    total = jnp.asarray(0.0, dtype=jnp.float32)
    for i in range(3):
        total = total + _scale_loss(preds[i], tgts[i], SCALED_ANCHORS[i])
    return total

if __name__ == "__main__":
    import jax
    _d = setup_inputs()
    print(jax.jit(kernel)(*tuple(_d.values())))

</pallas_src>

<mosaic_0001>
#map = affine_map<(d0, d1) -> (0)>
#map1 = affine_map<(d0, d1) -> (0, 0, 0)>
module attributes {stable_mosaic.version = 14 : i64} {
  func.func @_body(%arg0: i32, %arg1: i32, %arg2: memref<64896xf32, #tpu.memory_space<hbm>>, %arg3: memref<64896xf32, #tpu.memory_space<hbm>>, %arg4: memref<259584xf32, #tpu.memory_space<hbm>>, %arg5: memref<389376xf32, #tpu.memory_space<hbm>>, %arg6: memref<22064640xf32, #tpu.memory_space<hbm>>, %arg7: memref<1557504xf32, #tpu.memory_space<hbm>>, %arg8: memref<32xf32, #tpu.memory_space<hbm>>, %arg9: memref<32x8x16xf32, #tpu.memory_space<hbm>>, %arg10: memref<48672xf32, #tpu.memory_space<vmem>>, %arg11: memref<8192xi32, #tpu.memory_space<vmem>>, %arg12: memref<128xi32, #tpu.memory_space<vmem>>, %arg13: memref<128xf32, #tpu.memory_space<vmem>>, %arg14: memref<32xf32, #tpu.memory_space<vmem>>, %arg15: memref<16xf32, #tpu.memory_space<vmem>>, %arg16: memref<!tpu.dma_semaphore, #tpu.memory_space<semaphore_mem>>) attributes {dimension_semantics = [#tpu.dimension_semantics<core_parallel>, #tpu.dimension_semantics<subcore_parallel>], iteration_bounds = array<i64: 2, 16>, scalar_prefetch = 0 : i64, scratch_operands = 7 : i64, tpu.core_type = #tpu.core_type<sc_vector_subcore>, window_params = [{transform_indices = #map}, {transform_indices = #map}, {transform_indices = #map}, {transform_indices = #map}, {transform_indices = #map}, {transform_indices = #map}, {transform_indices = #map}, {transform_indices = #map1}]} {
    %mul3A = arith.constant 2 : i32
    %mul3A_0 = arith.muli %arg1, %mul3A : i32
    %add3A = arith.addi %mul3A_0, %arg0 : i32
    "tpu.region"() ({
      %run_scoped3A_194 = tpu.sem_alloc : memref<!tpu.dma_semaphore, #tpu.memory_space<semaphore_mem>>
      tpu.enqueue_dma source(%arg8 : memref<32xf32, #tpu.memory_space<hbm>>) target(%arg14 : memref<32xf32, #tpu.memory_space<vmem>>) target_semaphore(%run_scoped3A_194 : memref<!tpu.dma_semaphore, #tpu.memory_space<semaphore_mem>>)
      tpu.wait_dma2 semaphore(%run_scoped3A_194 : memref<!tpu.dma_semaphore, #tpu.memory_space<semaphore_mem>>) src(%arg8 : memref<32xf32, #tpu.memory_space<hbm>>) dst(%arg14 : memref<32xf32, #tpu.memory_space<vmem>>)
      tpu.yield
    }) : () -> ()
    %iota3A = tpu.iota {dimensions = array<i32: 0>} : vector<16xi32>
    %mul3A_1 = arith.constant 512 : i32
    %mul3A_2 = arith.muli %add3A, %mul3A_1 : i32
    %min3A = arith.constant 15712 : i32
    %min3A_3 = arith.minsi %mul3A_2, %min3A : i32
    %sub3A = arith.subi %mul3A_2, %min3A_3 : i32
    %mul3A_4 = arith.constant 6 : i32
    %mul3A_5 = arith.muli %min3A_3, %mul3A_4 : i32
    "tpu.region"() ({
      %run_scoped3A_194 = tpu.sem_alloc : memref<!tpu.dma_semaphore, #tpu.memory_space<semaphore_mem>>
      %dma_start3A = arith.constant 0 : i32
      %dma_start3A_195 = tpu.memref_slice %arg10[%dma_start3A] : memref<48672xf32, #tpu.memory_space<vmem>> -> memref<3072xf32, #tpu.memory_space<vmem>>
      %dma_start3A_196 = tpu.memref_slice %arg5[%mul3A_5] : memref<389376xf32, #tpu.memory_space<hbm>> -> memref<3072xf32, #tpu.memory_space<hbm>>
      %dma_start3A_197 = arith.constant 0 : i32
      %dma_start3A_198 = tpu.memref_slice %arg10[%dma_start3A_197] : memref<48672xf32, #tpu.memory_space<vmem>> -> memref<3072xf32, #tpu.memory_space<vmem>>
      %dma_start3A_199 = tpu.memref_slice %arg5[%mul3A_5] : memref<389376xf32, #tpu.memory_space<hbm>> -> memref<3072xf32, #tpu.memory_space<hbm>>
      tpu.enqueue_dma source(%dma_start3A_199 : memref<3072xf32, #tpu.memory_space<hbm>>) target(%dma_start3A_198 : memref<3072xf32, #tpu.memory_space<vmem>>) target_semaphore(%run_scoped3A_194 : memref<!tpu.dma_semaphore, #tpu.memory_space<semaphore_mem>>)
      %dma_wait3A = arith.constant 0 : i32
      %dma_wait3A_200 = tpu.memref_slice %arg10[%dma_wait3A] : memref<48672xf32, #tpu.memory_space<vmem>> -> memref<3072xf32, #tpu.memory_space<vmem>>
      %dma_wait3A_201 = tpu.memref_slice %arg5[%mul3A_5] : memref<389376xf32, #tpu.memory_space<hbm>> -> memref<3072xf32, #tpu.memory_space<hbm>>
      %dma_wait3A_202 = arith.constant 0 : i32
      %dma_wait3A_203 = tpu.memref_slice %arg10[%dma_wait3A_202] : memref<48672xf32, #tpu.memory_space<vmem>> -> memref<3072xf32, #tpu.memory_space<vmem>>
      %dma_wait3A_204 = tpu.memref_slice %arg5[%mul3A_5] : memref<389376xf32, #tpu.memory_space<hbm>> -> memref<3072xf32, #tpu.memory_space<hbm>>
      tpu.wait_dma2 semaphore(%run_scoped3A_194 : memref<!tpu.dma_semaphore, #tpu.memory_space<semaphore_mem>>) src(%dma_wait3A_204 : memref<3072xf32, #tpu.memory_space<hbm>>) dst(%dma_wait3A_203 : memref<3072xf32, #tpu.memory_space<vmem>>)
      tpu.yield
    }) : () -> ()
    %broadcast_in_dim3A = arith.constant 0 : i32
    %broadcast_in_dim3A_6 = vector.broadcast %broadcast_in_dim3A : i32 to vector<16xi32>
    %scan3A = arith.constant 0 : i32
    %scan3A_7 = arith.constant 32 : i32
    %scan3A_8 = arith.addi %scan3A, %scan3A_7 : i32
    %scan3A_9 = arith.constant 1 : i32
    %scan3A_10 = scf.for %scan3A_194 = %scan3A to %scan3A_8 step %scan3A_9 iter_args(%scan3A_195 = %broadcast_in_dim3A_6) -> (vector<16xi32>)  : i32 {
      %mul3A_196 = arith.constant 16 : i32
      %mul3A_197 = arith.muli %scan3A_194, %mul3A_196 : i32
      %add3A_198 = vector.broadcast %mul3A_197 : i32 to vector<16xi32>
      %add3A_199 = arith.addi %add3A_198, %iota3A : vector<16xi32>
      %mul3A_200 = arith.constant 6 : i32
      %mul3A_201 = vector.broadcast %mul3A_200 : i32 to vector<16xi32>
      %mul3A_202 = arith.muli %add3A_199, %mul3A_201 : vector<16xi32>
      %gather3A = tpu.vector_load_idx %arg10[%mul3A_202] : memref<48672xf32, #tpu.memory_space<vmem>>[vector<16xi32>], vector<16xf32>,
      %eq3A = arith.constant 1.000000e+00 : f32
      %eq3A_203 = vector.broadcast %eq3A : f32 to vector<16xf32>
      %eq3A_204 = arith.cmpf oeq, %gather3A, %eq3A_203 : vector<16xf32>
      %ge3A = vector.broadcast %sub3A : i32 to vector<16xi32>
      %ge3A_205 = arith.cmpi sge, %add3A_199, %ge3A : vector<16xi32>
      %and3A_206 = arith.andi %eq3A_204, %ge3A_205 : vector<16xi1>
      %convert_element_type3A_207 = arith.extui %and3A_206 : vector<16xi1> to vector<16xi32>
      %broadcast_in_dim3A_208 = arith.constant true
      %broadcast_in_dim3A_209 = vector.broadcast %broadcast_in_dim3A_208 : i1 to vector<16xi1>
      %masked_cumsum3A = tpu.scan <sum>, %convert_element_type3A_207 masked %broadcast_in_dim3A_209 : vector<16xi32>, vector<16xi1> -> vector<16xi32>
      %add3A_210 = arith.addi %scan3A_195, %masked_cumsum3A : vector<16xi32>
      %sub3A_211 = arith.constant 1 : i32
      %sub3A_212 = vector.broadcast %sub3A_211 : i32 to vector<16xi32>
      %sub3A_213 = arith.subi %add3A_210, %sub3A_212 : vector<16xi32>
      tpu.vector_store_idx %arg11[%sub3A_213], %add3A_199 masked %and3A_206 : memref<8192xi32, #tpu.memory_space<vmem>>[vector<16xi32>], vector<16xi32>, vector<16xi1>
      %all_reduce_population_count3A = tpu.all_reduce %and3A_206 {dim = 0 : i64, kind = #tpu.reduction_kind<sum>} : vector<16xi1> -> vector<16xi32>
      %add3A_214 = arith.addi %scan3A_195, %all_reduce_population_count3A : vector<16xi32>
      scf.yield %add3A_214 : vector<16xi32>
    }
    %scan3A_11 = arith.constant 32 : i32
    %reduce_max3A = arith.constant true
    %reduce_max3A_12 = vector.broadcast %reduce_max3A : i1 to vector<16xi1>
    %reduce_max3A_13 = arith.constant -2147483648 : i32
    %reduce_max3A_14 = vector.broadcast %reduce_max3A_13 : i32 to vector<16xi32>
    %reduce_max3A_15 = arith.xori %scan3A_10, %reduce_max3A_14 : vector<16xi32>
    %reduce_max3A_16 = tpu.scan <max>, %reduce_max3A_15 masked %reduce_max3A_12 : vector<16xi32>, vector<16xi1> -> vector<16xi32>
    %reduce_max3A_17 = arith.xori %reduce_max3A_16, %reduce_max3A_14 : vector<16xi32>
    %reduce_max3A_18 = vector.extract %reduce_max3A_17[15] : i32 from vector<16xi32>
    %add3A_19 = arith.constant 31 : i32
    %add3A_20 = arith.addi %reduce_max3A_18, %add3A_19 : i32
    %jit3A = arith.constant 32 : i32
    %div3A = arith.divsi %add3A_20, %jit3A : i32
    %sign3A = arith.constant 0 : i32
    %sign3A_21 = arith.cmpi sgt, %add3A_20, %sign3A : i32
    %sign3A_22 = arith.extui %sign3A_21 : i1 to i32
    %sign3A_23 = arith.constant 0 : i32
    %sign3A_24 = arith.cmpi slt, %add3A_20, %sign3A_23 : i32
    %sign3A_25 = arith.extui %sign3A_24 : i1 to i32
    %sign3A_26 = arith.subi %sign3A_22, %sign3A_25 : i32
    %sign3A_27 = arith.constant 0 : i32
    %sign3A_28 = arith.cmpi sgt, %jit3A, %sign3A_27 : i32
    %sign3A_29 = arith.extui %sign3A_28 : i1 to i32
    %sign3A_30 = arith.constant 0 : i32
    %sign3A_31 = arith.cmpi slt, %jit3A, %sign3A_30 : i32
    %sign3A_32 = arith.extui %sign3A_31 : i1 to i32
    %sign3A_33 = arith.subi %sign3A_29, %sign3A_32 : i32
    %ne3A = arith.cmpi ne, %sign3A_26, %sign3A_33 : i32
    %rem3A = arith.remsi %add3A_20, %jit3A : i32
    %ne3A_34 = arith.constant 0 : i32
    %ne3A_35 = arith.cmpi ne, %rem3A, %ne3A_34 : i32
    %and3A = arith.andi %ne3A, %ne3A_35 : i1
    %sub3A_36 = arith.constant 1 : i32
    %sub3A_37 = arith.subi %div3A, %sub3A_36 : i32
    %select_n3A = arith.select %and3A, %sub3A_37, %div3A : i32
    %broadcast_in_dim3A_38 = arith.constant 0.000000e+00 : f32
    %broadcast_in_dim3A_39 = vector.broadcast %broadcast_in_dim3A_38 : f32 to vector<16xf32>
    %while3A = arith.constant 0 : i32
    %while3A_40 = arith.subi %select_n3A, %while3A : i32
    %while3A_41 = arith.addi %while3A, %while3A_40 : i32
    %while3A_42 = arith.constant 1 : i32
    %while3A_43 = arith.divsi %while3A_40, %while3A_42 : i32
    %while3A_44 = arith.muli %while3A_43, %while3A_42 : i32
    %while3A_45 = arith.addi %while3A, %while3A_44 : i32
    %while3A_46 = arith.constant 1 : i32
    %while3A_47 = scf.for %while3A_194 = %while3A to %while3A_45 step %while3A_46 iter_args(%while3A_195 = %broadcast_in_dim3A_39) -> (vector<16xf32>)  : i32 {
      %mul3A_196 = arith.constant 32 : i32
      %mul3A_197 = arith.muli %while3A_194, %mul3A_196 : i32
      %add3A_198 = arith.constant 0 : i32
      %add3A_199 = arith.addi %mul3A_197, %add3A_198 : i32
      %add3A_200 = vector.broadcast %add3A_199 : i32 to vector<16xi32>
      %add3A_201 = arith.addi %add3A_200, %iota3A : vector<16xi32>
      %lt3A = vector.broadcast %reduce_max3A_18 : i32 to vector<16xi32>
      %lt3A_202 = arith.cmpi slt, %add3A_201, %lt3A : vector<16xi32>
      %gather3A = tpu.vector_load_idx %arg11[%add3A_201] : memref<8192xi32, #tpu.memory_space<vmem>>[vector<16xi32>], vector<16xi32>,
      %jit3A_203 = arith.constant 0 : i32
      %broadcast_in_dim3A_204 = vector.broadcast %jit3A_203 : i32 to vector<16xi32>
      %select_n3A_205 = arith.select %lt3A_202, %gather3A, %broadcast_in_dim3A_204 : vector<16xi1>, vector<16xi32>
      %add3A_206 = vector.broadcast %min3A_3 : i32 to vector<16xi32>
      %add3A_207 = arith.addi %add3A_206, %select_n3A_205 : vector<16xi32>
      %mul3A_208 = arith.constant 4 : i32
      %mul3A_209 = vector.broadcast %mul3A_208 : i32 to vector<16xi32>
      %mul3A_210 = arith.muli %add3A_207, %mul3A_209 : vector<16xi32>
      %add3A_211 = arith.constant 0 : i32
      %add3A_212 = vector.broadcast %add3A_211 : i32 to vector<16xi32>
      %add3A_213 = arith.addi %mul3A_210, %add3A_212 : vector<16xi32>
      %swap3A_214 = arith.constant 0 : index
      %swap3A_215 = tpu.vector_load %arg12[%swap3A_214] {strides = array<i32>} : memref<128xi32, #tpu.memory_space<vmem>>, vector<16xi32>,
      tpu.vector_store %arg12[%swap3A_214], %add3A_213 {strides = array<i32>} : memref<128xi32, #tpu.memory_space<vmem>>, vector<16xi32>,
      %add3A_216 = arith.constant 1 : i32
      %add3A_217 = vector.broadcast %add3A_216 : i32 to vector<16xi32>
      %add3A_218 = arith.addi %mul3A_210, %add3A_217 : vector<16xi32>
      %swap3A_219 = arith.constant 32 : index
      %swap3A_220 = tpu.vector_load %arg12[%swap3A_219] {strides = array<i32>} : memref<128xi32, #tpu.memory_space<vmem>>, vector<16xi32>,
      tpu.vector_store %arg12[%swap3A_219], %add3A_218 {strides = array<i32>} : memref<128xi32, #tpu.memory_space<vmem>>, vector<16xi32>,
      %add3A_221 = arith.constant 2 : i32
      %add3A_222 = vector.broadcast %add3A_221 : i32 to vector<16xi32>
      %add3A_223 = arith.addi %mul3A_210, %add3A_222 : vector<16xi32>
      %swap3A_224 = arith.constant 64 : index
      %swap3A_225 = tpu.vector_load %arg12[%swap3A_224] {strides = array<i32>} : memref<128xi32, #tpu.memory_space<vmem>>, vector<16xi32>,
      tpu.vector_store %arg12[%swap3A_224], %add3A_223 {strides = array<i32>} : memref<128xi32, #tpu.memory_space<vmem>>, vector<16xi32>,
      %add3A_226 = arith.constant 3 : i32
      %add3A_227 = vector.broadcast %add3A_226 : i32 to vector<16xi32>
      %add3A_228 = arith.addi %mul3A_210, %add3A_227 : vector<16xi32>
      %swap3A_229 = arith.constant 96 : index
      %swap3A_230 = tpu.vector_load %arg12[%swap3A_229] {strides = array<i32>} : memref<128xi32, #tpu.memory_space<vmem>>, vector<16xi32>,
      tpu.vector_store %arg12[%swap3A_229], %add3A_228 {strides = array<i32>} : memref<128xi32, #tpu.memory_space<vmem>>, vector<16xi32>,
      %mul3A_231 = arith.constant 32 : i32
      %mul3A_232 = arith.muli %while3A_194, %mul3A_231 : i32
      %add3A_233 = arith.constant 16 : i32
      %add3A_234 = arith.addi %mul3A_232, %add3A_233 : i32
      %add3A_235 = vector.broadcast %add3A_234 : i32 to vector<16xi32>
      %add3A_236 = arith.addi %add3A_235, %iota3A : vector<16xi32>
      %lt3A_237 = vector.broadcast %reduce_max3A_18 : i32 to vector<16xi32>
      %lt3A_238 = arith.cmpi slt, %add3A_236, %lt3A_237 : vector<16xi32>
      %gather3A_239 = tpu.vector_load_idx %arg11[%add3A_236] : memref<8192xi32, #tpu.memory_space<vmem>>[vector<16xi32>], vector<16xi32>,
      %jit3A_240 = arith.constant 0 : i32
      %broadcast_in_dim3A_241 = vector.broadcast %jit3A_240 : i32 to vector<16xi32>
      %select_n3A_242 = arith.select %lt3A_238, %gather3A_239, %broadcast_in_dim3A_241 : vector<16xi1>, vector<16xi32>
      %add3A_243 = vector.broadcast %min3A_3 : i32 to vector<16xi32>
      %add3A_244 = arith.addi %add3A_243, %select_n3A_242 : vector<16xi32>
      %mul3A_245 = arith.constant 4 : i32
      %mul3A_246 = vector.broadcast %mul3A_245 : i32 to vector<16xi32>
      %mul3A_247 = arith.muli %add3A_244, %mul3A_246 : vector<16xi32>
      %add3A_248 = arith.constant 0 : i32
      %add3A_249 = vector.broadcast %add3A_248 : i32 to vector<16xi32>
      %add3A_250 = arith.addi %mul3A_247, %add3A_249 : vector<16xi32>
      %swap3A_251 = arith.constant 16 : index
      %swap3A_252 = tpu.vector_load %arg12[%swap3A_251] {strides = array<i32>} : memref<128xi32, #tpu.memory_space<vmem>>, vector<16xi32>,
      tpu.vector_store %arg12[%swap3A_251], %add3A_250 {strides = array<i32>} : memref<128xi32, #tpu.memory_space<vmem>>, vector<16xi32>,
      %add3A_253 = arith.constant 1 : i32
      %add3A_254 = vector.broadcast %add3A_253 : i32 to vector<16xi32>
      %add3A_255 = arith.addi %mul3A_247, %add3A_254 : vector<16xi32>
      %swap3A_256 = arith.constant 48 : index
      %swap3A_257 = tpu.vector_load %arg12[%swap3A_256] {strides = array<i32>} : memref<128xi32, #tpu.memory_space<vmem>>, vector<16xi32>,
      tpu.vector_store %arg12[%swap3A_256], %add3A_255 {strides = array<i32>} : memref<128xi32, #tpu.memory_space<vmem>>, vector<16xi32>,
      %add3A_258 = arith.constant 2 : i32
      %add3A_259 = vector.broadcast %add3A_258 : i32 to vector<16xi32>
      %add3A_260 = arith.addi %mul3A_247, %add3A_259 : vector<16xi32>
      %swap3A_261 = arith.constant 80 : index
      %swap3A_262 = tpu.vector_load %arg12[%swap3A_261] {strides = array<i32>} : memref<128xi32, #tpu.memory_space<vmem>>, vector<16xi32>,
      tpu.vector_store %arg12[%swap3A_261], %add3A_260 {strides = array<i32>} : memref<128xi32, #tpu.memory_space<vmem>>, vector<16xi32>,
      %add3A_263 = arith.constant 3 : i32
      %add3A_264 = vector.broadcast %add3A_263 : i32 to vector<16xi32>
      %add3A_265 = arith.addi %mul3A_247, %add3A_264 : vector<16xi32>
      %swap3A_266 = arith.constant 112 : index
      %swap3A_267 = tpu.vector_load %arg12[%swap3A_266] {strides = array<i32>} : memref<128xi32, #tpu.memory_space<vmem>>, vector<16xi32>,
      tpu.vector_store %arg12[%swap3A_266], %add3A_265 {strides = array<i32>} : memref<128xi32, #tpu.memory_space<vmem>>, vector<16xi32>,
      %dma_start3A = arith.constant 0 : i32
      %dma_start3A_268 = tpu.memref_slice %arg2[%dma_start3A] : memref<64896xf32, #tpu.memory_space<hbm>> -> memref<64896xf32, #tpu.memory_space<hbm>>
      tpu.enqueue_indirect_dma source(%dma_start3A_268 : memref<64896xf32, #tpu.memory_space<hbm>>) target(%arg13 : memref<128xf32, #tpu.memory_space<vmem>>) offsets(%arg12 : memref<128xi32, #tpu.memory_space<vmem>>) semaphore(%arg16 : memref<!tpu.dma_semaphore, #tpu.memory_space<semaphore_mem>>)
      %dma_wait3A = arith.constant 0 : i32
      %dma_wait3A_269 = tpu.memref_slice %arg2[%dma_wait3A] : memref<64896xf32, #tpu.memory_space<hbm>> -> memref<64896xf32, #tpu.memory_space<hbm>>
      tpu.wait_indirect_dma semaphore(%arg16 : memref<!tpu.dma_semaphore, #tpu.memory_space<semaphore_mem>>) src(%dma_wait3A_269 : memref<64896xf32, #tpu.memory_space<hbm>>) dst(%arg13 : memref<128xf32, #tpu.memory_space<vmem>>)
      %mul3A_270 = arith.constant 6 : i32
      %mul3A_271 = vector.broadcast %mul3A_270 : i32 to vector<16xi32>
      %mul3A_272 = arith.muli %select_n3A_205, %mul3A_271 : vector<16xi32>
      %add3A_273 = arith.constant 1 : i32
      %add3A_274 = vector.broadcast %add3A_273 : i32 to vector<16xi32>
      %add3A_275 = arith.addi %mul3A_272, %add3A_274 : vector<16xi32>
      %gather3A_276 = tpu.vector_load_idx %arg10[%add3A_275] : memref<48672xf32, #tpu.memory_space<vmem>>[vector<16xi32>], vector<16xf32>,
      %add3A_277 = arith.constant 2 : i32
      %add3A_278 = vector.broadcast %add3A_277 : i32 to vector<16xi32>
      %add3A_279 = arith.addi %mul3A_272, %add3A_278 : vector<16xi32>
      %gather3A_280 = tpu.vector_load_idx %arg10[%add3A_279] : memref<48672xf32, #tpu.memory_space<vmem>>[vector<16xi32>], vector<16xf32>,
      %add3A_281 = arith.constant 3 : i32
      %add3A_282 = vector.broadcast %add3A_281 : i32 to vector<16xi32>
      %add3A_283 = arith.addi %mul3A_272, %add3A_282 : vector<16xi32>
      %gather3A_284 = tpu.vector_load_idx %arg10[%add3A_283] : memref<48672xf32, #tpu.memory_space<vmem>>[vector<16xi32>], vector<16xf32>,
      %add3A_285 = arith.constant 4 : i32
      %add3A_286 = vector.broadcast %add3A_285 : i32 to vector<16xi32>
      %add3A_287 = arith.addi %mul3A_272, %add3A_286 : vector<16xi32>
      %gather3A_288 = tpu.vector_load_idx %arg10[%add3A_287] : memref<48672xf32, #tpu.memory_space<vmem>>[vector<16xi32>], vector<16xf32>,
      %get3A = arith.constant 0 : index
      %get3A_289 = tpu.vector_load %arg13[%get3A] {strides = array<i32>} : memref<128xf32, #tpu.memory_space<vmem>>, vector<16xf32>,
      %get3A_290 = arith.constant 32 : index
      %get3A_291 = tpu.vector_load %arg13[%get3A_290] {strides = array<i32>} : memref<128xf32, #tpu.memory_space<vmem>>, vector<16xf32>,
      %get3A_292 = arith.constant 64 : index
      %get3A_293 = tpu.vector_load %arg13[%get3A_292] {strides = array<i32>} : memref<128xf32, #tpu.memory_space<vmem>>, vector<16xf32>,
      %get3A_294 = arith.constant 96 : index
      %get3A_295 = tpu.vector_load %arg13[%get3A_294] {strides = array<i32>} : memref<128xf32, #tpu.memory_space<vmem>>, vector<16xf32>,
      %add3A_296 = vector.broadcast %min3A_3 : i32 to vector<16xi32>
      %add3A_297 = arith.addi %add3A_296, %select_n3A_205 : vector<16xi32>
      %jit3A_298 = arith.constant 169 : i32
      %div3A_299 = vector.broadcast %jit3A_298 : i32 to vector<16xi32>
      %div3A_300 = arith.divsi %add3A_297, %div3A_299 : vector<16xi32>
      %sign3A_301 = arith.constant 0 : i32
      %sign3A_302 = vector.broadcast %sign3A_301 : i32 to vector<16xi32>
      %sign3A_303 = arith.cmpi sgt, %add3A_297, %sign3A_302 : vector<16xi32>
      %sign3A_304 = arith.extui %sign3A_303 : vector<16xi1> to vector<16xi32>
      %sign3A_305 = arith.constant 0 : i32
      %sign3A_306 = vector.broadcast %sign3A_305 : i32 to vector<16xi32>
      %sign3A_307 = arith.cmpi slt, %add3A_297, %sign3A_306 : vector<16xi32>
      %sign3A_308 = arith.extui %sign3A_307 : vector<16xi1> to vector<16xi32>
      %sign3A_309 = arith.subi %sign3A_304, %sign3A_308 : vector<16xi32>
      %sign3A_310 = arith.constant 0 : i32
      %sign3A_311 = arith.cmpi sgt, %jit3A_298, %sign3A_310 : i32
      %sign3A_312 = arith.extui %sign3A_311 : i1 to i32
      %sign3A_313 = arith.constant 0 : i32
      %sign3A_314 = arith.cmpi slt, %jit3A_298, %sign3A_313 : i32
      %sign3A_315 = arith.extui %sign3A_314 : i1 to i32
      %sign3A_316 = arith.subi %sign3A_312, %sign3A_315 : i32
      %ne3A_317 = vector.broadcast %sign3A_316 : i32 to vector<16xi32>
      %ne3A_318 = arith.cmpi ne, %sign3A_309, %ne3A_317 : vector<16xi32>
      %rem3A_319 = vector.broadcast %jit3A_298 : i32 to vector<16xi32>
      %rem3A_320 = arith.remsi %add3A_297, %rem3A_319 : vector<16xi32>
      %ne3A_321 = arith.constant 0 : i32
      %ne3A_322 = vector.broadcast %ne3A_321 : i32 to vector<16xi32>
      %ne3A_323 = arith.cmpi ne, %rem3A_320, %ne3A_322 : vector<16xi32>
      %and3A_324 = arith.andi %ne3A_318, %ne3A_323 : vector<16xi1>
      %sub3A_325 = arith.constant 1 : i32
      %sub3A_326 = vector.broadcast %sub3A_325 : i32 to vector<16xi32>
      %sub3A_327 = arith.subi %div3A_300, %sub3A_326 : vector<16xi32>
      %select_n3A_328 = arith.select %and3A_324, %sub3A_327, %div3A_300 : vector<16xi1>, vector<16xi32>
      %jit3A_329 = arith.constant 3 : i32
      %eq3A = arith.constant 0 : i32
      %eq3A_330 = arith.cmpi eq, %jit3A_329, %eq3A : i32
      %jit3A_331 = arith.constant 1 : i32
      %select_n3A_332 = arith.select %eq3A_330, %jit3A_331, %jit3A_329 : i32
      %rem3A_333 = vector.broadcast %select_n3A_332 : i32 to vector<16xi32>
      %rem3A_334 = arith.remsi %select_n3A_328, %rem3A_333 : vector<16xi32>
      %ne3A_335 = arith.constant 0 : i32
      %ne3A_336 = vector.broadcast %ne3A_335 : i32 to vector<16xi32>
      %ne3A_337 = arith.cmpi ne, %rem3A_334, %ne3A_336 : vector<16xi32>
      %lt3A_338 = arith.constant 0 : i32
      %lt3A_339 = vector.broadcast %lt3A_338 : i32 to vector<16xi32>
      %lt3A_340 = arith.cmpi slt, %rem3A_334, %lt3A_339 : vector<16xi32>
      %lt3A_341 = arith.constant 0 : i32
      %lt3A_342 = arith.cmpi slt, %select_n3A_332, %lt3A_341 : i32
      %ne3A_343 = vector.broadcast %lt3A_342 : i1 to vector<16xi1>
      %ne3A_344 = vector.broadcast %ne3A_343 : vector<16xi1> to vector<16xi1>
      %ne3A_345 = arith.xori %lt3A_340, %ne3A_344 : vector<16xi1>
      %and3A_346 = arith.andi %ne3A_345, %ne3A_337 : vector<16xi1>
      %add3A_347 = vector.broadcast %select_n3A_332 : i32 to vector<16xi32>
      %add3A_348 = arith.addi %rem3A_334, %add3A_347 : vector<16xi32>
      %select_n3A_349 = arith.select %and3A_346, %add3A_348, %rem3A_334 : vector<16xi1>, vector<16xi32>
      %mul3A_350 = arith.constant 2 : i32
      %mul3A_351 = vector.broadcast %mul3A_350 : i32 to vector<16xi32>
      %mul3A_352 = arith.muli %mul3A_351, %select_n3A_349 : vector<16xi32>
      %add3A_353 = arith.constant 0 : i32
      %add3A_354 = vector.broadcast %add3A_353 : i32 to vector<16xi32>
      %add3A_355 = arith.addi %add3A_354, %mul3A_352 : vector<16xi32>
      %gather3A_356 = tpu.vector_load_idx %arg14[%add3A_355] : memref<32xf32, #tpu.memory_space<vmem>>[vector<16xi32>], vector<16xf32>,
      %mul3A_357 = arith.constant 2 : i32
      %mul3A_358 = vector.broadcast %mul3A_357 : i32 to vector<16xi32>
      %mul3A_359 = arith.muli %mul3A_358, %select_n3A_349 : vector<16xi32>
      %add3A_360 = arith.constant 0 : i32
      %add3A_361 = vector.broadcast %add3A_360 : i32 to vector<16xi32>
      %add3A_362 = arith.addi %add3A_361, %mul3A_359 : vector<16xi32>
      %add3A_363 = arith.constant 1 : i32
      %add3A_364 = vector.broadcast %add3A_363 : i32 to vector<16xi32>
      %add3A_365 = arith.addi %add3A_362, %add3A_364 : vector<16xi32>
      %gather3A_366 = tpu.vector_load_idx %arg14[%add3A_365] : memref<32xf32, #tpu.memory_space<vmem>>[vector<16xi32>], vector<16xf32>,
      %neg3A = arith.constant 0.000000e+00 : f32
      %neg3A_367 = vector.broadcast %neg3A : f32 to vector<16xf32>
      %neg3A_368 = arith.subf %neg3A_367, %get3A_289 : vector<16xf32>
      %exp3A = math.exp %neg3A_368 : vector<16xf32>
      %add3A_369 = arith.constant 1.000000e+00 : f32
      %add3A_370 = vector.broadcast %add3A_369 : f32 to vector<16xf32>
      %add3A_371 = arith.addf %add3A_370, %exp3A : vector<16xf32>
      %div3A_372 = arith.constant 1.000000e+00 : f32
      %div3A_373 = vector.broadcast %div3A_372 : f32 to vector<16xf32>
      %div3A_374 = arith.divf %div3A_373, %add3A_371 : vector<16xf32>
      %neg3A_375 = arith.constant 0.000000e+00 : f32
      %neg3A_376 = vector.broadcast %neg3A_375 : f32 to vector<16xf32>
      %neg3A_377 = arith.subf %neg3A_376, %get3A_291 : vector<16xf32>
      %exp3A_378 = math.exp %neg3A_377 : vector<16xf32>
      %add3A_379 = arith.constant 1.000000e+00 : f32
      %add3A_380 = vector.broadcast %add3A_379 : f32 to vector<16xf32>
      %add3A_381 = arith.addf %add3A_380, %exp3A_378 : vector<16xf32>
      %div3A_382 = arith.constant 1.000000e+00 : f32
      %div3A_383 = vector.broadcast %div3A_382 : f32 to vector<16xf32>
      %div3A_384 = arith.divf %div3A_383, %add3A_381 : vector<16xf32>
      %mul3A_385 = arith.mulf %gather3A_284, %gather3A_356 : vector<16xf32>
      %add3A_386 = arith.constant 1.000000e-16 : f32
      %add3A_387 = vector.broadcast %add3A_386 : f32 to vector<16xf32>
      %add3A_388 = arith.addf %add3A_387, %mul3A_385 : vector<16xf32>
      %bitcast3A = vector.bitcast %add3A_388 : vector<16xf32> to vector<16xi32>
      %shift_right_logical3A = arith.constant 23 : i32
      %shift_right_logical3A_389 = vector.broadcast %shift_right_logical3A : i32 to vector<16xi32>
      %shift_right_logical3A_390 = arith.shrui %bitcast3A, %shift_right_logical3A_389 : vector<16xi32>
      %sub3A_391 = arith.constant 127 : i32
      %sub3A_392 = vector.broadcast %sub3A_391 : i32 to vector<16xi32>
      %sub3A_393 = arith.subi %shift_right_logical3A_390, %sub3A_392 : vector<16xi32>
      %and3A_394 = arith.constant 8388607 : i32
      %and3A_395 = vector.broadcast %and3A_394 : i32 to vector<16xi32>
      %and3A_396 = arith.andi %bitcast3A, %and3A_395 : vector<16xi32>
      %or3A = arith.constant 1065353216 : i32
      %or3A_397 = vector.broadcast %or3A : i32 to vector<16xi32>
      %or3A_398 = arith.ori %and3A_396, %or3A_397 : vector<16xi32>
      %bitcast3A_399 = vector.bitcast %or3A_398 : vector<16xi32> to vector<16xf32>
      %ge3A = arith.constant 1.41421354 : f32
      %ge3A_400 = vector.broadcast %ge3A : f32 to vector<16xf32>
      %ge3A_401 = arith.cmpf oge, %bitcast3A_399, %ge3A_400 : vector<16xf32>
      %mul3A_402 = arith.constant 5.000000e-01 : f32
      %mul3A_403 = vector.broadcast %mul3A_402 : f32 to vector<16xf32>
      %mul3A_404 = arith.mulf %bitcast3A_399, %mul3A_403 : vector<16xf32>
      %select_n3A_405 = arith.select %ge3A_401, %mul3A_404, %bitcast3A_399 : vector<16xi1>, vector<16xf32>
      %jit3A_406 = arith.constant 1 : i32
      %jit3A_407 = arith.constant 0 : i32
      %broadcast_in_dim3A_408 = vector.broadcast %jit3A_406 : i32 to vector<16xi32>
      %broadcast_in_dim3A_409 = vector.broadcast %jit3A_407 : i32 to vector<16xi32>
      %select_n3A_410 = arith.select %ge3A_401, %broadcast_in_dim3A_408, %broadcast_in_dim3A_409 : vector<16xi1>, vector<16xi32>
      %add3A_411 = arith.addi %sub3A_393, %select_n3A_410 : vector<16xi32>
      %sub3A_412 = arith.constant 1.000000e+00 : f32
      %sub3A_413 = vector.broadcast %sub3A_412 : f32 to vector<16xf32>
      %sub3A_414 = arith.subf %select_n3A_405, %sub3A_413 : vector<16xf32>
      %add3A_415 = arith.constant 1.000000e+00 : f32
      %add3A_416 = vector.broadcast %add3A_415 : f32 to vector<16xf32>
      %add3A_417 = arith.addf %select_n3A_405, %add3A_416 : vector<16xf32>
      %div3A_418 = arith.divf %sub3A_414, %add3A_417 : vector<16xf32>
      %mul3A_419 = arith.mulf %div3A_418, %div3A_418 : vector<16xf32>
      %mul3A_420 = arith.constant 0.111111112 : f32
      %mul3A_421 = vector.broadcast %mul3A_420 : f32 to vector<16xf32>
      %mul3A_422 = arith.mulf %mul3A_419, %mul3A_421 : vector<16xf32>
      %add3A_423 = arith.constant 0.142857149 : f32
      %add3A_424 = vector.broadcast %add3A_423 : f32 to vector<16xf32>
      %add3A_425 = arith.addf %add3A_424, %mul3A_422 : vector<16xf32>
      %mul3A_426 = arith.mulf %mul3A_419, %add3A_425 : vector<16xf32>
      %add3A_427 = arith.constant 2.000000e-01 : f32
      %add3A_428 = vector.broadcast %add3A_427 : f32 to vector<16xf32>
      %add3A_429 = arith.addf %add3A_428, %mul3A_426 : vector<16xf32>
      %mul3A_430 = arith.mulf %mul3A_419, %add3A_429 : vector<16xf32>
      %add3A_431 = arith.constant 0.333333343 : f32
      %add3A_432 = vector.broadcast %add3A_431 : f32 to vector<16xf32>
      %add3A_433 = arith.addf %add3A_432, %mul3A_430 : vector<16xf32>
      %mul3A_434 = arith.mulf %mul3A_419, %add3A_433 : vector<16xf32>
      %add3A_435 = arith.constant 1.000000e+00 : f32
      %add3A_436 = vector.broadcast %add3A_435 : f32 to vector<16xf32>
      %add3A_437 = arith.addf %add3A_436, %mul3A_434 : vector<16xf32>
      %convert_element_type3A_438 = arith.sitofp %add3A_411 : vector<16xi32> to vector<16xf32>
      %mul3A_439 = arith.constant 0.693147182 : f32
      %mul3A_440 = vector.broadcast %mul3A_439 : f32 to vector<16xf32>
      %mul3A_441 = arith.mulf %convert_element_type3A_438, %mul3A_440 : vector<16xf32>
      %mul3A_442 = arith.constant 2.000000e+00 : f32
      %mul3A_443 = vector.broadcast %mul3A_442 : f32 to vector<16xf32>
      %mul3A_444 = arith.mulf %mul3A_443, %div3A_418 : vector<16xf32>
      %mul3A_445 = arith.mulf %mul3A_444, %add3A_437 : vector<16xf32>
      %add3A_446 = arith.addf %mul3A_441, %mul3A_445 : vector<16xf32>
      %mul3A_447 = arith.mulf %gather3A_288, %gather3A_366 : vector<16xf32>
      %add3A_448 = arith.constant 1.000000e-16 : f32
      %add3A_449 = vector.broadcast %add3A_448 : f32 to vector<16xf32>
      %add3A_450 = arith.addf %add3A_449, %mul3A_447 : vector<16xf32>
      %bitcast3A_451 = vector.bitcast %add3A_450 : vector<16xf32> to vector<16xi32>
      %shift_right_logical3A_452 = arith.constant 23 : i32
      %shift_right_logical3A_453 = vector.broadcast %shift_right_logical3A_452 : i32 to vector<16xi32>
      %shift_right_logical3A_454 = arith.shrui %bitcast3A_451, %shift_right_logical3A_453 : vector<16xi32>
      %sub3A_455 = arith.constant 127 : i32
      %sub3A_456 = vector.broadcast %sub3A_455 : i32 to vector<16xi32>
      %sub3A_457 = arith.subi %shift_right_logical3A_454, %sub3A_456 : vector<16xi32>
      %and3A_458 = arith.constant 8388607 : i32
      %and3A_459 = vector.broadcast %and3A_458 : i32 to vector<16xi32>
      %and3A_460 = arith.andi %bitcast3A_451, %and3A_459 : vector<16xi32>
      %or3A_461 = arith.constant 1065353216 : i32
      %or3A_462 = vector.broadcast %or3A_461 : i32 to vector<16xi32>
      %or3A_463 = arith.ori %and3A_460, %or3A_462 : vector<16xi32>
      %bitcast3A_464 = vector.bitcast %or3A_463 : vector<16xi32> to vector<16xf32>
      %ge3A_465 = arith.constant 1.41421354 : f32
      %ge3A_466 = vector.broadcast %ge3A_465 : f32 to vector<16xf32>
      %ge3A_467 = arith.cmpf oge, %bitcast3A_464, %ge3A_466 : vector<16xf32>
      %mul3A_468 = arith.constant 5.000000e-01 : f32
      %mul3A_469 = vector.broadcast %mul3A_468 : f32 to vector<16xf32>
      %mul3A_470 = arith.mulf %bitcast3A_464, %mul3A_469 : vector<16xf32>
      %select_n3A_471 = arith.select %ge3A_467, %mul3A_470, %bitcast3A_464 : vector<16xi1>, vector<16xf32>
      %jit3A_472 = arith.constant 1 : i32
      %jit3A_473 = arith.constant 0 : i32
      %broadcast_in_dim3A_474 = vector.broadcast %jit3A_472 : i32 to vector<16xi32>
      %broadcast_in_dim3A_475 = vector.broadcast %jit3A_473 : i32 to vector<16xi32>
      %select_n3A_476 = arith.select %ge3A_467, %broadcast_in_dim3A_474, %broadcast_in_dim3A_475 : vector<16xi1>, vector<16xi32>
      %add3A_477 = arith.addi %sub3A_457, %select_n3A_476 : vector<16xi32>
      %sub3A_478 = arith.constant 1.000000e+00 : f32
      %sub3A_479 = vector.broadcast %sub3A_478 : f32 to vector<16xf32>
      %sub3A_480 = arith.subf %select_n3A_471, %sub3A_479 : vector<16xf32>
      %add3A_481 = arith.constant 1.000000e+00 : f32
      %add3A_482 = vector.broadcast %add3A_481 : f32 to vector<16xf32>
      %add3A_483 = arith.addf %select_n3A_471, %add3A_482 : vector<16xf32>
      %div3A_484 = arith.divf %sub3A_480, %add3A_483 : vector<16xf32>
      %mul3A_485 = arith.mulf %div3A_484, %div3A_484 : vector<16xf32>
      %mul3A_486 = arith.constant 0.111111112 : f32
      %mul3A_487 = vector.broadcast %mul3A_486 : f32 to vector<16xf32>
      %mul3A_488 = arith.mulf %mul3A_485, %mul3A_487 : vector<16xf32>
      %add3A_489 = arith.constant 0.142857149 : f32
      %add3A_490 = vector.broadcast %add3A_489 : f32 to vector<16xf32>
      %add3A_491 = arith.addf %add3A_490, %mul3A_488 : vector<16xf32>
      %mul3A_492 = arith.mulf %mul3A_485, %add3A_491 : vector<16xf32>
      %add3A_493 = arith.constant 2.000000e-01 : f32
      %add3A_494 = vector.broadcast %add3A_493 : f32 to vector<16xf32>
      %add3A_495 = arith.addf %add3A_494, %mul3A_492 : vector<16xf32>
      %mul3A_496 = arith.mulf %mul3A_485, %add3A_495 : vector<16xf32>
      %add3A_497 = arith.constant 0.333333343 : f32
      %add3A_498 = vector.broadcast %add3A_497 : f32 to vector<16xf32>
      %add3A_499 = arith.addf %add3A_498, %mul3A_496 : vector<16xf32>
      %mul3A_500 = arith.mulf %mul3A_485, %add3A_499 : vector<16xf32>
      %add3A_501 = arith.constant 1.000000e+00 : f32
      %add3A_502 = vector.broadcast %add3A_501 : f32 to vector<16xf32>
      %add3A_503 = arith.addf %add3A_502, %mul3A_500 : vector<16xf32>
      %convert_element_type3A_504 = arith.sitofp %add3A_477 : vector<16xi32> to vector<16xf32>
      %mul3A_505 = arith.constant 0.693147182 : f32
      %mul3A_506 = vector.broadcast %mul3A_505 : f32 to vector<16xf32>
      %mul3A_507 = arith.mulf %convert_element_type3A_504, %mul3A_506 : vector<16xf32>
      %mul3A_508 = arith.constant 2.000000e+00 : f32
      %mul3A_509 = vector.broadcast %mul3A_508 : f32 to vector<16xf32>
      %mul3A_510 = arith.mulf %mul3A_509, %div3A_484 : vector<16xf32>
      %mul3A_511 = arith.mulf %mul3A_510, %add3A_503 : vector<16xf32>
      %add3A_512 = arith.addf %mul3A_507, %mul3A_511 : vector<16xf32>
      %sub3A_513 = arith.subf %div3A_374, %gather3A_276 : vector<16xf32>
      %sub3A_514 = arith.subf %div3A_384, %gather3A_280 : vector<16xf32>
      %sub3A_515 = arith.subf %get3A_293, %add3A_446 : vector<16xf32>
      %sub3A_516 = arith.subf %get3A_295, %add3A_512 : vector<16xf32>
      %mul3A_517 = arith.mulf %sub3A_513, %sub3A_513 : vector<16xf32>
      %mul3A_518 = arith.mulf %sub3A_514, %sub3A_514 : vector<16xf32>
      %add3A_519 = arith.addf %mul3A_517, %mul3A_518 : vector<16xf32>
      %mul3A_520 = arith.mulf %sub3A_515, %sub3A_515 : vector<16xf32>
      %add3A_521 = arith.addf %add3A_519, %mul3A_520 : vector<16xf32>
      %mul3A_522 = arith.mulf %sub3A_516, %sub3A_516 : vector<16xf32>
      %add3A_523 = arith.addf %add3A_521, %mul3A_522 : vector<16xf32>
      %jit3A_524 = arith.constant 0.000000e+00 : f32
      %broadcast_in_dim3A_525 = vector.broadcast %jit3A_524 : f32 to vector<16xf32>
      %select_n3A_526 = arith.select %lt3A_202, %add3A_523, %broadcast_in_dim3A_525 : vector<16xi1>, vector<16xf32>
      %add3A_527 = arith.addf %while3A_195, %select_n3A_526 : vector<16xf32>
      %mul3A_528 = arith.constant 6 : i32
      %mul3A_529 = vector.broadcast %mul3A_528 : i32 to vector<16xi32>
      %mul3A_530 = arith.muli %select_n3A_242, %mul3A_529 : vector<16xi32>
      %add3A_531 = arith.constant 1 : i32
      %add3A_532 = vector.broadcast %add3A_531 : i32 to vector<16xi32>
      %add3A_533 = arith.addi %mul3A_530, %add3A_532 : vector<16xi32>
      %gather3A_534 = tpu.vector_load_idx %arg10[%add3A_533] : memref<48672xf32, #tpu.memory_space<vmem>>[vector<16xi32>], vector<16xf32>,
      %add3A_535 = arith.constant 2 : i32
      %add3A_536 = vector.broadcast %add3A_535 : i32 to vector<16xi32>
      %add3A_537 = arith.addi %mul3A_530, %add3A_536 : vector<16xi32>
      %gather3A_538 = tpu.vector_load_idx %arg10[%add3A_537] : memref<48672xf32, #tpu.memory_space<vmem>>[vector<16xi32>], vector<16xf32>,
      %add3A_539 = arith.constant 3 : i32
      %add3A_540 = vector.broadcast %add3A_539 : i32 to vector<16xi32>
      %add3A_541 = arith.addi %mul3A_530, %add3A_540 : vector<16xi32>
      %gather3A_542 = tpu.vector_load_idx %arg10[%add3A_541] : memref<48672xf32, #tpu.memory_space<vmem>>[vector<16xi32>], vector<16xf32>,
      %add3A_543 = arith.constant 4 : i32
      %add3A_544 = vector.broadcast %add3A_543 : i32 to vector<16xi32>
      %add3A_545 = arith.addi %mul3A_530, %add3A_544 : vector<16xi32>
      %gather3A_546 = tpu.vector_load_idx %arg10[%add3A_545] : memref<48672xf32, #tpu.memory_space<vmem>>[vector<16xi32>], vector<16xf32>,
      %get3A_547 = arith.constant 16 : index
      %get3A_548 = tpu.vector_load %arg13[%get3A_547] {strides = array<i32>} : memref<128xf32, #tpu.memory_space<vmem>>, vector<16xf32>,
      %get3A_549 = arith.constant 48 : index
      %get3A_550 = tpu.vector_load %arg13[%get3A_549] {strides = array<i32>} : memref<128xf32, #tpu.memory_space<vmem>>, vector<16xf32>,
      %get3A_551 = arith.constant 80 : index
      %get3A_552 = tpu.vector_load %arg13[%get3A_551] {strides = array<i32>} : memref<128xf32, #tpu.memory_space<vmem>>, vector<16xf32>,
      %get3A_553 = arith.constant 112 : index
      %get3A_554 = tpu.vector_load %arg13[%get3A_553] {strides = array<i32>} : memref<128xf32, #tpu.memory_space<vmem>>, vector<16xf32>,
      %add3A_555 = vector.broadcast %min3A_3 : i32 to vector<16xi32>
      %add3A_556 = arith.addi %add3A_555, %select_n3A_242 : vector<16xi32>
      %jit3A_557 = arith.constant 169 : i32
      %div3A_558 = vector.broadcast %jit3A_557 : i32 to vector<16xi32>
      %div3A_559 = arith.divsi %add3A_556, %div3A_558 : vector<16xi32>
      %sign3A_560 = arith.constant 0 : i32
      %sign3A_561 = vector.broadcast %sign3A_560 : i32 to vector<16xi32>
      %sign3A_562 = arith.cmpi sgt, %add3A_556, %sign3A_561 : vector<16xi32>
      %sign3A_563 = arith.extui %sign3A_562 : vector<16xi1> to vector<16xi32>
      %sign3A_564 = arith.constant 0 : i32
      %sign3A_565 = vector.broadcast %sign3A_564 : i32 to vector<16xi32>
      %sign3A_566 = arith.cmpi slt, %add3A_556, %sign3A_565 : vector<16xi32>
      %sign3A_567 = arith.extui %sign3A_566 : vector<16xi1> to vector<16xi32>
      %sign3A_568 = arith.subi %sign3A_563, %sign3A_567 : vector<16xi32>
      %sign3A_569 = arith.constant 0 : i32
      %sign3A_570 = arith.cmpi sgt, %jit3A_557, %sign3A_569 : i32
      %sign3A_571 = arith.extui %sign3A_570 : i1 to i32
      %sign3A_572 = arith.constant 0 : i32
      %sign3A_573 = arith.cmpi slt, %jit3A_557, %sign3A_572 : i32
      %sign3A_574 = arith.extui %sign3A_573 : i1 to i32
      %sign3A_575 = arith.subi %sign3A_571, %sign3A_574 : i32
      %ne3A_576 = vector.broadcast %sign3A_575 : i32 to vector<16xi32>
      %ne3A_577 = arith.cmpi ne, %sign3A_568, %ne3A_576 : vector<16xi32>
      %rem3A_578 = vector.broadcast %jit3A_557 : i32 to vector<16xi32>
      %rem3A_579 = arith.remsi %add3A_556, %rem3A_578 : vector<16xi32>
      %ne3A_580 = arith.constant 0 : i32
      %ne3A_581 = vector.broadcast %ne3A_580 : i32 to vector<16xi32>
      %ne3A_582 = arith.cmpi ne, %rem3A_579, %ne3A_581 : vector<16xi32>
      %and3A_583 = arith.andi %ne3A_577, %ne3A_582 : vector<16xi1>
      %sub3A_584 = arith.constant 1 : i32
      %sub3A_585 = vector.broadcast %sub3A_584 : i32 to vector<16xi32>
      %sub3A_586 = arith.subi %div3A_559, %sub3A_585 : vector<16xi32>
      %select_n3A_587 = arith.select %and3A_583, %sub3A_586, %div3A_559 : vector<16xi1>, vector<16xi32>
      %jit3A_588 = arith.constant 3 : i32
      %eq3A_589 = arith.constant 0 : i32
      %eq3A_590 = arith.cmpi eq, %jit3A_588, %eq3A_589 : i32
      %jit3A_591 = arith.constant 1 : i32
      %select_n3A_592 = arith.select %eq3A_590, %jit3A_591, %jit3A_588 : i32
      %rem3A_593 = vector.broadcast %select_n3A_592 : i32 to vector<16xi32>
      %rem3A_594 = arith.remsi %select_n3A_587, %rem3A_593 : vector<16xi32>
      %ne3A_595 = arith.constant 0 : i32
      %ne3A_596 = vector.broadcast %ne3A_595 : i32 to vector<16xi32>
      %ne3A_597 = arith.cmpi ne, %rem3A_594, %ne3A_596 : vector<16xi32>
      %lt3A_598 = arith.constant 0 : i32
      %lt3A_599 = vector.broadcast %lt3A_598 : i32 to vector<16xi32>
      %lt3A_600 = arith.cmpi slt, %rem3A_594, %lt3A_599 : vector<16xi32>
      %lt3A_601 = arith.constant 0 : i32
      %lt3A_602 = arith.cmpi slt, %select_n3A_592, %lt3A_601 : i32
      %ne3A_603 = vector.broadcast %lt3A_602 : i1 to vector<16xi1>
      %ne3A_604 = vector.broadcast %ne3A_603 : vector<16xi1> to vector<16xi1>
      %ne3A_605 = arith.xori %lt3A_600, %ne3A_604 : vector<16xi1>
      %and3A_606 = arith.andi %ne3A_605, %ne3A_597 : vector<16xi1>
      %add3A_607 = vector.broadcast %select_n3A_592 : i32 to vector<16xi32>
      %add3A_608 = arith.addi %rem3A_594, %add3A_607 : vector<16xi32>
      %select_n3A_609 = arith.select %and3A_606, %add3A_608, %rem3A_594 : vector<16xi1>, vector<16xi32>
      %mul3A_610 = arith.constant 2 : i32
      %mul3A_611 = vector.broadcast %mul3A_610 : i32 to vector<16xi32>
      %mul3A_612 = arith.muli %mul3A_611, %select_n3A_609 : vector<16xi32>
      %add3A_613 = arith.constant 0 : i32
      %add3A_614 = vector.broadcast %add3A_613 : i32 to vector<16xi32>
      %add3A_615 = arith.addi %add3A_614, %mul3A_612 : vector<16xi32>
      %gather3A_616 = tpu.vector_load_idx %arg14[%add3A_615] : memref<32xf32, #tpu.memory_space<vmem>>[vector<16xi32>], vector<16xf32>,
      %mul3A_617 = arith.constant 2 : i32
      %mul3A_618 = vector.broadcast %mul3A_617 : i32 to vector<16xi32>
      %mul3A_619 = arith.muli %mul3A_618, %select_n3A_609 : vector<16xi32>
      %add3A_620 = arith.constant 0 : i32
      %add3A_621 = vector.broadcast %add3A_620 : i32 to vector<16xi32>
      %add3A_622 = arith.addi %add3A_621, %mul3A_619 : vector<16xi32>
      %add3A_623 = arith.constant 1 : i32
      %add3A_624 = vector.broadcast %add3A_623 : i32 to vector<16xi32>
      %add3A_625 = arith.addi %add3A_622, %add3A_624 : vector<16xi32>
      %gather3A_626 = tpu.vector_load_idx %arg14[%add3A_625] : memref<32xf32, #tpu.memory_space<vmem>>[vector<16xi32>], vector<16xf32>,
      %neg3A_627 = arith.constant 0.000000e+00 : f32
      %neg3A_628 = vector.broadcast %neg3A_627 : f32 to vector<16xf32>
      %neg3A_629 = arith.subf %neg3A_628, %get3A_548 : vector<16xf32>
      %exp3A_630 = math.exp %neg3A_629 : vector<16xf32>
      %add3A_631 = arith.constant 1.000000e+00 : f32
      %add3A_632 = vector.broadcast %add3A_631 : f32 to vector<16xf32>
      %add3A_633 = arith.addf %add3A_632, %exp3A_630 : vector<16xf32>
      %div3A_634 = arith.constant 1.000000e+00 : f32
      %div3A_635 = vector.broadcast %div3A_634 : f32 to vector<16xf32>
      %div3A_636 = arith.divf %div3A_635, %add3A_633 : vector<16xf32>
      %neg3A_637 = arith.constant 0.000000e+00 : f32
      %neg3A_638 = vector.broadcast %neg3A_637 : f32 to vector<16xf32>
      %neg3A_639 = arith.subf %neg3A_638, %get3A_550 : vector<16xf32>
      %exp3A_640 = math.exp %neg3A_639 : vector<16xf32>
      %add3A_641 = arith.constant 1.000000e+00 : f32
      %add3A_642 = vector.broadcast %add3A_641 : f32 to vector<16xf32>
      %add3A_643 = arith.addf %add3A_642, %exp3A_640 : vector<16xf32>
      %div3A_644 = arith.constant 1.000000e+00 : f32
      %div3A_645 = vector.broadcast %div3A_644 : f32 to vector<16xf32>
      %div3A_646 = arith.divf %div3A_645, %add3A_643 : vector<16xf32>
      %mul3A_647 = arith.mulf %gather3A_542, %gather3A_616 : vector<16xf32>
      %add3A_648 = arith.constant 1.000000e-16 : f32
      %add3A_649 = vector.broadcast %add3A_648 : f32 to vector<16xf32>
      %add3A_650 = arith.addf %add3A_649, %mul3A_647 : vector<16xf32>
      %bitcast3A_651 = vector.bitcast %add3A_650 : vector<16xf32> to vector<16xi32>
      %shift_right_logical3A_652 = arith.constant 23 : i32
      %shift_right_logical3A_653 = vector.broadcast %shift_right_logical3A_652 : i32 to vector<16xi32>
      %shift_right_logical3A_654 = arith.shrui %bitcast3A_651, %shift_right_logical3A_653 : vector<16xi32>
      %sub3A_655 = arith.constant 127 : i32
      %sub3A_656 = vector.broadcast %sub3A_655 : i32 to vector<16xi32>
      %sub3A_657 = arith.subi %shift_right_logical3A_654, %sub3A_656 : vector<16xi32>
      %and3A_658 = arith.constant 8388607 : i32
      %and3A_659 = vector.broadcast %and3A_658 : i32 to vector<16xi32>
      %and3A_660 = arith.andi %bitcast3A_651, %and3A_659 : vector<16xi32>
      %or3A_661 = arith.constant 1065353216 : i32
      %or3A_662 = vector.broadcast %or3A_661 : i32 to vector<16xi32>
      %or3A_663 = arith.ori %and3A_660, %or3A_662 : vector<16xi32>
      %bitcast3A_664 = vector.bitcast %or3A_663 : vector<16xi32> to vector<16xf32>
      %ge3A_665 = arith.constant 1.41421354 : f32
      %ge3A_666 = vector.broadcast %ge3A_665 : f32 to vector<16xf32>
      %ge3A_667 = arith.cmpf oge, %bitcast3A_664, %ge3A_666 : vector<16xf32>
      %mul3A_668 = arith.constant 5.000000e-01 : f32
      %mul3A_669 = vector.broadcast %mul3A_668 : f32 to vector<16xf32>
      %mul3A_670 = arith.mulf %bitcast3A_664, %mul3A_669 : vector<16xf32>
      %select_n3A_671 = arith.select %ge3A_667, %mul3A_670, %bitcast3A_664 : vector<16xi1>, vector<16xf32>
      %jit3A_672 = arith.constant 1 : i32
      %jit3A_673 = arith.constant 0 : i32
      %broadcast_in_dim3A_674 = vector.broadcast %jit3A_672 : i32 to vector<16xi32>
      %broadcast_in_dim3A_675 = vector.broadcast %jit3A_673 : i32 to vector<16xi32>
      %select_n3A_676 = arith.select %ge3A_667, %broadcast_in_dim3A_674, %broadcast_in_dim3A_675 : vector<16xi1>, vector<16xi32>
      %add3A_677 = arith.addi %sub3A_657, %select_n3A_676 : vector<16xi32>
      %sub3A_678 = arith.constant 1.000000e+00 : f32
      %sub3A_679 = vector.broadcast %sub3A_678 : f32 to vector<16xf32>
      %sub3A_680 = arith.subf %select_n3A_671, %sub3A_679 : vector<16xf32>
      %add3A_681 = arith.constant 1.000000e+00 : f32
      %add3A_682 = vector.broadcast %add3A_681 : f32 to vector<16xf32>
      %add3A_683 = arith.addf %select_n3A_671, %add3A_682 : vector<16xf32>
      %div3A_684 = arith.divf %sub3A_680, %add3A_683 : vector<16xf32>
      %mul3A_685 = arith.mulf %div3A_684, %div3A_684 : vector<16xf32>
      %mul3A_686 = arith.constant 0.111111112 : f32
      %mul3A_687 = vector.broadcast %mul3A_686 : f32 to vector<16xf32>
      %mul3A_688 = arith.mulf %mul3A_685, %mul3A_687 : vector<16xf32>
      %add3A_689 = arith.constant 0.142857149 : f32
      %add3A_690 = vector.broadcast %add3A_689 : f32 to vector<16xf32>
      %add3A_691 = arith.addf %add3A_690, %mul3A_688 : vector<16xf32>
      %mul3A_692 = arith.mulf %mul3A_685, %add3A_691 : vector<16xf32>
      %add3A_693 = arith.constant 2.000000e-01 : f32
      %add3A_694 = vector.broadcast %add3A_693 : f32 to vector<16xf32>
      %add3A_695 = arith.addf %add3A_694, %mul3A_692 : vector<16xf32>
      %mul3A_696 = arith.mulf %mul3A_685, %add3A_695 : vector<16xf32>
      %add3A_697 = arith.constant 0.333333343 : f32
      %add3A_698 = vector.broadcast %add3A_697 : f32 to vector<16xf32>
      %add3A_699 = arith.addf %add3A_698, %mul3A_696 : vector<16xf32>
      %mul3A_700 = arith.mulf %mul3A_685, %add3A_699 : vector<16xf32>
      %add3A_701 = arith.constant 1.000000e+00 : f32
      %add3A_702 = vector.broadcast %add3A_701 : f32 to vector<16xf32>
      %add3A_703 = arith.addf %add3A_702, %mul3A_700 : vector<16xf32>
      %convert_element_type3A_704 = arith.sitofp %add3A_677 : vector<16xi32> to vector<16xf32>
      %mul3A_705 = arith.constant 0.693147182 : f32
      %mul3A_706 = vector.broadcast %mul3A_705 : f32 to vector<16xf32>
      %mul3A_707 = arith.mulf %convert_element_type3A_704, %mul3A_706 : vector<16xf32>
      %mul3A_708 = arith.constant 2.000000e+00 : f32
      %mul3A_709 = vector.broadcast %mul3A_708 : f32 to vector<16xf32>
      %mul3A_710 = arith.mulf %mul3A_709, %div3A_684 : vector<16xf32>
      %mul3A_711 = arith.mulf %mul3A_710, %add3A_703 : vector<16xf32>
      %add3A_712 = arith.addf %mul3A_707, %mul3A_711 : vector<16xf32>
      %mul3A_713 = arith.mulf %gather3A_546, %gather3A_626 : vector<16xf32>
      %add3A_714 = arith.constant 1.000000e-16 : f32
      %add3A_715 = vector.broadcast %add3A_714 : f32 to vector<16xf32>
      %add3A_716 = arith.addf %add3A_715, %mul3A_713 : vector<16xf32>
      %bitcast3A_717 = vector.bitcast %add3A_716 : vector<16xf32> to vector<16xi32>
      %shift_right_logical3A_718 = arith.constant 23 : i32
      %shift_right_logical3A_719 = vector.broadcast %shift_right_logical3A_718 : i32 to vector<16xi32>
      %shift_right_logical3A_720 = arith.shrui %bitcast3A_717, %shift_right_logical3A_719 : vector<16xi32>
      %sub3A_721 = arith.constant 127 : i32
      %sub3A_722 = vector.broadcast %sub3A_721 : i32 to vector<16xi32>
      %sub3A_723 = arith.subi %shift_right_logical3A_720, %sub3A_722 : vector<16xi32>
      %and3A_724 = arith.constant 8388607 : i32
      %and3A_725 = vector.broadcast %and3A_724 : i32 to vector<16xi32>
      %and3A_726 = arith.andi %bitcast3A_717, %and3A_725 : vector<16xi32>
      %or3A_727 = arith.constant 1065353216 : i32
      %or3A_728 = vector.broadcast %or3A_727 : i32 to vector<16xi32>
      %or3A_729 = arith.ori %and3A_726, %or3A_728 : vector<16xi32>
      %bitcast3A_730 = vector.bitcast %or3A_729 : vector<16xi32> to vector<16xf32>
      %ge3A_731 = arith.constant 1.41421354 : f32
      %ge3A_732 = vector.broadcast %ge3A_731 : f32 to vector<16xf32>
      %ge3A_733 = arith.cmpf oge, %bitcast3A_730, %ge3A_732 : vector<16xf32>
      %mul3A_734 = arith.constant 5.000000e-01 : f32
      %mul3A_735 = vector.broadcast %mul3A_734 : f32 to vector<16xf32>
      %mul3A_736 = arith.mulf %bitcast3A_730, %mul3A_735 : vector<16xf32>
      %select_n3A_737 = arith.select %ge3A_733, %mul3A_736, %bitcast3A_730 : vector<16xi1>, vector<16xf32>
      %jit3A_738 = arith.constant 1 : i32
      %jit3A_739 = arith.constant 0 : i32
      %broadcast_in_dim3A_740 = vector.broadcast %jit3A_738 : i32 to vector<16xi32>
      %broadcast_in_dim3A_741 = vector.broadcast %jit3A_739 : i32 to vector<16xi32>
      %select_n3A_742 = arith.select %ge3A_733, %broadcast_in_dim3A_740, %broadcast_in_dim3A_741 : vector<16xi1>, vector<16xi32>
      %add3A_743 = arith.addi %sub3A_723, %select_n3A_742 : vector<16xi32>
      %sub3A_744 = arith.constant 1.000000e+00 : f32
      %sub3A_745 = vector.broadcast %sub3A_744 : f32 to vector<16xf32>
      %sub3A_746 = arith.subf %select_n3A_737, %sub3A_745 : vector<16xf32>
      %add3A_747 = arith.constant 1.000000e+00 : f32
      %add3A_748 = vector.broadcast %add3A_747 : f32 to vector<16xf32>
      %add3A_749 = arith.addf %select_n3A_737, %add3A_748 : vector<16xf32>
      %div3A_750 = arith.divf %sub3A_746, %add3A_749 : vector<16xf32>
      %mul3A_751 = arith.mulf %div3A_750, %div3A_750 : vector<16xf32>
      %mul3A_752 = arith.constant 0.111111112 : f32
      %mul3A_753 = vector.broadcast %mul3A_752 : f32 to vector<16xf32>
      %mul3A_754 = arith.mulf %mul3A_751, %mul3A_753 : vector<16xf32>
      %add3A_755 = arith.constant 0.142857149 : f32
      %add3A_756 = vector.broadcast %add3A_755 : f32 to vector<16xf32>
      %add3A_757 = arith.addf %add3A_756, %mul3A_754 : vector<16xf32>
      %mul3A_758 = arith.mulf %mul3A_751, %add3A_757 : vector<16xf32>
      %add3A_759 = arith.constant 2.000000e-01 : f32
      %add3A_760 = vector.broadcast %add3A_759 : f32 to vector<16xf32>
      %add3A_761 = arith.addf %add3A_760, %mul3A_758 : vector<16xf32>
      %mul3A_762 = arith.mulf %mul3A_751, %add3A_761 : vector<16xf32>
      %add3A_763 = arith.constant 0.333333343 : f32
      %add3A_764 = vector.broadcast %add3A_763 : f32 to vector<16xf32>
      %add3A_765 = arith.addf %add3A_764, %mul3A_762 : vector<16xf32>
      %mul3A_766 = arith.mulf %mul3A_751, %add3A_765 : vector<16xf32>
      %add3A_767 = arith.constant 1.000000e+00 : f32
      %add3A_768 = vector.broadcast %add3A_767 : f32 to vector<16xf32>
      %add3A_769 = arith.addf %add3A_768, %mul3A_766 : vector<16xf32>
      %convert_element_type3A_770 = arith.sitofp %add3A_743 : vector<16xi32> to vector<16xf32>
      %mul3A_771 = arith.constant 0.693147182 : f32
      %mul3A_772 = vector.broadcast %mul3A_771 : f32 to vector<16xf32>
      %mul3A_773 = arith.mulf %convert_element_type3A_770, %mul3A_772 : vector<16xf32>
      %mul3A_774 = arith.constant 2.000000e+00 : f32
      %mul3A_775 = vector.broadcast %mul3A_774 : f32 to vector<16xf32>
      %mul3A_776 = arith.mulf %mul3A_775, %div3A_750 : vector<16xf32>
      %mul3A_777 = arith.mulf %mul3A_776, %add3A_769 : vector<16xf32>
      %add3A_778 = arith.addf %mul3A_773, %mul3A_777 : vector<16xf32>
      %sub3A_779 = arith.subf %div3A_636, %gather3A_534 : vector<16xf32>
      %sub3A_780 = arith.subf %div3A_646, %gather3A_538 : vector<16xf32>
      %sub3A_781 = arith.subf %get3A_552, %add3A_712 : vector<16xf32>
      %sub3A_782 = arith.subf %get3A_554, %add3A_778 : vector<16xf32>
      %mul3A_783 = arith.mulf %sub3A_779, %sub3A_779 : vector<16xf32>
      %mul3A_784 = arith.mulf %sub3A_780, %sub3A_780 : vector<16xf32>
      %add3A_785 = arith.addf %mul3A_783, %mul3A_784 : vector<16xf32>
      %mul3A_786 = arith.mulf %sub3A_781, %sub3A_781 : vector<16xf32>
      %add3A_787 = arith.addf %add3A_785, %mul3A_786 : vector<16xf32>
      %mul3A_788 = arith.mulf %sub3A_782, %sub3A_782 : vector<16xf32>
      %add3A_789 = arith.addf %add3A_787, %mul3A_788 : vector<16xf32>
      %jit3A_790 = arith.constant 0.000000e+00 : f32
      %broadcast_in_dim3A_791 = vector.broadcast %jit3A_790 : f32 to vector<16xf32>
      %select_n3A_792 = arith.select %lt3A_238, %add3A_789, %broadcast_in_dim3A_791 : vector<16xi1>, vector<16xf32>
      %add3A_793 = arith.addf %add3A_527, %select_n3A_792 : vector<16xf32>
      scf.yield %add3A_793 : vector<16xf32>
    }
    %while3A_48 = arith.constant 1 : i32
    %while3A_49 = scf.for %while3A_194 = %while3A_45 to %while3A_41 step %while3A_48 iter_args(%while3A_195 = %while3A_47) -> (vector<16xf32>)  : i32 {
      %mul3A_196 = arith.constant 32 : i32
      %mul3A_197 = arith.muli %while3A_194, %mul3A_196 : i32
      %add3A_198 = arith.constant 0 : i32
      %add3A_199 = arith.addi %mul3A_197, %add3A_198 : i32
      %add3A_200 = vector.broadcast %add3A_199 : i32 to vector<16xi32>
      %add3A_201 = arith.addi %add3A_200, %iota3A : vector<16xi32>
      %lt3A = vector.broadcast %reduce_max3A_18 : i32 to vector<16xi32>
      %lt3A_202 = arith.cmpi slt, %add3A_201, %lt3A : vector<16xi32>
      %gather3A = tpu.vector_load_idx %arg11[%add3A_201] : memref<8192xi32, #tpu.memory_space<vmem>>[vector<16xi32>], vector<16xi32>,
      %jit3A_203 = arith.constant 0 : i32
      %broadcast_in_dim3A_204 = vector.broadcast %jit3A_203 : i32 to vector<16xi32>
      %select_n3A_205 = arith.select %lt3A_202, %gather3A, %broadcast_in_dim3A_204 : vector<16xi1>, vector<16xi32>
      %add3A_206 = vector.broadcast %min3A_3 : i32 to vector<16xi32>
      %add3A_207 = arith.addi %add3A_206, %select_n3A_205 : vector<16xi32>
      %mul3A_208 = arith.constant 4 : i32
      %mul3A_209 = vector.broadcast %mul3A_208 : i32 to vector<16xi32>
      %mul3A_210 = arith.muli %add3A_207, %mul3A_209 : vector<16xi32>
      %add3A_211 = arith.constant 0 : i32
      %add3A_212 = vector.broadcast %add3A_211 : i32 to vector<16xi32>
      %add3A_213 = arith.addi %mul3A_210, %add3A_212 : vector<16xi32>
      %swap3A_214 = arith.constant 0 : index
      %swap3A_215 = tpu.vector_load %arg12[%swap3A_214] {strides = array<i32>} : memref<128xi32, #tpu.memory_space<vmem>>, vector<16xi32>,
      tpu.vector_store %arg12[%swap3A_214], %add3A_213 {strides = array<i32>} : memref<128xi32, #tpu.memory_space<vmem>>, vector<16xi32>,
      %add3A_216 = arith.constant 1 : i32
      %add3A_217 = vector.broadcast %add3A_216 : i32 to vector<16xi32>
      %add3A_218 = arith.addi %mul3A_210, %add3A_217 : vector<16xi32>
      %swap3A_219 = arith.constant 32 : index
      %swap3A_220 = tpu.vector_load %arg12[%swap3A_219] {strides = array<i32>} : memref<128xi32, #tpu.memory_space<vmem>>, vector<16xi32>,
      tpu.vector_store %arg12[%swap3A_219], %add3A_218 {strides = array<i32>} : memref<128xi32, #tpu.memory_space<vmem>>, vector<16xi32>,
      %add3A_221 = arith.constant 2 : i32
      %add3A_222 = vector.broadcast %add3A_221 : i32 to vector<16xi32>
      %add3A_223 = arith.addi %mul3A_210, %add3A_222 : vector<16xi32>
      %swap3A_224 = arith.constant 64 : index
      %swap3A_225 = tpu.vector_load %arg12[%swap3A_224] {strides = array<i32>} : memref<128xi32, #tpu.memory_space<vmem>>, vector<16xi32>,
      tpu.vector_store %arg12[%swap3A_224], %add3A_223 {strides = array<i32>} : memref<128xi32, #tpu.memory_space<vmem>>, vector<16xi32>,
      %add3A_226 = arith.constant 3 : i32
      %add3A_227 = vector.broadcast %add3A_226 : i32 to vector<16xi32>
      %add3A_228 = arith.addi %mul3A_210, %add3A_227 : vector<16xi32>
      %swap3A_229 = arith.constant 96 : index
      %swap3A_230 = tpu.vector_load %arg12[%swap3A_229] {strides = array<i32>} : memref<128xi32, #tpu.memory_space<vmem>>, vector<16xi32>,
      tpu.vector_store %arg12[%swap3A_229], %add3A_228 {strides = array<i32>} : memref<128xi32, #tpu.memory_space<vmem>>, vector<16xi32>,
      %mul3A_231 = arith.constant 32 : i32
      %mul3A_232 = arith.muli %while3A_194, %mul3A_231 : i32
      %add3A_233 = arith.constant 16 : i32
      %add3A_234 = arith.addi %mul3A_232, %add3A_233 : i32
      %add3A_235 = vector.broadcast %add3A_234 : i32 to vector<16xi32>
      %add3A_236 = arith.addi %add3A_235, %iota3A : vector<16xi32>
      %lt3A_237 = vector.broadcast %reduce_max3A_18 : i32 to vector<16xi32>
      %lt3A_238 = arith.cmpi slt, %add3A_236, %lt3A_237 : vector<16xi32>
      %gather3A_239 = tpu.vector_load_idx %arg11[%add3A_236] : memref<8192xi32, #tpu.memory_space<vmem>>[vector<16xi32>], vector<16xi32>,
      %jit3A_240 = arith.constant 0 : i32
      %broadcast_in_dim3A_241 = vector.broadcast %jit3A_240 : i32 to vector<16xi32>
      %select_n3A_242 = arith.select %lt3A_238, %gather3A_239, %broadcast_in_dim3A_241 : vector<16xi1>, vector<16xi32>
      %add3A_243 = vector.broadcast %min3A_3 : i32 to vector<16xi32>
      %add3A_244 = arith.addi %add3A_243, %select_n3A_242 : vector<16xi32>
      %mul3A_245 = arith.constant 4 : i32
      %mul3A_246 = vector.broadcast %mul3A_245 : i32 to vector<16xi32>
      %mul3A_247 = arith.muli %add3A_244, %mul3A_246 : vector<16xi32>
      %add3A_248 = arith.constant 0 : i32
      %add3A_249 = vector.broadcast %add3A_248 : i32 to vector<16xi32>
      %add3A_250 = arith.addi %mul3A_247, %add3A_249 : vector<16xi32>
      %swap3A_251 = arith.constant 16 : index
      %swap3A_252 = tpu.vector_load %arg12[%swap3A_251] {strides = array<i32>} : memref<128xi32, #tpu.memory_space<vmem>>, vector<16xi32>,
      tpu.vector_store %arg12[%swap3A_251], %add3A_250 {strides = array<i32>} : memref<128xi32, #tpu.memory_space<vmem>>, vector<16xi32>,
      %add3A_253 = arith.constant 1 : i32
      %add3A_254 = vector.broadcast %add3A_253 : i32 to vector<16xi32>
      %add3A_255 = arith.addi %mul3A_247, %add3A_254 : vector<16xi32>
      %swap3A_256 = arith.constant 48 : index
      %swap3A_257 = tpu.vector_load %arg12[%swap3A_256] {strides = array<i32>} : memref<128xi32, #tpu.memory_space<vmem>>, vector<16xi32>,
      tpu.vector_store %arg12[%swap3A_256], %add3A_255 {strides = array<i32>} : memref<128xi32, #tpu.memory_space<vmem>>, vector<16xi32>,
      %add3A_258 = arith.constant 2 : i32
      %add3A_259 = vector.broadcast %add3A_258 : i32 to vector<16xi32>
      %add3A_260 = arith.addi %mul3A_247, %add3A_259 : vector<16xi32>
      %swap3A_261 = arith.constant 80 : index
      %swap3A_262 = tpu.vector_load %arg12[%swap3A_261] {strides = array<i32>} : memref<128xi32, #tpu.memory_space<vmem>>, vector<16xi32>,
      tpu.vector_store %arg12[%swap3A_261], %add3A_260 {strides = array<i32>} : memref<128xi32, #tpu.memory_space<vmem>>, vector<16xi32>,
      %add3A_263 = arith.constant 3 : i32
      %add3A_264 = vector.broadcast %add3A_263 : i32 to vector<16xi32>
      %add3A_265 = arith.addi %mul3A_247, %add3A_264 : vector<16xi32>
      %swap3A_266 = arith.constant 112 : index
      %swap3A_267 = tpu.vector_load %arg12[%swap3A_266] {strides = array<i32>} : memref<128xi32, #tpu.memory_space<vmem>>, vector<16xi32>,
      tpu.vector_store %arg12[%swap3A_266], %add3A_265 {strides = array<i32>} : memref<128xi32, #tpu.memory_space<vmem>>, vector<16xi32>,
      %dma_start3A = arith.constant 0 : i32
      %dma_start3A_268 = tpu.memref_slice %arg2[%dma_start3A] : memref<64896xf32, #tpu.memory_space<hbm>> -> memref<64896xf32, #tpu.memory_space<hbm>>
      tpu.enqueue_indirect_dma source(%dma_start3A_268 : memref<64896xf32, #tpu.memory_space<hbm>>) target(%arg13 : memref<128xf32, #tpu.memory_space<vmem>>) offsets(%arg12 : memref<128xi32, #tpu.memory_space<vmem>>) semaphore(%arg16 : memref<!tpu.dma_semaphore, #tpu.memory_space<semaphore_mem>>)
      %dma_wait3A = arith.constant 0 : i32
      %dma_wait3A_269 = tpu.memref_slice %arg2[%dma_wait3A] : memref<64896xf32, #tpu.memory_space<hbm>> -> memref<64896xf32, #tpu.memory_space<hbm>>
      tpu.wait_indirect_dma semaphore(%arg16 : memref<!tpu.dma_semaphore, #tpu.memory_space<semaphore_mem>>) src(%dma_wait3A_269 : memref<64896xf32, #tpu.memory_space<hbm>>) dst(%arg13 : memref<128xf32, #tpu.memory_space<vmem>>)
      %mul3A_270 = arith.constant 6 : i32
      %mul3A_271 = vector.broadcast %mul3A_270 : i32 to vector<16xi32>
      %mul3A_272 = arith.muli %select_n3A_205, %mul3A_271 : vector<16xi32>
      %add3A_273 = arith.constant 1 : i32
      %add3A_274 = vector.broadcast %add3A_273 : i32 to vector<16xi32>
      %add3A_275 = arith.addi %mul3A_272, %add3A_274 : vector<16xi32>
      %gather3A_276 = tpu.vector_load_idx %arg10[%add3A_275] : memref<48672xf32, #tpu.memory_space<vmem>>[vector<16xi32>], vector<16xf32>,
      %add3A_277 = arith.constant 2 : i32
      %add3A_278 = vector.broadcast %add3A_277 : i32 to vector<16xi32>
      %add3A_279 = arith.addi %mul3A_272, %add3A_278 : vector<16xi32>
      %gather3A_280 = tpu.vector_load_idx %arg10[%add3A_279] : memref<48672xf32, #tpu.memory_space<vmem>>[vector<16xi32>], vector<16xf32>,
      %add3A_281 = arith.constant 3 : i32
      %add3A_282 = vector.broadcast %add3A_281 : i32 to vector<16xi32>
      %add3A_283 = arith.addi %mul3A_272, %add3A_282 : vector<16xi32>
      %gather3A_284 = tpu.vector_load_idx %arg10[%add3A_283] : memref<48672xf32, #tpu.memory_space<vmem>>[vector<16xi32>], vector<16xf32>,
      %add3A_285 = arith.constant 4 : i32
      %add3A_286 = vector.broadcast %add3A_285 : i32 to vector<16xi32>
      %add3A_287 = arith.addi %mul3A_272, %add3A_286 : vector<16xi32>
      %gather3A_288 = tpu.vector_load_idx %arg10[%add3A_287] : memref<48672xf32, #tpu.memory_space<vmem>>[vector<16xi32>], vector<16xf32>,
      %get3A = arith.constant 0 : index
      %get3A_289 = tpu.vector_load %arg13[%get3A] {strides = array<i32>} : memref<128xf32, #tpu.memory_space<vmem>>, vector<16xf32>,
      %get3A_290 = arith.constant 32 : index
      %get3A_291 = tpu.vector_load %arg13[%get3A_290] {strides = array<i32>} : memref<128xf32, #tpu.memory_space<vmem>>, vector<16xf32>,
      %get3A_292 = arith.constant 64 : index
      %get3A_293 = tpu.vector_load %arg13[%get3A_292] {strides = array<i32>} : memref<128xf32, #tpu.memory_space<vmem>>, vector<16xf32>,
      %get3A_294 = arith.constant 96 : index
      %get3A_295 = tpu.vector_load %arg13[%get3A_294] {strides = array<i32>} : memref<128xf32, #tpu.memory_space<vmem>>, vector<16xf32>,
      %add3A_296 = vector.broadcast %min3A_3 : i32 to vector<16xi32>
      %add3A_297 = arith.addi %add3A_296, %select_n3A_205 : vector<16xi32>
      %jit3A_298 = arith.constant 169 : i32
      %div3A_299 = vector.broadcast %jit3A_298 : i32 to vector<16xi32>
      %div3A_300 = arith.divsi %add3A_297, %div3A_299 : vector<16xi32>
      %sign3A_301 = arith.constant 0 : i32
      %sign3A_302 = vector.broadcast %sign3A_301 : i32 to vector<16xi32>
      %sign3A_303 = arith.cmpi sgt, %add3A_297, %sign3A_302 : vector<16xi32>
      %sign3A_304 = arith.extui %sign3A_303 : vector<16xi1> to vector<16xi32>
      %sign3A_305 = arith.constant 0 : i32
      %sign3A_306 = vector.broadcast %sign3A_305 : i32 to vector<16xi32>
      %sign3A_307 = arith.cmpi slt, %add3A_297, %sign3A_306 : vector<16xi32>
      %sign3A_308 = arith.extui %sign3A_307 : vector<16xi1> to vector<16xi32>
      %sign3A_309 = arith.subi %sign3A_304, %sign3A_308 : vector<16xi32>
      %sign3A_310 = arith.constant 0 : i32
      %sign3A_311 = arith.cmpi sgt, %jit3A_298, %sign3A_310 : i32
      %sign3A_312 = arith.extui %sign3A_311 : i1 to i32
      %sign3A_313 = arith.constant 0 : i32
      %sign3A_314 = arith.cmpi slt, %jit3A_298, %sign3A_313 : i32
      %sign3A_315 = arith.extui %sign3A_314 : i1 to i32
      %sign3A_316 = arith.subi %sign3A_312, %sign3A_315 : i32
      %ne3A_317 = vector.broadcast %sign3A_316 : i32 to vector<16xi32>
      %ne3A_318 = arith.cmpi ne, %sign3A_309, %ne3A_317 : vector<16xi32>
      %rem3A_319 = vector.broadcast %jit3A_298 : i32 to vector<16xi32>
      %rem3A_320 = arith.remsi %add3A_297, %rem3A_319 : vector<16xi32>
      %ne3A_321 = arith.constant 0 : i32
      %ne3A_322 = vector.broadcast %ne3A_321 : i32 to vector<16xi32>
      %ne3A_323 = arith.cmpi ne, %rem3A_320, %ne3A_322 : vector<16xi32>
      %and3A_324 = arith.andi %ne3A_318, %ne3A_323 : vector<16xi1>
      %sub3A_325 = arith.constant 1 : i32
      %sub3A_326 = vector.broadcast %sub3A_325 : i32 to vector<16xi32>
      %sub3A_327 = arith.subi %div3A_300, %sub3A_326 : vector<16xi32>
      %select_n3A_328 = arith.select %and3A_324, %sub3A_327, %div3A_300 : vector<16xi1>, vector<16xi32>
      %jit3A_329 = arith.constant 3 : i32
      %eq3A = arith.constant 0 : i32
      %eq3A_330 = arith.cmpi eq, %jit3A_329, %eq3A : i32
      %jit3A_331 = arith.constant 1 : i32
      %select_n3A_332 = arith.select %eq3A_330, %jit3A_331, %jit3A_329 : i32
      %rem3A_333 = vector.broadcast %select_n3A_332 : i32 to vector<16xi32>
      %rem3A_334 = arith.remsi %select_n3A_328, %rem3A_333 : vector<16xi32>
      %ne3A_335 = arith.constant 0 : i32
      %ne3A_336 = vector.broadcast %ne3A_335 : i32 to vector<16xi32>
      %ne3A_337 = arith.cmpi ne, %rem3A_334, %ne3A_336 : vector<16xi32>
      %lt3A_338 = arith.constant 0 : i32
      %lt3A_339 = vector.broadcast %lt3A_338 : i32 to vector<16xi32>
      %lt3A_340 = arith.cmpi slt, %rem3A_334, %lt3A_339 : vector<16xi32>
      %lt3A_341 = arith.constant 0 : i32
      %lt3A_342 = arith.cmpi slt, %select_n3A_332, %lt3A_341 : i32
      %ne3A_343 = vector.broadcast %lt3A_342 : i1 to vector<16xi1>
      %ne3A_344 = vector.broadcast %ne3A_343 : vector<16xi1> to vector<16xi1>
      %ne3A_345 = arith.xori %lt3A_340, %ne3A_344 : vector<16xi1>
      %and3A_346 = arith.andi %ne3A_345, %ne3A_337 : vector<16xi1>
      %add3A_347 = vector.broadcast %select_n3A_332 : i32 to vector<16xi32>
      %add3A_348 = arith.addi %rem3A_334, %add3A_347 : vector<16xi32>
      %select_n3A_349 = arith.select %and3A_346, %add3A_348, %rem3A_334 : vector<16xi1>, vector<16xi32>
      %mul3A_350 = arith.constant 2 : i32
      %mul3A_351 = vector.broadcast %mul3A_350 : i32 to vector<16xi32>
      %mul3A_352 = arith.muli %mul3A_351, %select_n3A_349 : vector<16xi32>
      %add3A_353 = arith.constant 0 : i32
      %add3A_354 = vector.broadcast %add3A_353 : i32 to vector<16xi32>
      %add3A_355 = arith.addi %add3A_354, %mul3A_352 : vector<16xi32>
      %gather3A_356 = tpu.vector_load_idx %arg14[%add3A_355] : memref<32xf32, #tpu.memory_space<vmem>>[vector<16xi32>], vector<16xf32>,
      %mul3A_357 = arith.constant 2 : i32
      %mul3A_358 = vector.broadcast %mul3A_357 : i32 to vector<16xi32>
      %mul3A_359 = arith.muli %mul3A_358, %select_n3A_349 : vector<16xi32>
      %add3A_360 = arith.constant 0 : i32
      %add3A_361 = vector.broadcast %add3A_360 : i32 to vector<16xi32>
      %add3A_362 = arith.addi %add3A_361, %mul3A_359 : vector<16xi32>
      %add3A_363 = arith.constant 1 : i32
      %add3A_364 = vector.broadcast %add3A_363 : i32 to vector<16xi32>
      %add3A_365 = arith.addi %add3A_362, %add3A_364 : vector<16xi32>
      %gather3A_366 = tpu.vector_load_idx %arg14[%add3A_365] : memref<32xf32, #tpu.memory_space<vmem>>[vector<16xi32>], vector<16xf32>,
      %neg3A = arith.constant 0.000000e+00 : f32
      %neg3A_367 = vector.broadcast %neg3A : f32 to vector<16xf32>
      %neg3A_368 = arith.subf %neg3A_367, %get3A_289 : vector<16xf32>
      %exp3A = math.exp %neg3A_368 : vector<16xf32>
      %add3A_369 = arith.constant 1.000000e+00 : f32
      %add3A_370 = vector.broadcast %add3A_369 : f32 to vector<16xf32>
      %add3A_371 = arith.addf %add3A_370, %exp3A : vector<16xf32>
      %div3A_372 = arith.constant 1.000000e+00 : f32
      %div3A_373 = vector.broadcast %div3A_372 : f32 to vector<16xf32>
      %div3A_374 = arith.divf %div3A_373, %add3A_371 : vector<16xf32>
      %neg3A_375 = arith.constant 0.000000e+00 : f32
      %neg3A_376 = vector.broadcast %neg3A_375 : f32 to vector<16xf32>
      %neg3A_377 = arith.subf %neg3A_376, %get3A_291 : vector<16xf32>
      %exp3A_378 = math.exp %neg3A_377 : vector<16xf32>
      %add3A_379 = arith.constant 1.000000e+00 : f32
      %add3A_380 = vector.broadcast %add3A_379 : f32 to vector<16xf32>
      %add3A_381 = arith.addf %add3A_380, %exp3A_378 : vector<16xf32>
      %div3A_382 = arith.constant 1.000000e+00 : f32
      %div3A_383 = vector.broadcast %div3A_382 : f32 to vector<16xf32>
      %div3A_384 = arith.divf %div3A_383, %add3A_381 : vector<16xf32>
      %mul3A_385 = arith.mulf %gather3A_284, %gather3A_356 : vector<16xf32>
      %add3A_386 = arith.constant 1.000000e-16 : f32
      %add3A_387 = vector.broadcast %add3A_386 : f32 to vector<16xf32>
      %add3A_388 = arith.addf %add3A_387, %mul3A_385 : vector<16xf32>
      %bitcast3A = vector.bitcast %add3A_388 : vector<16xf32> to vector<16xi32>
      %shift_right_logical3A = arith.constant 23 : i32
      %shift_right_logical3A_389 = vector.broadcast %shift_right_logical3A : i32 to vector<16xi32>
      %shift_right_logical3A_390 = arith.shrui %bitcast3A, %shift_right_logical3A_389 : vector<16xi32>
      %sub3A_391 = arith.constant 127 : i32
      %sub3A_392 = vector.broadcast %sub3A_391 : i32 to vector<16xi32>
      %sub3A_393 = arith.subi %shift_right_logical3A_390, %sub3A_392 : vector<16xi32>
      %and3A_394 = arith.constant 8388607 : i32
      %and3A_395 = vector.broadcast %and3A_394 : i32 to vector<16xi32>
      %and3A_396 = arith.andi %bitcast3A, %and3A_395 : vector<16xi32>
      %or3A = arith.constant 1065353216 : i32
      %or3A_397 = vector.broadcast %or3A : i32 to vector<16xi32>
      %or3A_398 = arith.ori %and3A_396, %or3A_397 : vector<16xi32>
      %bitcast3A_399 = vector.bitcast %or3A_398 : vector<16xi32> to vector<16xf32>
      %ge3A = arith.constant 1.41421354 : f32
      %ge3A_400 = vector.broadcast %ge3A : f32 to vector<16xf32>
      %ge3A_401 = arith.cmpf oge, %bitcast3A_399, %ge3A_400 : vector<16xf32>
      %mul3A_402 = arith.constant 5.000000e-01 : f32
      %mul3A_403 = vector.broadcast %mul3A_402 : f32 to vector<16xf32>
      %mul3A_404 = arith.mulf %bitcast3A_399, %mul3A_403 : vector<16xf32>
      %select_n3A_405 = arith.select %ge3A_401, %mul3A_404, %bitcast3A_399 : vector<16xi1>, vector<16xf32>
      %jit3A_406 = arith.constant 1 : i32
      %jit3A_407 = arith.constant 0 : i32
      %broadcast_in_dim3A_408 = vector.broadcast %jit3A_406 : i32 to vector<16xi32>
      %broadcast_in_dim3A_409 = vector.broadcast %jit3A_407 : i32 to vector<16xi32>
      %select_n3A_410 = arith.select %ge3A_401, %broadcast_in_dim3A_408, %broadcast_in_dim3A_409 : vector<16xi1>, vector<16xi32>
      %add3A_411 = arith.addi %sub3A_393, %select_n3A_410 : vector<16xi32>
      %sub3A_412 = arith.constant 1.000000e+00 : f32
      %sub3A_413 = vector.broadcast %sub3A_412 : f32 to vector<16xf32>
      %sub3A_414 = arith.subf %select_n3A_405, %sub3A_413 : vector<16xf32>
      %add3A_415 = arith.constant 1.000000e+00 : f32
      %add3A_416 = vector.broadcast %add3A_415 : f32 to vector<16xf32>
      %add3A_417 = arith.addf %select_n3A_405, %add3A_416 : vector<16xf32>
      %div3A_418 = arith.divf %sub3A_414, %add3A_417 : vector<16xf32>
      %mul3A_419 = arith.mulf %div3A_418, %div3A_418 : vector<16xf32>
      %mul3A_420 = arith.constant 0.111111112 : f32
      %mul3A_421 = vector.broadcast %mul3A_420 : f32 to vector<16xf32>
      %mul3A_422 = arith.mulf %mul3A_419, %mul3A_421 : vector<16xf32>
      %add3A_423 = arith.constant 0.142857149 : f32
      %add3A_424 = vector.broadcast %add3A_423 : f32 to vector<16xf32>
      %add3A_425 = arith.addf %add3A_424, %mul3A_422 : vector<16xf32>
      %mul3A_426 = arith.mulf %mul3A_419, %add3A_425 : vector<16xf32>
      %add3A_427 = arith.constant 2.000000e-01 : f32
      %add3A_428 = vector.broadcast %add3A_427 : f32 to vector<16xf32>
      %add3A_429 = arith.addf %add3A_428, %mul3A_426 : vector<16xf32>
      %mul3A_430 = arith.mulf %mul3A_419, %add3A_429 : vector<16xf32>
      %add3A_431 = arith.constant 0.333333343 : f32
      %add3A_432 = vector.broadcast %add3A_431 : f32 to vector<16xf32>
      %add3A_433 = arith.addf %add3A_432, %mul3A_430 : vector<16xf32>
      %mul3A_434 = arith.mulf %mul3A_419, %add3A_433 : vector<16xf32>
      %add3A_435 = arith.constant 1.000000e+00 : f32
      %add3A_436 = vector.broadcast %add3A_435 : f32 to vector<16xf32>
      %add3A_437 = arith.addf %add3A_436, %mul3A_434 : vector<16xf32>
      %convert_element_type3A_438 = arith.sitofp %add3A_411 : vector<16xi32> to vector<16xf32>
      %mul3A_439 = arith.constant 0.693147182 : f32
      %mul3A_440 = vector.broadcast %mul3A_439 : f32 to vector<16xf32>
      %mul3A_441 = arith.mulf %convert_element_type3A_438, %mul3A_440 : vector<16xf32>
      %mul3A_442 = arith.constant 2.000000e+00 : f32
      %mul3A_443 = vector.broadcast %mul3A_442 : f32 to vector<16xf32>
      %mul3A_444 = arith.mulf %mul3A_443, %div3A_418 : vector<16xf32>
      %mul3A_445 = arith.mulf %mul3A_444, %add3A_437 : vector<16xf32>
      %add3A_446 = arith.addf %mul3A_441, %mul3A_445 : vector<16xf32>
      %mul3A_447 = arith.mulf %gather3A_288, %gather3A_366 : vector<16xf32>
      %add3A_448 = arith.constant 1.000000e-16 : f32
      %add3A_449 = vector.broadcast %add3A_448 : f32 to vector<16xf32>
      %add3A_450 = arith.addf %add3A_449, %mul3A_447 : vector<16xf32>
      %bitcast3A_451 = vector.bitcast %add3A_450 : vector<16xf32> to vector<16xi32>
      %shift_right_logical3A_452 = arith.constant 23 : i32
      %shift_right_logical3A_453 = vector.broadcast %shift_right_logical3A_452 : i32 to vector<16xi32>
      %shift_right_logical3A_454 = arith.shrui %bitcast3A_451, %shift_right_logical3A_453 : vector<16xi32>
      %sub3A_455 = arith.constant 127 : i32
      %sub3A_456 = vector.broadcast %sub3A_455 : i32 to vector<16xi32>
      %sub3A_457 = arith.subi %shift_right_logical3A_454, %sub3A_456 : vector<16xi32>
      %and3A_458 = arith.constant 8388607 : i32
      %and3A_459 = vector.broadcast %and3A_458 : i32 to vector<16xi32>
      %and3A_460 = arith.andi %bitcast3A_451, %and3A_459 : vector<16xi32>
      %or3A_461 = arith.constant 1065353216 : i32
      %or3A_462 = vector.broadcast %or3A_461 : i32 to vector<16xi32>
      %or3A_463 = arith.ori %and3A_460, %or3A_462 : vector<16xi32>
      %bitcast3A_464 = vector.bitcast %or3A_463 : vector<16xi32> to vector<16xf32>
      %ge3A_465 = arith.constant 1.41421354 : f32
      %ge3A_466 = vector.broadcast %ge3A_465 : f32 to vector<16xf32>
      %ge3A_467 = arith.cmpf oge, %bitcast3A_464, %ge3A_466 : vector<16xf32>
      %mul3A_468 = arith.constant 5.000000e-01 : f32
      %mul3A_469 = vector.broadcast %mul3A_468 : f32 to vector<16xf32>
      %mul3A_470 = arith.mulf %bitcast3A_464, %mul3A_469 : vector<16xf32>
      %select_n3A_471 = arith.select %ge3A_467, %mul3A_470, %bitcast3A_464 : vector<16xi1>, vector<16xf32>
      %jit3A_472 = arith.constant 1 : i32
      %jit3A_473 = arith.constant 0 : i32
      %broadcast_in_dim3A_474 = vector.broadcast %jit3A_472 : i32 to vector<16xi32>
      %broadcast_in_dim3A_475 = vector.broadcast %jit3A_473 : i32 to vector<16xi32>
      %select_n3A_476 = arith.select %ge3A_467, %broadcast_in_dim3A_474, %broadcast_in_dim3A_475 : vector<16xi1>, vector<16xi32>
      %add3A_477 = arith.addi %sub3A_457, %select_n3A_476 : vector<16xi32>
      %sub3A_478 = arith.constant 1.000000e+00 : f32
      %sub3A_479 = vector.broadcast %sub3A_478 : f32 to vector<16xf32>
      %sub3A_480 = arith.subf %select_n3A_471, %sub3A_479 : vector<16xf32>
      %add3A_481 = arith.constant 1.000000e+00 : f32
      %add3A_482 = vector.broadcast %add3A_481 : f32 to vector<16xf32>
      %add3A_483 = arith.addf %select_n3A_471, %add3A_482 : vector<16xf32>
      %div3A_484 = arith.divf %sub3A_480, %add3A_483 : vector<16xf32>
      %mul3A_485 = arith.mulf %div3A_484, %div3A_484 : vector<16xf32>
      %mul3A_486 = arith.constant 0.111111112 : f32
      %mul3A_487 = vector.broadcast %mul3A_486 : f32 to vector<16xf32>
      %mul3A_488 = arith.mulf %mul3A_485, %mul3A_487 : vector<16xf32>
      %add3A_489 = arith.constant 0.142857149 : f32
      %add3A_490 = vector.broadcast %add3A_489 : f32 to vector<16xf32>
      %add3A_491 = arith.addf %add3A_490, %mul3A_488 : vector<16xf32>
      %mul3A_492 = arith.mulf %mul3A_485, %add3A_491 : vector<16xf32>
      %add3A_493 = arith.constant 2.000000e-01 : f32
      %add3A_494 = vector.broadcast %add3A_493 : f32 to vector<16xf32>
      %add3A_495 = arith.addf %add3A_494, %mul3A_492 : vector<16xf32>
      %mul3A_496 = arith.mulf %mul3A_485, %add3A_495 : vector<16xf32>
      %add3A_497 = arith.constant 0.333333343 : f32
      %add3A_498 = vector.broadcast %add3A_497 : f32 to vector<16xf32>
      %add3A_499 = arith.addf %add3A_498, %mul3A_496 : vector<16xf32>
      %mul3A_500 = arith.mulf %mul3A_485, %add3A_499 : vector<16xf32>
      %add3A_501 = arith.constant 1.000000e+00 : f32
      %add3A_502 = vector.broadcast %add3A_501 : f32 to vector<16xf32>
      %add3A_503 = arith.addf %add3A_502, %mul3A_500 : vector<16xf32>
      %convert_element_type3A_504 = arith.sitofp %add3A_477 : vector<16xi32> to vector<16xf32>
      %mul3A_505 = arith.constant 0.693147182 : f32
      %mul3A_506 = vector.broadcast %mul3A_505 : f32 to vector<16xf32>
      %mul3A_507 = arith.mulf %convert_element_type3A_504, %mul3A_506 : vector<16xf32>
      %mul3A_508 = arith.constant 2.000000e+00 : f32
      %mul3A_509 = vector.broadcast %mul3A_508 : f32 to vector<16xf32>
      %mul3A_510 = arith.mulf %mul3A_509, %div3A_484 : vector<16xf32>
      %mul3A_511 = arith.mulf %mul3A_510, %add3A_503 : vector<16xf32>
      %add3A_512 = arith.addf %mul3A_507, %mul3A_511 : vector<16xf32>
      %sub3A_513 = arith.subf %div3A_374, %gather3A_276 : vector<16xf32>
      %sub3A_514 = arith.subf %div3A_384, %gather3A_280 : vector<16xf32>
      %sub3A_515 = arith.subf %get3A_293, %add3A_446 : vector<16xf32>
      %sub3A_516 = arith.subf %get3A_295, %add3A_512 : vector<16xf32>
      %mul3A_517 = arith.mulf %sub3A_513, %sub3A_513 : vector<16xf32>
      %mul3A_518 = arith.mulf %sub3A_514, %sub3A_514 : vector<16xf32>
      %add3A_519 = arith.addf %mul3A_517, %mul3A_518 : vector<16xf32>
      %mul3A_520 = arith.mulf %sub3A_515, %sub3A_515 : vector<16xf32>
      %add3A_521 = arith.addf %add3A_519, %mul3A_520 : vector<16xf32>
      %mul3A_522 = arith.mulf %sub3A_516, %sub3A_516 : vector<16xf32>
      %add3A_523 = arith.addf %add3A_521, %mul3A_522 : vector<16xf32>
      %jit3A_524 = arith.constant 0.000000e+00 : f32
      %broadcast_in_dim3A_525 = vector.broadcast %jit3A_524 : f32 to vector<16xf32>
      %select_n3A_526 = arith.select %lt3A_202, %add3A_523, %broadcast_in_dim3A_525 : vector<16xi1>, vector<16xf32>
      %add3A_527 = arith.addf %while3A_195, %select_n3A_526 : vector<16xf32>
      %mul3A_528 = arith.constant 6 : i32
      %mul3A_529 = vector.broadcast %mul3A_528 : i32 to vector<16xi32>
      %mul3A_530 = arith.muli %select_n3A_242, %mul3A_529 : vector<16xi32>
      %add3A_531 = arith.constant 1 : i32
      %add3A_532 = vector.broadcast %add3A_531 : i32 to vector<16xi32>
      %add3A_533 = arith.addi %mul3A_530, %add3A_532 : vector<16xi32>
      %gather3A_534 = tpu.vector_load_idx %arg10[%add3A_533] : memref<48672xf32, #tpu.memory_space<vmem>>[vector<16xi32>], vector<16xf32>,
      %add3A_535 = arith.constant 2 : i32
      %add3A_536 = vector.broadcast %add3A_535 : i32 to vector<16xi32>
      %add3A_537 = arith.addi %mul3A_530, %add3A_536 : vector<16xi32>
      %gather3A_538 = tpu.vector_load_idx %arg10[%add3A_537] : memref<48672xf32, #tpu.memory_space<vmem>>[vector<16xi32>], vector<16xf32>,
      %add3A_539 = arith.constant 3 : i32
      %add3A_540 = vector.broadcast %add3A_539 : i32 to vector<16xi32>
      %add3A_541 = arith.addi %mul3A_530, %add3A_540 : vector<16xi32>
      %gather3A_542 = tpu.vector_load_idx %arg10[%add3A_541] : memref<48672xf32, #tpu.memory_space<vmem>>[vector<16xi32>], vector<16xf32>,
      %add3A_543 = arith.constant 4 : i32
      %add3A_544 = vector.broadcast %add3A_543 : i32 to vector<16xi32>
      %add3A_545 = arith.addi %mul3A_530, %add3A_544 : vector<16xi32>
      %gather3A_546 = tpu.vector_load_idx %arg10[%add3A_545] : memref<48672xf32, #tpu.memory_space<vmem>>[vector<16xi32>], vector<16xf32>,
      %get3A_547 = arith.constant 16 : index
      %get3A_548 = tpu.vector_load %arg13[%get3A_547] {strides = array<i32>} : memref<128xf32, #tpu.memory_space<vmem>>, vector<16xf32>,
      %get3A_549 = arith.constant 48 : index
      %get3A_550 = tpu.vector_load %arg13[%get3A_549] {strides = array<i32>} : memref<128xf32, #tpu.memory_space<vmem>>, vector<16xf32>,
      %get3A_551 = arith.constant 80 : index
      %get3A_552 = tpu.vector_load %arg13[%get3A_551] {strides = array<i32>} : memref<128xf32, #tpu.memory_space<vmem>>, vector<16xf32>,
      %get3A_553 = arith.constant 112 : index
      %get3A_554 = tpu.vector_load %arg13[%get3A_553] {strides = array<i32>} : memref<128xf32, #tpu.memory_space<vmem>>, vector<16xf32>,
      %add3A_555 = vector.broadcast %min3A_3 : i32 to vector<16xi32>
      %add3A_556 = arith.addi %add3A_555, %select_n3A_242 : vector<16xi32>
      %jit3A_557 = arith.constant 169 : i32
      %div3A_558 = vector.broadcast %jit3A_557 : i32 to vector<16xi32>
      %div3A_559 = arith.divsi %add3A_556, %div3A_558 : vector<16xi32>
      %sign3A_560 = arith.constant 0 : i32
      %sign3A_561 = vector.broadcast %sign3A_560 : i32 to vector<16xi32>
      %sign3A_562 = arith.cmpi sgt, %add3A_556, %sign3A_561 : vector<16xi32>
      %sign3A_563 = arith.extui %sign3A_562 : vector<16xi1> to vector<16xi32>
      %sign3A_564 = arith.constant 0 : i32
      %sign3A_565 = vector.broadcast %sign3A_564 : i32 to vector<16xi32>
      %sign3A_566 = arith.cmpi slt, %add3A_556, %sign3A_565 : vector<16xi32>
      %sign3A_567 = arith.extui %sign3A_566 : vector<16xi1> to vector<16xi32>
      %sign3A_568 = arith.subi %sign3A_563, %sign3A_567 : vector<16xi32>
      %sign3A_569 = arith.constant 0 : i32
      %sign3A_570 = arith.cmpi sgt, %jit3A_557, %sign3A_569 : i32
      %sign3A_571 = arith.extui %sign3A_570 : i1 to i32
      %sign3A_572 = arith.constant 0 : i32
      %sign3A_573 = arith.cmpi slt, %jit3A_557, %sign3A_572 : i32
      %sign3A_574 = arith.extui %sign3A_573 : i1 to i32
      %sign3A_575 = arith.subi %sign3A_571, %sign3A_574 : i32
      %ne3A_576 = vector.broadcast %sign3A_575 : i32 to vector<16xi32>
      %ne3A_577 = arith.cmpi ne, %sign3A_568, %ne3A_576 : vector<16xi32>
      %rem3A_578 = vector.broadcast %jit3A_557 : i32 to vector<16xi32>
      %rem3A_579 = arith.remsi %add3A_556, %rem3A_578 : vector<16xi32>
      %ne3A_580 = arith.constant 0 : i32
      %ne3A_581 = vector.broadcast %ne3A_580 : i32 to vector<16xi32>
      %ne3A_582 = arith.cmpi ne, %rem3A_579, %ne3A_581 : vector<16xi32>
      %and3A_583 = arith.andi %ne3A_577, %ne3A_582 : vector<16xi1>
      %sub3A_584 = arith.constant 1 : i32
      %sub3A_585 = vector.broadcast %sub3A_584 : i32 to vector<16xi32>
      %sub3A_586 = arith.subi %div3A_559, %sub3A_585 : vector<16xi32>
      %select_n3A_587 = arith.select %and3A_583, %sub3A_586, %div3A_559 : vector<16xi1>, vector<16xi32>
      %jit3A_588 = arith.constant 3 : i32
      %eq3A_589 = arith.constant 0 : i32
      %eq3A_590 = arith.cmpi eq, %jit3A_588, %eq3A_589 : i32
      %jit3A_591 = arith.constant 1 : i32
      %select_n3A_592 = arith.select %eq3A_590, %jit3A_591, %jit3A_588 : i32
      %rem3A_593 = vector.broadcast %select_n3A_592 : i32 to vector<16xi32>
      %rem3A_594 = arith.remsi %select_n3A_587, %rem3A_593 : vector<16xi32>
      %ne3A_595 = arith.constant 0 : i32
      %ne3A_596 = vector.broadcast %ne3A_595 : i32 to vector<16xi32>
      %ne3A_597 = arith.cmpi ne, %rem3A_594, %ne3A_596 : vector<16xi32>
      %lt3A_598 = arith.constant 0 : i32
      %lt3A_599 = vector.broadcast %lt3A_598 : i32 to vector<16xi32>
      %lt3A_600 = arith.cmpi slt, %rem3A_594, %lt3A_599 : vector<16xi32>
      %lt3A_601 = arith.constant 0 : i32
      %lt3A_602 = arith.cmpi slt, %select_n3A_592, %lt3A_601 : i32
      %ne3A_603 = vector.broadcast %lt3A_602 : i1 to vector<16xi1>
      %ne3A_604 = vector.broadcast %ne3A_603 : vector<16xi1> to vector<16xi1>
      %ne3A_605 = arith.xori %lt3A_600, %ne3A_604 : vector<16xi1>
      %and3A_606 = arith.andi %ne3A_605, %ne3A_597 : vector<16xi1>
      %add3A_607 = vector.broadcast %select_n3A_592 : i32 to vector<16xi32>
      %add3A_608 = arith.addi %rem3A_594, %add3A_607 : vector<16xi32>
      %select_n3A_609 = arith.select %and3A_606, %add3A_608, %rem3A_594 : vector<16xi1>, vector<16xi32>
      %mul3A_610 = arith.constant 2 : i32
      %mul3A_611 = vector.broadcast %mul3A_610 : i32 to vector<16xi32>
      %mul3A_612 = arith.muli %mul3A_611, %select_n3A_609 : vector<16xi32>
      %add3A_613 = arith.constant 0 : i32
      %add3A_614 = vector.broadcast %add3A_613 : i32 to vector<16xi32>
      %add3A_615 = arith.addi %add3A_614, %mul3A_612 : vector<16xi32>
      %gather3A_616 = tpu.vector_load_idx %arg14[%add3A_615] : memref<32xf32, #tpu.memory_space<vmem>>[vector<16xi32>], vector<16xf32>,
      %mul3A_617 = arith.constant 2 : i32
      %mul3A_618 = vector.broadcast %mul3A_617 : i32 to vector<16xi32>
      %mul3A_619 = arith.muli %mul3A_618, %select_n3A_609 : vector<16xi32>
      %add3A_620 = arith.constant 0 : i32
      %add3A_621 = vector.broadcast %add3A_620 : i32 to vector<16xi32>
      %add3A_622 = arith.addi %add3A_621, %mul3A_619 : vector<16xi32>
      %add3A_623 = arith.constant 1 : i32
      %add3A_624 = vector.broadcast %add3A_623 : i32 to vector<16xi32>
      %add3A_625 = arith.addi %add3A_622, %add3A_624 : vector<16xi32>
      %gather3A_626 = tpu.vector_load_idx %arg14[%add3A_625] : memref<32xf32, #tpu.memory_space<vmem>>[vector<16xi32>], vector<16xf32>,
      %neg3A_627 = arith.constant 0.000000e+00 : f32
      %neg3A_628 = vector.broadcast %neg3A_627 : f32 to vector<16xf32>
      %neg3A_629 = arith.subf %neg3A_628, %get3A_548 : vector<16xf32>
      %exp3A_630 = math.exp %neg3A_629 : vector<16xf32>
      %add3A_631 = arith.constant 1.000000e+00 : f32
      %add3A_632 = vector.broadcast %add3A_631 : f32 to vector<16xf32>
      %add3A_633 = arith.addf %add3A_632, %exp3A_630 : vector<16xf32>
      %div3A_634 = arith.constant 1.000000e+00 : f32
      %div3A_635 = vector.broadcast %div3A_634 : f32 to vector<16xf32>
      %div3A_636 = arith.divf %div3A_635, %add3A_633 : vector<16xf32>
      %neg3A_637 = arith.constant 0.000000e+00 : f32
      %neg3A_638 = vector.broadcast %neg3A_637 : f32 to vector<16xf32>
      %neg3A_639 = arith.subf %neg3A_638, %get3A_550 : vector<16xf32>
      %exp3A_640 = math.exp %neg3A_639 : vector<16xf32>
      %add3A_641 = arith.constant 1.000000e+00 : f32
      %add3A_642 = vector.broadcast %add3A_641 : f32 to vector<16xf32>
      %add3A_643 = arith.addf %add3A_642, %exp3A_640 : vector<16xf32>
      %div3A_644 = arith.constant 1.000000e+00 : f32
      %div3A_645 = vector.broadcast %div3A_644 : f32 to vector<16xf32>
      %div3A_646 = arith.divf %div3A_645, %add3A_643 : vector<16xf32>
      %mul3A_647 = arith.mulf %gather3A_542, %gather3A_616 : vector<16xf32>
      %add3A_648 = arith.constant 1.000000e-16 : f32
      %add3A_649 = vector.broadcast %add3A_648 : f32 to vector<16xf32>
      %add3A_650 = arith.addf %add3A_649, %mul3A_647 : vector<16xf32>
      %bitcast3A_651 = vector.bitcast %add3A_650 : vector<16xf32> to vector<16xi32>
      %shift_right_logical3A_652 = arith.constant 23 : i32
      %shift_right_logical3A_653 = vector.broadcast %shift_right_logical3A_652 : i32 to vector<16xi32>
      %shift_right_logical3A_654 = arith.shrui %bitcast3A_651, %shift_right_logical3A_653 : vector<16xi32>
      %sub3A_655 = arith.constant 127 : i32
      %sub3A_656 = vector.broadcast %sub3A_655 : i32 to vector<16xi32>
      %sub3A_657 = arith.subi %shift_right_logical3A_654, %sub3A_656 : vector<16xi32>
      %and3A_658 = arith.constant 8388607 : i32
      %and3A_659 = vector.broadcast %and3A_658 : i32 to vector<16xi32>
      %and3A_660 = arith.andi %bitcast3A_651, %and3A_659 : vector<16xi32>
      %or3A_661 = arith.constant 1065353216 : i32
      %or3A_662 = vector.broadcast %or3A_661 : i32 to vector<16xi32>
      %or3A_663 = arith.ori %and3A_660, %or3A_662 : vector<16xi32>
      %bitcast3A_664 = vector.bitcast %or3A_663 : vector<16xi32> to vector<16xf32>
      %ge3A_665 = arith.constant 1.41421354 : f32
      %ge3A_666 = vector.broadcast %ge3A_665 : f32 to vector<16xf32>
      %ge3A_667 = arith.cmpf oge, %bitcast3A_664, %ge3A_666 : vector<16xf32>
      %mul3A_668 = arith.constant 5.000000e-01 : f32
      %mul3A_669 = vector.broadcast %mul3A_668 : f32 to vector<16xf32>
      %mul3A_670 = arith.mulf %bitcast3A_664, %mul3A_669 : vector<16xf32>
      %select_n3A_671 = arith.select %ge3A_667, %mul3A_670, %bitcast3A_664 : vector<16xi1>, vector<16xf32>
      %jit3A_672 = arith.constant 1 : i32
      %jit3A_673 = arith.constant 0 : i32
      %broadcast_in_dim3A_674 = vector.broadcast %jit3A_672 : i32 to vector<16xi32>
      %broadcast_in_dim3A_675 = vector.broadcast %jit3A_673 : i32 to vector<16xi32>
      %select_n3A_676 = arith.select %ge3A_667, %broadcast_in_dim3A_674, %broadcast_in_dim3A_675 : vector<16xi1>, vector<16xi32>
      %add3A_677 = arith.addi %sub3A_657, %select_n3A_676 : vector<16xi32>
      %sub3A_678 = arith.constant 1.000000e+00 : f32
      %sub3A_679 = vector.broadcast %sub3A_678 : f32 to vector<16xf32>
      %sub3A_680 = arith.subf %select_n3A_671, %sub3A_679 : vector<16xf32>
      %add3A_681 = arith.constant 1.000000e+00 : f32
      %add3A_682 = vector.broadcast %add3A_681 : f32 to vector<16xf32>
      %add3A_683 = arith.addf %select_n3A_671, %add3A_682 : vector<16xf32>
      %div3A_684 = arith.divf %sub3A_680, %add3A_683 : vector<16xf32>
      %mul3A_685 = arith.mulf %div3A_684, %div3A_684 : vector<16xf32>
      %mul3A_686 = arith.constant 0.111111112 : f32
      %mul3A_687 = vector.broadcast %mul3A_686 : f32 to vector<16xf32>
      %mul3A_688 = arith.mulf %mul3A_685, %mul3A_687 : vector<16xf32>
      %add3A_689 = arith.constant 0.142857149 : f32
      %add3A_690 = vector.broadcast %add3A_689 : f32 to vector<16xf32>
      %add3A_691 = arith.addf %add3A_690, %mul3A_688 : vector<16xf32>
      %mul3A_692 = arith.mulf %mul3A_685, %add3A_691 : vector<16xf32>
      %add3A_693 = arith.constant 2.000000e-01 : f32
      %add3A_694 = vector.broadcast %add3A_693 : f32 to vector<16xf32>
      %add3A_695 = arith.addf %add3A_694, %mul3A_692 : vector<16xf32>
      %mul3A_696 = arith.mulf %mul3A_685, %add3A_695 : vector<16xf32>
      %add3A_697 = arith.constant 0.333333343 : f32
      %add3A_698 = vector.broadcast %add3A_697 : f32 to vector<16xf32>
      %add3A_699 = arith.addf %add3A_698, %mul3A_696 : vector<16xf32>
      %mul3A_700 = arith.mulf %mul3A_685, %add3A_699 : vector<16xf32>
      %add3A_701 = arith.constant 1.000000e+00 : f32
      %add3A_702 = vector.broadcast %add3A_701 : f32 to vector<16xf32>
      %add3A_703 = arith.addf %add3A_702, %mul3A_700 : vector<16xf32>
      %convert_element_type3A_704 = arith.sitofp %add3A_677 : vector<16xi32> to vector<16xf32>
      %mul3A_705 = arith.constant 0.693147182 : f32
      %mul3A_706 = vector.broadcast %mul3A_705 : f32 to vector<16xf32>
      %mul3A_707 = arith.mulf %convert_element_type3A_704, %mul3A_706 : vector<16xf32>
      %mul3A_708 = arith.constant 2.000000e+00 : f32
      %mul3A_709 = vector.broadcast %mul3A_708 : f32 to vector<16xf32>
      %mul3A_710 = arith.mulf %mul3A_709, %div3A_684 : vector<16xf32>
      %mul3A_711 = arith.mulf %mul3A_710, %add3A_703 : vector<16xf32>
      %add3A_712 = arith.addf %mul3A_707, %mul3A_711 : vector<16xf32>
      %mul3A_713 = arith.mulf %gather3A_546, %gather3A_626 : vector<16xf32>
      %add3A_714 = arith.constant 1.000000e-16 : f32
      %add3A_715 = vector.broadcast %add3A_714 : f32 to vector<16xf32>
      %add3A_716 = arith.addf %add3A_715, %mul3A_713 : vector<16xf32>
      %bitcast3A_717 = vector.bitcast %add3A_716 : vector<16xf32> to vector<16xi32>
      %shift_right_logical3A_718 = arith.constant 23 : i32
      %shift_right_logical3A_719 = vector.broadcast %shift_right_logical3A_718 : i32 to vector<16xi32>
      %shift_right_logical3A_720 = arith.shrui %bitcast3A_717, %shift_right_logical3A_719 : vector<16xi32>
      %sub3A_721 = arith.constant 127 : i32
      %sub3A_722 = vector.broadcast %sub3A_721 : i32 to vector<16xi32>
      %sub3A_723 = arith.subi %shift_right_logical3A_720, %sub3A_722 : vector<16xi32>
      %and3A_724 = arith.constant 8388607 : i32
      %and3A_725 = vector.broadcast %and3A_724 : i32 to vector<16xi32>
      %and3A_726 = arith.andi %bitcast3A_717, %and3A_725 : vector<16xi32>
      %or3A_727 = arith.constant 1065353216 : i32
      %or3A_728 = vector.broadcast %or3A_727 : i32 to vector<16xi32>
      %or3A_729 = arith.ori %and3A_726, %or3A_728 : vector<16xi32>
      %bitcast3A_730 = vector.bitcast %or3A_729 : vector<16xi32> to vector<16xf32>
      %ge3A_731 = arith.constant 1.41421354 : f32
      %ge3A_732 = vector.broadcast %ge3A_731 : f32 to vector<16xf32>
      %ge3A_733 = arith.cmpf oge, %bitcast3A_730, %ge3A_732 : vector<16xf32>
      %mul3A_734 = arith.constant 5.000000e-01 : f32
      %mul3A_735 = vector.broadcast %mul3A_734 : f32 to vector<16xf32>
      %mul3A_736 = arith.mulf %bitcast3A_730, %mul3A_735 : vector<16xf32>
      %select_n3A_737 = arith.select %ge3A_733, %mul3A_736, %bitcast3A_730 : vector<16xi1>, vector<16xf32>
      %jit3A_738 = arith.constant 1 : i32
      %jit3A_739 = arith.constant 0 : i32
      %broadcast_in_dim3A_740 = vector.broadcast %jit3A_738 : i32 to vector<16xi32>
      %broadcast_in_dim3A_741 = vector.broadcast %jit3A_739 : i32 to vector<16xi32>
      %select_n3A_742 = arith.select %ge3A_733, %broadcast_in_dim3A_740, %broadcast_in_dim3A_741 : vector<16xi1>, vector<16xi32>
      %add3A_743 = arith.addi %sub3A_723, %select_n3A_742 : vector<16xi32>
      %sub3A_744 = arith.constant 1.000000e+00 : f32
      %sub3A_745 = vector.broadcast %sub3A_744 : f32 to vector<16xf32>
      %sub3A_746 = arith.subf %select_n3A_737, %sub3A_745 : vector<16xf32>
      %add3A_747 = arith.constant 1.000000e+00 : f32
      %add3A_748 = vector.broadcast %add3A_747 : f32 to vector<16xf32>
      %add3A_749 = arith.addf %select_n3A_737, %add3A_748 : vector<16xf32>
      %div3A_750 = arith.divf %sub3A_746, %add3A_749 : vector<16xf32>
      %mul3A_751 = arith.mulf %div3A_750, %div3A_750 : vector<16xf32>
      %mul3A_752 = arith.constant 0.111111112 : f32
      %mul3A_753 = vector.broadcast %mul3A_752 : f32 to vector<16xf32>
      %mul3A_754 = arith.mulf %mul3A_751, %mul3A_753 : vector<16xf32>
      %add3A_755 = arith.constant 0.142857149 : f32
      %add3A_756 = vector.broadcast %add3A_755 : f32 to vector<16xf32>
      %add3A_757 = arith.addf %add3A_756, %mul3A_754 : vector<16xf32>
      %mul3A_758 = arith.mulf %mul3A_751, %add3A_757 : vector<16xf32>
      %add3A_759 = arith.constant 2.000000e-01 : f32
      %add3A_760 = vector.broadcast %add3A_759 : f32 to vector<16xf32>
      %add3A_761 = arith.addf %add3A_760, %mul3A_758 : vector<16xf32>
      %mul3A_762 = arith.mulf %mul3A_751, %add3A_761 : vector<16xf32>
      %add3A_763 = arith.constant 0.333333343 : f32
      %add3A_764 = vector.broadcast %add3A_763 : f32 to vector<16xf32>
      %add3A_765 = arith.addf %add3A_764, %mul3A_762 : vector<16xf32>
      %mul3A_766 = arith.mulf %mul3A_751, %add3A_765 : vector<16xf32>
      %add3A_767 = arith.constant 1.000000e+00 : f32
      %add3A_768 = vector.broadcast %add3A_767 : f32 to vector<16xf32>
      %add3A_769 = arith.addf %add3A_768, %mul3A_766 : vector<16xf32>
      %convert_element_type3A_770 = arith.sitofp %add3A_743 : vector<16xi32> to vector<16xf32>
      %mul3A_771 = arith.constant 0.693147182 : f32
      %mul3A_772 = vector.broadcast %mul3A_771 : f32 to vector<16xf32>
      %mul3A_773 = arith.mulf %convert_element_type3A_770, %mul3A_772 : vector<16xf32>
      %mul3A_774 = arith.constant 2.000000e+00 : f32
      %mul3A_775 = vector.broadcast %mul3A_774 : f32 to vector<16xf32>
      %mul3A_776 = arith.mulf %mul3A_775, %div3A_750 : vector<16xf32>
      %mul3A_777 = arith.mulf %mul3A_776, %add3A_769 : vector<16xf32>
      %add3A_778 = arith.addf %mul3A_773, %mul3A_777 : vector<16xf32>
      %sub3A_779 = arith.subf %div3A_636, %gather3A_534 : vector<16xf32>
      %sub3A_780 = arith.subf %div3A_646, %gather3A_538 : vector<16xf32>
      %sub3A_781 = arith.subf %get3A_552, %add3A_712 : vector<16xf32>
      %sub3A_782 = arith.subf %get3A_554, %add3A_778 : vector<16xf32>
      %mul3A_783 = arith.mulf %sub3A_779, %sub3A_779 : vector<16xf32>
      %mul3A_784 = arith.mulf %sub3A_780, %sub3A_780 : vector<16xf32>
      %add3A_785 = arith.addf %mul3A_783, %mul3A_784 : vector<16xf32>
      %mul3A_786 = arith.mulf %sub3A_781, %sub3A_781 : vector<16xf32>
      %add3A_787 = arith.addf %add3A_785, %mul3A_786 : vector<16xf32>
      %mul3A_788 = arith.mulf %sub3A_782, %sub3A_782 : vector<16xf32>
      %add3A_789 = arith.addf %add3A_787, %mul3A_788 : vector<16xf32>
      %jit3A_790 = arith.constant 0.000000e+00 : f32
      %broadcast_in_dim3A_791 = vector.broadcast %jit3A_790 : f32 to vector<16xf32>
      %select_n3A_792 = arith.select %lt3A_238, %add3A_789, %broadcast_in_dim3A_791 : vector<16xi1>, vector<16xf32>
      %add3A_793 = arith.addf %add3A_527, %select_n3A_792 : vector<16xf32>
      scf.yield %add3A_793 : vector<16xf32>
    }
    %swap3A = arith.constant 0 : index
    %swap3A_50 = tpu.vector_load %arg15[%swap3A] {strides = array<i32>} : memref<16xf32, #tpu.memory_space<vmem>>, vector<16xf32>,
    tpu.vector_store %arg15[%swap3A], %while3A_49 {strides = array<i32>} : memref<16xf32, #tpu.memory_space<vmem>>, vector<16xf32>,
    %run_scoped3A = arith.constant 0 : i32
    "tpu.region"() ({
      %run_scoped3A_194 = tpu.sem_alloc : memref<!tpu.dma_semaphore, #tpu.memory_space<semaphore_mem>>
      %dma_start3A = arith.constant 0 : i32
      %dma_start3A_195 = tpu.memref_slice %arg9[%add3A, %run_scoped3A, %dma_start3A] : memref<32x8x16xf32, #tpu.memory_space<hbm>> -> memref<1x1x16xf32, #tpu.memory_space<hbm>>
      %dma_start3A_196 = tpu.memref_squeeze %dma_start3A_195 : memref<1x1x16xf32, #tpu.memory_space<hbm>> -> memref<16xf32, #tpu.memory_space<hbm>>
      %dma_start3A_197 = arith.constant 0 : i32
      %dma_start3A_198 = tpu.memref_slice %arg9[%add3A, %run_scoped3A, %dma_start3A_197] : memref<32x8x16xf32, #tpu.memory_space<hbm>> -> memref<1x1x16xf32, #tpu.memory_space<hbm>>
      %dma_start3A_199 = tpu.memref_squeeze %dma_start3A_198 : memref<1x1x16xf32, #tpu.memory_space<hbm>> -> memref<16xf32, #tpu.memory_space<hbm>>
      tpu.enqueue_dma source(%arg15 : memref<16xf32, #tpu.memory_space<vmem>>) target(%dma_start3A_199 : memref<16xf32, #tpu.memory_space<hbm>>) target_semaphore(%run_scoped3A_194 : memref<!tpu.dma_semaphore, #tpu.memory_space<semaphore_mem>>)
      %dma_wait3A = arith.constant 0 : i32
      %dma_wait3A_200 = tpu.memref_slice %arg9[%add3A, %run_scoped3A, %dma_wait3A] : memref<32x8x16xf32, #tpu.memory_space<hbm>> -> memref<1x1x16xf32, #tpu.memory_space<hbm>>
      %dma_wait3A_201 = tpu.memref_squeeze %dma_wait3A_200 : memref<1x1x16xf32, #tpu.memory_space<hbm>> -> memref<16xf32, #tpu.memory_space<hbm>>
      %dma_wait3A_202 = arith.constant 0 : i32
      %dma_wait3A_203 = tpu.memref_slice %arg9[%add3A, %run_scoped3A, %dma_wait3A_202] : memref<32x8x16xf32, #tpu.memory_space<hbm>> -> memref<1x1x16xf32, #tpu.memory_space<hbm>>
      %dma_wait3A_204 = tpu.memref_squeeze %dma_wait3A_203 : memref<1x1x16xf32, #tpu.memory_space<hbm>> -> memref<16xf32, #tpu.memory_space<hbm>>
      tpu.wait_dma2 semaphore(%run_scoped3A_194 : memref<!tpu.dma_semaphore, #tpu.memory_space<semaphore_mem>>) src(%arg15 : memref<16xf32, #tpu.memory_space<vmem>>) dst(%dma_wait3A_204 : memref<16xf32, #tpu.memory_space<hbm>>)
      tpu.yield
    }) : () -> ()
    %convert_element_type3A = arith.sitofp %scan3A_10 : vector<16xi32> to vector<16xf32>
    %swap3A_51 = arith.constant 0 : index
    %swap3A_52 = tpu.vector_load %arg15[%swap3A_51] {strides = array<i32>} : memref<16xf32, #tpu.memory_space<vmem>>, vector<16xf32>,
    tpu.vector_store %arg15[%swap3A_51], %convert_element_type3A {strides = array<i32>} : memref<16xf32, #tpu.memory_space<vmem>>, vector<16xf32>,
    %run_scoped3A_53 = arith.constant 3 : i32
    "tpu.region"() ({
      %run_scoped3A_194 = tpu.sem_alloc : memref<!tpu.dma_semaphore, #tpu.memory_space<semaphore_mem>>
      %dma_start3A = arith.constant 0 : i32
      %dma_start3A_195 = tpu.memref_slice %arg9[%add3A, %run_scoped3A_53, %dma_start3A] : memref<32x8x16xf32, #tpu.memory_space<hbm>> -> memref<1x1x16xf32, #tpu.memory_space<hbm>>
      %dma_start3A_196 = tpu.memref_squeeze %dma_start3A_195 : memref<1x1x16xf32, #tpu.memory_space<hbm>> -> memref<16xf32, #tpu.memory_space<hbm>>
      %dma_start3A_197 = arith.constant 0 : i32
      %dma_start3A_198 = tpu.memref_slice %arg9[%add3A, %run_scoped3A_53, %dma_start3A_197] : memref<32x8x16xf32, #tpu.memory_space<hbm>> -> memref<1x1x16xf32, #tpu.memory_space<hbm>>
      %dma_start3A_199 = tpu.memref_squeeze %dma_start3A_198 : memref<1x1x16xf32, #tpu.memory_space<hbm>> -> memref<16xf32, #tpu.memory_space<hbm>>
      tpu.enqueue_dma source(%arg15 : memref<16xf32, #tpu.memory_space<vmem>>) target(%dma_start3A_199 : memref<16xf32, #tpu.memory_space<hbm>>) target_semaphore(%run_scoped3A_194 : memref<!tpu.dma_semaphore, #tpu.memory_space<semaphore_mem>>)
      %dma_wait3A = arith.constant 0 : i32
      %dma_wait3A_200 = tpu.memref_slice %arg9[%add3A, %run_scoped3A_53, %dma_wait3A] : memref<32x8x16xf32, #tpu.memory_space<hbm>> -> memref<1x1x16xf32, #tpu.memory_space<hbm>>
      %dma_wait3A_201 = tpu.memref_squeeze %dma_wait3A_200 : memref<1x1x16xf32, #tpu.memory_space<hbm>> -> memref<16xf32, #tpu.memory_space<hbm>>
      %dma_wait3A_202 = arith.constant 0 : i32
      %dma_wait3A_203 = tpu.memref_slice %arg9[%add3A, %run_scoped3A_53, %dma_wait3A_202] : memref<32x8x16xf32, #tpu.memory_space<hbm>> -> memref<1x1x16xf32, #tpu.memory_space<hbm>>
      %dma_wait3A_204 = tpu.memref_squeeze %dma_wait3A_203 : memref<1x1x16xf32, #tpu.memory_space<hbm>> -> memref<16xf32, #tpu.memory_space<hbm>>
      tpu.wait_dma2 semaphore(%run_scoped3A_194 : memref<!tpu.dma_semaphore, #tpu.memory_space<semaphore_mem>>) src(%arg15 : memref<16xf32, #tpu.memory_space<vmem>>) dst(%dma_wait3A_204 : memref<16xf32, #tpu.memory_space<hbm>>)
      tpu.yield
    }) : () -> ()
    %iota3A_54 = tpu.iota {dimensions = array<i32: 0>} : vector<16xi32>
    %mul3A_55 = arith.constant 2032 : i32
    %mul3A_56 = arith.muli %add3A, %mul3A_55 : i32
    %min3A_57 = arith.constant 62864 : i32
    %min3A_58 = arith.minsi %mul3A_56, %min3A_57 : i32
    %sub3A_59 = arith.subi %mul3A_56, %min3A_58 : i32
    %mul3A_60 = arith.constant 6 : i32
    %mul3A_61 = arith.muli %min3A_58, %mul3A_60 : i32
    "tpu.region"() ({
      %run_scoped3A_194 = tpu.sem_alloc : memref<!tpu.dma_semaphore, #tpu.memory_space<semaphore_mem>>
      %dma_start3A = arith.constant 0 : i32
      %dma_start3A_195 = tpu.memref_slice %arg10[%dma_start3A] : memref<48672xf32, #tpu.memory_space<vmem>> -> memref<12192xf32, #tpu.memory_space<vmem>>
      %dma_start3A_196 = tpu.memref_slice %arg6[%mul3A_61] : memref<22064640xf32, #tpu.memory_space<hbm>> -> memref<12192xf32, #tpu.memory_space<hbm>>
      %dma_start3A_197 = arith.constant 0 : i32
      %dma_start3A_198 = tpu.memref_slice %arg10[%dma_start3A_197] : memref<48672xf32, #tpu.memory_space<vmem>> -> memref<12192xf32, #tpu.memory_space<vmem>>
      %dma_start3A_199 = tpu.memref_slice %arg6[%mul3A_61] : memref<22064640xf32, #tpu.memory_space<hbm>> -> memref<12192xf32, #tpu.memory_space<hbm>>
      tpu.enqueue_dma source(%dma_start3A_199 : memref<12192xf32, #tpu.memory_space<hbm>>) target(%dma_start3A_198 : memref<12192xf32, #tpu.memory_space<vmem>>) target_semaphore(%run_scoped3A_194 : memref<!tpu.dma_semaphore, #tpu.memory_space<semaphore_mem>>)
      %dma_wait3A = arith.constant 0 : i32
      %dma_wait3A_200 = tpu.memref_slice %arg10[%dma_wait3A] : memref<48672xf32, #tpu.memory_space<vmem>> -> memref<12192xf32, #tpu.memory_space<vmem>>
      %dma_wait3A_201 = tpu.memref_slice %arg6[%mul3A_61] : memref<22064640xf32, #tpu.memory_space<hbm>> -> memref<12192xf32, #tpu.memory_space<hbm>>
      %dma_wait3A_202 = arith.constant 0 : i32
      %dma_wait3A_203 = tpu.memref_slice %arg10[%dma_wait3A_202] : memref<48672xf32, #tpu.memory_space<vmem>> -> memref<12192xf32, #tpu.memory_space<vmem>>
      %dma_wait3A_204 = tpu.memref_slice %arg6[%mul3A_61] : memref<22064640xf32, #tpu.memory_space<hbm>> -> memref<12192xf32, #tpu.memory_space<hbm>>
      tpu.wait_dma2 semaphore(%run_scoped3A_194 : memref<!tpu.dma_semaphore, #tpu.memory_space<semaphore_mem>>) src(%dma_wait3A_204 : memref<12192xf32, #tpu.memory_space<hbm>>) dst(%dma_wait3A_203 : memref<12192xf32, #tpu.memory_space<vmem>>)
      tpu.yield
    }) : () -> ()
    %broadcast_in_dim3A_62 = arith.constant 0 : i32
    %broadcast_in_dim3A_63 = vector.broadcast %broadcast_in_dim3A_62 : i32 to vector<16xi32>
    %scan3A_64 = arith.constant 0 : i32
    %scan3A_65 = arith.constant 127 : i32
    %scan3A_66 = arith.addi %scan3A_64, %scan3A_65 : i32
    %scan3A_67 = arith.constant 1 : i32
    %scan3A_68 = scf.for %scan3A_194 = %scan3A_64 to %scan3A_66 step %scan3A_67 iter_args(%scan3A_195 = %broadcast_in_dim3A_63) -> (vector<16xi32>)  : i32 {
      %mul3A_196 = arith.constant 16 : i32
      %mul3A_197 = arith.muli %scan3A_194, %mul3A_196 : i32
      %add3A_198 = vector.broadcast %mul3A_197 : i32 to vector<16xi32>
      %add3A_199 = arith.addi %add3A_198, %iota3A_54 : vector<16xi32>
      %mul3A_200 = arith.constant 6 : i32
      %mul3A_201 = vector.broadcast %mul3A_200 : i32 to vector<16xi32>
      %mul3A_202 = arith.muli %add3A_199, %mul3A_201 : vector<16xi32>
      %gather3A = tpu.vector_load_idx %arg10[%mul3A_202] : memref<48672xf32, #tpu.memory_space<vmem>>[vector<16xi32>], vector<16xf32>,
      %eq3A = arith.constant 1.000000e+00 : f32
      %eq3A_203 = vector.broadcast %eq3A : f32 to vector<16xf32>
      %eq3A_204 = arith.cmpf oeq, %gather3A, %eq3A_203 : vector<16xf32>
      %ge3A = vector.broadcast %sub3A_59 : i32 to vector<16xi32>
      %ge3A_205 = arith.cmpi sge, %add3A_199, %ge3A : vector<16xi32>
      %and3A_206 = arith.andi %eq3A_204, %ge3A_205 : vector<16xi1>
      %convert_element_type3A_207 = arith.extui %and3A_206 : vector<16xi1> to vector<16xi32>
      %broadcast_in_dim3A_208 = arith.constant true
      %broadcast_in_dim3A_209 = vector.broadcast %broadcast_in_dim3A_208 : i1 to vector<16xi1>
      %masked_cumsum3A = tpu.scan <sum>, %convert_element_type3A_207 masked %broadcast_in_dim3A_209 : vector<16xi32>, vector<16xi1> -> vector<16xi32>
      %add3A_210 = arith.addi %scan3A_195, %masked_cumsum3A : vector<16xi32>
      %sub3A_211 = arith.constant 1 : i32
      %sub3A_212 = vector.broadcast %sub3A_211 : i32 to vector<16xi32>
      %sub3A_213 = arith.subi %add3A_210, %sub3A_212 : vector<16xi32>
      tpu.vector_store_idx %arg11[%sub3A_213], %add3A_199 masked %and3A_206 : memref<8192xi32, #tpu.memory_space<vmem>>[vector<16xi32>], vector<16xi32>, vector<16xi1>
      %all_reduce_population_count3A = tpu.all_reduce %and3A_206 {dim = 0 : i64, kind = #tpu.reduction_kind<sum>} : vector<16xi1> -> vector<16xi32>
      %add3A_214 = arith.addi %scan3A_195, %all_reduce_population_count3A : vector<16xi32>
      scf.yield %add3A_214 : vector<16xi32>
    }
    %scan3A_69 = arith.constant 127 : i32
    %reduce_max3A_70 = arith.constant true
    %reduce_max3A_71 = vector.broadcast %reduce_max3A_70 : i1 to vector<16xi1>
    %reduce_max3A_72 = arith.constant -2147483648 : i32
    %reduce_max3A_73 = vector.broadcast %reduce_max3A_72 : i32 to vector<16xi32>
    %reduce_max3A_74 = arith.xori %scan3A_68, %reduce_max3A_73 : vector<16xi32>
    %reduce_max3A_75 = tpu.scan <max>, %reduce_max3A_74 masked %reduce_max3A_71 : vector<16xi32>, vector<16xi1> -> vector<16xi32>
    %reduce_max3A_76 = arith.xori %reduce_max3A_75, %reduce_max3A_73 : vector<16xi32>
    %reduce_max3A_77 = vector.extract %reduce_max3A_76[15] : i32 from vector<16xi32>
    %add3A_78 = arith.constant 31 : i32
    %add3A_79 = arith.addi %reduce_max3A_77, %add3A_78 : i32
    %jit3A_80 = arith.constant 32 : i32
    %div3A_81 = arith.divsi %add3A_79, %jit3A_80 : i32
    %sign3A_82 = arith.constant 0 : i32
    %sign3A_83 = arith.cmpi sgt, %add3A_79, %sign3A_82 : i32
    %sign3A_84 = arith.extui %sign3A_83 : i1 to i32
    %sign3A_85 = arith.constant 0 : i32
    %sign3A_86 = arith.cmpi slt, %add3A_79, %sign3A_85 : i32
    %sign3A_87 = arith.extui %sign3A_86 : i1 to i32
    %sign3A_88 = arith.subi %sign3A_84, %sign3A_87 : i32
    %sign3A_89 = arith.constant 0 : i32
    %sign3A_90 = arith.cmpi sgt, %jit3A_80, %sign3A_89 : i32
    %sign3A_91 = arith.extui %sign3A_90 : i1 to i32
    %sign3A_92 = arith.constant 0 : i32
    %sign3A_93 = arith.cmpi slt, %jit3A_80, %sign3A_92 : i32
    %sign3A_94 = arith.extui %sign3A_93 : i1 to i32
    %sign3A_95 = arith.subi %sign3A_91, %sign3A_94 : i32
    %ne3A_96 = arith.cmpi ne, %sign3A_88, %sign3A_95 : i32
    %rem3A_97 = arith.remsi %add3A_79, %jit3A_80 : i32
    %ne3A_98 = arith.constant 0 : i32
    %ne3A_99 = arith.cmpi ne, %rem3A_97, %ne3A_98 : i32
    %and3A_100 = arith.andi %ne3A_96, %ne3A_99 : i1
    %sub3A_101 = arith.constant 1 : i32
    %sub3A_102 = arith.subi %div3A_81, %sub3A_101 : i32
    %select_n3A_103 = arith.select %and3A_100, %sub3A_102, %div3A_81 : i32
    %broadcast_in_dim3A_104 = arith.constant 0.000000e+00 : f32
    %broadcast_in_dim3A_105 = vector.broadcast %broadcast_in_dim3A_104 : f32 to vector<16xf32>
    %while3A_106 = arith.constant 0 : i32
    %while3A_107 = arith.subi %select_n3A_103, %while3A_106 : i32
    %while3A_108 = arith.addi %while3A_106, %while3A_107 : i32
    %while3A_109 = arith.constant 1 : i32
    %while3A_110 = arith.divsi %while3A_107, %while3A_109 : i32
    %while3A_111 = arith.muli %while3A_110, %while3A_109 : i32
    %while3A_112 = arith.addi %while3A_106, %while3A_111 : i32
    %while3A_113 = arith.constant 1 : i32
    %while3A_114 = scf.for %while3A_194 = %while3A_106 to %while3A_112 step %while3A_113 iter_args(%while3A_195 = %broadcast_in_dim3A_105) -> (vector<16xf32>)  : i32 {
      %mul3A_196 = arith.constant 32 : i32
      %mul3A_197 = arith.muli %while3A_194, %mul3A_196 : i32
      %add3A_198 = arith.constant 0 : i32
      %add3A_199 = arith.addi %mul3A_197, %add3A_198 : i32
      %add3A_200 = vector.broadcast %add3A_199 : i32 to vector<16xi32>
      %add3A_201 = arith.addi %add3A_200, %iota3A_54 : vector<16xi32>
      %lt3A = vector.broadcast %reduce_max3A_77 : i32 to vector<16xi32>
      %lt3A_202 = arith.cmpi slt, %add3A_201, %lt3A : vector<16xi32>
      %gather3A = tpu.vector_load_idx %arg11[%add3A_201] : memref<8192xi32, #tpu.memory_space<vmem>>[vector<16xi32>], vector<16xi32>,
      %jit3A_203 = arith.constant 0 : i32
      %broadcast_in_dim3A_204 = vector.broadcast %jit3A_203 : i32 to vector<16xi32>
      %select_n3A_205 = arith.select %lt3A_202, %gather3A, %broadcast_in_dim3A_204 : vector<16xi1>, vector<16xi32>
      %add3A_206 = vector.broadcast %min3A_58 : i32 to vector<16xi32>
      %add3A_207 = arith.addi %add3A_206, %select_n3A_205 : vector<16xi32>
      %mul3A_208 = arith.constant 4 : i32
      %mul3A_209 = vector.broadcast %mul3A_208 : i32 to vector<16xi32>
      %mul3A_210 = arith.muli %add3A_207, %mul3A_209 : vector<16xi32>
      %add3A_211 = arith.constant 0 : i32
      %add3A_212 = vector.broadcast %add3A_211 : i32 to vector<16xi32>
      %add3A_213 = arith.addi %mul3A_210, %add3A_212 : vector<16xi32>
      %swap3A_214 = arith.constant 0 : index
      %swap3A_215 = tpu.vector_load %arg12[%swap3A_214] {strides = array<i32>} : memref<128xi32, #tpu.memory_space<vmem>>, vector<16xi32>,
      tpu.vector_store %arg12[%swap3A_214], %add3A_213 {strides = array<i32>} : memref<128xi32, #tpu.memory_space<vmem>>, vector<16xi32>,
      %add3A_216 = arith.constant 1 : i32
      %add3A_217 = vector.broadcast %add3A_216 : i32 to vector<16xi32>
      %add3A_218 = arith.addi %mul3A_210, %add3A_217 : vector<16xi32>
      %swap3A_219 = arith.constant 32 : index
      %swap3A_220 = tpu.vector_load %arg12[%swap3A_219] {strides = array<i32>} : memref<128xi32, #tpu.memory_space<vmem>>, vector<16xi32>,
      tpu.vector_store %arg12[%swap3A_219], %add3A_218 {strides = array<i32>} : memref<128xi32, #tpu.memory_space<vmem>>, vector<16xi32>,
      %add3A_221 = arith.constant 2 : i32
      %add3A_222 = vector.broadcast %add3A_221 : i32 to vector<16xi32>
      %add3A_223 = arith.addi %mul3A_210, %add3A_222 : vector<16xi32>
      %swap3A_224 = arith.constant 64 : index
      %swap3A_225 = tpu.vector_load %arg12[%swap3A_224] {strides = array<i32>} : memref<128xi32, #tpu.memory_space<vmem>>, vector<16xi32>,
      tpu.vector_store %arg12[%swap3A_224], %add3A_223 {strides = array<i32>} : memref<128xi32, #tpu.memory_space<vmem>>, vector<16xi32>,
      %add3A_226 = arith.constant 3 : i32
      %add3A_227 = vector.broadcast %add3A_226 : i32 to vector<16xi32>
      %add3A_228 = arith.addi %mul3A_210, %add3A_227 : vector<16xi32>
      %swap3A_229 = arith.constant 96 : index
      %swap3A_230 = tpu.vector_load %arg12[%swap3A_229] {strides = array<i32>} : memref<128xi32, #tpu.memory_space<vmem>>, vector<16xi32>,
      tpu.vector_store %arg12[%swap3A_229], %add3A_228 {strides = array<i32>} : memref<128xi32, #tpu.memory_space<vmem>>, vector<16xi32>,
      %mul3A_231 = arith.constant 32 : i32
      %mul3A_232 = arith.muli %while3A_194, %mul3A_231 : i32
      %add3A_233 = arith.constant 16 : i32
      %add3A_234 = arith.addi %mul3A_232, %add3A_233 : i32
      %add3A_235 = vector.broadcast %add3A_234 : i32 to vector<16xi32>
      %add3A_236 = arith.addi %add3A_235, %iota3A_54 : vector<16xi32>
      %lt3A_237 = vector.broadcast %reduce_max3A_77 : i32 to vector<16xi32>
      %lt3A_238 = arith.cmpi slt, %add3A_236, %lt3A_237 : vector<16xi32>
      %gather3A_239 = tpu.vector_load_idx %arg11[%add3A_236] : memref<8192xi32, #tpu.memory_space<vmem>>[vector<16xi32>], vector<16xi32>,
      %jit3A_240 = arith.constant 0 : i32
      %broadcast_in_dim3A_241 = vector.broadcast %jit3A_240 : i32 to vector<16xi32>
      %select_n3A_242 = arith.select %lt3A_238, %gather3A_239, %broadcast_in_dim3A_241 : vector<16xi1>, vector<16xi32>
      %add3A_243 = vector.broadcast %min3A_58 : i32 to vector<16xi32>
      %add3A_244 = arith.addi %add3A_243, %select_n3A_242 : vector<16xi32>
      %mul3A_245 = arith.constant 4 : i32
      %mul3A_246 = vector.broadcast %mul3A_245 : i32 to vector<16xi32>
      %mul3A_247 = arith.muli %add3A_244, %mul3A_246 : vector<16xi32>
      %add3A_248 = arith.constant 0 : i32
      %add3A_249 = vector.broadcast %add3A_248 : i32 to vector<16xi32>
      %add3A_250 = arith.addi %mul3A_247, %add3A_249 : vector<16xi32>
      %swap3A_251 = arith.constant 16 : index
      %swap3A_252 = tpu.vector_load %arg12[%swap3A_251] {strides = array<i32>} : memref<128xi32, #tpu.memory_space<vmem>>, vector<16xi32>,
      tpu.vector_store %arg12[%swap3A_251], %add3A_250 {strides = array<i32>} : memref<128xi32, #tpu.memory_space<vmem>>, vector<16xi32>,
      %add3A_253 = arith.constant 1 : i32
      %add3A_254 = vector.broadcast %add3A_253 : i32 to vector<16xi32>
      %add3A_255 = arith.addi %mul3A_247, %add3A_254 : vector<16xi32>
      %swap3A_256 = arith.constant 48 : index
      %swap3A_257 = tpu.vector_load %arg12[%swap3A_256] {strides = array<i32>} : memref<128xi32, #tpu.memory_space<vmem>>, vector<16xi32>,
      tpu.vector_store %arg12[%swap3A_256], %add3A_255 {strides = array<i32>} : memref<128xi32, #tpu.memory_space<vmem>>, vector<16xi32>,
      %add3A_258 = arith.constant 2 : i32
      %add3A_259 = vector.broadcast %add3A_258 : i32 to vector<16xi32>
      %add3A_260 = arith.addi %mul3A_247, %add3A_259 : vector<16xi32>
      %swap3A_261 = arith.constant 80 : index
      %swap3A_262 = tpu.vector_load %arg12[%swap3A_261] {strides = array<i32>} : memref<128xi32, #tpu.memory_space<vmem>>, vector<16xi32>,
      tpu.vector_store %arg12[%swap3A_261], %add3A_260 {strides = array<i32>} : memref<128xi32, #tpu.memory_space<vmem>>, vector<16xi32>,
      %add3A_263 = arith.constant 3 : i32
      %add3A_264 = vector.broadcast %add3A_263 : i32 to vector<16xi32>
      %add3A_265 = arith.addi %mul3A_247, %add3A_264 : vector<16xi32>
      %swap3A_266 = arith.constant 112 : index
      %swap3A_267 = tpu.vector_load %arg12[%swap3A_266] {strides = array<i32>} : memref<128xi32, #tpu.memory_space<vmem>>, vector<16xi32>,
      tpu.vector_store %arg12[%swap3A_266], %add3A_265 {strides = array<i32>} : memref<128xi32, #tpu.memory_space<vmem>>, vector<16xi32>,
      %dma_start3A = arith.constant 0 : i32
      %dma_start3A_268 = tpu.memref_slice %arg3[%dma_start3A] : memref<64896xf32, #tpu.memory_space<hbm>> -> memref<64896xf32, #tpu.memory_space<hbm>>
      tpu.enqueue_indirect_dma source(%dma_start3A_268 : memref<64896xf32, #tpu.memory_space<hbm>>) target(%arg13 : memref<128xf32, #tpu.memory_space<vmem>>) offsets(%arg12 : memref<128xi32, #tpu.memory_space<vmem>>) semaphore(%arg16 : memref<!tpu.dma_semaphore, #tpu.memory_space<semaphore_mem>>)
      %dma_wait3A = arith.constant 0 : i32
      %dma_wait3A_269 = tpu.memref_slice %arg3[%dma_wait3A] : memref<64896xf32, #tpu.memory_space<hbm>> -> memref<64896xf32, #tpu.memory_space<hbm>>
      tpu.wait_indirect_dma semaphore(%arg16 : memref<!tpu.dma_semaphore, #tpu.memory_space<semaphore_mem>>) src(%dma_wait3A_269 : memref<64896xf32, #tpu.memory_space<hbm>>) dst(%arg13 : memref<128xf32, #tpu.memory_space<vmem>>)
      %mul3A_270 = arith.constant 6 : i32
      %mul3A_271 = vector.broadcast %mul3A_270 : i32 to vector<16xi32>
      %mul3A_272 = arith.muli %select_n3A_205, %mul3A_271 : vector<16xi32>
      %add3A_273 = arith.constant 1 : i32
      %add3A_274 = vector.broadcast %add3A_273 : i32 to vector<16xi32>
      %add3A_275 = arith.addi %mul3A_272, %add3A_274 : vector<16xi32>
      %gather3A_276 = tpu.vector_load_idx %arg10[%add3A_275] : memref<48672xf32, #tpu.memory_space<vmem>>[vector<16xi32>], vector<16xf32>,
      %add3A_277 = arith.constant 2 : i32
      %add3A_278 = vector.broadcast %add3A_277 : i32 to vector<16xi32>
      %add3A_279 = arith.addi %mul3A_272, %add3A_278 : vector<16xi32>
      %gather3A_280 = tpu.vector_load_idx %arg10[%add3A_279] : memref<48672xf32, #tpu.memory_space<vmem>>[vector<16xi32>], vector<16xf32>,
      %add3A_281 = arith.constant 3 : i32
      %add3A_282 = vector.broadcast %add3A_281 : i32 to vector<16xi32>
      %add3A_283 = arith.addi %mul3A_272, %add3A_282 : vector<16xi32>
      %gather3A_284 = tpu.vector_load_idx %arg10[%add3A_283] : memref<48672xf32, #tpu.memory_space<vmem>>[vector<16xi32>], vector<16xf32>,
      %add3A_285 = arith.constant 4 : i32
      %add3A_286 = vector.broadcast %add3A_285 : i32 to vector<16xi32>
      %add3A_287 = arith.addi %mul3A_272, %add3A_286 : vector<16xi32>
      %gather3A_288 = tpu.vector_load_idx %arg10[%add3A_287] : memref<48672xf32, #tpu.memory_space<vmem>>[vector<16xi32>], vector<16xf32>,
      %get3A = arith.constant 0 : index
      %get3A_289 = tpu.vector_load %arg13[%get3A] {strides = array<i32>} : memref<128xf32, #tpu.memory_space<vmem>>, vector<16xf32>,
      %get3A_290 = arith.constant 32 : index
      %get3A_291 = tpu.vector_load %arg13[%get3A_290] {strides = array<i32>} : memref<128xf32, #tpu.memory_space<vmem>>, vector<16xf32>,
      %get3A_292 = arith.constant 64 : index
      %get3A_293 = tpu.vector_load %arg13[%get3A_292] {strides = array<i32>} : memref<128xf32, #tpu.memory_space<vmem>>, vector<16xf32>,
      %get3A_294 = arith.constant 96 : index
      %get3A_295 = tpu.vector_load %arg13[%get3A_294] {strides = array<i32>} : memref<128xf32, #tpu.memory_space<vmem>>, vector<16xf32>,
      %add3A_296 = vector.broadcast %min3A_58 : i32 to vector<16xi32>
      %add3A_297 = arith.addi %add3A_296, %select_n3A_205 : vector<16xi32>
      %jit3A_298 = arith.constant 676 : i32
      %div3A_299 = vector.broadcast %jit3A_298 : i32 to vector<16xi32>
      %div3A_300 = arith.divsi %add3A_297, %div3A_299 : vector<16xi32>
      %sign3A_301 = arith.constant 0 : i32
      %sign3A_302 = vector.broadcast %sign3A_301 : i32 to vector<16xi32>
      %sign3A_303 = arith.cmpi sgt, %add3A_297, %sign3A_302 : vector<16xi32>
      %sign3A_304 = arith.extui %sign3A_303 : vector<16xi1> to vector<16xi32>
      %sign3A_305 = arith.constant 0 : i32
      %sign3A_306 = vector.broadcast %sign3A_305 : i32 to vector<16xi32>
      %sign3A_307 = arith.cmpi slt, %add3A_297, %sign3A_306 : vector<16xi32>
      %sign3A_308 = arith.extui %sign3A_307 : vector<16xi1> to vector<16xi32>
      %sign3A_309 = arith.subi %sign3A_304, %sign3A_308 : vector<16xi32>
      %sign3A_310 = arith.constant 0 : i32
      %sign3A_311 = arith.cmpi sgt, %jit3A_298, %sign3A_310 : i32
      %sign3A_312 = arith.extui %sign3A_311 : i1 to i32
      %sign3A_313 = arith.constant 0 : i32
      %sign3A_314 = arith.cmpi slt, %jit3A_298, %sign3A_313 : i32
      %sign3A_315 = arith.extui %sign3A_314 : i1 to i32
      %sign3A_316 = arith.subi %sign3A_312, %sign3A_315 : i32
      %ne3A_317 = vector.broadcast %sign3A_316 : i32 to vector<16xi32>
      %ne3A_318 = arith.cmpi ne, %sign3A_309, %ne3A_317 : vector<16xi32>
      %rem3A_319 = vector.broadcast %jit3A_298 : i32 to vector<16xi32>
      %rem3A_320 = arith.remsi %add3A_297, %rem3A_319 : vector<16xi32>
      %ne3A_321 = arith.constant 0 : i32
      %ne3A_322 = vector.broadcast %ne3A_321 : i32 to vector<16xi32>
      %ne3A_323 = arith.cmpi ne, %rem3A_320, %ne3A_322 : vector<16xi32>
      %and3A_324 = arith.andi %ne3A_318, %ne3A_323 : vector<16xi1>
      %sub3A_325 = arith.constant 1 : i32
      %sub3A_326 = vector.broadcast %sub3A_325 : i32 to vector<16xi32>
      %sub3A_327 = arith.subi %div3A_300, %sub3A_326 : vector<16xi32>
      %select_n3A_328 = arith.select %and3A_324, %sub3A_327, %div3A_300 : vector<16xi1>, vector<16xi32>
      %jit3A_329 = arith.constant 3 : i32
      %eq3A = arith.constant 0 : i32
      %eq3A_330 = arith.cmpi eq, %jit3A_329, %eq3A : i32
      %jit3A_331 = arith.constant 1 : i32
      %select_n3A_332 = arith.select %eq3A_330, %jit3A_331, %jit3A_329 : i32
      %rem3A_333 = vector.broadcast %select_n3A_332 : i32 to vector<16xi32>
      %rem3A_334 = arith.remsi %select_n3A_328, %rem3A_333 : vector<16xi32>
      %ne3A_335 = arith.constant 0 : i32
      %ne3A_336 = vector.broadcast %ne3A_335 : i32 to vector<16xi32>
      %ne3A_337 = arith.cmpi ne, %rem3A_334, %ne3A_336 : vector<16xi32>
      %lt3A_338 = arith.constant 0 : i32
      %lt3A_339 = vector.broadcast %lt3A_338 : i32 to vector<16xi32>
      %lt3A_340 = arith.cmpi slt, %rem3A_334, %lt3A_339 : vector<16xi32>
      %lt3A_341 = arith.constant 0 : i32
      %lt3A_342 = arith.cmpi slt, %select_n3A_332, %lt3A_341 : i32
      %ne3A_343 = vector.broadcast %lt3A_342 : i1 to vector<16xi1>
      %ne3A_344 = vector.broadcast %ne3A_343 : vector<16xi1> to vector<16xi1>
      %ne3A_345 = arith.xori %lt3A_340, %ne3A_344 : vector<16xi1>
      %and3A_346 = arith.andi %ne3A_345, %ne3A_337 : vector<16xi1>
      %add3A_347 = vector.broadcast %select_n3A_332 : i32 to vector<16xi32>
      %add3A_348 = arith.addi %rem3A_334, %add3A_347 : vector<16xi32>
      %select_n3A_349 = arith.select %and3A_346, %add3A_348, %rem3A_334 : vector<16xi1>, vector<16xi32>
      %mul3A_350 = arith.constant 2 : i32
      %mul3A_351 = vector.broadcast %mul3A_350 : i32 to vector<16xi32>
      %mul3A_352 = arith.muli %mul3A_351, %select_n3A_349 : vector<16xi32>
      %add3A_353 = arith.constant 8 : i32
      %add3A_354 = vector.broadcast %add3A_353 : i32 to vector<16xi32>
      %add3A_355 = arith.addi %add3A_354, %mul3A_352 : vector<16xi32>
      %gather3A_356 = tpu.vector_load_idx %arg14[%add3A_355] : memref<32xf32, #tpu.memory_space<vmem>>[vector<16xi32>], vector<16xf32>,
      %mul3A_357 = arith.constant 2 : i32
      %mul3A_358 = vector.broadcast %mul3A_357 : i32 to vector<16xi32>
      %mul3A_359 = arith.muli %mul3A_358, %select_n3A_349 : vector<16xi32>
      %add3A_360 = arith.constant 8 : i32
      %add3A_361 = vector.broadcast %add3A_360 : i32 to vector<16xi32>
      %add3A_362 = arith.addi %add3A_361, %mul3A_359 : vector<16xi32>
      %add3A_363 = arith.constant 1 : i32
      %add3A_364 = vector.broadcast %add3A_363 : i32 to vector<16xi32>
      %add3A_365 = arith.addi %add3A_362, %add3A_364 : vector<16xi32>
      %gather3A_366 = tpu.vector_load_idx %arg14[%add3A_365] : memref<32xf32, #tpu.memory_space<vmem>>[vector<16xi32>], vector<16xf32>,
      %neg3A = arith.constant 0.000000e+00 : f32
      %neg3A_367 = vector.broadcast %neg3A : f32 to vector<16xf32>
      %neg3A_368 = arith.subf %neg3A_367, %get3A_289 : vector<16xf32>
      %exp3A = math.exp %neg3A_368 : vector<16xf32>
      %add3A_369 = arith.constant 1.000000e+00 : f32
      %add3A_370 = vector.broadcast %add3A_369 : f32 to vector<16xf32>
      %add3A_371 = arith.addf %add3A_370, %exp3A : vector<16xf32>
      %div3A_372 = arith.constant 1.000000e+00 : f32
      %div3A_373 = vector.broadcast %div3A_372 : f32 to vector<16xf32>
      %div3A_374 = arith.divf %div3A_373, %add3A_371 : vector<16xf32>
      %neg3A_375 = arith.constant 0.000000e+00 : f32
      %neg3A_376 = vector.broadcast %neg3A_375 : f32 to vector<16xf32>
      %neg3A_377 = arith.subf %neg3A_376, %get3A_291 : vector<16xf32>
      %exp3A_378 = math.exp %neg3A_377 : vector<16xf32>
      %add3A_379 = arith.constant 1.000000e+00 : f32
      %add3A_380 = vector.broadcast %add3A_379 : f32 to vector<16xf32>
      %add3A_381 = arith.addf %add3A_380, %exp3A_378 : vector<16xf32>
      %div3A_382 = arith.constant 1.000000e+00 : f32
      %div3A_383 = vector.broadcast %div3A_382 : f32 to vector<16xf32>
      %div3A_384 = arith.divf %div3A_383, %add3A_381 : vector<16xf32>
      %mul3A_385 = arith.mulf %gather3A_284, %gather3A_356 : vector<16xf32>
      %add3A_386 = arith.constant 1.000000e-16 : f32
      %add3A_387 = vector.broadcast %add3A_386 : f32 to vector<16xf32>
      %add3A_388 = arith.addf %add3A_387, %mul3A_385 : vector<16xf32>
      %bitcast3A = vector.bitcast %add3A_388 : vector<16xf32> to vector<16xi32>
      %shift_right_logical3A = arith.constant 23 : i32
      %shift_right_logical3A_389 = vector.broadcast %shift_right_logical3A : i32 to vector<16xi32>
      %shift_right_logical3A_390 = arith.shrui %bitcast3A, %shift_right_logical3A_389 : vector<16xi32>
      %sub3A_391 = arith.constant 127 : i32
      %sub3A_392 = vector.broadcast %sub3A_391 : i32 to vector<16xi32>
      %sub3A_393 = arith.subi %shift_right_logical3A_390, %sub3A_392 : vector<16xi32>
      %and3A_394 = arith.constant 8388607 : i32
      %and3A_395 = vector.broadcast %and3A_394 : i32 to vector<16xi32>
      %and3A_396 = arith.andi %bitcast3A, %and3A_395 : vector<16xi32>
      %or3A = arith.constant 1065353216 : i32
      %or3A_397 = vector.broadcast %or3A : i32 to vector<16xi32>
      %or3A_398 = arith.ori %and3A_396, %or3A_397 : vector<16xi32>
      %bitcast3A_399 = vector.bitcast %or3A_398 : vector<16xi32> to vector<16xf32>
      %ge3A = arith.constant 1.41421354 : f32
      %ge3A_400 = vector.broadcast %ge3A : f32 to vector<16xf32>
      %ge3A_401 = arith.cmpf oge, %bitcast3A_399, %ge3A_400 : vector<16xf32>
      %mul3A_402 = arith.constant 5.000000e-01 : f32
      %mul3A_403 = vector.broadcast %mul3A_402 : f32 to vector<16xf32>
      %mul3A_404 = arith.mulf %bitcast3A_399, %mul3A_403 : vector<16xf32>
      %select_n3A_405 = arith.select %ge3A_401, %mul3A_404, %bitcast3A_399 : vector<16xi1>, vector<16xf32>
      %jit3A_406 = arith.constant 1 : i32
      %jit3A_407 = arith.constant 0 : i32
      %broadcast_in_dim3A_408 = vector.broadcast %jit3A_406 : i32 to vector<16xi32>
      %broadcast_in_dim3A_409 = vector.broadcast %jit3A_407 : i32 to vector<16xi32>
      %select_n3A_410 = arith.select %ge3A_401, %broadcast_in_dim3A_408, %broadcast_in_dim3A_409 : vector<16xi1>, vector<16xi32>
      %add3A_411 = arith.addi %sub3A_393, %select_n3A_410 : vector<16xi32>
      %sub3A_412 = arith.constant 1.000000e+00 : f32
      %sub3A_413 = vector.broadcast %sub3A_412 : f32 to vector<16xf32>
      %sub3A_414 = arith.subf %select_n3A_405, %sub3A_413 : vector<16xf32>
      %add3A_415 = arith.constant 1.000000e+00 : f32
      %add3A_416 = vector.broadcast %add3A_415 : f32 to vector<16xf32>
      %add3A_417 = arith.addf %select_n3A_405, %add3A_416 : vector<16xf32>
      %div3A_418 = arith.divf %sub3A_414, %add3A_417 : vector<16xf32>
      %mul3A_419 = arith.mulf %div3A_418, %div3A_418 : vector<16xf32>
      %mul3A_420 = arith.constant 0.111111112 : f32
      %mul3A_421 = vector.broadcast %mul3A_420 : f32 to vector<16xf32>
      %mul3A_422 = arith.mulf %mul3A_419, %mul3A_421 : vector<16xf32>
      %add3A_423 = arith.constant 0.142857149 : f32
      %add3A_424 = vector.broadcast %add3A_423 : f32 to vector<16xf32>
      %add3A_425 = arith.addf %add3A_424, %mul3A_422 : vector<16xf32>
      %mul3A_426 = arith.mulf %mul3A_419, %add3A_425 : vector<16xf32>
      %add3A_427 = arith.constant 2.000000e-01 : f32
      %add3A_428 = vector.broadcast %add3A_427 : f32 to vector<16xf32>
      %add3A_429 = arith.addf %add3A_428, %mul3A_426 : vector<16xf32>
      %mul3A_430 = arith.mulf %mul3A_419, %add3A_429 : vector<16xf32>
      %add3A_431 = arith.constant 0.333333343 : f32
      %add3A_432 = vector.broadcast %add3A_431 : f32 to vector<16xf32>
      %add3A_433 = arith.addf %add3A_432, %mul3A_430 : vector<16xf32>
      %mul3A_434 = arith.mulf %mul3A_419, %add3A_433 : vector<16xf32>
      %add3A_435 = arith.constant 1.000000e+00 : f32
      %add3A_436 = vector.broadcast %add3A_435 : f32 to vector<16xf32>
      %add3A_437 = arith.addf %add3A_436, %mul3A_434 : vector<16xf32>
      %convert_element_type3A_438 = arith.sitofp %add3A_411 : vector<16xi32> to vector<16xf32>
      %mul3A_439 = arith.constant 0.693147182 : f32
      %mul3A_440 = vector.broadcast %mul3A_439 : f32 to vector<16xf32>
      %mul3A_441 = arith.mulf %convert_element_type3A_438, %mul3A_440 : vector<16xf32>
      %mul3A_442 = arith.constant 2.000000e+00 : f32
      %mul3A_443 = vector.broadcast %mul3A_442 : f32 to vector<16xf32>
      %mul3A_444 = arith.mulf %mul3A_443, %div3A_418 : vector<16xf32>
      %mul3A_445 = arith.mulf %mul3A_444, %add3A_437 : vector<16xf32>
      %add3A_446 = arith.addf %mul3A_441, %mul3A_445 : vector<16xf32>
      %mul3A_447 = arith.mulf %gather3A_288, %gather3A_366 : vector<16xf32>
      %add3A_448 = arith.constant 1.000000e-16 : f32
      %add3A_449 = vector.broadcast %add3A_448 : f32 to vector<16xf32>
      %add3A_450 = arith.addf %add3A_449, %mul3A_447 : vector<16xf32>
      %bitcast3A_451 = vector.bitcast %add3A_450 : vector<16xf32> to vector<16xi32>
      %shift_right_logical3A_452 = arith.constant 23 : i32
      %shift_right_logical3A_453 = vector.broadcast %shift_right_logical3A_452 : i32 to vector<16xi32>
      %shift_right_logical3A_454 = arith.shrui %bitcast3A_451, %shift_right_logical3A_453 : vector<16xi32>
      %sub3A_455 = arith.constant 127 : i32
      %sub3A_456 = vector.broadcast %sub3A_455 : i32 to vector<16xi32>
      %sub3A_457 = arith.subi %shift_right_logical3A_454, %sub3A_456 : vector<16xi32>
      %and3A_458 = arith.constant 8388607 : i32
      %and3A_459 = vector.broadcast %and3A_458 : i32 to vector<16xi32>
      %and3A_460 = arith.andi %bitcast3A_451, %and3A_459 : vector<16xi32>
      %or3A_461 = arith.constant 1065353216 : i32
      %or3A_462 = vector.broadcast %or3A_461 : i32 to vector<16xi32>
      %or3A_463 = arith.ori %and3A_460, %or3A_462 : vector<16xi32>
      %bitcast3A_464 = vector.bitcast %or3A_463 : vector<16xi32> to vector<16xf32>
      %ge3A_465 = arith.constant 1.41421354 : f32
      %ge3A_466 = vector.broadcast %ge3A_465 : f32 to vector<16xf32>
      %ge3A_467 = arith.cmpf oge, %bitcast3A_464, %ge3A_466 : vector<16xf32>
      %mul3A_468 = arith.constant 5.000000e-01 : f32
      %mul3A_469 = vector.broadcast %mul3A_468 : f32 to vector<16xf32>
      %mul3A_470 = arith.mulf %bitcast3A_464, %mul3A_469 : vector<16xf32>
      %select_n3A_471 = arith.select %ge3A_467, %mul3A_470, %bitcast3A_464 : vector<16xi1>, vector<16xf32>
      %jit3A_472 = arith.constant 1 : i32
      %jit3A_473 = arith.constant 0 : i32
      %broadcast_in_dim3A_474 = vector.broadcast %jit3A_472 : i32 to vector<16xi32>
      %broadcast_in_dim3A_475 = vector.broadcast %jit3A_473 : i32 to vector<16xi32>
      %select_n3A_476 = arith.select %ge3A_467, %broadcast_in_dim3A_474, %broadcast_in_dim3A_475 : vector<16xi1>, vector<16xi32>
      %add3A_477 = arith.addi %sub3A_457, %select_n3A_476 : vector<16xi32>
      %sub3A_478 = arith.constant 1.000000e+00 : f32
      %sub3A_479 = vector.broadcast %sub3A_478 : f32 to vector<16xf32>
      %sub3A_480 = arith.subf %select_n3A_471, %sub3A_479 : vector<16xf32>
      %add3A_481 = arith.constant 1.000000e+00 : f32
      %add3A_482 = vector.broadcast %add3A_481 : f32 to vector<16xf32>
      %add3A_483 = arith.addf %select_n3A_471, %add3A_482 : vector<16xf32>
      %div3A_484 = arith.divf %sub3A_480, %add3A_483 : vector<16xf32>
      %mul3A_485 = arith.mulf %div3A_484, %div3A_484 : vector<16xf32>
      %mul3A_486 = arith.constant 0.111111112 : f32
      %mul3A_487 = vector.broadcast %mul3A_486 : f32 to vector<16xf32>
      %mul3A_488 = arith.mulf %mul3A_485, %mul3A_487 : vector<16xf32>
      %add3A_489 = arith.constant 0.142857149 : f32
      %add3A_490 = vector.broadcast %add3A_489 : f32 to vector<16xf32>
      %add3A_491 = arith.addf %add3A_490, %mul3A_488 : vector<16xf32>
      %mul3A_492 = arith.mulf %mul3A_485, %add3A_491 : vector<16xf32>
      %add3A_493 = arith.constant 2.000000e-01 : f32
      %add3A_494 = vector.broadcast %add3A_493 : f32 to vector<16xf32>
      %add3A_495 = arith.addf %add3A_494, %mul3A_492 : vector<16xf32>
      %mul3A_496 = arith.mulf %mul3A_485, %add3A_495 : vector<16xf32>
      %add3A_497 = arith.constant 0.333333343 : f32
      %add3A_498 = vector.broadcast %add3A_497 : f32 to vector<16xf32>
      %add3A_499 = arith.addf %add3A_498, %mul3A_496 : vector<16xf32>
      %mul3A_500 = arith.mulf %mul3A_485, %add3A_499 : vector<16xf32>
      %add3A_501 = arith.constant 1.000000e+00 : f32
      %add3A_502 = vector.broadcast %add3A_501 : f32 to vector<16xf32>
      %add3A_503 = arith.addf %add3A_502, %mul3A_500 : vector<16xf32>
      %convert_element_type3A_504 = arith.sitofp %add3A_477 : vector<16xi32> to vector<16xf32>
      %mul3A_505 = arith.constant 0.693147182 : f32
      %mul3A_506 = vector.broadcast %mul3A_505 : f32 to vector<16xf32>
      %mul3A_507 = arith.mulf %convert_element_type3A_504, %mul3A_506 : vector<16xf32>
      %mul3A_508 = arith.constant 2.000000e+00 : f32
      %mul3A_509 = vector.broadcast %mul3A_508 : f32 to vector<16xf32>
      %mul3A_510 = arith.mulf %mul3A_509, %div3A_484 : vector<16xf32>
      %mul3A_511 = arith.mulf %mul3A_510, %add3A_503 : vector<16xf32>
      %add3A_512 = arith.addf %mul3A_507, %mul3A_511 : vector<16xf32>
      %sub3A_513 = arith.subf %div3A_374, %gather3A_276 : vector<16xf32>
      %sub3A_514 = arith.subf %div3A_384, %gather3A_280 : vector<16xf32>
      %sub3A_515 = arith.subf %get3A_293, %add3A_446 : vector<16xf32>
      %sub3A_516 = arith.subf %get3A_295, %add3A_512 : vector<16xf32>
      %mul3A_517 = arith.mulf %sub3A_513, %sub3A_513 : vector<16xf32>
      %mul3A_518 = arith.mulf %sub3A_514, %sub3A_514 : vector<16xf32>
      %add3A_519 = arith.addf %mul3A_517, %mul3A_518 : vector<16xf32>
      %mul3A_520 = arith.mulf %sub3A_515, %sub3A_515 : vector<16xf32>
      %add3A_521 = arith.addf %add3A_519, %mul3A_520 : vector<16xf32>
      %mul3A_522 = arith.mulf %sub3A_516, %sub3A_516 : vector<16xf32>
      %add3A_523 = arith.addf %add3A_521, %mul3A_522 : vector<16xf32>
      %jit3A_524 = arith.constant 0.000000e+00 : f32
      %broadcast_in_dim3A_525 = vector.broadcast %jit3A_524 : f32 to vector<16xf32>
      %select_n3A_526 = arith.select %lt3A_202, %add3A_523, %broadcast_in_dim3A_525 : vector<16xi1>, vector<16xf32>
      %add3A_527 = arith.addf %while3A_195, %select_n3A_526 : vector<16xf32>
      %mul3A_528 = arith.constant 6 : i32
      %mul3A_529 = vector.broadcast %mul3A_528 : i32 to vector<16xi32>
      %mul3A_530 = arith.muli %select_n3A_242, %mul3A_529 : vector<16xi32>
      %add3A_531 = arith.constant 1 : i32
      %add3A_532 = vector.broadcast %add3A_531 : i32 to vector<16xi32>
      %add3A_533 = arith.addi %mul3A_530, %add3A_532 : vector<16xi32>
      %gather3A_534 = tpu.vector_load_idx %arg10[%add3A_533] : memref<48672xf32, #tpu.memory_space<vmem>>[vector<16xi32>], vector<16xf32>,
      %add3A_535 = arith.constant 2 : i32
      %add3A_536 = vector.broadcast %add3A_535 : i32 to vector<16xi32>
      %add3A_537 = arith.addi %mul3A_530, %add3A_536 : vector<16xi32>
      %gather3A_538 = tpu.vector_load_idx %arg10[%add3A_537] : memref<48672xf32, #tpu.memory_space<vmem>>[vector<16xi32>], vector<16xf32>,
      %add3A_539 = arith.constant 3 : i32
      %add3A_540 = vector.broadcast %add3A_539 : i32 to vector<16xi32>
      %add3A_541 = arith.addi %mul3A_530, %add3A_540 : vector<16xi32>
      %gather3A_542 = tpu.vector_load_idx %arg10[%add3A_541] : memref<48672xf32, #tpu.memory_space<vmem>>[vector<16xi32>], vector<16xf32>,
      %add3A_543 = arith.constant 4 : i32
      %add3A_544 = vector.broadcast %add3A_543 : i32 to vector<16xi32>
      %add3A_545 = arith.addi %mul3A_530, %add3A_544 : vector<16xi32>
      %gather3A_546 = tpu.vector_load_idx %arg10[%add3A_545] : memref<48672xf32, #tpu.memory_space<vmem>>[vector<16xi32>], vector<16xf32>,
      %get3A_547 = arith.constant 16 : index
      %get3A_548 = tpu.vector_load %arg13[%get3A_547] {strides = array<i32>} : memref<128xf32, #tpu.memory_space<vmem>>, vector<16xf32>,
      %get3A_549 = arith.constant 48 : index
      %get3A_550 = tpu.vector_load %arg13[%get3A_549] {strides = array<i32>} : memref<128xf32, #tpu.memory_space<vmem>>, vector<16xf32>,
      %get3A_551 = arith.constant 80 : index
      %get3A_552 = tpu.vector_load %arg13[%get3A_551] {strides = array<i32>} : memref<128xf32, #tpu.memory_space<vmem>>, vector<16xf32>,
      %get3A_553 = arith.constant 112 : index
      %get3A_554 = tpu.vector_load %arg13[%get3A_553] {strides = array<i32>} : memref<128xf32, #tpu.memory_space<vmem>>, vector<16xf32>,
      %add3A_555 = vector.broadcast %min3A_58 : i32 to vector<16xi32>
      %add3A_556 = arith.addi %add3A_555, %select_n3A_242 : vector<16xi32>
      %jit3A_557 = arith.constant 676 : i32
      %div3A_558 = vector.broadcast %jit3A_557 : i32 to vector<16xi32>
      %div3A_559 = arith.divsi %add3A_556, %div3A_558 : vector<16xi32>
      %sign3A_560 = arith.constant 0 : i32
      %sign3A_561 = vector.broadcast %sign3A_560 : i32 to vector<16xi32>
      %sign3A_562 = arith.cmpi sgt, %add3A_556, %sign3A_561 : vector<16xi32>
      %sign3A_563 = arith.extui %sign3A_562 : vector<16xi1> to vector<16xi32>
      %sign3A_564 = arith.constant 0 : i32
      %sign3A_565 = vector.broadcast %sign3A_564 : i32 to vector<16xi32>
      %sign3A_566 = arith.cmpi slt, %add3A_556, %sign3A_565 : vector<16xi32>
      %sign3A_567 = arith.extui %sign3A_566 : vector<16xi1> to vector<16xi32>
      %sign3A_568 = arith.subi %sign3A_563, %sign3A_567 : vector<16xi32>
      %sign3A_569 = arith.constant 0 : i32
      %sign3A_570 = arith.cmpi sgt, %jit3A_557, %sign3A_569 : i32
      %sign3A_571 = arith.extui %sign3A_570 : i1 to i32
      %sign3A_572 = arith.constant 0 : i32
      %sign3A_573 = arith.cmpi slt, %jit3A_557, %sign3A_572 : i32
      %sign3A_574 = arith.extui %sign3A_573 : i1 to i32
      %sign3A_575 = arith.subi %sign3A_571, %sign3A_574 : i32
      %ne3A_576 = vector.broadcast %sign3A_575 : i32 to vector<16xi32>
      %ne3A_577 = arith.cmpi ne, %sign3A_568, %ne3A_576 : vector<16xi32>
      %rem3A_578 = vector.broadcast %jit3A_557 : i32 to vector<16xi32>
      %rem3A_579 = arith.remsi %add3A_556, %rem3A_578 : vector<16xi32>
      %ne3A_580 = arith.constant 0 : i32
      %ne3A_581 = vector.broadcast %ne3A_580 : i32 to vector<16xi32>
      %ne3A_582 = arith.cmpi ne, %rem3A_579, %ne3A_581 : vector<16xi32>
      %and3A_583 = arith.andi %ne3A_577, %ne3A_582 : vector<16xi1>
      %sub3A_584 = arith.constant 1 : i32
      %sub3A_585 = vector.broadcast %sub3A_584 : i32 to vector<16xi32>
      %sub3A_586 = arith.subi %div3A_559, %sub3A_585 : vector<16xi32>
      %select_n3A_587 = arith.select %and3A_583, %sub3A_586, %div3A_559 : vector<16xi1>, vector<16xi32>
      %jit3A_588 = arith.constant 3 : i32
      %eq3A_589 = arith.constant 0 : i32
      %eq3A_590 = arith.cmpi eq, %jit3A_588, %eq3A_589 : i32
      %jit3A_591 = arith.constant 1 : i32
      %select_n3A_592 = arith.select %eq3A_590, %jit3A_591, %jit3A_588 : i32
      %rem3A_593 = vector.broadcast %select_n3A_592 : i32 to vector<16xi32>
      %rem3A_594 = arith.remsi %select_n3A_587, %rem3A_593 : vector<16xi32>
      %ne3A_595 = arith.constant 0 : i32
      %ne3A_596 = vector.broadcast %ne3A_595 : i32 to vector<16xi32>
      %ne3A_597 = arith.cmpi ne, %rem3A_594, %ne3A_596 : vector<16xi32>
      %lt3A_598 = arith.constant 0 : i32
      %lt3A_599 = vector.broadcast %lt3A_598 : i32 to vector<16xi32>
      %lt3A_600 = arith.cmpi slt, %rem3A_594, %lt3A_599 : vector<16xi32>
      %lt3A_601 = arith.constant 0 : i32
      %lt3A_602 = arith.cmpi slt, %select_n3A_592, %lt3A_601 : i32
      %ne3A_603 = vector.broadcast %lt3A_602 : i1 to vector<16xi1>
      %ne3A_604 = vector.broadcast %ne3A_603 : vector<16xi1> to vector<16xi1>
      %ne3A_605 = arith.xori %lt3A_600, %ne3A_604 : vector<16xi1>
      %and3A_606 = arith.andi %ne3A_605, %ne3A_597 : vector<16xi1>
      %add3A_607 = vector.broadcast %select_n3A_592 : i32 to vector<16xi32>
      %add3A_608 = arith.addi %rem3A_594, %add3A_607 : vector<16xi32>
      %select_n3A_609 = arith.select %and3A_606, %add3A_608, %rem3A_594 : vector<16xi1>, vector<16xi32>
      %mul3A_610 = arith.constant 2 : i32
      %mul3A_611 = vector.broadcast %mul3A_610 : i32 to vector<16xi32>
      %mul3A_612 = arith.muli %mul3A_611, %select_n3A_609 : vector<16xi32>
      %add3A_613 = arith.constant 8 : i32
      %add3A_614 = vector.broadcast %add3A_613 : i32 to vector<16xi32>
      %add3A_615 = arith.addi %add3A_614, %mul3A_612 : vector<16xi32>
      %gather3A_616 = tpu.vector_load_idx %arg14[%add3A_615] : memref<32xf32, #tpu.memory_space<vmem>>[vector<16xi32>], vector<16xf32>,
      %mul3A_617 = arith.constant 2 : i32
      %mul3A_618 = vector.broadcast %mul3A_617 : i32 to vector<16xi32>
      %mul3A_619 = arith.muli %mul3A_618, %select_n3A_609 : vector<16xi32>
      %add3A_620 = arith.constant 8 : i32
      %add3A_621 = vector.broadcast %add3A_620 : i32 to vector<16xi32>
      %add3A_622 = arith.addi %add3A_621, %mul3A_619 : vector<16xi32>
      %add3A_623 = arith.constant 1 : i32
      %add3A_624 = vector.broadcast %add3A_623 : i32 to vector<16xi32>
      %add3A_625 = arith.addi %add3A_622, %add3A_624 : vector<16xi32>
      %gather3A_626 = tpu.vector_load_idx %arg14[%add3A_625] : memref<32xf32, #tpu.memory_space<vmem>>[vector<16xi32>], vector<16xf32>,
      %neg3A_627 = arith.constant 0.000000e+00 : f32
      %neg3A_628 = vector.broadcast %neg3A_627 : f32 to vector<16xf32>
      %neg3A_629 = arith.subf %neg3A_628, %get3A_548 : vector<16xf32>
      %exp3A_630 = math.exp %neg3A_629 : vector<16xf32>
      %add3A_631 = arith.constant 1.000000e+00 : f32
      %add3A_632 = vector.broadcast %add3A_631 : f32 to vector<16xf32>
      %add3A_633 = arith.addf %add3A_632, %exp3A_630 : vector<16xf32>
      %div3A_634 = arith.constant 1.000000e+00 : f32
      %div3A_635 = vector.broadcast %div3A_634 : f32 to vector<16xf32>
      %div3A_636 = arith.divf %div3A_635, %add3A_633 : vector<16xf32>
      %neg3A_637 = arith.constant 0.000000e+00 : f32
      %neg3A_638 = vector.broadcast %neg3A_637 : f32 to vector<16xf32>
      %neg3A_639 = arith.subf %neg3A_638, %get3A_550 : vector<16xf32>
      %exp3A_640 = math.exp %neg3A_639 : vector<16xf32>
      %add3A_641 = arith.constant 1.000000e+00 : f32
      %add3A_642 = vector.broadcast %add3A_641 : f32 to vector<16xf32>
      %add3A_643 = arith.addf %add3A_642, %exp3A_640 : vector<16xf32>
      %div3A_644 = arith.constant 1.000000e+00 : f32
      %div3A_645 = vector.broadcast %div3A_644 : f32 to vector<16xf32>
      %div3A_646 = arith.divf %div3A_645, %add3A_643 : vector<16xf32>
      %mul3A_647 = arith.mulf %gather3A_542, %gather3A_616 : vector<16xf32>
      %add3A_648 = arith.constant 1.000000e-16 : f32
      %add3A_649 = vector.broadcast %add3A_648 : f32 to vector<16xf32>
      %add3A_650 = arith.addf %add3A_649, %mul3A_647 : vector<16xf32>
      %bitcast3A_651 = vector.bitcast %add3A_650 : vector<16xf32> to vector<16xi32>
      %shift_right_logical3A_652 = arith.constant 23 : i32
      %shift_right_logical3A_653 = vector.broadcast %shift_right_logical3A_652 : i32 to vector<16xi32>
      %shift_right_logical3A_654 = arith.shrui %bitcast3A_651, %shift_right_logical3A_653 : vector<16xi32>
      %sub3A_655 = arith.constant 127 : i32
      %sub3A_656 = vector.broadcast %sub3A_655 : i32 to vector<16xi32>
      %sub3A_657 = arith.subi %shift_right_logical3A_654, %sub3A_656 : vector<16xi32>
      %and3A_658 = arith.constant 8388607 : i32
      %and3A_659 = vector.broadcast %and3A_658 : i32 to vector<16xi32>
      %and3A_660 = arith.andi %bitcast3A_651, %and3A_659 : vector<16xi32>
      %or3A_661 = arith.constant 1065353216 : i32
      %or3A_662 = vector.broadcast %or3A_661 : i32 to vector<16xi32>
      %or3A_663 = arith.ori %and3A_660, %or3A_662 : vector<16xi32>
      %bitcast3A_664 = vector.bitcast %or3A_663 : vector<16xi32> to vector<16xf32>
      %ge3A_665 = arith.constant 1.41421354 : f32
      %ge3A_666 = vector.broadcast %ge3A_665 : f32 to vector<16xf32>
      %ge3A_667 = arith.cmpf oge, %bitcast3A_664, %ge3A_666 : vector<16xf32>
      %mul3A_668 = arith.constant 5.000000e-01 : f32
      %mul3A_669 = vector.broadcast %mul3A_668 : f32 to vector<16xf32>
      %mul3A_670 = arith.mulf %bitcast3A_664, %mul3A_669 : vector<16xf32>
      %select_n3A_671 = arith.select %ge3A_667, %mul3A_670, %bitcast3A_664 : vector<16xi1>, vector<16xf32>
      %jit3A_672 = arith.constant 1 : i32
      %jit3A_673 = arith.constant 0 : i32
      %broadcast_in_dim3A_674 = vector.broadcast %jit3A_672 : i32 to vector<16xi32>
      %broadcast_in_dim3A_675 = vector.broadcast %jit3A_673 : i32 to vector<16xi32>
      %select_n3A_676 = arith.select %ge3A_667, %broadcast_in_dim3A_674, %broadcast_in_dim3A_675 : vector<16xi1>, vector<16xi32>
      %add3A_677 = arith.addi %sub3A_657, %select_n3A_676 : vector<16xi32>
      %sub3A_678 = arith.constant 1.000000e+00 : f32
      %sub3A_679 = vector.broadcast %sub3A_678 : f32 to vector<16xf32>
      %sub3A_680 = arith.subf %select_n3A_671, %sub3A_679 : vector<16xf32>
      %add3A_681 = arith.constant 1.000000e+00 : f32
      %add3A_682 = vector.broadcast %add3A_681 : f32 to vector<16xf32>
      %add3A_683 = arith.addf %select_n3A_671, %add3A_682 : vector<16xf32>
      %div3A_684 = arith.divf %sub3A_680, %add3A_683 : vector<16xf32>
      %mul3A_685 = arith.mulf %div3A_684, %div3A_684 : vector<16xf32>
      %mul3A_686 = arith.constant 0.111111112 : f32
      %mul3A_687 = vector.broadcast %mul3A_686 : f32 to vector<16xf32>
      %mul3A_688 = arith.mulf %mul3A_685, %mul3A_687 : vector<16xf32>
      %add3A_689 = arith.constant 0.142857149 : f32
      %add3A_690 = vector.broadcast %add3A_689 : f32 to vector<16xf32>
      %add3A_691 = arith.addf %add3A_690, %mul3A_688 : vector<16xf32>
      %mul3A_692 = arith.mulf %mul3A_685, %add3A_691 : vector<16xf32>
      %add3A_693 = arith.constant 2.000000e-01 : f32
      %add3A_694 = vector.broadcast %add3A_693 : f32 to vector<16xf32>
      %add3A_695 = arith.addf %add3A_694, %mul3A_692 : vector<16xf32>
      %mul3A_696 = arith.mulf %mul3A_685, %add3A_695 : vector<16xf32>
      %add3A_697 = arith.constant 0.333333343 : f32
      %add3A_698 = vector.broadcast %add3A_697 : f32 to vector<16xf32>
      %add3A_699 = arith.addf %add3A_698, %mul3A_696 : vector<16xf32>
      %mul3A_700 = arith.mulf %mul3A_685, %add3A_699 : vector<16xf32>
      %add3A_701 = arith.constant 1.000000e+00 : f32
      %add3A_702 = vector.broadcast %add3A_701 : f32 to vector<16xf32>
      %add3A_703 = arith.addf %add3A_702, %mul3A_700 : vector<16xf32>
      %convert_element_type3A_704 = arith.sitofp %add3A_677 : vector<16xi32> to vector<16xf32>
      %mul3A_705 = arith.constant 0.693147182 : f32
      %mul3A_706 = vector.broadcast %mul3A_705 : f32 to vector<16xf32>
      %mul3A_707 = arith.mulf %convert_element_type3A_704, %mul3A_706 : vector<16xf32>
      %mul3A_708 = arith.constant 2.000000e+00 : f32
      %mul3A_709 = vector.broadcast %mul3A_708 : f32 to vector<16xf32>
      %mul3A_710 = arith.mulf %mul3A_709, %div3A_684 : vector<16xf32>
      %mul3A_711 = arith.mulf %mul3A_710, %add3A_703 : vector<16xf32>
      %add3A_712 = arith.addf %mul3A_707, %mul3A_711 : vector<16xf32>
      %mul3A_713 = arith.mulf %gather3A_546, %gather3A_626 : vector<16xf32>
      %add3A_714 = arith.constant 1.000000e-16 : f32
      %add3A_715 = vector.broadcast %add3A_714 : f32 to vector<16xf32>
      %add3A_716 = arith.addf %add3A_715, %mul3A_713 : vector<16xf32>
      %bitcast3A_717 = vector.bitcast %add3A_716 : vector<16xf32> to vector<16xi32>
      %shift_right_logical3A_718 = arith.constant 23 : i32
      %shift_right_logical3A_719 = vector.broadcast %shift_right_logical3A_718 : i32 to vector<16xi32>
      %shift_right_logical3A_720 = arith.shrui %bitcast3A_717, %shift_right_logical3A_719 : vector<16xi32>
      %sub3A_721 = arith.constant 127 : i32
      %sub3A_722 = vector.broadcast %sub3A_721 : i32 to vector<16xi32>
      %sub3A_723 = arith.subi %shift_right_logical3A_720, %sub3A_722 : vector<16xi32>
      %and3A_724 = arith.constant 8388607 : i32
      %and3A_725 = vector.broadcast %and3A_724 : i32 to vector<16xi32>
      %and3A_726 = arith.andi %bitcast3A_717, %and3A_725 : vector<16xi32>
      %or3A_727 = arith.constant 1065353216 : i32
      %or3A_728 = vector.broadcast %or3A_727 : i32 to vector<16xi32>
      %or3A_729 = arith.ori %and3A_726, %or3A_728 : vector<16xi32>
      %bitcast3A_730 = vector.bitcast %or3A_729 : vector<16xi32> to vector<16xf32>
      %ge3A_731 = arith.constant 1.41421354 : f32
      %ge3A_732 = vector.broadcast %ge3A_731 : f32 to vector<16xf32>
      %ge3A_733 = arith.cmpf oge, %bitcast3A_730, %ge3A_732 : vector<16xf32>
      %mul3A_734 = arith.constant 5.000000e-01 : f32
      %mul3A_735 = vector.broadcast %mul3A_734 : f32 to vector<16xf32>
      %mul3A_736 = arith.mulf %bitcast3A_730, %mul3A_735 : vector<16xf32>
      %select_n3A_737 = arith.select %ge3A_733, %mul3A_736, %bitcast3A_730 : vector<16xi1>, vector<16xf32>
      %jit3A_738 = arith.constant 1 : i32
      %jit3A_739 = arith.constant 0 : i32
      %broadcast_in_dim3A_740 = vector.broadcast %jit3A_738 : i32 to vector<16xi32>
      %broadcast_in_dim3A_741 = vector.broadcast %jit3A_739 : i32 to vector<16xi32>
      %select_n3A_742 = arith.select %ge3A_733, %broadcast_in_dim3A_740, %broadcast_in_dim3A_741 : vector<16xi1>, vector<16xi32>
      %add3A_743 = arith.addi %sub3A_723, %select_n3A_742 : vector<16xi32>
      %sub3A_744 = arith.constant 1.000000e+00 : f32
      %sub3A_745 = vector.broadcast %sub3A_744 : f32 to vector<16xf32>
      %sub3A_746 = arith.subf %select_n3A_737, %sub3A_745 : vector<16xf32>
      %add3A_747 = arith.constant 1.000000e+00 : f32
      %add3A_748 = vector.broadcast %add3A_747 : f32 to vector<16xf32>
      %add3A_749 = arith.addf %select_n3A_737, %add3A_748 : vector<16xf32>
      %div3A_750 = arith.divf %sub3A_746, %add3A_749 : vector<16xf32>
      %mul3A_751 = arith.mulf %div3A_750, %div3A_750 : vector<16xf32>
      %mul3A_752 = arith.constant 0.111111112 : f32
      %mul3A_753 = vector.broadcast %mul3A_752 : f32 to vector<16xf32>
      %mul3A_754 = arith.mulf %mul3A_751, %mul3A_753 : vector<16xf32>
      %add3A_755 = arith.constant 0.142857149 : f32
      %add3A_756 = vector.broadcast %add3A_755 : f32 to vector<16xf32>
      %add3A_757 = arith.addf %add3A_756, %mul3A_754 : vector<16xf32>
      %mul3A_758 = arith.mulf %mul3A_751, %add3A_757 : vector<16xf32>
      %add3A_759 = arith.constant 2.000000e-01 : f32
      %add3A_760 = vector.broadcast %add3A_759 : f32 to vector<16xf32>
      %add3A_761 = arith.addf %add3A_760, %mul3A_758 : vector<16xf32>
      %mul3A_762 = arith.mulf %mul3A_751, %add3A_761 : vector<16xf32>
      %add3A_763 = arith.constant 0.333333343 : f32
      %add3A_764 = vector.broadcast %add3A_763 : f32 to vector<16xf32>
      %add3A_765 = arith.addf %add3A_764, %mul3A_762 : vector<16xf32>
      %mul3A_766 = arith.mulf %mul3A_751, %add3A_765 : vector<16xf32>
      %add3A_767 = arith.constant 1.000000e+00 : f32
      %add3A_768 = vector.broadcast %add3A_767 : f32 to vector<16xf32>
      %add3A_769 = arith.addf %add3A_768, %mul3A_766 : vector<16xf32>
      %convert_element_type3A_770 = arith.sitofp %add3A_743 : vector<16xi32> to vector<16xf32>
      %mul3A_771 = arith.constant 0.693147182 : f32
      %mul3A_772 = vector.broadcast %mul3A_771 : f32 to vector<16xf32>
      %mul3A_773 = arith.mulf %convert_element_type3A_770, %mul3A_772 : vector<16xf32>
      %mul3A_774 = arith.constant 2.000000e+00 : f32
      %mul3A_775 = vector.broadcast %mul3A_774 : f32 to vector<16xf32>
      %mul3A_776 = arith.mulf %mul3A_775, %div3A_750 : vector<16xf32>
      %mul3A_777 = arith.mulf %mul3A_776, %add3A_769 : vector<16xf32>
      %add3A_778 = arith.addf %mul3A_773, %mul3A_777 : vector<16xf32>
      %sub3A_779 = arith.subf %div3A_636, %gather3A_534 : vector<16xf32>
      %sub3A_780 = arith.subf %div3A_646, %gather3A_538 : vector<16xf32>
      %sub3A_781 = arith.subf %get3A_552, %add3A_712 : vector<16xf32>
      %sub3A_782 = arith.subf %get3A_554, %add3A_778 : vector<16xf32>
      %mul3A_783 = arith.mulf %sub3A_779, %sub3A_779 : vector<16xf32>
      %mul3A_784 = arith.mulf %sub3A_780, %sub3A_780 : vector<16xf32>
      %add3A_785 = arith.addf %mul3A_783, %mul3A_784 : vector<16xf32>
      %mul3A_786 = arith.mulf %sub3A_781, %sub3A_781 : vector<16xf32>
      %add3A_787 = arith.addf %add3A_785, %mul3A_786 : vector<16xf32>
      %mul3A_788 = arith.mulf %sub3A_782, %sub3A_782 : vector<16xf32>
      %add3A_789 = arith.addf %add3A_787, %mul3A_788 : vector<16xf32>
      %jit3A_790 = arith.constant 0.000000e+00 : f32
      %broadcast_in_dim3A_791 = vector.broadcast %jit3A_790 : f32 to vector<16xf32>
      %select_n3A_792 = arith.select %lt3A_238, %add3A_789, %broadcast_in_dim3A_791 : vector<16xi1>, vector<16xf32>
      %add3A_793 = arith.addf %add3A_527, %select_n3A_792 : vector<16xf32>
      scf.yield %add3A_793 : vector<16xf32>
    }
    %while3A_115 = arith.constant 1 : i32
    %while3A_116 = scf.for %while3A_194 = %while3A_112 to %while3A_108 step %while3A_115 iter_args(%while3A_195 = %while3A_114) -> (vector<16xf32>)  : i32 {
      %mul3A_196 = arith.constant 32 : i32
      %mul3A_197 = arith.muli %while3A_194, %mul3A_196 : i32
      %add3A_198 = arith.constant 0 : i32
      %add3A_199 = arith.addi %mul3A_197, %add3A_198 : i32
      %add3A_200 = vector.broadcast %add3A_199 : i32 to vector<16xi32>
      %add3A_201 = arith.addi %add3A_200, %iota3A_54 : vector<16xi32>
      %lt3A = vector.broadcast %reduce_max3A_77 : i32 to vector<16xi32>
      %lt3A_202 = arith.cmpi slt, %add3A_201, %lt3A : vector<16xi32>
      %gather3A = tpu.vector_load_idx %arg11[%add3A_201] : memref<8192xi32, #tpu.memory_space<vmem>>[vector<16xi32>], vector<16xi32>,
      %jit3A_203 = arith.constant 0 : i32
      %broadcast_in_dim3A_204 = vector.broadcast %jit3A_203 : i32 to vector<16xi32>
      %select_n3A_205 = arith.select %lt3A_202, %gather3A, %broadcast_in_dim3A_204 : vector<16xi1>, vector<16xi32>
      %add3A_206 = vector.broadcast %min3A_58 : i32 to vector<16xi32>
      %add3A_207 = arith.addi %add3A_206, %select_n3A_205 : vector<16xi32>
      %mul3A_208 = arith.constant 4 : i32
      %mul3A_209 = vector.broadcast %mul3A_208 : i32 to vector<16xi32>
      %mul3A_210 = arith.muli %add3A_207, %mul3A_209 : vector<16xi32>
      %add3A_211 = arith.constant 0 : i32
      %add3A_212 = vector.broadcast %add3A_211 : i32 to vector<16xi32>
      %add3A_213 = arith.addi %mul3A_210, %add3A_212 : vector<16xi32>
      %swap3A_214 = arith.constant 0 : index
      %swap3A_215 = tpu.vector_load %arg12[%swap3A_214] {strides = array<i32>} : memref<128xi32, #tpu.memory_space<vmem>>, vector<16xi32>,
      tpu.vector_store %arg12[%swap3A_214], %add3A_213 {strides = array<i32>} : memref<128xi32, #tpu.memory_space<vmem>>, vector<16xi32>,
      %add3A_216 = arith.constant 1 : i32
      %add3A_217 = vector.broadcast %add3A_216 : i32 to vector<16xi32>
      %add3A_218 = arith.addi %mul3A_210, %add3A_217 : vector<16xi32>
      %swap3A_219 = arith.constant 32 : index
      %swap3A_220 = tpu.vector_load %arg12[%swap3A_219] {strides = array<i32>} : memref<128xi32, #tpu.memory_space<vmem>>, vector<16xi32>,
      tpu.vector_store %arg12[%swap3A_219], %add3A_218 {strides = array<i32>} : memref<128xi32, #tpu.memory_space<vmem>>, vector<16xi32>,
      %add3A_221 = arith.constant 2 : i32
      %add3A_222 = vector.broadcast %add3A_221 : i32 to vector<16xi32>
      %add3A_223 = arith.addi %mul3A_210, %add3A_222 : vector<16xi32>
      %swap3A_224 = arith.constant 64 : index
      %swap3A_225 = tpu.vector_load %arg12[%swap3A_224] {strides = array<i32>} : memref<128xi32, #tpu.memory_space<vmem>>, vector<16xi32>,
      tpu.vector_store %arg12[%swap3A_224], %add3A_223 {strides = array<i32>} : memref<128xi32, #tpu.memory_space<vmem>>, vector<16xi32>,
      %add3A_226 = arith.constant 3 : i32
      %add3A_227 = vector.broadcast %add3A_226 : i32 to vector<16xi32>
      %add3A_228 = arith.addi %mul3A_210, %add3A_227 : vector<16xi32>
      %swap3A_229 = arith.constant 96 : index
      %swap3A_230 = tpu.vector_load %arg12[%swap3A_229] {strides = array<i32>} : memref<128xi32, #tpu.memory_space<vmem>>, vector<16xi32>,
      tpu.vector_store %arg12[%swap3A_229], %add3A_228 {strides = array<i32>} : memref<128xi32, #tpu.memory_space<vmem>>, vector<16xi32>,
      %mul3A_231 = arith.constant 32 : i32
      %mul3A_232 = arith.muli %while3A_194, %mul3A_231 : i32
      %add3A_233 = arith.constant 16 : i32
      %add3A_234 = arith.addi %mul3A_232, %add3A_233 : i32
      %add3A_235 = vector.broadcast %add3A_234 : i32 to vector<16xi32>
      %add3A_236 = arith.addi %add3A_235, %iota3A_54 : vector<16xi32>
      %lt3A_237 = vector.broadcast %reduce_max3A_77 : i32 to vector<16xi32>
      %lt3A_238 = arith.cmpi slt, %add3A_236, %lt3A_237 : vector<16xi32>
      %gather3A_239 = tpu.vector_load_idx %arg11[%add3A_236] : memref<8192xi32, #tpu.memory_space<vmem>>[vector<16xi32>], vector<16xi32>,
      %jit3A_240 = arith.constant 0 : i32
      %broadcast_in_dim3A_241 = vector.broadcast %jit3A_240 : i32 to vector<16xi32>
      %select_n3A_242 = arith.select %lt3A_238, %gather3A_239, %broadcast_in_dim3A_241 : vector<16xi1>, vector<16xi32>
      %add3A_243 = vector.broadcast %min3A_58 : i32 to vector<16xi32>
      %add3A_244 = arith.addi %add3A_243, %select_n3A_242 : vector<16xi32>
      %mul3A_245 = arith.constant 4 : i32
      %mul3A_246 = vector.broadcast %mul3A_245 : i32 to vector<16xi32>
      %mul3A_247 = arith.muli %add3A_244, %mul3A_246 : vector<16xi32>
      %add3A_248 = arith.constant 0 : i32
      %add3A_249 = vector.broadcast %add3A_248 : i32 to vector<16xi32>
      %add3A_250 = arith.addi %mul3A_247, %add3A_249 : vector<16xi32>
      %swap3A_251 = arith.constant 16 : index
      %swap3A_252 = tpu.vector_load %arg12[%swap3A_251] {strides = array<i32>} : memref<128xi32, #tpu.memory_space<vmem>>, vector<16xi32>,
      tpu.vector_store %arg12[%swap3A_251], %add3A_250 {strides = array<i32>} : memref<128xi32, #tpu.memory_space<vmem>>, vector<16xi32>,
      %add3A_253 = arith.constant 1 : i32
      %add3A_254 = vector.broadcast %add3A_253 : i32 to vector<16xi32>
      %add3A_255 = arith.addi %mul3A_247, %add3A_254 : vector<16xi32>
      %swap3A_256 = arith.constant 48 : index
      %swap3A_257 = tpu.vector_load %arg12[%swap3A_256] {strides = array<i32>} : memref<128xi32, #tpu.memory_space<vmem>>, vector<16xi32>,
      tpu.vector_store %arg12[%swap3A_256], %add3A_255 {strides = array<i32>} : memref<128xi32, #tpu.memory_space<vmem>>, vector<16xi32>,
      %add3A_258 = arith.constant 2 : i32
      %add3A_259 = vector.broadcast %add3A_258 : i32 to vector<16xi32>
      %add3A_260 = arith.addi %mul3A_247, %add3A_259 : vector<16xi32>
      %swap3A_261 = arith.constant 80 : index
      %swap3A_262 = tpu.vector_load %arg12[%swap3A_261] {strides = array<i32>} : memref<128xi32, #tpu.memory_space<vmem>>, vector<16xi32>,
      tpu.vector_store %arg12[%swap3A_261], %add3A_260 {strides = array<i32>} : memref<128xi32, #tpu.memory_space<vmem>>, vector<16xi32>,
      %add3A_263 = arith.constant 3 : i32
      %add3A_264 = vector.broadcast %add3A_263 : i32 to vector<16xi32>
      %add3A_265 = arith.addi %mul3A_247, %add3A_264 : vector<16xi32>
      %swap3A_266 = arith.constant 112 : index
      %swap3A_267 = tpu.vector_load %arg12[%swap3A_266] {strides = array<i32>} : memref<128xi32, #tpu.memory_space<vmem>>, vector<16xi32>,
      tpu.vector_store %arg12[%swap3A_266], %add3A_265 {strides = array<i32>} : memref<128xi32, #tpu.memory_space<vmem>>, vector<16xi32>,
      %dma_start3A = arith.constant 0 : i32
      %dma_start3A_268 = tpu.memref_slice %arg3[%dma_start3A] : memref<64896xf32, #tpu.memory_space<hbm>> -> memref<64896xf32, #tpu.memory_space<hbm>>
      tpu.enqueue_indirect_dma source(%dma_start3A_268 : memref<64896xf32, #tpu.memory_space<hbm>>) target(%arg13 : memref<128xf32, #tpu.memory_space<vmem>>) offsets(%arg12 : memref<128xi32, #tpu.memory_space<vmem>>) semaphore(%arg16 : memref<!tpu.dma_semaphore, #tpu.memory_space<semaphore_mem>>)
      %dma_wait3A = arith.constant 0 : i32
      %dma_wait3A_269 = tpu.memref_slice %arg3[%dma_wait3A] : memref<64896xf32, #tpu.memory_space<hbm>> -> memref<64896xf32, #tpu.memory_space<hbm>>
      tpu.wait_indirect_dma semaphore(%arg16 : memref<!tpu.dma_semaphore, #tpu.memory_space<semaphore_mem>>) src(%dma_wait3A_269 : memref<64896xf32, #tpu.memory_space<hbm>>) dst(%arg13 : memref<128xf32, #tpu.memory_space<vmem>>)
      %mul3A_270 = arith.constant 6 : i32
      %mul3A_271 = vector.broadcast %mul3A_270 : i32 to vector<16xi32>
      %mul3A_272 = arith.muli %select_n3A_205, %mul3A_271 : vector<16xi32>
      %add3A_273 = arith.constant 1 : i32
      %add3A_274 = vector.broadcast %add3A_273 : i32 to vector<16xi32>
      %add3A_275 = arith.addi %mul3A_272, %add3A_274 : vector<16xi32>
      %gather3A_276 = tpu.vector_load_idx %arg10[%add3A_275] : memref<48672xf32, #tpu.memory_space<vmem>>[vector<16xi32>], vector<16xf32>,
      %add3A_277 = arith.constant 2 : i32
      %add3A_278 = vector.broadcast %add3A_277 : i32 to vector<16xi32>
      %add3A_279 = arith.addi %mul3A_272, %add3A_278 : vector<16xi32>
      %gather3A_280 = tpu.vector_load_idx %arg10[%add3A_279] : memref<48672xf32, #tpu.memory_space<vmem>>[vector<16xi32>], vector<16xf32>,
      %add3A_281 = arith.constant 3 : i32
      %add3A_282 = vector.broadcast %add3A_281 : i32 to vector<16xi32>
      %add3A_283 = arith.addi %mul3A_272, %add3A_282 : vector<16xi32>
      %gather3A_284 = tpu.vector_load_idx %arg10[%add3A_283] : memref<48672xf32, #tpu.memory_space<vmem>>[vector<16xi32>], vector<16xf32>,
      %add3A_285 = arith.constant 4 : i32
      %add3A_286 = vector.broadcast %add3A_285 : i32 to vector<16xi32>
      %add3A_287 = arith.addi %mul3A_272, %add3A_286 : vector<16xi32>
      %gather3A_288 = tpu.vector_load_idx %arg10[%add3A_287] : memref<48672xf32, #tpu.memory_space<vmem>>[vector<16xi32>], vector<16xf32>,
      %get3A = arith.constant 0 : index
      %get3A_289 = tpu.vector_load %arg13[%get3A] {strides = array<i32>} : memref<128xf32, #tpu.memory_space<vmem>>, vector<16xf32>,
      %get3A_290 = arith.constant 32 : index
      %get3A_291 = tpu.vector_load %arg13[%get3A_290] {strides = array<i32>} : memref<128xf32, #tpu.memory_space<vmem>>, vector<16xf32>,
      %get3A_292 = arith.constant 64 : index
      %get3A_293 = tpu.vector_load %arg13[%get3A_292] {strides = array<i32>} : memref<128xf32, #tpu.memory_space<vmem>>, vector<16xf32>,
      %get3A_294 = arith.constant 96 : index
      %get3A_295 = tpu.vector_load %arg13[%get3A_294] {strides = array<i32>} : memref<128xf32, #tpu.memory_space<vmem>>, vector<16xf32>,
      %add3A_296 = vector.broadcast %min3A_58 : i32 to vector<16xi32>
      %add3A_297 = arith.addi %add3A_296, %select_n3A_205 : vector<16xi32>
      %jit3A_298 = arith.constant 676 : i32
      %div3A_299 = vector.broadcast %jit3A_298 : i32 to vector<16xi32>
      %div3A_300 = arith.divsi %add3A_297, %div3A_299 : vector<16xi32>
      %sign3A_301 = arith.constant 0 : i32
      %sign3A_302 = vector.broadcast %sign3A_301 : i32 to vector<16xi32>
      %sign3A_303 = arith.cmpi sgt, %add3A_297, %sign3A_302 : vector<16xi32>
      %sign3A_304 = arith.extui %sign3A_303 : vector<16xi1> to vector<16xi32>
      %sign3A_305 = arith.constant 0 : i32
      %sign3A_306 = vector.broadcast %sign3A_305 : i32 to vector<16xi32>
      %sign3A_307 = arith.cmpi slt, %add3A_297, %sign3A_306 : vector<16xi32>
      %sign3A_308 = arith.extui %sign3A_307 : vector<16xi1> to vector<16xi32>
      %sign3A_309 = arith.subi %sign3A_304, %sign3A_308 : vector<16xi32>
      %sign3A_310 = arith.constant 0 : i32
      %sign3A_311 = arith.cmpi sgt, %jit3A_298, %sign3A_310 : i32
      %sign3A_312 = arith.extui %sign3A_311 : i1 to i32
      %sign3A_313 = arith.constant 0 : i32
      %sign3A_314 = arith.cmpi slt, %jit3A_298, %sign3A_313 : i32
      %sign3A_315 = arith.extui %sign3A_314 : i1 to i32
      %sign3A_316 = arith.subi %sign3A_312, %sign3A_315 : i32
      %ne3A_317 = vector.broadcast %sign3A_316 : i32 to vector<16xi32>
      %ne3A_318 = arith.cmpi ne, %sign3A_309, %ne3A_317 : vector<16xi32>
      %rem3A_319 = vector.broadcast %jit3A_298 : i32 to vector<16xi32>
      %rem3A_320 = arith.remsi %add3A_297, %rem3A_319 : vector<16xi32>
      %ne3A_321 = arith.constant 0 : i32
      %ne3A_322 = vector.broadcast %ne3A_321 : i32 to vector<16xi32>
      %ne3A_323 = arith.cmpi ne, %rem3A_320, %ne3A_322 : vector<16xi32>
      %and3A_324 = arith.andi %ne3A_318, %ne3A_323 : vector<16xi1>
      %sub3A_325 = arith.constant 1 : i32
      %sub3A_326 = vector.broadcast %sub3A_325 : i32 to vector<16xi32>
      %sub3A_327 = arith.subi %div3A_300, %sub3A_326 : vector<16xi32>
      %select_n3A_328 = arith.select %and3A_324, %sub3A_327, %div3A_300 : vector<16xi1>, vector<16xi32>
      %jit3A_329 = arith.constant 3 : i32
      %eq3A = arith.constant 0 : i32
      %eq3A_330 = arith.cmpi eq, %jit3A_329, %eq3A : i32
      %jit3A_331 = arith.constant 1 : i32
      %select_n3A_332 = arith.select %eq3A_330, %jit3A_331, %jit3A_329 : i32
      %rem3A_333 = vector.broadcast %select_n3A_332 : i32 to vector<16xi32>
      %rem3A_334 = arith.remsi %select_n3A_328, %rem3A_333 : vector<16xi32>
      %ne3A_335 = arith.constant 0 : i32
      %ne3A_336 = vector.broadcast %ne3A_335 : i32 to vector<16xi32>
      %ne3A_337 = arith.cmpi ne, %rem3A_334, %ne3A_336 : vector<16xi32>
      %lt3A_338 = arith.constant 0 : i32
      %lt3A_339 = vector.broadcast %lt3A_338 : i32 to vector<16xi32>
      %lt3A_340 = arith.cmpi slt, %rem3A_334, %lt3A_339 : vector<16xi32>
      %lt3A_341 = arith.constant 0 : i32
      %lt3A_342 = arith.cmpi slt, %select_n3A_332, %lt3A_341 : i32
      %ne3A_343 = vector.broadcast %lt3A_342 : i1 to vector<16xi1>
      %ne3A_344 = vector.broadcast %ne3A_343 : vector<16xi1> to vector<16xi1>
      %ne3A_345 = arith.xori %lt3A_340, %ne3A_344 : vector<16xi1>
      %and3A_346 = arith.andi %ne3A_345, %ne3A_337 : vector<16xi1>
      %add3A_347 = vector.broadcast %select_n3A_332 : i32 to vector<16xi32>
      %add3A_348 = arith.addi %rem3A_334, %add3A_347 : vector<16xi32>
      %select_n3A_349 = arith.select %and3A_346, %add3A_348, %rem3A_334 : vector<16xi1>, vector<16xi32>
      %mul3A_350 = arith.constant 2 : i32
      %mul3A_351 = vector.broadcast %mul3A_350 : i32 to vector<16xi32>
      %mul3A_352 = arith.muli %mul3A_351, %select_n3A_349 : vector<16xi32>
      %add3A_353 = arith.constant 8 : i32
      %add3A_354 = vector.broadcast %add3A_353 : i32 to vector<16xi32>
      %add3A_355 = arith.addi %add3A_354, %mul3A_352 : vector<16xi32>
      %gather3A_356 = tpu.vector_load_idx %arg14[%add3A_355] : memref<32xf32, #tpu.memory_space<vmem>>[vector<16xi32>], vector<16xf32>,
      %mul3A_357 = arith.constant 2 : i32
      %mul3A_358 = vector.broadcast %mul3A_357 : i32 to vector<16xi32>
      %mul3A_359 = arith.muli %mul3A_358, %select_n3A_349 : vector<16xi32>
      %add3A_360 = arith.constant 8 : i32
      %add3A_361 = vector.broadcast %add3A_360 : i32 to vector<16xi32>
      %add3A_362 = arith.addi %add3A_361, %mul3A_359 : vector<16xi32>
      %add3A_363 = arith.constant 1 : i32
      %add3A_364 = vector.broadcast %add3A_363 : i32 to vector<16xi32>
      %add3A_365 = arith.addi %add3A_362, %add3A_364 : vector<16xi32>
      %gather3A_366 = tpu.vector_load_idx %arg14[%add3A_365] : memref<32xf32, #tpu.memory_space<vmem>>[vector<16xi32>], vector<16xf32>,
      %neg3A = arith.constant 0.000000e+00 : f32
      %neg3A_367 = vector.broadcast %neg3A : f32 to vector<16xf32>
      %neg3A_368 = arith.subf %neg3A_367, %get3A_289 : vector<16xf32>
      %exp3A = math.exp %neg3A_368 : vector<16xf32>
      %add3A_369 = arith.constant 1.000000e+00 : f32
      %add3A_370 = vector.broadcast %add3A_369 : f32 to vector<16xf32>
      %add3A_371 = arith.addf %add3A_370, %exp3A : vector<16xf32>
      %div3A_372 = arith.constant 1.000000e+00 : f32
      %div3A_373 = vector.broadcast %div3A_372 : f32 to vector<16xf32>
      %div3A_374 = arith.divf %div3A_373, %add3A_371 : vector<16xf32>
      %neg3A_375 = arith.constant 0.000000e+00 : f32
      %neg3A_376 = vector.broadcast %neg3A_375 : f32 to vector<16xf32>
      %neg3A_377 = arith.subf %neg3A_376, %get3A_291 : vector<16xf32>
      %exp3A_378 = math.exp %neg3A_377 : vector<16xf32>
      %add3A_379 = arith.constant 1.000000e+00 : f32
      %add3A_380 = vector.broadcast %add3A_379 : f32 to vector<16xf32>
      %add3A_381 = arith.addf %add3A_380, %exp3A_378 : vector<16xf32>
      %div3A_382 = arith.constant 1.000000e+00 : f32
      %div3A_383 = vector.broadcast %div3A_382 : f32 to vector<16xf32>
      %div3A_384 = arith.divf %div3A_383, %add3A_381 : vector<16xf32>
      %mul3A_385 = arith.mulf %gather3A_284, %gather3A_356 : vector<16xf32>
      %add3A_386 = arith.constant 1.000000e-16 : f32
      %add3A_387 = vector.broadcast %add3A_386 : f32 to vector<16xf32>
      %add3A_388 = arith.addf %add3A_387, %mul3A_385 : vector<16xf32>
      %bitcast3A = vector.bitcast %add3A_388 : vector<16xf32> to vector<16xi32>
      %shift_right_logical3A = arith.constant 23 : i32
      %shift_right_logical3A_389 = vector.broadcast %shift_right_logical3A : i32 to vector<16xi32>
      %shift_right_logical3A_390 = arith.shrui %bitcast3A, %shift_right_logical3A_389 : vector<16xi32>
      %sub3A_391 = arith.constant 127 : i32
      %sub3A_392 = vector.broadcast %sub3A_391 : i32 to vector<16xi32>
      %sub3A_393 = arith.subi %shift_right_logical3A_390, %sub3A_392 : vector<16xi32>
      %and3A_394 = arith.constant 8388607 : i32
      %and3A_395 = vector.broadcast %and3A_394 : i32 to vector<16xi32>
      %and3A_396 = arith.andi %bitcast3A, %and3A_395 : vector<16xi32>
      %or3A = arith.constant 1065353216 : i32
      %or3A_397 = vector.broadcast %or3A : i32 to vector<16xi32>
      %or3A_398 = arith.ori %and3A_396, %or3A_397 : vector<16xi32>
      %bitcast3A_399 = vector.bitcast %or3A_398 : vector<16xi32> to vector<16xf32>
      %ge3A = arith.constant 1.41421354 : f32
      %ge3A_400 = vector.broadcast %ge3A : f32 to vector<16xf32>
      %ge3A_401 = arith.cmpf oge, %bitcast3A_399, %ge3A_400 : vector<16xf32>
      %mul3A_402 = arith.constant 5.000000e-01 : f32
      %mul3A_403 = vector.broadcast %mul3A_402 : f32 to vector<16xf32>
      %mul3A_404 = arith.mulf %bitcast3A_399, %mul3A_403 : vector<16xf32>
      %select_n3A_405 = arith.select %ge3A_401, %mul3A_404, %bitcast3A_399 : vector<16xi1>, vector<16xf32>
      %jit3A_406 = arith.constant 1 : i32
      %jit3A_407 = arith.constant 0 : i32
      %broadcast_in_dim3A_408 = vector.broadcast %jit3A_406 : i32 to vector<16xi32>
      %broadcast_in_dim3A_409 = vector.broadcast %jit3A_407 : i32 to vector<16xi32>
      %select_n3A_410 = arith.select %ge3A_401, %broadcast_in_dim3A_408, %broadcast_in_dim3A_409 : vector<16xi1>, vector<16xi32>
      %add3A_411 = arith.addi %sub3A_393, %select_n3A_410 : vector<16xi32>
      %sub3A_412 = arith.constant 1.000000e+00 : f32
      %sub3A_413 = vector.broadcast %sub3A_412 : f32 to vector<16xf32>
      %sub3A_414 = arith.subf %select_n3A_405, %sub3A_413 : vector<16xf32>
      %add3A_415 = arith.constant 1.000000e+00 : f32
      %add3A_416 = vector.broadcast %add3A_415 : f32 to vector<16xf32>
      %add3A_417 = arith.addf %select_n3A_405, %add3A_416 : vector<16xf32>
      %div3A_418 = arith.divf %sub3A_414, %add3A_417 : vector<16xf32>
      %mul3A_419 = arith.mulf %div3A_418, %div3A_418 : vector<16xf32>
      %mul3A_420 = arith.constant 0.111111112 : f32
      %mul3A_421 = vector.broadcast %mul3A_420 : f32 to vector<16xf32>
      %mul3A_422 = arith.mulf %mul3A_419, %mul3A_421 : vector<16xf32>
      %add3A_423 = arith.constant 0.142857149 : f32
      %add3A_424 = vector.broadcast %add3A_423 : f32 to vector<16xf32>
      %add3A_425 = arith.addf %add3A_424, %mul3A_422 : vector<16xf32>
      %mul3A_426 = arith.mulf %mul3A_419, %add3A_425 : vector<16xf32>
      %add3A_427 = arith.constant 2.000000e-01 : f32
      %add3A_428 = vector.broadcast %add3A_427 : f32 to vector<16xf32>
      %add3A_429 = arith.addf %add3A_428, %mul3A_426 : vector<16xf32>
      %mul3A_430 = arith.mulf %mul3A_419, %add3A_429 : vector<16xf32>
      %add3A_431 = arith.constant 0.333333343 : f32
      %add3A_432 = vector.broadcast %add3A_431 : f32 to vector<16xf32>
      %add3A_433 = arith.addf %add3A_432, %mul3A_430 : vector<16xf32>
      %mul3A_434 = arith.mulf %mul3A_419, %add3A_433 : vector<16xf32>
      %add3A_435 = arith.constant 1.000000e+00 : f32
      %add3A_436 = vector.broadcast %add3A_435 : f32 to vector<16xf32>
      %add3A_437 = arith.addf %add3A_436, %mul3A_434 : vector<16xf32>
      %convert_element_type3A_438 = arith.sitofp %add3A_411 : vector<16xi32> to vector<16xf32>
      %mul3A_439 = arith.constant 0.693147182 : f32
      %mul3A_440 = vector.broadcast %mul3A_439 : f32 to vector<16xf32>
      %mul3A_441 = arith.mulf %convert_element_type3A_438, %mul3A_440 : vector<16xf32>
      %mul3A_442 = arith.constant 2.000000e+00 : f32
      %mul3A_443 = vector.broadcast %mul3A_442 : f32 to vector<16xf32>
      %mul3A_444 = arith.mulf %mul3A_443, %div3A_418 : vector<16xf32>
      %mul3A_445 = arith.mulf %mul3A_444, %add3A_437 : vector<16xf32>
      %add3A_446 = arith.addf %mul3A_441, %mul3A_445 : vector<16xf32>
      %mul3A_447 = arith.mulf %gather3A_288, %gather3A_366 : vector<16xf32>
      %add3A_448 = arith.constant 1.000000e-16 : f32
      %add3A_449 = vector.broadcast %add3A_448 : f32 to vector<16xf32>
      %add3A_450 = arith.addf %add3A_449, %mul3A_447 : vector<16xf32>
      %bitcast3A_451 = vector.bitcast %add3A_450 : vector<16xf32> to vector<16xi32>
      %shift_right_logical3A_452 = arith.constant 23 : i32
      %shift_right_logical3A_453 = vector.broadcast %shift_right_logical3A_452 : i32 to vector<16xi32>
      %shift_right_logical3A_454 = arith.shrui %bitcast3A_451, %shift_right_logical3A_453 : vector<16xi32>
      %sub3A_455 = arith.constant 127 : i32
      %sub3A_456 = vector.broadcast %sub3A_455 : i32 to vector<16xi32>
      %sub3A_457 = arith.subi %shift_right_logical3A_454, %sub3A_456 : vector<16xi32>
      %and3A_458 = arith.constant 8388607 : i32
      %and3A_459 = vector.broadcast %and3A_458 : i32 to vector<16xi32>
      %and3A_460 = arith.andi %bitcast3A_451, %and3A_459 : vector<16xi32>
      %or3A_461 = arith.constant 1065353216 : i32
      %or3A_462 = vector.broadcast %or3A_461 : i32 to vector<16xi32>
      %or3A_463 = arith.ori %and3A_460, %or3A_462 : vector<16xi32>
      %bitcast3A_464 = vector.bitcast %or3A_463 : vector<16xi32> to vector<16xf32>
      %ge3A_465 = arith.constant 1.41421354 : f32
      %ge3A_466 = vector.broadcast %ge3A_465 : f32 to vector<16xf32>
      %ge3A_467 = arith.cmpf oge, %bitcast3A_464, %ge3A_466 : vector<16xf32>
      %mul3A_468 = arith.constant 5.000000e-01 : f32
      %mul3A_469 = vector.broadcast %mul3A_468 : f32 to vector<16xf32>
      %mul3A_470 = arith.mulf %bitcast3A_464, %mul3A_469 : vector<16xf32>
      %select_n3A_471 = arith.select %ge3A_467, %mul3A_470, %bitcast3A_464 : vector<16xi1>, vector<16xf32>
      %jit3A_472 = arith.constant 1 : i32
      %jit3A_473 = arith.constant 0 : i32
      %broadcast_in_dim3A_474 = vector.broadcast %jit3A_472 : i32 to vector<16xi32>
      %broadcast_in_dim3A_475 = vector.broadcast %jit3A_473 : i32 to vector<16xi32>
      %select_n3A_476 = arith.select %ge3A_467, %broadcast_in_dim3A_474, %broadcast_in_dim3A_475 : vector<16xi1>, vector<16xi32>
      %add3A_477 = arith.addi %sub3A_457, %select_n3A_476 : vector<16xi32>
      %sub3A_478 = arith.constant 1.000000e+00 : f32
      %sub3A_479 = vector.broadcast %sub3A_478 : f32 to vector<16xf32>
      %sub3A_480 = arith.subf %select_n3A_471, %sub3A_479 : vector<16xf32>
      %add3A_481 = arith.constant 1.000000e+00 : f32
      %add3A_482 = vector.broadcast %add3A_481 : f32 to vector<16xf32>
      %add3A_483 = arith.addf %select_n3A_471, %add3A_482 : vector<16xf32>
      %div3A_484 = arith.divf %sub3A_480, %add3A_483 : vector<16xf32>
      %mul3A_485 = arith.mulf %div3A_484, %div3A_484 : vector<16xf32>
      %mul3A_486 = arith.constant 0.111111112 : f32
      %mul3A_487 = vector.broadcast %mul3A_486 : f32 to vector<16xf32>
      %mul3A_488 = arith.mulf %mul3A_485, %mul3A_487 : vector<16xf32>
      %add3A_489 = arith.constant 0.142857149 : f32
      %add3A_490 = vector.broadcast %add3A_489 : f32 to vector<16xf32>
      %add3A_491 = arith.addf %add3A_490, %mul3A_488 : vector<16xf32>
      %mul3A_492 = arith.mulf %mul3A_485, %add3A_491 : vector<16xf32>
      %add3A_493 = arith.constant 2.000000e-01 : f32
      %add3A_494 = vector.broadcast %add3A_493 : f32 to vector<16xf32>
      %add3A_495 = arith.addf %add3A_494, %mul3A_492 : vector<16xf32>
      %mul3A_496 = arith.mulf %mul3A_485, %add3A_495 : vector<16xf32>
      %add3A_497 = arith.constant 0.333333343 : f32
      %add3A_498 = vector.broadcast %add3A_497 : f32 to vector<16xf32>
      %add3A_499 = arith.addf %add3A_498, %mul3A_496 : vector<16xf32>
      %mul3A_500 = arith.mulf %mul3A_485, %add3A_499 : vector<16xf32>
      %add3A_501 = arith.constant 1.000000e+00 : f32
      %add3A_502 = vector.broadcast %add3A_501 : f32 to vector<16xf32>
      %add3A_503 = arith.addf %add3A_502, %mul3A_500 : vector<16xf32>
      %convert_element_type3A_504 = arith.sitofp %add3A_477 : vector<16xi32> to vector<16xf32>
      %mul3A_505 = arith.constant 0.693147182 : f32
      %mul3A_506 = vector.broadcast %mul3A_505 : f32 to vector<16xf32>
      %mul3A_507 = arith.mulf %convert_element_type3A_504, %mul3A_506 : vector<16xf32>
      %mul3A_508 = arith.constant 2.000000e+00 : f32
      %mul3A_509 = vector.broadcast %mul3A_508 : f32 to vector<16xf32>
      %mul3A_510 = arith.mulf %mul3A_509, %div3A_484 : vector<16xf32>
      %mul3A_511 = arith.mulf %mul3A_510, %add3A_503 : vector<16xf32>
      %add3A_512 = arith.addf %mul3A_507, %mul3A_511 : vector<16xf32>
      %sub3A_513 = arith.subf %div3A_374, %gather3A_276 : vector<16xf32>
      %sub3A_514 = arith.subf %div3A_384, %gather3A_280 : vector<16xf32>
      %sub3A_515 = arith.subf %get3A_293, %add3A_446 : vector<16xf32>
      %sub3A_516 = arith.subf %get3A_295, %add3A_512 : vector<16xf32>
      %mul3A_517 = arith.mulf %sub3A_513, %sub3A_513 : vector<16xf32>
      %mul3A_518 = arith.mulf %sub3A_514, %sub3A_514 : vector<16xf32>
      %add3A_519 = arith.addf %mul3A_517, %mul3A_518 : vector<16xf32>
      %mul3A_520 = arith.mulf %sub3A_515, %sub3A_515 : vector<16xf32>
      %add3A_521 = arith.addf %add3A_519, %mul3A_520 : vector<16xf32>
      %mul3A_522 = arith.mulf %sub3A_516, %sub3A_516 : vector<16xf32>
      %add3A_523 = arith.addf %add3A_521, %mul3A_522 : vector<16xf32>
      %jit3A_524 = arith.constant 0.000000e+00 : f32
      %broadcast_in_dim3A_525 = vector.broadcast %jit3A_524 : f32 to vector<16xf32>
      %select_n3A_526 = arith.select %lt3A_202, %add3A_523, %broadcast_in_dim3A_525 : vector<16xi1>, vector<16xf32>
      %add3A_527 = arith.addf %while3A_195, %select_n3A_526 : vector<16xf32>
      %mul3A_528 = arith.constant 6 : i32
      %mul3A_529 = vector.broadcast %mul3A_528 : i32 to vector<16xi32>
      %mul3A_530 = arith.muli %select_n3A_242, %mul3A_529 : vector<16xi32>
      %add3A_531 = arith.constant 1 : i32
      %add3A_532 = vector.broadcast %add3A_531 : i32 to vector<16xi32>
      %add3A_533 = arith.addi %mul3A_530, %add3A_532 : vector<16xi32>
      %gather3A_534 = tpu.vector_load_idx %arg10[%add3A_533] : memref<48672xf32, #tpu.memory_space<vmem>>[vector<16xi32>], vector<16xf32>,
      %add3A_535 = arith.constant 2 : i32
      %add3A_536 = vector.broadcast %add3A_535 : i32 to vector<16xi32>
      %add3A_537 = arith.addi %mul3A_530, %add3A_536 : vector<16xi32>
      %gather3A_538 = tpu.vector_load_idx %arg10[%add3A_537] : memref<48672xf32, #tpu.memory_space<vmem>>[vector<16xi32>], vector<16xf32>,
      %add3A_539 = arith.constant 3 : i32
      %add3A_540 = vector.broadcast %add3A_539 : i32 to vector<16xi32>
      %add3A_541 = arith.addi %mul3A_530, %add3A_540 : vector<16xi32>
      %gather3A_542 = tpu.vector_load_idx %arg10[%add3A_541] : memref<48672xf32, #tpu.memory_space<vmem>>[vector<16xi32>], vector<16xf32>,
      %add3A_543 = arith.constant 4 : i32
      %add3A_544 = vector.broadcast %add3A_543 : i32 to vector<16xi32>
      %add3A_545 = arith.addi %mul3A_530, %add3A_544 : vector<16xi32>
      %gather3A_546 = tpu.vector_load_idx %arg10[%add3A_545] : memref<48672xf32, #tpu.memory_space<vmem>>[vector<16xi32>], vector<16xf32>,
      %get3A_547 = arith.constant 16 : index
      %get3A_548 = tpu.vector_load %arg13[%get3A_547] {strides = array<i32>} : memref<128xf32, #tpu.memory_space<vmem>>, vector<16xf32>,
      %get3A_549 = arith.constant 48 : index
      %get3A_550 = tpu.vector_load %arg13[%get3A_549] {strides = array<i32>} : memref<128xf32, #tpu.memory_space<vmem>>, vector<16xf32>,
      %get3A_551 = arith.constant 80 : index
      %get3A_552 = tpu.vector_load %arg13[%get3A_551] {strides = array<i32>} : memref<128xf32, #tpu.memory_space<vmem>>, vector<16xf32>,
      %get3A_553 = arith.constant 112 : index
      %get3A_554 = tpu.vector_load %arg13[%get3A_553] {strides = array<i32>} : memref<128xf32, #tpu.memory_space<vmem>>, vector<16xf32>,
      %add3A_555 = vector.broadcast %min3A_58 : i32 to vector<16xi32>
      %add3A_556 = arith.addi %add3A_555, %select_n3A_242 : vector<16xi32>
      %jit3A_557 = arith.constant 676 : i32
      %div3A_558 = vector.broadcast %jit3A_557 : i32 to vector<16xi32>
      %div3A_559 = arith.divsi %add3A_556, %div3A_558 : vector<16xi32>
      %sign3A_560 = arith.constant 0 : i32
      %sign3A_561 = vector.broadcast %sign3A_560 : i32 to vector<16xi32>
      %sign3A_562 = arith.cmpi sgt, %add3A_556, %sign3A_561 : vector<16xi32>
      %sign3A_563 = arith.extui %sign3A_562 : vector<16xi1> to vector<16xi32>
      %sign3A_564 = arith.constant 0 : i32
      %sign3A_565 = vector.broadcast %sign3A_564 : i32 to vector<16xi32>
      %sign3A_566 = arith.cmpi slt, %add3A_556, %sign3A_565 : vector<16xi32>
      %sign3A_567 = arith.extui %sign3A_566 : vector<16xi1> to vector<16xi32>
      %sign3A_568 = arith.subi %sign3A_563, %sign3A_567 : vector<16xi32>
      %sign3A_569 = arith.constant 0 : i32
      %sign3A_570 = arith.cmpi sgt, %jit3A_557, %sign3A_569 : i32
      %sign3A_571 = arith.extui %sign3A_570 : i1 to i32
      %sign3A_572 = arith.constant 0 : i32
      %sign3A_573 = arith.cmpi slt, %jit3A_557, %sign3A_572 : i32
      %sign3A_574 = arith.extui %sign3A_573 : i1 to i32
      %sign3A_575 = arith.subi %sign3A_571, %sign3A_574 : i32
      %ne3A_576 = vector.broadcast %sign3A_575 : i32 to vector<16xi32>
      %ne3A_577 = arith.cmpi ne, %sign3A_568, %ne3A_576 : vector<16xi32>
      %rem3A_578 = vector.broadcast %jit3A_557 : i32 to vector<16xi32>
      %rem3A_579 = arith.remsi %add3A_556, %rem3A_578 : vector<16xi32>
      %ne3A_580 = arith.constant 0 : i32
      %ne3A_581 = vector.broadcast %ne3A_580 : i32 to vector<16xi32>
      %ne3A_582 = arith.cmpi ne, %rem3A_579, %ne3A_581 : vector<16xi32>
      %and3A_583 = arith.andi %ne3A_577, %ne3A_582 : vector<16xi1>
      %sub3A_584 = arith.constant 1 : i32
      %sub3A_585 = vector.broadcast %sub3A_584 : i32 to vector<16xi32>
      %sub3A_586 = arith.subi %div3A_559, %sub3A_585 : vector<16xi32>
      %select_n3A_587 = arith.select %and3A_583, %sub3A_586, %div3A_559 : vector<16xi1>, vector<16xi32>
      %jit3A_588 = arith.constant 3 : i32
      %eq3A_589 = arith.constant 0 : i32
      %eq3A_590 = arith.cmpi eq, %jit3A_588, %eq3A_589 : i32
      %jit3A_591 = arith.constant 1 : i32
      %select_n3A_592 = arith.select %eq3A_590, %jit3A_591, %jit3A_588 : i32
      %rem3A_593 = vector.broadcast %select_n3A_592 : i32 to vector<16xi32>
      %rem3A_594 = arith.remsi %select_n3A_587, %rem3A_593 : vector<16xi32>
      %ne3A_595 = arith.constant 0 : i32
      %ne3A_596 = vector.broadcast %ne3A_595 : i32 to vector<16xi32>
      %ne3A_597 = arith.cmpi ne, %rem3A_594, %ne3A_596 : vector<16xi32>
      %lt3A_598 = arith.constant 0 : i32
      %lt3A_599 = vector.broadcast %lt3A_598 : i32 to vector<16xi32>
      %lt3A_600 = arith.cmpi slt, %rem3A_594, %lt3A_599 : vector<16xi32>
      %lt3A_601 = arith.constant 0 : i32
      %lt3A_602 = arith.cmpi slt, %select_n3A_592, %lt3A_601 : i32
      %ne3A_603 = vector.broadcast %lt3A_602 : i1 to vector<16xi1>
      %ne3A_604 = vector.broadcast %ne3A_603 : vector<16xi1> to vector<16xi1>
      %ne3A_605 = arith.xori %lt3A_600, %ne3A_604 : vector<16xi1>
      %and3A_606 = arith.andi %ne3A_605, %ne3A_597 : vector<16xi1>
      %add3A_607 = vector.broadcast %select_n3A_592 : i32 to vector<16xi32>
      %add3A_608 = arith.addi %rem3A_594, %add3A_607 : vector<16xi32>
      %select_n3A_609 = arith.select %and3A_606, %add3A_608, %rem3A_594 : vector<16xi1>, vector<16xi32>
      %mul3A_610 = arith.constant 2 : i32
      %mul3A_611 = vector.broadcast %mul3A_610 : i32 to vector<16xi32>
      %mul3A_612 = arith.muli %mul3A_611, %select_n3A_609 : vector<16xi32>
      %add3A_613 = arith.constant 8 : i32
      %add3A_614 = vector.broadcast %add3A_613 : i32 to vector<16xi32>
      %add3A_615 = arith.addi %add3A_614, %mul3A_612 : vector<16xi32>
      %gather3A_616 = tpu.vector_load_idx %arg14[%add3A_615] : memref<32xf32, #tpu.memory_space<vmem>>[vector<16xi32>], vector<16xf32>,
      %mul3A_617 = arith.constant 2 : i32
      %mul3A_618 = vector.broadcast %mul3A_617 : i32 to vector<16xi32>
      %mul3A_619 = arith.muli %mul3A_618, %select_n3A_609 : vector<16xi32>
      %add3A_620 = arith.constant 8 : i32
      %add3A_621 = vector.broadcast %add3A_620 : i32 to vector<16xi32>
      %add3A_622 = arith.addi %add3A_621, %mul3A_619 : vector<16xi32>
      %add3A_623 = arith.constant 1 : i32
      %add3A_624 = vector.broadcast %add3A_623 : i32 to vector<16xi32>
      %add3A_625 = arith.addi %add3A_622, %add3A_624 : vector<16xi32>
      %gather3A_626 = tpu.vector_load_idx %arg14[%add3A_625] : memref<32xf32, #tpu.memory_space<vmem>>[vector<16xi32>], vector<16xf32>,
      %neg3A_627 = arith.constant 0.000000e+00 : f32
      %neg3A_628 = vector.broadcast %neg3A_627 : f32 to vector<16xf32>
      %neg3A_629 = arith.subf %neg3A_628, %get3A_548 : vector<16xf32>
      %exp3A_630 = math.exp %neg3A_629 : vector<16xf32>
      %add3A_631 = arith.constant 1.000000e+00 : f32
      %add3A_632 = vector.broadcast %add3A_631 : f32 to vector<16xf32>
      %add3A_633 = arith.addf %add3A_632, %exp3A_630 : vector<16xf32>
      %div3A_634 = arith.constant 1.000000e+00 : f32
      %div3A_635 = vector.broadcast %div3A_634 : f32 to vector<16xf32>
      %div3A_636 = arith.divf %div3A_635, %add3A_633 : vector<16xf32>
      %neg3A_637 = arith.constant 0.000000e+00 : f32
      %neg3A_638 = vector.broadcast %neg3A_637 : f32 to vector<16xf32>
      %neg3A_639 = arith.subf %neg3A_638, %get3A_550 : vector<16xf32>
      %exp3A_640 = math.exp %neg3A_639 : vector<16xf32>
      %add3A_641 = arith.constant 1.000000e+00 : f32
      %add3A_642 = vector.broadcast %add3A_641 : f32 to vector<16xf32>
      %add3A_643 = arith.addf %add3A_642, %exp3A_640 : vector<16xf32>
      %div3A_644 = arith.constant 1.000000e+00 : f32
      %div3A_645 = vector.broadcast %div3A_644 : f32 to vector<16xf32>
      %div3A_646 = arith.divf %div3A_645, %add3A_643 : vector<16xf32>
      %mul3A_647 = arith.mulf %gather3A_542, %gather3A_616 : vector<16xf32>
      %add3A_648 = arith.constant 1.000000e-16 : f32
      %add3A_649 = vector.broadcast %add3A_648 : f32 to vector<16xf32>
      %add3A_650 = arith.addf %add3A_649, %mul3A_647 : vector<16xf32>
      %bitcast3A_651 = vector.bitcast %add3A_650 : vector<16xf32> to vector<16xi32>
      %shift_right_logical3A_652 = arith.constant 23 : i32
      %shift_right_logical3A_653 = vector.broadcast %shift_right_logical3A_652 : i32 to vector<16xi32>
      %shift_right_logical3A_654 = arith.shrui %bitcast3A_651, %shift_right_logical3A_653 : vector<16xi32>
      %sub3A_655 = arith.constant 127 : i32
      %sub3A_656 = vector.broadcast %sub3A_655 : i32 to vector<16xi32>
      %sub3A_657 = arith.subi %shift_right_logical3A_654, %sub3A_656 : vector<16xi32>
      %and3A_658 = arith.constant 8388607 : i32
      %and3A_659 = vector.broadcast %and3A_658 : i32 to vector<16xi32>
      %and3A_660 = arith.andi %bitcast3A_651, %and3A_659 : vector<16xi32>
      %or3A_661 = arith.constant 1065353216 : i32
      %or3A_662 = vector.broadcast %or3A_661 : i32 to vector<16xi32>
      %or3A_663 = arith.ori %and3A_660, %or3A_662 : vector<16xi32>
      %bitcast3A_664 = vector.bitcast %or3A_663 : vector<16xi32> to vector<16xf32>
      %ge3A_665 = arith.constant 1.41421354 : f32
      %ge3A_666 = vector.broadcast %ge3A_665 : f32 to vector<16xf32>
      %ge3A_667 = arith.cmpf oge, %bitcast3A_664, %ge3A_666 : vector<16xf32>
      %mul3A_668 = arith.constant 5.000000e-01 : f32
      %mul3A_669 = vector.broadcast %mul3A_668 : f32 to vector<16xf32>
      %mul3A_670 = arith.mulf %bitcast3A_664, %mul3A_669 : vector<16xf32>
      %select_n3A_671 = arith.select %ge3A_667, %mul3A_670, %bitcast3A_664 : vector<16xi1>, vector<16xf32>
      %jit3A_672 = arith.constant 1 : i32
      %jit3A_673 = arith.constant 0 : i32
      %broadcast_in_dim3A_674 = vector.broadcast %jit3A_672 : i32 to vector<16xi32>
      %broadcast_in_dim3A_675 = vector.broadcast %jit3A_673 : i32 to vector<16xi32>
      %select_n3A_676 = arith.select %ge3A_667, %broadcast_in_dim3A_674, %broadcast_in_dim3A_675 : vector<16xi1>, vector<16xi32>
      %add3A_677 = arith.addi %sub3A_657, %select_n3A_676 : vector<16xi32>
      %sub3A_678 = arith.constant 1.000000e+00 : f32
      %sub3A_679 = vector.broadcast %sub3A_678 : f32 to vector<16xf32>
      %sub3A_680 = arith.subf %select_n3A_671, %sub3A_679 : vector<16xf32>
      %add3A_681 = arith.constant 1.000000e+00 : f32
      %add3A_682 = vector.broadcast %add3A_681 : f32 to vector<16xf32>
      %add3A_683 = arith.addf %select_n3A_671, %add3A_682 : vector<16xf32>
      %div3A_684 = arith.divf %sub3A_680, %add3A_683 : vector<16xf32>
      %mul3A_685 = arith.mulf %div3A_684, %div3A_684 : vector<16xf32>
      %mul3A_686 = arith.constant 0.111111112 : f32
      %mul3A_687 = vector.broadcast %mul3A_686 : f32 to vector<16xf32>
      %mul3A_688 = arith.mulf %mul3A_685, %mul3A_687 : vector<16xf32>
      %add3A_689 = arith.constant 0.142857149 : f32
      %add3A_690 = vector.broadcast %add3A_689 : f32 to vector<16xf32>
      %add3A_691 = arith.addf %add3A_690, %mul3A_688 : vector<16xf32>
      %mul3A_692 = arith.mulf %mul3A_685, %add3A_691 : vector<16xf32>
      %add3A_693 = arith.constant 2.000000e-01 : f32
      %add3A_694 = vector.broadcast %add3A_693 : f32 to vector<16xf32>
      %add3A_695 = arith.addf %add3A_694, %mul3A_692 : vector<16xf32>
      %mul3A_696 = arith.mulf %mul3A_685, %add3A_695 : vector<16xf32>
      %add3A_697 = arith.constant 0.333333343 : f32
      %add3A_698 = vector.broadcast %add3A_697 : f32 to vector<16xf32>
      %add3A_699 = arith.addf %add3A_698, %mul3A_696 : vector<16xf32>
      %mul3A_700 = arith.mulf %mul3A_685, %add3A_699 : vector<16xf32>
      %add3A_701 = arith.constant 1.000000e+00 : f32
      %add3A_702 = vector.broadcast %add3A_701 : f32 to vector<16xf32>
      %add3A_703 = arith.addf %add3A_702, %mul3A_700 : vector<16xf32>
      %convert_element_type3A_704 = arith.sitofp %add3A_677 : vector<16xi32> to vector<16xf32>
      %mul3A_705 = arith.constant 0.693147182 : f32
      %mul3A_706 = vector.broadcast %mul3A_705 : f32 to vector<16xf32>
      %mul3A_707 = arith.mulf %convert_element_type3A_704, %mul3A_706 : vector<16xf32>
      %mul3A_708 = arith.constant 2.000000e+00 : f32
      %mul3A_709 = vector.broadcast %mul3A_708 : f32 to vector<16xf32>
      %mul3A_710 = arith.mulf %mul3A_709, %div3A_684 : vector<16xf32>
      %mul3A_711 = arith.mulf %mul3A_710, %add3A_703 : vector<16xf32>
      %add3A_712 = arith.addf %mul3A_707, %mul3A_711 : vector<16xf32>
      %mul3A_713 = arith.mulf %gather3A_546, %gather3A_626 : vector<16xf32>
      %add3A_714 = arith.constant 1.000000e-16 : f32
      %add3A_715 = vector.broadcast %add3A_714 : f32 to vector<16xf32>
      %add3A_716 = arith.addf %add3A_715, %mul3A_713 : vector<16xf32>
      %bitcast3A_717 = vector.bitcast %add3A_716 : vector<16xf32> to vector<16xi32>
      %shift_right_logical3A_718 = arith.constant 23 : i32
      %shift_right_logical3A_719 = vector.broadcast %shift_right_logical3A_718 : i32 to vector<16xi32>
      %shift_right_logical3A_720 = arith.shrui %bitcast3A_717, %shift_right_logical3A_719 : vector<16xi32>
      %sub3A_721 = arith.constant 127 : i32
      %sub3A_722 = vector.broadcast %sub3A_721 : i32 to vector<16xi32>
      %sub3A_723 = arith.subi %shift_right_logical3A_720, %sub3A_722 : vector<16xi32>
      %and3A_724 = arith.constant 8388607 : i32
      %and3A_725 = vector.broadcast %and3A_724 : i32 to vector<16xi32>
      %and3A_726 = arith.andi %bitcast3A_717, %and3A_725 : vector<16xi32>
      %or3A_727 = arith.constant 1065353216 : i32
      %or3A_728 = vector.broadcast %or3A_727 : i32 to vector<16xi32>
      %or3A_729 = arith.ori %and3A_726, %or3A_728 : vector<16xi32>
      %bitcast3A_730 = vector.bitcast %or3A_729 : vector<16xi32> to vector<16xf32>
      %ge3A_731 = arith.constant 1.41421354 : f32
      %ge3A_732 = vector.broadcast %ge3A_731 : f32 to vector<16xf32>
      %ge3A_733 = arith.cmpf oge, %bitcast3A_730, %ge3A_732 : vector<16xf32>
      %mul3A_734 = arith.constant 5.000000e-01 : f32
      %mul3A_735 = vector.broadcast %mul3A_734 : f32 to vector<16xf32>
      %mul3A_736 = arith.mulf %bitcast3A_730, %mul3A_735 : vector<16xf32>
      %select_n3A_737 = arith.select %ge3A_733, %mul3A_736, %bitcast3A_730 : vector<16xi1>, vector<16xf32>
      %jit3A_738 = arith.constant 1 : i32
      %jit3A_739 = arith.constant 0 : i32
      %broadcast_in_dim3A_740 = vector.broadcast %jit3A_738 : i32 to vector<16xi32>
      %broadcast_in_dim3A_741 = vector.broadcast %jit3A_739 : i32 to vector<16xi32>
      %select_n3A_742 = arith.select %ge3A_733, %broadcast_in_dim3A_740, %broadcast_in_dim3A_741 : vector<16xi1>, vector<16xi32>
      %add3A_743 = arith.addi %sub3A_723, %select_n3A_742 : vector<16xi32>
      %sub3A_744 = arith.constant 1.000000e+00 : f32
      %sub3A_745 = vector.broadcast %sub3A_744 : f32 to vector<16xf32>
      %sub3A_746 = arith.subf %select_n3A_737, %sub3A_745 : vector<16xf32>
      %add3A_747 = arith.constant 1.000000e+00 : f32
      %add3A_748 = vector.broadcast %add3A_747 : f32 to vector<16xf32>
      %add3A_749 = arith.addf %select_n3A_737, %add3A_748 : vector<16xf32>
      %div3A_750 = arith.divf %sub3A_746, %add3A_749 : vector<16xf32>
      %mul3A_751 = arith.mulf %div3A_750, %div3A_750 : vector<16xf32>
      %mul3A_752 = arith.constant 0.111111112 : f32
      %mul3A_753 = vector.broadcast %mul3A_752 : f32 to vector<16xf32>
      %mul3A_754 = arith.mulf %mul3A_751, %mul3A_753 : vector<16xf32>
      %add3A_755 = arith.constant 0.142857149 : f32
      %add3A_756 = vector.broadcast %add3A_755 : f32 to vector<16xf32>
      %add3A_757 = arith.addf %add3A_756, %mul3A_754 : vector<16xf32>
      %mul3A_758 = arith.mulf %mul3A_751, %add3A_757 : vector<16xf32>
      %add3A_759 = arith.constant 2.000000e-01 : f32
      %add3A_760 = vector.broadcast %add3A_759 : f32 to vector<16xf32>
      %add3A_761 = arith.addf %add3A_760, %mul3A_758 : vector<16xf32>
      %mul3A_762 = arith.mulf %mul3A_751, %add3A_761 : vector<16xf32>
      %add3A_763 = arith.constant 0.333333343 : f32
      %add3A_764 = vector.broadcast %add3A_763 : f32 to vector<16xf32>
      %add3A_765 = arith.addf %add3A_764, %mul3A_762 : vector<16xf32>
      %mul3A_766 = arith.mulf %mul3A_751, %add3A_765 : vector<16xf32>
      %add3A_767 = arith.constant 1.000000e+00 : f32
      %add3A_768 = vector.broadcast %add3A_767 : f32 to vector<16xf32>
      %add3A_769 = arith.addf %add3A_768, %mul3A_766 : vector<16xf32>
      %convert_element_type3A_770 = arith.sitofp %add3A_743 : vector<16xi32> to vector<16xf32>
      %mul3A_771 = arith.constant 0.693147182 : f32
      %mul3A_772 = vector.broadcast %mul3A_771 : f32 to vector<16xf32>
      %mul3A_773 = arith.mulf %convert_element_type3A_770, %mul3A_772 : vector<16xf32>
      %mul3A_774 = arith.constant 2.000000e+00 : f32
      %mul3A_775 = vector.broadcast %mul3A_774 : f32 to vector<16xf32>
      %mul3A_776 = arith.mulf %mul3A_775, %div3A_750 : vector<16xf32>
      %mul3A_777 = arith.mulf %mul3A_776, %add3A_769 : vector<16xf32>
      %add3A_778 = arith.addf %mul3A_773, %mul3A_777 : vector<16xf32>
      %sub3A_779 = arith.subf %div3A_636, %gather3A_534 : vector<16xf32>
      %sub3A_780 = arith.subf %div3A_646, %gather3A_538 : vector<16xf32>
      %sub3A_781 = arith.subf %get3A_552, %add3A_712 : vector<16xf32>
      %sub3A_782 = arith.subf %get3A_554, %add3A_778 : vector<16xf32>
      %mul3A_783 = arith.mulf %sub3A_779, %sub3A_779 : vector<16xf32>
      %mul3A_784 = arith.mulf %sub3A_780, %sub3A_780 : vector<16xf32>
      %add3A_785 = arith.addf %mul3A_783, %mul3A_784 : vector<16xf32>
      %mul3A_786 = arith.mulf %sub3A_781, %sub3A_781 : vector<16xf32>
      %add3A_787 = arith.addf %add3A_785, %mul3A_786 : vector<16xf32>
      %mul3A_788 = arith.mulf %sub3A_782, %sub3A_782 : vector<16xf32>
      %add3A_789 = arith.addf %add3A_787, %mul3A_788 : vector<16xf32>
      %jit3A_790 = arith.constant 0.000000e+00 : f32
      %broadcast_in_dim3A_791 = vector.broadcast %jit3A_790 : f32 to vector<16xf32>
      %select_n3A_792 = arith.select %lt3A_238, %add3A_789, %broadcast_in_dim3A_791 : vector<16xi1>, vector<16xf32>
      %add3A_793 = arith.addf %add3A_527, %select_n3A_792 : vector<16xf32>
      scf.yield %add3A_793 : vector<16xf32>
    }
    %swap3A_117 = arith.constant 0 : index
    %swap3A_118 = tpu.vector_load %arg15[%swap3A_117] {strides = array<i32>} : memref<16xf32, #tpu.memory_space<vmem>>, vector<16xf32>,
    tpu.vector_store %arg15[%swap3A_117], %while3A_116 {strides = array<i32>} : memref<16xf32, #tpu.memory_space<vmem>>, vector<16xf32>,
    %run_scoped3A_119 = arith.constant 1 : i32
    "tpu.region"() ({
      %run_scoped3A_194 = tpu.sem_alloc : memref<!tpu.dma_semaphore, #tpu.memory_space<semaphore_mem>>
      %dma_start3A = arith.constant 0 : i32
      %dma_start3A_195 = tpu.memref_slice %arg9[%add3A, %run_scoped3A_119, %dma_start3A] : memref<32x8x16xf32, #tpu.memory_space<hbm>> -> memref<1x1x16xf32, #tpu.memory_space<hbm>>
      %dma_start3A_196 = tpu.memref_squeeze %dma_start3A_195 : memref<1x1x16xf32, #tpu.memory_space<hbm>> -> memref<16xf32, #tpu.memory_space<hbm>>
      %dma_start3A_197 = arith.constant 0 : i32
      %dma_start3A_198 = tpu.memref_slice %arg9[%add3A, %run_scoped3A_119, %dma_start3A_197] : memref<32x8x16xf32, #tpu.memory_space<hbm>> -> memref<1x1x16xf32, #tpu.memory_space<hbm>>
      %dma_start3A_199 = tpu.memref_squeeze %dma_start3A_198 : memref<1x1x16xf32, #tpu.memory_space<hbm>> -> memref<16xf32, #tpu.memory_space<hbm>>
      tpu.enqueue_dma source(%arg15 : memref<16xf32, #tpu.memory_space<vmem>>) target(%dma_start3A_199 : memref<16xf32, #tpu.memory_space<hbm>>) target_semaphore(%run_scoped3A_194 : memref<!tpu.dma_semaphore, #tpu.memory_space<semaphore_mem>>)
      %dma_wait3A = arith.constant 0 : i32
      %dma_wait3A_200 = tpu.memref_slice %arg9[%add3A, %run_scoped3A_119, %dma_wait3A] : memref<32x8x16xf32, #tpu.memory_space<hbm>> -> memref<1x1x16xf32, #tpu.memory_space<hbm>>
      %dma_wait3A_201 = tpu.memref_squeeze %dma_wait3A_200 : memref<1x1x16xf32, #tpu.memory_space<hbm>> -> memref<16xf32, #tpu.memory_space<hbm>>
      %dma_wait3A_202 = arith.constant 0 : i32
      %dma_wait3A_203 = tpu.memref_slice %arg9[%add3A, %run_scoped3A_119, %dma_wait3A_202] : memref<32x8x16xf32, #tpu.memory_space<hbm>> -> memref<1x1x16xf32, #tpu.memory_space<hbm>>
      %dma_wait3A_204 = tpu.memref_squeeze %dma_wait3A_203 : memref<1x1x16xf32, #tpu.memory_space<hbm>> -> memref<16xf32, #tpu.memory_space<hbm>>
      tpu.wait_dma2 semaphore(%run_scoped3A_194 : memref<!tpu.dma_semaphore, #tpu.memory_space<semaphore_mem>>) src(%arg15 : memref<16xf32, #tpu.memory_space<vmem>>) dst(%dma_wait3A_204 : memref<16xf32, #tpu.memory_space<hbm>>)
      tpu.yield
    }) : () -> ()
    %convert_element_type3A_120 = arith.sitofp %scan3A_68 : vector<16xi32> to vector<16xf32>
    %swap3A_121 = arith.constant 0 : index
    %swap3A_122 = tpu.vector_load %arg15[%swap3A_121] {strides = array<i32>} : memref<16xf32, #tpu.memory_space<vmem>>, vector<16xf32>,
    tpu.vector_store %arg15[%swap3A_121], %convert_element_type3A_120 {strides = array<i32>} : memref<16xf32, #tpu.memory_space<vmem>>, vector<16xf32>,
    %run_scoped3A_123 = arith.constant 4 : i32
    "tpu.region"() ({
      %run_scoped3A_194 = tpu.sem_alloc : memref<!tpu.dma_semaphore, #tpu.memory_space<semaphore_mem>>
      %dma_start3A = arith.constant 0 : i32
      %dma_start3A_195 = tpu.memref_slice %arg9[%add3A, %run_scoped3A_123, %dma_start3A] : memref<32x8x16xf32, #tpu.memory_space<hbm>> -> memref<1x1x16xf32, #tpu.memory_space<hbm>>
      %dma_start3A_196 = tpu.memref_squeeze %dma_start3A_195 : memref<1x1x16xf32, #tpu.memory_space<hbm>> -> memref<16xf32, #tpu.memory_space<hbm>>
      %dma_start3A_197 = arith.constant 0 : i32
      %dma_start3A_198 = tpu.memref_slice %arg9[%add3A, %run_scoped3A_123, %dma_start3A_197] : memref<32x8x16xf32, #tpu.memory_space<hbm>> -> memref<1x1x16xf32, #tpu.memory_space<hbm>>
      %dma_start3A_199 = tpu.memref_squeeze %dma_start3A_198 : memref<1x1x16xf32, #tpu.memory_space<hbm>> -> memref<16xf32, #tpu.memory_space<hbm>>
      tpu.enqueue_dma source(%arg15 : memref<16xf32, #tpu.memory_space<vmem>>) target(%dma_start3A_199 : memref<16xf32, #tpu.memory_space<hbm>>) target_semaphore(%run_scoped3A_194 : memref<!tpu.dma_semaphore, #tpu.memory_space<semaphore_mem>>)
      %dma_wait3A = arith.constant 0 : i32
      %dma_wait3A_200 = tpu.memref_slice %arg9[%add3A, %run_scoped3A_123, %dma_wait3A] : memref<32x8x16xf32, #tpu.memory_space<hbm>> -> memref<1x1x16xf32, #tpu.memory_space<hbm>>
      %dma_wait3A_201 = tpu.memref_squeeze %dma_wait3A_200 : memref<1x1x16xf32, #tpu.memory_space<hbm>> -> memref<16xf32, #tpu.memory_space<hbm>>
      %dma_wait3A_202 = arith.constant 0 : i32
      %dma_wait3A_203 = tpu.memref_slice %arg9[%add3A, %run_scoped3A_123, %dma_wait3A_202] : memref<32x8x16xf32, #tpu.memory_space<hbm>> -> memref<1x1x16xf32, #tpu.memory_space<hbm>>
      %dma_wait3A_204 = tpu.memref_squeeze %dma_wait3A_203 : memref<1x1x16xf32, #tpu.memory_space<hbm>> -> memref<16xf32, #tpu.memory_space<hbm>>
      tpu.wait_dma2 semaphore(%run_scoped3A_194 : memref<!tpu.dma_semaphore, #tpu.memory_space<semaphore_mem>>) src(%arg15 : memref<16xf32, #tpu.memory_space<vmem>>) dst(%dma_wait3A_204 : memref<16xf32, #tpu.memory_space<hbm>>)
      tpu.yield
    }) : () -> ()
    %iota3A_124 = tpu.iota {dimensions = array<i32: 0>} : vector<16xi32>
    %mul3A_125 = arith.constant 8112 : i32
    %mul3A_126 = arith.muli %add3A, %mul3A_125 : i32
    %min3A_127 = arith.constant 251472 : i32
    %min3A_128 = arith.minsi %mul3A_126, %min3A_127 : i32
    %sub3A_129 = arith.subi %mul3A_126, %min3A_128 : i32
    %mul3A_130 = arith.constant 6 : i32
    %mul3A_131 = arith.muli %min3A_128, %mul3A_130 : i32
    "tpu.region"() ({
      %run_scoped3A_194 = tpu.sem_alloc : memref<!tpu.dma_semaphore, #tpu.memory_space<semaphore_mem>>
      %dma_start3A = arith.constant 0 : i32
      %dma_start3A_195 = tpu.memref_slice %arg10[%dma_start3A] : memref<48672xf32, #tpu.memory_space<vmem>> -> memref<48672xf32, #tpu.memory_space<vmem>>
      %dma_start3A_196 = tpu.memref_slice %arg7[%mul3A_131] : memref<1557504xf32, #tpu.memory_space<hbm>> -> memref<48672xf32, #tpu.memory_space<hbm>>
      %dma_start3A_197 = arith.constant 0 : i32
      %dma_start3A_198 = tpu.memref_slice %arg10[%dma_start3A_197] : memref<48672xf32, #tpu.memory_space<vmem>> -> memref<48672xf32, #tpu.memory_space<vmem>>
      %dma_start3A_199 = tpu.memref_slice %arg7[%mul3A_131] : memref<1557504xf32, #tpu.memory_space<hbm>> -> memref<48672xf32, #tpu.memory_space<hbm>>
      tpu.enqueue_dma source(%dma_start3A_199 : memref<48672xf32, #tpu.memory_space<hbm>>) target(%dma_start3A_198 : memref<48672xf32, #tpu.memory_space<vmem>>) target_semaphore(%run_scoped3A_194 : memref<!tpu.dma_semaphore, #tpu.memory_space<semaphore_mem>>)
      %dma_wait3A = arith.constant 0 : i32
      %dma_wait3A_200 = tpu.memref_slice %arg10[%dma_wait3A] : memref<48672xf32, #tpu.memory_space<vmem>> -> memref<48672xf32, #tpu.memory_space<vmem>>
      %dma_wait3A_201 = tpu.memref_slice %arg7[%mul3A_131] : memref<1557504xf32, #tpu.memory_space<hbm>> -> memref<48672xf32, #tpu.memory_space<hbm>>
      %dma_wait3A_202 = arith.constant 0 : i32
      %dma_wait3A_203 = tpu.memref_slice %arg10[%dma_wait3A_202] : memref<48672xf32, #tpu.memory_space<vmem>> -> memref<48672xf32, #tpu.memory_space<vmem>>
      %dma_wait3A_204 = tpu.memref_slice %arg7[%mul3A_131] : memref<1557504xf32, #tpu.memory_space<hbm>> -> memref<48672xf32, #tpu.memory_space<hbm>>
      tpu.wait_dma2 semaphore(%run_scoped3A_194 : memref<!tpu.dma_semaphore, #tpu.memory_space<semaphore_mem>>) src(%dma_wait3A_204 : memref<48672xf32, #tpu.memory_space<hbm>>) dst(%dma_wait3A_203 : memref<48672xf32, #tpu.memory_space<vmem>>)
      tpu.yield
    }) : () -> ()
    %broadcast_in_dim3A_132 = arith.constant 0 : i32
    %broadcast_in_dim3A_133 = vector.broadcast %broadcast_in_dim3A_132 : i32 to vector<16xi32>
    %scan3A_134 = arith.constant 0 : i32
    %scan3A_135 = arith.constant 507 : i32
    %scan3A_136 = arith.addi %scan3A_134, %scan3A_135 : i32
    %scan3A_137 = arith.constant 1 : i32
    %scan3A_138 = scf.for %scan3A_194 = %scan3A_134 to %scan3A_136 step %scan3A_137 iter_args(%scan3A_195 = %broadcast_in_dim3A_133) -> (vector<16xi32>)  : i32 {
      %mul3A_196 = arith.constant 16 : i32
      %mul3A_197 = arith.muli %scan3A_194, %mul3A_196 : i32
      %add3A_198 = vector.broadcast %mul3A_197 : i32 to vector<16xi32>
      %add3A_199 = arith.addi %add3A_198, %iota3A_124 : vector<16xi32>
      %mul3A_200 = arith.constant 6 : i32
      %mul3A_201 = vector.broadcast %mul3A_200 : i32 to vector<16xi32>
      %mul3A_202 = arith.muli %add3A_199, %mul3A_201 : vector<16xi32>
      %gather3A = tpu.vector_load_idx %arg10[%mul3A_202] : memref<48672xf32, #tpu.memory_space<vmem>>[vector<16xi32>], vector<16xf32>,
      %eq3A = arith.constant 1.000000e+00 : f32
      %eq3A_203 = vector.broadcast %eq3A : f32 to vector<16xf32>
      %eq3A_204 = arith.cmpf oeq, %gather3A, %eq3A_203 : vector<16xf32>
      %ge3A = vector.broadcast %sub3A_129 : i32 to vector<16xi32>
      %ge3A_205 = arith.cmpi sge, %add3A_199, %ge3A : vector<16xi32>
      %and3A_206 = arith.andi %eq3A_204, %ge3A_205 : vector<16xi1>
      %convert_element_type3A_207 = arith.extui %and3A_206 : vector<16xi1> to vector<16xi32>
      %broadcast_in_dim3A_208 = arith.constant true
      %broadcast_in_dim3A_209 = vector.broadcast %broadcast_in_dim3A_208 : i1 to vector<16xi1>
      %masked_cumsum3A = tpu.scan <sum>, %convert_element_type3A_207 masked %broadcast_in_dim3A_209 : vector<16xi32>, vector<16xi1> -> vector<16xi32>
      %add3A_210 = arith.addi %scan3A_195, %masked_cumsum3A : vector<16xi32>
      %sub3A_211 = arith.constant 1 : i32
      %sub3A_212 = vector.broadcast %sub3A_211 : i32 to vector<16xi32>
      %sub3A_213 = arith.subi %add3A_210, %sub3A_212 : vector<16xi32>
      tpu.vector_store_idx %arg11[%sub3A_213], %add3A_199 masked %and3A_206 : memref<8192xi32, #tpu.memory_space<vmem>>[vector<16xi32>], vector<16xi32>, vector<16xi1>
      %all_reduce_population_count3A = tpu.all_reduce %and3A_206 {dim = 0 : i64, kind = #tpu.reduction_kind<sum>} : vector<16xi1> -> vector<16xi32>
      %add3A_214 = arith.addi %scan3A_195, %all_reduce_population_count3A : vector<16xi32>
      scf.yield %add3A_214 : vector<16xi32>
    }
    %scan3A_139 = arith.constant 507 : i32
    %reduce_max3A_140 = arith.constant true
    %reduce_max3A_141 = vector.broadcast %reduce_max3A_140 : i1 to vector<16xi1>
    %reduce_max3A_142 = arith.constant -2147483648 : i32
    %reduce_max3A_143 = vector.broadcast %reduce_max3A_142 : i32 to vector<16xi32>
    %reduce_max3A_144 = arith.xori %scan3A_138, %reduce_max3A_143 : vector<16xi32>
    %reduce_max3A_145 = tpu.scan <max>, %reduce_max3A_144 masked %reduce_max3A_141 : vector<16xi32>, vector<16xi1> -> vector<16xi32>
    %reduce_max3A_146 = arith.xori %reduce_max3A_145, %reduce_max3A_143 : vector<16xi32>
    %reduce_max3A_147 = vector.extract %reduce_max3A_146[15] : i32 from vector<16xi32>
    %add3A_148 = arith.constant 31 : i32
    %add3A_149 = arith.addi %reduce_max3A_147, %add3A_148 : i32
    %jit3A_150 = arith.constant 32 : i32
    %div3A_151 = arith.divsi %add3A_149, %jit3A_150 : i32
    %sign3A_152 = arith.constant 0 : i32
    %sign3A_153 = arith.cmpi sgt, %add3A_149, %sign3A_152 : i32
    %sign3A_154 = arith.extui %sign3A_153 : i1 to i32
    %sign3A_155 = arith.constant 0 : i32
    %sign3A_156 = arith.cmpi slt, %add3A_149, %sign3A_155 : i32
    %sign3A_157 = arith.extui %sign3A_156 : i1 to i32
    %sign3A_158 = arith.subi %sign3A_154, %sign3A_157 : i32
    %sign3A_159 = arith.constant 0 : i32
    %sign3A_160 = arith.cmpi sgt, %jit3A_150, %sign3A_159 : i32
    %sign3A_161 = arith.extui %sign3A_160 : i1 to i32
    %sign3A_162 = arith.constant 0 : i32
    %sign3A_163 = arith.cmpi slt, %jit3A_150, %sign3A_162 : i32
    %sign3A_164 = arith.extui %sign3A_163 : i1 to i32
    %sign3A_165 = arith.subi %sign3A_161, %sign3A_164 : i32
    %ne3A_166 = arith.cmpi ne, %sign3A_158, %sign3A_165 : i32
    %rem3A_167 = arith.remsi %add3A_149, %jit3A_150 : i32
    %ne3A_168 = arith.constant 0 : i32
    %ne3A_169 = arith.cmpi ne, %rem3A_167, %ne3A_168 : i32
    %and3A_170 = arith.andi %ne3A_166, %ne3A_169 : i1
    %sub3A_171 = arith.constant 1 : i32
    %sub3A_172 = arith.subi %div3A_151, %sub3A_171 : i32
    %select_n3A_173 = arith.select %and3A_170, %sub3A_172, %div3A_151 : i32
    %broadcast_in_dim3A_174 = arith.constant 0.000000e+00 : f32
    %broadcast_in_dim3A_175 = vector.broadcast %broadcast_in_dim3A_174 : f32 to vector<16xf32>
    %while3A_176 = arith.constant 0 : i32
    %while3A_177 = arith.subi %select_n3A_173, %while3A_176 : i32
    %while3A_178 = arith.addi %while3A_176, %while3A_177 : i32
    %while3A_179 = arith.constant 1 : i32
    %while3A_180 = arith.divsi %while3A_177, %while3A_179 : i32
    %while3A_181 = arith.muli %while3A_180, %while3A_179 : i32
    %while3A_182 = arith.addi %while3A_176, %while3A_181 : i32
    %while3A_183 = arith.constant 1 : i32
    %while3A_184 = scf.for %while3A_194 = %while3A_176 to %while3A_182 step %while3A_183 iter_args(%while3A_195 = %broadcast_in_dim3A_175) -> (vector<16xf32>)  : i32 {
      %mul3A_196 = arith.constant 32 : i32
      %mul3A_197 = arith.muli %while3A_194, %mul3A_196 : i32
      %add3A_198 = arith.constant 0 : i32
      %add3A_199 = arith.addi %mul3A_197, %add3A_198 : i32
      %add3A_200 = vector.broadcast %add3A_199 : i32 to vector<16xi32>
      %add3A_201 = arith.addi %add3A_200, %iota3A_124 : vector<16xi32>
      %lt3A = vector.broadcast %reduce_max3A_147 : i32 to vector<16xi32>
      %lt3A_202 = arith.cmpi slt, %add3A_201, %lt3A : vector<16xi32>
      %gather3A = tpu.vector_load_idx %arg11[%add3A_201] : memref<8192xi32, #tpu.memory_space<vmem>>[vector<16xi32>], vector<16xi32>,
      %jit3A_203 = arith.constant 0 : i32
      %broadcast_in_dim3A_204 = vector.broadcast %jit3A_203 : i32 to vector<16xi32>
      %select_n3A_205 = arith.select %lt3A_202, %gather3A, %broadcast_in_dim3A_204 : vector<16xi1>, vector<16xi32>
      %add3A_206 = vector.broadcast %min3A_128 : i32 to vector<16xi32>
      %add3A_207 = arith.addi %add3A_206, %select_n3A_205 : vector<16xi32>
      %mul3A_208 = arith.constant 4 : i32
      %mul3A_209 = vector.broadcast %mul3A_208 : i32 to vector<16xi32>
      %mul3A_210 = arith.muli %add3A_207, %mul3A_209 : vector<16xi32>
      %add3A_211 = arith.constant 0 : i32
      %add3A_212 = vector.broadcast %add3A_211 : i32 to vector<16xi32>
      %add3A_213 = arith.addi %mul3A_210, %add3A_212 : vector<16xi32>
      %swap3A_214 = arith.constant 0 : index
      %swap3A_215 = tpu.vector_load %arg12[%swap3A_214] {strides = array<i32>} : memref<128xi32, #tpu.memory_space<vmem>>, vector<16xi32>,
      tpu.vector_store %arg12[%swap3A_214], %add3A_213 {strides = array<i32>} : memref<128xi32, #tpu.memory_space<vmem>>, vector<16xi32>,
      %add3A_216 = arith.constant 1 : i32
      %add3A_217 = vector.broadcast %add3A_216 : i32 to vector<16xi32>
      %add3A_218 = arith.addi %mul3A_210, %add3A_217 : vector<16xi32>
      %swap3A_219 = arith.constant 32 : index
      %swap3A_220 = tpu.vector_load %arg12[%swap3A_219] {strides = array<i32>} : memref<128xi32, #tpu.memory_space<vmem>>, vector<16xi32>,
      tpu.vector_store %arg12[%swap3A_219], %add3A_218 {strides = array<i32>} : memref<128xi32, #tpu.memory_space<vmem>>, vector<16xi32>,
      %add3A_221 = arith.constant 2 : i32
      %add3A_222 = vector.broadcast %add3A_221 : i32 to vector<16xi32>
      %add3A_223 = arith.addi %mul3A_210, %add3A_222 : vector<16xi32>
      %swap3A_224 = arith.constant 64 : index
      %swap3A_225 = tpu.vector_load %arg12[%swap3A_224] {strides = array<i32>} : memref<128xi32, #tpu.memory_space<vmem>>, vector<16xi32>,
      tpu.vector_store %arg12[%swap3A_224], %add3A_223 {strides = array<i32>} : memref<128xi32, #tpu.memory_space<vmem>>, vector<16xi32>,
      %add3A_226 = arith.constant 3 : i32
      %add3A_227 = vector.broadcast %add3A_226 : i32 to vector<16xi32>
      %add3A_228 = arith.addi %mul3A_210, %add3A_227 : vector<16xi32>
      %swap3A_229 = arith.constant 96 : index
      %swap3A_230 = tpu.vector_load %arg12[%swap3A_229] {strides = array<i32>} : memref<128xi32, #tpu.memory_space<vmem>>, vector<16xi32>,
      tpu.vector_store %arg12[%swap3A_229], %add3A_228 {strides = array<i32>} : memref<128xi32, #tpu.memory_space<vmem>>, vector<16xi32>,
      %mul3A_231 = arith.constant 32 : i32
      %mul3A_232 = arith.muli %while3A_194, %mul3A_231 : i32
      %add3A_233 = arith.constant 16 : i32
      %add3A_234 = arith.addi %mul3A_232, %add3A_233 : i32
      %add3A_235 = vector.broadcast %add3A_234 : i32 to vector<16xi32>
      %add3A_236 = arith.addi %add3A_235, %iota3A_124 : vector<16xi32>
      %lt3A_237 = vector.broadcast %reduce_max3A_147 : i32 to vector<16xi32>
      %lt3A_238 = arith.cmpi slt, %add3A_236, %lt3A_237 : vector<16xi32>
      %gather3A_239 = tpu.vector_load_idx %arg11[%add3A_236] : memref<8192xi32, #tpu.memory_space<vmem>>[vector<16xi32>], vector<16xi32>,
      %jit3A_240 = arith.constant 0 : i32
      %broadcast_in_dim3A_241 = vector.broadcast %jit3A_240 : i32 to vector<16xi32>
      %select_n3A_242 = arith.select %lt3A_238, %gather3A_239, %broadcast_in_dim3A_241 : vector<16xi1>, vector<16xi32>
      %add3A_243 = vector.broadcast %min3A_128 : i32 to vector<16xi32>
      %add3A_244 = arith.addi %add3A_243, %select_n3A_242 : vector<16xi32>
      %mul3A_245 = arith.constant 4 : i32
      %mul3A_246 = vector.broadcast %mul3A_245 : i32 to vector<16xi32>
      %mul3A_247 = arith.muli %add3A_244, %mul3A_246 : vector<16xi32>
      %add3A_248 = arith.constant 0 : i32
      %add3A_249 = vector.broadcast %add3A_248 : i32 to vector<16xi32>
      %add3A_250 = arith.addi %mul3A_247, %add3A_249 : vector<16xi32>
      %swap3A_251 = arith.constant 16 : index
      %swap3A_252 = tpu.vector_load %arg12[%swap3A_251] {strides = array<i32>} : memref<128xi32, #tpu.memory_space<vmem>>, vector<16xi32>,
      tpu.vector_store %arg12[%swap3A_251], %add3A_250 {strides = array<i32>} : memref<128xi32, #tpu.memory_space<vmem>>, vector<16xi32>,
      %add3A_253 = arith.constant 1 : i32
      %add3A_254 = vector.broadcast %add3A_253 : i32 to vector<16xi32>
      %add3A_255 = arith.addi %mul3A_247, %add3A_254 : vector<16xi32>
      %swap3A_256 = arith.constant 48 : index
      %swap3A_257 = tpu.vector_load %arg12[%swap3A_256] {strides = array<i32>} : memref<128xi32, #tpu.memory_space<vmem>>, vector<16xi32>,
      tpu.vector_store %arg12[%swap3A_256], %add3A_255 {strides = array<i32>} : memref<128xi32, #tpu.memory_space<vmem>>, vector<16xi32>,
      %add3A_258 = arith.constant 2 : i32
      %add3A_259 = vector.broadcast %add3A_258 : i32 to vector<16xi32>
      %add3A_260 = arith.addi %mul3A_247, %add3A_259 : vector<16xi32>
      %swap3A_261 = arith.constant 80 : index
      %swap3A_262 = tpu.vector_load %arg12[%swap3A_261] {strides = array<i32>} : memref<128xi32, #tpu.memory_space<vmem>>, vector<16xi32>,
      tpu.vector_store %arg12[%swap3A_261], %add3A_260 {strides = array<i32>} : memref<128xi32, #tpu.memory_space<vmem>>, vector<16xi32>,
      %add3A_263 = arith.constant 3 : i32
      %add3A_264 = vector.broadcast %add3A_263 : i32 to vector<16xi32>
      %add3A_265 = arith.addi %mul3A_247, %add3A_264 : vector<16xi32>
      %swap3A_266 = arith.constant 112 : index
      %swap3A_267 = tpu.vector_load %arg12[%swap3A_266] {strides = array<i32>} : memref<128xi32, #tpu.memory_space<vmem>>, vector<16xi32>,
      tpu.vector_store %arg12[%swap3A_266], %add3A_265 {strides = array<i32>} : memref<128xi32, #tpu.memory_space<vmem>>, vector<16xi32>,
      %dma_start3A = arith.constant 0 : i32
      %dma_start3A_268 = tpu.memref_slice %arg4[%dma_start3A] : memref<259584xf32, #tpu.memory_space<hbm>> -> memref<259584xf32, #tpu.memory_space<hbm>>
      tpu.enqueue_indirect_dma source(%dma_start3A_268 : memref<259584xf32, #tpu.memory_space<hbm>>) target(%arg13 : memref<128xf32, #tpu.memory_space<vmem>>) offsets(%arg12 : memref<128xi32, #tpu.memory_space<vmem>>) semaphore(%arg16 : memref<!tpu.dma_semaphore, #tpu.memory_space<semaphore_mem>>)
      %dma_wait3A = arith.constant 0 : i32
      %dma_wait3A_269 = tpu.memref_slice %arg4[%dma_wait3A] : memref<259584xf32, #tpu.memory_space<hbm>> -> memref<259584xf32, #tpu.memory_space<hbm>>
      tpu.wait_indirect_dma semaphore(%arg16 : memref<!tpu.dma_semaphore, #tpu.memory_space<semaphore_mem>>) src(%dma_wait3A_269 : memref<259584xf32, #tpu.memory_space<hbm>>) dst(%arg13 : memref<128xf32, #tpu.memory_space<vmem>>)
      %mul3A_270 = arith.constant 6 : i32
      %mul3A_271 = vector.broadcast %mul3A_270 : i32 to vector<16xi32>
      %mul3A_272 = arith.muli %select_n3A_205, %mul3A_271 : vector<16xi32>
      %add3A_273 = arith.constant 1 : i32
      %add3A_274 = vector.broadcast %add3A_273 : i32 to vector<16xi32>
      %add3A_275 = arith.addi %mul3A_272, %add3A_274 : vector<16xi32>
      %gather3A_276 = tpu.vector_load_idx %arg10[%add3A_275] : memref<48672xf32, #tpu.memory_space<vmem>>[vector<16xi32>], vector<16xf32>,
      %add3A_277 = arith.constant 2 : i32
      %add3A_278 = vector.broadcast %add3A_277 : i32 to vector<16xi32>
      %add3A_279 = arith.addi %mul3A_272, %add3A_278 : vector<16xi32>
      %gather3A_280 = tpu.vector_load_idx %arg10[%add3A_279] : memref<48672xf32, #tpu.memory_space<vmem>>[vector<16xi32>], vector<16xf32>,
      %add3A_281 = arith.constant 3 : i32
      %add3A_282 = vector.broadcast %add3A_281 : i32 to vector<16xi32>
      %add3A_283 = arith.addi %mul3A_272, %add3A_282 : vector<16xi32>
      %gather3A_284 = tpu.vector_load_idx %arg10[%add3A_283] : memref<48672xf32, #tpu.memory_space<vmem>>[vector<16xi32>], vector<16xf32>,
      %add3A_285 = arith.constant 4 : i32
      %add3A_286 = vector.broadcast %add3A_285 : i32 to vector<16xi32>
      %add3A_287 = arith.addi %mul3A_272, %add3A_286 : vector<16xi32>
      %gather3A_288 = tpu.vector_load_idx %arg10[%add3A_287] : memref<48672xf32, #tpu.memory_space<vmem>>[vector<16xi32>], vector<16xf32>,
      %get3A = arith.constant 0 : index
      %get3A_289 = tpu.vector_load %arg13[%get3A] {strides = array<i32>} : memref<128xf32, #tpu.memory_space<vmem>>, vector<16xf32>,
      %get3A_290 = arith.constant 32 : index
      %get3A_291 = tpu.vector_load %arg13[%get3A_290] {strides = array<i32>} : memref<128xf32, #tpu.memory_space<vmem>>, vector<16xf32>,
      %get3A_292 = arith.constant 64 : index
      %get3A_293 = tpu.vector_load %arg13[%get3A_292] {strides = array<i32>} : memref<128xf32, #tpu.memory_space<vmem>>, vector<16xf32>,
      %get3A_294 = arith.constant 96 : index
      %get3A_295 = tpu.vector_load %arg13[%get3A_294] {strides = array<i32>} : memref<128xf32, #tpu.memory_space<vmem>>, vector<16xf32>,
      %add3A_296 = vector.broadcast %min3A_128 : i32 to vector<16xi32>
      %add3A_297 = arith.addi %add3A_296, %select_n3A_205 : vector<16xi32>
      %jit3A_298 = arith.constant 2704 : i32
      %div3A_299 = vector.broadcast %jit3A_298 : i32 to vector<16xi32>
      %div3A_300 = arith.divsi %add3A_297, %div3A_299 : vector<16xi32>
      %sign3A_301 = arith.constant 0 : i32
      %sign3A_302 = vector.broadcast %sign3A_301 : i32 to vector<16xi32>
      %sign3A_303 = arith.cmpi sgt, %add3A_297, %sign3A_302 : vector<16xi32>
      %sign3A_304 = arith.extui %sign3A_303 : vector<16xi1> to vector<16xi32>
      %sign3A_305 = arith.constant 0 : i32
      %sign3A_306 = vector.broadcast %sign3A_305 : i32 to vector<16xi32>
      %sign3A_307 = arith.cmpi slt, %add3A_297, %sign3A_306 : vector<16xi32>
      %sign3A_308 = arith.extui %sign3A_307 : vector<16xi1> to vector<16xi32>
      %sign3A_309 = arith.subi %sign3A_304, %sign3A_308 : vector<16xi32>
      %sign3A_310 = arith.constant 0 : i32
      %sign3A_311 = arith.cmpi sgt, %jit3A_298, %sign3A_310 : i32
      %sign3A_312 = arith.extui %sign3A_311 : i1 to i32
      %sign3A_313 = arith.constant 0 : i32
      %sign3A_314 = arith.cmpi slt, %jit3A_298, %sign3A_313 : i32
      %sign3A_315 = arith.extui %sign3A_314 : i1 to i32
      %sign3A_316 = arith.subi %sign3A_312, %sign3A_315 : i32
      %ne3A_317 = vector.broadcast %sign3A_316 : i32 to vector<16xi32>
      %ne3A_318 = arith.cmpi ne, %sign3A_309, %ne3A_317 : vector<16xi32>
      %rem3A_319 = vector.broadcast %jit3A_298 : i32 to vector<16xi32>
      %rem3A_320 = arith.remsi %add3A_297, %rem3A_319 : vector<16xi32>
      %ne3A_321 = arith.constant 0 : i32
      %ne3A_322 = vector.broadcast %ne3A_321 : i32 to vector<16xi32>
      %ne3A_323 = arith.cmpi ne, %rem3A_320, %ne3A_322 : vector<16xi32>
      %and3A_324 = arith.andi %ne3A_318, %ne3A_323 : vector<16xi1>
      %sub3A_325 = arith.constant 1 : i32
      %sub3A_326 = vector.broadcast %sub3A_325 : i32 to vector<16xi32>
      %sub3A_327 = arith.subi %div3A_300, %sub3A_326 : vector<16xi32>
      %select_n3A_328 = arith.select %and3A_324, %sub3A_327, %div3A_300 : vector<16xi1>, vector<16xi32>
      %jit3A_329 = arith.constant 3 : i32
      %eq3A = arith.constant 0 : i32
      %eq3A_330 = arith.cmpi eq, %jit3A_329, %eq3A : i32
      %jit3A_331 = arith.constant 1 : i32
      %select_n3A_332 = arith.select %eq3A_330, %jit3A_331, %jit3A_329 : i32
      %rem3A_333 = vector.broadcast %select_n3A_332 : i32 to vector<16xi32>
      %rem3A_334 = arith.remsi %select_n3A_328, %rem3A_333 : vector<16xi32>
      %ne3A_335 = arith.constant 0 : i32
      %ne3A_336 = vector.broadcast %ne3A_335 : i32 to vector<16xi32>
      %ne3A_337 = arith.cmpi ne, %rem3A_334, %ne3A_336 : vector<16xi32>
      %lt3A_338 = arith.constant 0 : i32
      %lt3A_339 = vector.broadcast %lt3A_338 : i32 to vector<16xi32>
      %lt3A_340 = arith.cmpi slt, %rem3A_334, %lt3A_339 : vector<16xi32>
      %lt3A_341 = arith.constant 0 : i32
      %lt3A_342 = arith.cmpi slt, %select_n3A_332, %lt3A_341 : i32
      %ne3A_343 = vector.broadcast %lt3A_342 : i1 to vector<16xi1>
      %ne3A_344 = vector.broadcast %ne3A_343 : vector<16xi1> to vector<16xi1>
      %ne3A_345 = arith.xori %lt3A_340, %ne3A_344 : vector<16xi1>
      %and3A_346 = arith.andi %ne3A_345, %ne3A_337 : vector<16xi1>
      %add3A_347 = vector.broadcast %select_n3A_332 : i32 to vector<16xi32>
      %add3A_348 = arith.addi %rem3A_334, %add3A_347 : vector<16xi32>
      %select_n3A_349 = arith.select %and3A_346, %add3A_348, %rem3A_334 : vector<16xi1>, vector<16xi32>
      %mul3A_350 = arith.constant 2 : i32
      %mul3A_351 = vector.broadcast %mul3A_350 : i32 to vector<16xi32>
      %mul3A_352 = arith.muli %mul3A_351, %select_n3A_349 : vector<16xi32>
      %add3A_353 = arith.constant 16 : i32
      %add3A_354 = vector.broadcast %add3A_353 : i32 to vector<16xi32>
      %add3A_355 = arith.addi %add3A_354, %mul3A_352 : vector<16xi32>
      %gather3A_356 = tpu.vector_load_idx %arg14[%add3A_355] : memref<32xf32, #tpu.memory_space<vmem>>[vector<16xi32>], vector<16xf32>,
      %mul3A_357 = arith.constant 2 : i32
      %mul3A_358 = vector.broadcast %mul3A_357 : i32 to vector<16xi32>
      %mul3A_359 = arith.muli %mul3A_358, %select_n3A_349 : vector<16xi32>
      %add3A_360 = arith.constant 16 : i32
      %add3A_361 = vector.broadcast %add3A_360 : i32 to vector<16xi32>
      %add3A_362 = arith.addi %add3A_361, %mul3A_359 : vector<16xi32>
      %add3A_363 = arith.constant 1 : i32
      %add3A_364 = vector.broadcast %add3A_363 : i32 to vector<16xi32>
      %add3A_365 = arith.addi %add3A_362, %add3A_364 : vector<16xi32>
      %gather3A_366 = tpu.vector_load_idx %arg14[%add3A_365] : memref<32xf32, #tpu.memory_space<vmem>>[vector<16xi32>], vector<16xf32>,
      %neg3A = arith.constant 0.000000e+00 : f32
      %neg3A_367 = vector.broadcast %neg3A : f32 to vector<16xf32>
      %neg3A_368 = arith.subf %neg3A_367, %get3A_289 : vector<16xf32>
      %exp3A = math.exp %neg3A_368 : vector<16xf32>
      %add3A_369 = arith.constant 1.000000e+00 : f32
      %add3A_370 = vector.broadcast %add3A_369 : f32 to vector<16xf32>
      %add3A_371 = arith.addf %add3A_370, %exp3A : vector<16xf32>
      %div3A_372 = arith.constant 1.000000e+00 : f32
      %div3A_373 = vector.broadcast %div3A_372 : f32 to vector<16xf32>
      %div3A_374 = arith.divf %div3A_373, %add3A_371 : vector<16xf32>
      %neg3A_375 = arith.constant 0.000000e+00 : f32
      %neg3A_376 = vector.broadcast %neg3A_375 : f32 to vector<16xf32>
      %neg3A_377 = arith.subf %neg3A_376, %get3A_291 : vector<16xf32>
      %exp3A_378 = math.exp %neg3A_377 : vector<16xf32>
      %add3A_379 = arith.constant 1.000000e+00 : f32
      %add3A_380 = vector.broadcast %add3A_379 : f32 to vector<16xf32>
      %add3A_381 = arith.addf %add3A_380, %exp3A_378 : vector<16xf32>
      %div3A_382 = arith.constant 1.000000e+00 : f32
      %div3A_383 = vector.broadcast %div3A_382 : f32 to vector<16xf32>
      %div3A_384 = arith.divf %div3A_383, %add3A_381 : vector<16xf32>
      %mul3A_385 = arith.mulf %gather3A_284, %gather3A_356 : vector<16xf32>
      %add3A_386 = arith.constant 1.000000e-16 : f32
      %add3A_387 = vector.broadcast %add3A_386 : f32 to vector<16xf32>
      %add3A_388 = arith.addf %add3A_387, %mul3A_385 : vector<16xf32>
      %bitcast3A = vector.bitcast %add3A_388 : vector<16xf32> to vector<16xi32>
      %shift_right_logical3A = arith.constant 23 : i32
      %shift_right_logical3A_389 = vector.broadcast %shift_right_logical3A : i32 to vector<16xi32>
      %shift_right_logical3A_390 = arith.shrui %bitcast3A, %shift_right_logical3A_389 : vector<16xi32>
      %sub3A_391 = arith.constant 127 : i32
      %sub3A_392 = vector.broadcast %sub3A_391 : i32 to vector<16xi32>
      %sub3A_393 = arith.subi %shift_right_logical3A_390, %sub3A_392 : vector<16xi32>
      %and3A_394 = arith.constant 8388607 : i32
      %and3A_395 = vector.broadcast %and3A_394 : i32 to vector<16xi32>
      %and3A_396 = arith.andi %bitcast3A, %and3A_395 : vector<16xi32>
      %or3A = arith.constant 1065353216 : i32
      %or3A_397 = vector.broadcast %or3A : i32 to vector<16xi32>
      %or3A_398 = arith.ori %and3A_396, %or3A_397 : vector<16xi32>
      %bitcast3A_399 = vector.bitcast %or3A_398 : vector<16xi32> to vector<16xf32>
      %ge3A = arith.constant 1.41421354 : f32
      %ge3A_400 = vector.broadcast %ge3A : f32 to vector<16xf32>
      %ge3A_401 = arith.cmpf oge, %bitcast3A_399, %ge3A_400 : vector<16xf32>
      %mul3A_402 = arith.constant 5.000000e-01 : f32
      %mul3A_403 = vector.broadcast %mul3A_402 : f32 to vector<16xf32>
      %mul3A_404 = arith.mulf %bitcast3A_399, %mul3A_403 : vector<16xf32>
      %select_n3A_405 = arith.select %ge3A_401, %mul3A_404, %bitcast3A_399 : vector<16xi1>, vector<16xf32>
      %jit3A_406 = arith.constant 1 : i32
      %jit3A_407 = arith.constant 0 : i32
      %broadcast_in_dim3A_408 = vector.broadcast %jit3A_406 : i32 to vector<16xi32>
      %broadcast_in_dim3A_409 = vector.broadcast %jit3A_407 : i32 to vector<16xi32>
      %select_n3A_410 = arith.select %ge3A_401, %broadcast_in_dim3A_408, %broadcast_in_dim3A_409 : vector<16xi1>, vector<16xi32>
      %add3A_411 = arith.addi %sub3A_393, %select_n3A_410 : vector<16xi32>
      %sub3A_412 = arith.constant 1.000000e+00 : f32
      %sub3A_413 = vector.broadcast %sub3A_412 : f32 to vector<16xf32>
      %sub3A_414 = arith.subf %select_n3A_405, %sub3A_413 : vector<16xf32>
      %add3A_415 = arith.constant 1.000000e+00 : f32
      %add3A_416 = vector.broadcast %add3A_415 : f32 to vector<16xf32>
      %add3A_417 = arith.addf %select_n3A_405, %add3A_416 : vector<16xf32>
      %div3A_418 = arith.divf %sub3A_414, %add3A_417 : vector<16xf32>
      %mul3A_419 = arith.mulf %div3A_418, %div3A_418 : vector<16xf32>
      %mul3A_420 = arith.constant 0.111111112 : f32
      %mul3A_421 = vector.broadcast %mul3A_420 : f32 to vector<16xf32>
      %mul3A_422 = arith.mulf %mul3A_419, %mul3A_421 : vector<16xf32>
      %add3A_423 = arith.constant 0.142857149 : f32
      %add3A_424 = vector.broadcast %add3A_423 : f32 to vector<16xf32>
      %add3A_425 = arith.addf %add3A_424, %mul3A_422 : vector<16xf32>
      %mul3A_426 = arith.mulf %mul3A_419, %add3A_425 : vector<16xf32>
      %add3A_427 = arith.constant 2.000000e-01 : f32
      %add3A_428 = vector.broadcast %add3A_427 : f32 to vector<16xf32>
      %add3A_429 = arith.addf %add3A_428, %mul3A_426 : vector<16xf32>
      %mul3A_430 = arith.mulf %mul3A_419, %add3A_429 : vector<16xf32>
      %add3A_431 = arith.constant 0.333333343 : f32
      %add3A_432 = vector.broadcast %add3A_431 : f32 to vector<16xf32>
      %add3A_433 = arith.addf %add3A_432, %mul3A_430 : vector<16xf32>
      %mul3A_434 = arith.mulf %mul3A_419, %add3A_433 : vector<16xf32>
      %add3A_435 = arith.constant 1.000000e+00 : f32
      %add3A_436 = vector.broadcast %add3A_435 : f32 to vector<16xf32>
      %add3A_437 = arith.addf %add3A_436, %mul3A_434 : vector<16xf32>
      %convert_element_type3A_438 = arith.sitofp %add3A_411 : vector<16xi32> to vector<16xf32>
      %mul3A_439 = arith.constant 0.693147182 : f32
      %mul3A_440 = vector.broadcast %mul3A_439 : f32 to vector<16xf32>
      %mul3A_441 = arith.mulf %convert_element_type3A_438, %mul3A_440 : vector<16xf32>
      %mul3A_442 = arith.constant 2.000000e+00 : f32
      %mul3A_443 = vector.broadcast %mul3A_442 : f32 to vector<16xf32>
      %mul3A_444 = arith.mulf %mul3A_443, %div3A_418 : vector<16xf32>
      %mul3A_445 = arith.mulf %mul3A_444, %add3A_437 : vector<16xf32>
      %add3A_446 = arith.addf %mul3A_441, %mul3A_445 : vector<16xf32>
      %mul3A_447 = arith.mulf %gather3A_288, %gather3A_366 : vector<16xf32>
      %add3A_448 = arith.constant 1.000000e-16 : f32
      %add3A_449 = vector.broadcast %add3A_448 : f32 to vector<16xf32>
      %add3A_450 = arith.addf %add3A_449, %mul3A_447 : vector<16xf32>
      %bitcast3A_451 = vector.bitcast %add3A_450 : vector<16xf32> to vector<16xi32>
      %shift_right_logical3A_452 = arith.constant 23 : i32
      %shift_right_logical3A_453 = vector.broadcast %shift_right_logical3A_452 : i32 to vector<16xi32>
      %shift_right_logical3A_454 = arith.shrui %bitcast3A_451, %shift_right_logical3A_453 : vector<16xi32>
      %sub3A_455 = arith.constant 127 : i32
      %sub3A_456 = vector.broadcast %sub3A_455 : i32 to vector<16xi32>
      %sub3A_457 = arith.subi %shift_right_logical3A_454, %sub3A_456 : vector<16xi32>
      %and3A_458 = arith.constant 8388607 : i32
      %and3A_459 = vector.broadcast %and3A_458 : i32 to vector<16xi32>
      %and3A_460 = arith.andi %bitcast3A_451, %and3A_459 : vector<16xi32>
      %or3A_461 = arith.constant 1065353216 : i32
      %or3A_462 = vector.broadcast %or3A_461 : i32 to vector<16xi32>
      %or3A_463 = arith.ori %and3A_460, %or3A_462 : vector<16xi32>
      %bitcast3A_464 = vector.bitcast %or3A_463 : vector<16xi32> to vector<16xf32>
      %ge3A_465 = arith.constant 1.41421354 : f32
      %ge3A_466 = vector.broadcast %ge3A_465 : f32 to vector<16xf32>
      %ge3A_467 = arith.cmpf oge, %bitcast3A_464, %ge3A_466 : vector<16xf32>
      %mul3A_468 = arith.constant 5.000000e-01 : f32
      %mul3A_469 = vector.broadcast %mul3A_468 : f32 to vector<16xf32>
      %mul3A_470 = arith.mulf %bitcast3A_464, %mul3A_469 : vector<16xf32>
      %select_n3A_471 = arith.select %ge3A_467, %mul3A_470, %bitcast3A_464 : vector<16xi1>, vector<16xf32>
      %jit3A_472 = arith.constant 1 : i32
      %jit3A_473 = arith.constant 0 : i32
      %broadcast_in_dim3A_474 = vector.broadcast %jit3A_472 : i32 to vector<16xi32>
      %broadcast_in_dim3A_475 = vector.broadcast %jit3A_473 : i32 to vector<16xi32>
      %select_n3A_476 = arith.select %ge3A_467, %broadcast_in_dim3A_474, %broadcast_in_dim3A_475 : vector<16xi1>, vector<16xi32>
      %add3A_477 = arith.addi %sub3A_457, %select_n3A_476 : vector<16xi32>
      %sub3A_478 = arith.constant 1.000000e+00 : f32
      %sub3A_479 = vector.broadcast %sub3A_478 : f32 to vector<16xf32>
      %sub3A_480 = arith.subf %select_n3A_471, %sub3A_479 : vector<16xf32>
      %add3A_481 = arith.constant 1.000000e+00 : f32
      %add3A_482 = vector.broadcast %add3A_481 : f32 to vector<16xf32>
      %add3A_483 = arith.addf %select_n3A_471, %add3A_482 : vector<16xf32>
      %div3A_484 = arith.divf %sub3A_480, %add3A_483 : vector<16xf32>
      %mul3A_485 = arith.mulf %div3A_484, %div3A_484 : vector<16xf32>
      %mul3A_486 = arith.constant 0.111111112 : f32
      %mul3A_487 = vector.broadcast %mul3A_486 : f32 to vector<16xf32>
      %mul3A_488 = arith.mulf %mul3A_485, %mul3A_487 : vector<16xf32>
      %add3A_489 = arith.constant 0.142857149 : f32
      %add3A_490 = vector.broadcast %add3A_489 : f32 to vector<16xf32>
      %add3A_491 = arith.addf %add3A_490, %mul3A_488 : vector<16xf32>
      %mul3A_492 = arith.mulf %mul3A_485, %add3A_491 : vector<16xf32>
      %add3A_493 = arith.constant 2.000000e-01 : f32
      %add3A_494 = vector.broadcast %add3A_493 : f32 to vector<16xf32>
      %add3A_495 = arith.addf %add3A_494, %mul3A_492 : vector<16xf32>
      %mul3A_496 = arith.mulf %mul3A_485, %add3A_495 : vector<16xf32>
      %add3A_497 = arith.constant 0.333333343 : f32
      %add3A_498 = vector.broadcast %add3A_497 : f32 to vector<16xf32>
      %add3A_499 = arith.addf %add3A_498, %mul3A_496 : vector<16xf32>
      %mul3A_500 = arith.mulf %mul3A_485, %add3A_499 : vector<16xf32>
      %add3A_501 = arith.constant 1.000000e+00 : f32
      %add3A_502 = vector.broadcast %add3A_501 : f32 to vector<16xf32>
      %add3A_503 = arith.addf %add3A_502, %mul3A_500 : vector<16xf32>
      %convert_element_type3A_504 = arith.sitofp %add3A_477 : vector<16xi32> to vector<16xf32>
      %mul3A_505 = arith.constant 0.693147182 : f32
      %mul3A_506 = vector.broadcast %mul3A_505 : f32 to vector<16xf32>
      %mul3A_507 = arith.mulf %convert_element_type3A_504, %mul3A_506 : vector<16xf32>
      %mul3A_508 = arith.constant 2.000000e+00 : f32
      %mul3A_509 = vector.broadcast %mul3A_508 : f32 to vector<16xf32>
      %mul3A_510 = arith.mulf %mul3A_509, %div3A_484 : vector<16xf32>
      %mul3A_511 = arith.mulf %mul3A_510, %add3A_503 : vector<16xf32>
      %add3A_512 = arith.addf %mul3A_507, %mul3A_511 : vector<16xf32>
      %sub3A_513 = arith.subf %div3A_374, %gather3A_276 : vector<16xf32>
      %sub3A_514 = arith.subf %div3A_384, %gather3A_280 : vector<16xf32>
      %sub3A_515 = arith.subf %get3A_293, %add3A_446 : vector<16xf32>
      %sub3A_516 = arith.subf %get3A_295, %add3A_512 : vector<16xf32>
      %mul3A_517 = arith.mulf %sub3A_513, %sub3A_513 : vector<16xf32>
      %mul3A_518 = arith.mulf %sub3A_514, %sub3A_514 : vector<16xf32>
      %add3A_519 = arith.addf %mul3A_517, %mul3A_518 : vector<16xf32>
      %mul3A_520 = arith.mulf %sub3A_515, %sub3A_515 : vector<16xf32>
      %add3A_521 = arith.addf %add3A_519, %mul3A_520 : vector<16xf32>
      %mul3A_522 = arith.mulf %sub3A_516, %sub3A_516 : vector<16xf32>
      %add3A_523 = arith.addf %add3A_521, %mul3A_522 : vector<16xf32>
      %jit3A_524 = arith.constant 0.000000e+00 : f32
      %broadcast_in_dim3A_525 = vector.broadcast %jit3A_524 : f32 to vector<16xf32>
      %select_n3A_526 = arith.select %lt3A_202, %add3A_523, %broadcast_in_dim3A_525 : vector<16xi1>, vector<16xf32>
      %add3A_527 = arith.addf %while3A_195, %select_n3A_526 : vector<16xf32>
      %mul3A_528 = arith.constant 6 : i32
      %mul3A_529 = vector.broadcast %mul3A_528 : i32 to vector<16xi32>
      %mul3A_530 = arith.muli %select_n3A_242, %mul3A_529 : vector<16xi32>
      %add3A_531 = arith.constant 1 : i32
      %add3A_532 = vector.broadcast %add3A_531 : i32 to vector<16xi32>
      %add3A_533 = arith.addi %mul3A_530, %add3A_532 : vector<16xi32>
      %gather3A_534 = tpu.vector_load_idx %arg10[%add3A_533] : memref<48672xf32, #tpu.memory_space<vmem>>[vector<16xi32>], vector<16xf32>,
      %add3A_535 = arith.constant 2 : i32
      %add3A_536 = vector.broadcast %add3A_535 : i32 to vector<16xi32>
      %add3A_537 = arith.addi %mul3A_530, %add3A_536 : vector<16xi32>
      %gather3A_538 = tpu.vector_load_idx %arg10[%add3A_537] : memref<48672xf32, #tpu.memory_space<vmem>>[vector<16xi32>], vector<16xf32>,
      %add3A_539 = arith.constant 3 : i32
      %add3A_540 = vector.broadcast %add3A_539 : i32 to vector<16xi32>
      %add3A_541 = arith.addi %mul3A_530, %add3A_540 : vector<16xi32>
      %gather3A_542 = tpu.vector_load_idx %arg10[%add3A_541] : memref<48672xf32, #tpu.memory_space<vmem>>[vector<16xi32>], vector<16xf32>,
      %add3A_543 = arith.constant 4 : i32
      %add3A_544 = vector.broadcast %add3A_543 : i32 to vector<16xi32>
      %add3A_545 = arith.addi %mul3A_530, %add3A_544 : vector<16xi32>
      %gather3A_546 = tpu.vector_load_idx %arg10[%add3A_545] : memref<48672xf32, #tpu.memory_space<vmem>>[vector<16xi32>], vector<16xf32>,
      %get3A_547 = arith.constant 16 : index
      %get3A_548 = tpu.vector_load %arg13[%get3A_547] {strides = array<i32>} : memref<128xf32, #tpu.memory_space<vmem>>, vector<16xf32>,
      %get3A_549 = arith.constant 48 : index
      %get3A_550 = tpu.vector_load %arg13[%get3A_549] {strides = array<i32>} : memref<128xf32, #tpu.memory_space<vmem>>, vector<16xf32>,
      %get3A_551 = arith.constant 80 : index
      %get3A_552 = tpu.vector_load %arg13[%get3A_551] {strides = array<i32>} : memref<128xf32, #tpu.memory_space<vmem>>, vector<16xf32>,
      %get3A_553 = arith.constant 112 : index
      %get3A_554 = tpu.vector_load %arg13[%get3A_553] {strides = array<i32>} : memref<128xf32, #tpu.memory_space<vmem>>, vector<16xf32>,
      %add3A_555 = vector.broadcast %min3A_128 : i32 to vector<16xi32>
      %add3A_556 = arith.addi %add3A_555, %select_n3A_242 : vector<16xi32>
      %jit3A_557 = arith.constant 2704 : i32
      %div3A_558 = vector.broadcast %jit3A_557 : i32 to vector<16xi32>
      %div3A_559 = arith.divsi %add3A_556, %div3A_558 : vector<16xi32>
      %sign3A_560 = arith.constant 0 : i32
      %sign3A_561 = vector.broadcast %sign3A_560 : i32 to vector<16xi32>
      %sign3A_562 = arith.cmpi sgt, %add3A_556, %sign3A_561 : vector<16xi32>
      %sign3A_563 = arith.extui %sign3A_562 : vector<16xi1> to vector<16xi32>
      %sign3A_564 = arith.constant 0 : i32
      %sign3A_565 = vector.broadcast %sign3A_564 : i32 to vector<16xi32>
      %sign3A_566 = arith.cmpi slt, %add3A_556, %sign3A_565 : vector<16xi32>
      %sign3A_567 = arith.extui %sign3A_566 : vector<16xi1> to vector<16xi32>
      %sign3A_568 = arith.subi %sign3A_563, %sign3A_567 : vector<16xi32>
      %sign3A_569 = arith.constant 0 : i32
      %sign3A_570 = arith.cmpi sgt, %jit3A_557, %sign3A_569 : i32
      %sign3A_571 = arith.extui %sign3A_570 : i1 to i32
      %sign3A_572 = arith.constant 0 : i32
      %sign3A_573 = arith.cmpi slt, %jit3A_557, %sign3A_572 : i32
      %sign3A_574 = arith.extui %sign3A_573 : i1 to i32
      %sign3A_575 = arith.subi %sign3A_571, %sign3A_574 : i32
      %ne3A_576 = vector.broadcast %sign3A_575 : i32 to vector<16xi32>
      %ne3A_577 = arith.cmpi ne, %sign3A_568, %ne3A_576 : vector<16xi32>
      %rem3A_578 = vector.broadcast %jit3A_557 : i32 to vector<16xi32>
      %rem3A_579 = arith.remsi %add3A_556, %rem3A_578 : vector<16xi32>
      %ne3A_580 = arith.constant 0 : i32
      %ne3A_581 = vector.broadcast %ne3A_580 : i32 to vector<16xi32>
      %ne3A_582 = arith.cmpi ne, %rem3A_579, %ne3A_581 : vector<16xi32>
      %and3A_583 = arith.andi %ne3A_577, %ne3A_582 : vector<16xi1>
      %sub3A_584 = arith.constant 1 : i32
      %sub3A_585 = vector.broadcast %sub3A_584 : i32 to vector<16xi32>
      %sub3A_586 = arith.subi %div3A_559, %sub3A_585 : vector<16xi32>
      %select_n3A_587 = arith.select %and3A_583, %sub3A_586, %div3A_559 : vector<16xi1>, vector<16xi32>
      %jit3A_588 = arith.constant 3 : i32
      %eq3A_589 = arith.constant 0 : i32
      %eq3A_590 = arith.cmpi eq, %jit3A_588, %eq3A_589 : i32
      %jit3A_591 = arith.constant 1 : i32
      %select_n3A_592 = arith.select %eq3A_590, %jit3A_591, %jit3A_588 : i32
      %rem3A_593 = vector.broadcast %select_n3A_592 : i32 to vector<16xi32>
      %rem3A_594 = arith.remsi %select_n3A_587, %rem3A_593 : vector<16xi32>
      %ne3A_595 = arith.constant 0 : i32
      %ne3A_596 = vector.broadcast %ne3A_595 : i32 to vector<16xi32>
      %ne3A_597 = arith.cmpi ne, %rem3A_594, %ne3A_596 : vector<16xi32>
      %lt3A_598 = arith.constant 0 : i32
      %lt3A_599 = vector.broadcast %lt3A_598 : i32 to vector<16xi32>
      %lt3A_600 = arith.cmpi slt, %rem3A_594, %lt3A_599 : vector<16xi32>
      %lt3A_601 = arith.constant 0 : i32
      %lt3A_602 = arith.cmpi slt, %select_n3A_592, %lt3A_601 : i32
      %ne3A_603 = vector.broadcast %lt3A_602 : i1 to vector<16xi1>
      %ne3A_604 = vector.broadcast %ne3A_603 : vector<16xi1> to vector<16xi1>
      %ne3A_605 = arith.xori %lt3A_600, %ne3A_604 : vector<16xi1>
      %and3A_606 = arith.andi %ne3A_605, %ne3A_597 : vector<16xi1>
      %add3A_607 = vector.broadcast %select_n3A_592 : i32 to vector<16xi32>
      %add3A_608 = arith.addi %rem3A_594, %add3A_607 : vector<16xi32>
      %select_n3A_609 = arith.select %and3A_606, %add3A_608, %rem3A_594 : vector<16xi1>, vector<16xi32>
      %mul3A_610 = arith.constant 2 : i32
      %mul3A_611 = vector.broadcast %mul3A_610 : i32 to vector<16xi32>
      %mul3A_612 = arith.muli %mul3A_611, %select_n3A_609 : vector<16xi32>
      %add3A_613 = arith.constant 16 : i32
      %add3A_614 = vector.broadcast %add3A_613 : i32 to vector<16xi32>
      %add3A_615 = arith.addi %add3A_614, %mul3A_612 : vector<16xi32>
      %gather3A_616 = tpu.vector_load_idx %arg14[%add3A_615] : memref<32xf32, #tpu.memory_space<vmem>>[vector<16xi32>], vector<16xf32>,
      %mul3A_617 = arith.constant 2 : i32
      %mul3A_618 = vector.broadcast %mul3A_617 : i32 to vector<16xi32>
      %mul3A_619 = arith.muli %mul3A_618, %select_n3A_609 : vector<16xi32>
      %add3A_620 = arith.constant 16 : i32
      %add3A_621 = vector.broadcast %add3A_620 : i32 to vector<16xi32>
      %add3A_622 = arith.addi %add3A_621, %mul3A_619 : vector<16xi32>
      %add3A_623 = arith.constant 1 : i32
      %add3A_624 = vector.broadcast %add3A_623 : i32 to vector<16xi32>
      %add3A_625 = arith.addi %add3A_622, %add3A_624 : vector<16xi32>
      %gather3A_626 = tpu.vector_load_idx %arg14[%add3A_625] : memref<32xf32, #tpu.memory_space<vmem>>[vector<16xi32>], vector<16xf32>,
      %neg3A_627 = arith.constant 0.000000e+00 : f32
      %neg3A_628 = vector.broadcast %neg3A_627 : f32 to vector<16xf32>
      %neg3A_629 = arith.subf %neg3A_628, %get3A_548 : vector<16xf32>
      %exp3A_630 = math.exp %neg3A_629 : vector<16xf32>
      %add3A_631 = arith.constant 1.000000e+00 : f32
      %add3A_632 = vector.broadcast %add3A_631 : f32 to vector<16xf32>
      %add3A_633 = arith.addf %add3A_632, %exp3A_630 : vector<16xf32>
      %div3A_634 = arith.constant 1.000000e+00 : f32
      %div3A_635 = vector.broadcast %div3A_634 : f32 to vector<16xf32>
      %div3A_636 = arith.divf %div3A_635, %add3A_633 : vector<16xf32>
      %neg3A_637 = arith.constant 0.000000e+00 : f32
      %neg3A_638 = vector.broadcast %neg3A_637 : f32 to vector<16xf32>
      %neg3A_639 = arith.subf %neg3A_638, %get3A_550 : vector<16xf32>
      %exp3A_640 = math.exp %neg3A_639 : vector<16xf32>
      %add3A_641 = arith.constant 1.000000e+00 : f32
      %add3A_642 = vector.broadcast %add3A_641 : f32 to vector<16xf32>
      %add3A_643 = arith.addf %add3A_642, %exp3A_640 : vector<16xf32>
      %div3A_644 = arith.constant 1.000000e+00 : f32
      %div3A_645 = vector.broadcast %div3A_644 : f32 to vector<16xf32>
      %div3A_646 = arith.divf %div3A_645, %add3A_643 : vector<16xf32>
      %mul3A_647 = arith.mulf %gather3A_542, %gather3A_616 : vector<16xf32>
      %add3A_648 = arith.constant 1.000000e-16 : f32
      %add3A_649 = vector.broadcast %add3A_648 : f32 to vector<16xf32>
      %add3A_650 = arith.addf %add3A_649, %mul3A_647 : vector<16xf32>
      %bitcast3A_651 = vector.bitcast %add3A_650 : vector<16xf32> to vector<16xi32>
      %shift_right_logical3A_652 = arith.constant 23 : i32
      %shift_right_logical3A_653 = vector.broadcast %shift_right_logical3A_652 : i32 to vector<16xi32>
      %shift_right_logical3A_654 = arith.shrui %bitcast3A_651, %shift_right_logical3A_653 : vector<16xi32>
      %sub3A_655 = arith.constant 127 : i32
      %sub3A_656 = vector.broadcast %sub3A_655 : i32 to vector<16xi32>
      %sub3A_657 = arith.subi %shift_right_logical3A_654, %sub3A_656 : vector<16xi32>
      %and3A_658 = arith.constant 8388607 : i32
      %and3A_659 = vector.broadcast %and3A_658 : i32 to vector<16xi32>
      %and3A_660 = arith.andi %bitcast3A_651, %and3A_659 : vector<16xi32>
      %or3A_661 = arith.constant 1065353216 : i32
      %or3A_662 = vector.broadcast %or3A_661 : i32 to vector<16xi32>
      %or3A_663 = arith.ori %and3A_660, %or3A_662 : vector<16xi32>
      %bitcast3A_664 = vector.bitcast %or3A_663 : vector<16xi32> to vector<16xf32>
      %ge3A_665 = arith.constant 1.41421354 : f32
      %ge3A_666 = vector.broadcast %ge3A_665 : f32 to vector<16xf32>
      %ge3A_667 = arith.cmpf oge, %bitcast3A_664, %ge3A_666 : vector<16xf32>
      %mul3A_668 = arith.constant 5.000000e-01 : f32
      %mul3A_669 = vector.broadcast %mul3A_668 : f32 to vector<16xf32>
      %mul3A_670 = arith.mulf %bitcast3A_664, %mul3A_669 : vector<16xf32>
      %select_n3A_671 = arith.select %ge3A_667, %mul3A_670, %bitcast3A_664 : vector<16xi1>, vector<16xf32>
      %jit3A_672 = arith.constant 1 : i32
      %jit3A_673 = arith.constant 0 : i32
      %broadcast_in_dim3A_674 = vector.broadcast %jit3A_672 : i32 to vector<16xi32>
      %broadcast_in_dim3A_675 = vector.broadcast %jit3A_673 : i32 to vector<16xi32>
      %select_n3A_676 = arith.select %ge3A_667, %broadcast_in_dim3A_674, %broadcast_in_dim3A_675 : vector<16xi1>, vector<16xi32>
      %add3A_677 = arith.addi %sub3A_657, %select_n3A_676 : vector<16xi32>
      %sub3A_678 = arith.constant 1.000000e+00 : f32
      %sub3A_679 = vector.broadcast %sub3A_678 : f32 to vector<16xf32>
      %sub3A_680 = arith.subf %select_n3A_671, %sub3A_679 : vector<16xf32>
      %add3A_681 = arith.constant 1.000000e+00 : f32
      %add3A_682 = vector.broadcast %add3A_681 : f32 to vector<16xf32>
      %add3A_683 = arith.addf %select_n3A_671, %add3A_682 : vector<16xf32>
      %div3A_684 = arith.divf %sub3A_680, %add3A_683 : vector<16xf32>
      %mul3A_685 = arith.mulf %div3A_684, %div3A_684 : vector<16xf32>
      %mul3A_686 = arith.constant 0.111111112 : f32
      %mul3A_687 = vector.broadcast %mul3A_686 : f32 to vector<16xf32>
      %mul3A_688 = arith.mulf %mul3A_685, %mul3A_687 : vector<16xf32>
      %add3A_689 = arith.constant 0.142857149 : f32
      %add3A_690 = vector.broadcast %add3A_689 : f32 to vector<16xf32>
      %add3A_691 = arith.addf %add3A_690, %mul3A_688 : vector<16xf32>
      %mul3A_692 = arith.mulf %mul3A_685, %add3A_691 : vector<16xf32>
      %add3A_693 = arith.constant 2.000000e-01 : f32
      %add3A_694 = vector.broadcast %add3A_693 : f32 to vector<16xf32>
      %add3A_695 = arith.addf %add3A_694, %mul3A_692 : vector<16xf32>
      %mul3A_696 = arith.mulf %mul3A_685, %add3A_695 : vector<16xf32>
      %add3A_697 = arith.constant 0.333333343 : f32
      %add3A_698 = vector.broadcast %add3A_697 : f32 to vector<16xf32>
      %add3A_699 = arith.addf %add3A_698, %mul3A_696 : vector<16xf32>
      %mul3A_700 = arith.mulf %mul3A_685, %add3A_699 : vector<16xf32>
      %add3A_701 = arith.constant 1.000000e+00 : f32
      %add3A_702 = vector.broadcast %add3A_701 : f32 to vector<16xf32>
      %add3A_703 = arith.addf %add3A_702, %mul3A_700 : vector<16xf32>
      %convert_element_type3A_704 = arith.sitofp %add3A_677 : vector<16xi32> to vector<16xf32>
      %mul3A_705 = arith.constant 0.693147182 : f32
      %mul3A_706 = vector.broadcast %mul3A_705 : f32 to vector<16xf32>
      %mul3A_707 = arith.mulf %convert_element_type3A_704, %mul3A_706 : vector<16xf32>
      %mul3A_708 = arith.constant 2.000000e+00 : f32
      %mul3A_709 = vector.broadcast %mul3A_708 : f32 to vector<16xf32>
      %mul3A_710 = arith.mulf %mul3A_709, %div3A_684 : vector<16xf32>
      %mul3A_711 = arith.mulf %mul3A_710, %add3A_703 : vector<16xf32>
      %add3A_712 = arith.addf %mul3A_707, %mul3A_711 : vector<16xf32>
      %mul3A_713 = arith.mulf %gather3A_546, %gather3A_626 : vector<16xf32>
      %add3A_714 = arith.constant 1.000000e-16 : f32
      %add3A_715 = vector.broadcast %add3A_714 : f32 to vector<16xf32>
      %add3A_716 = arith.addf %add3A_715, %mul3A_713 : vector<16xf32>
      %bitcast3A_717 = vector.bitcast %add3A_716 : vector<16xf32> to vector<16xi32>
      %shift_right_logical3A_718 = arith.constant 23 : i32
      %shift_right_logical3A_719 = vector.broadcast %shift_right_logical3A_718 : i32 to vector<16xi32>
      %shift_right_logical3A_720 = arith.shrui %bitcast3A_717, %shift_right_logical3A_719 : vector<16xi32>
      %sub3A_721 = arith.constant 127 : i32
      %sub3A_722 = vector.broadcast %sub3A_721 : i32 to vector<16xi32>
      %sub3A_723 = arith.subi %shift_right_logical3A_720, %sub3A_722 : vector<16xi32>
      %and3A_724 = arith.constant 8388607 : i32
      %and3A_725 = vector.broadcast %and3A_724 : i32 to vector<16xi32>
      %and3A_726 = arith.andi %bitcast3A_717, %and3A_725 : vector<16xi32>
      %or3A_727 = arith.constant 1065353216 : i32
      %or3A_728 = vector.broadcast %or3A_727 : i32 to vector<16xi32>
      %or3A_729 = arith.ori %and3A_726, %or3A_728 : vector<16xi32>
      %bitcast3A_730 = vector.bitcast %or3A_729 : vector<16xi32> to vector<16xf32>
      %ge3A_731 = arith.constant 1.41421354 : f32
      %ge3A_732 = vector.broadcast %ge3A_731 : f32 to vector<16xf32>
      %ge3A_733 = arith.cmpf oge, %bitcast3A_730, %ge3A_732 : vector<16xf32>
      %mul3A_734 = arith.constant 5.000000e-01 : f32
      %mul3A_735 = vector.broadcast %mul3A_734 : f32 to vector<16xf32>
      %mul3A_736 = arith.mulf %bitcast3A_730, %mul3A_735 : vector<16xf32>
      %select_n3A_737 = arith.select %ge3A_733, %mul3A_736, %bitcast3A_730 : vector<16xi1>, vector<16xf32>
      %jit3A_738 = arith.constant 1 : i32
      %jit3A_739 = arith.constant 0 : i32
      %broadcast_in_dim3A_740 = vector.broadcast %jit3A_738 : i32 to vector<16xi32>
      %broadcast_in_dim3A_741 = vector.broadcast %jit3A_739 : i32 to vector<16xi32>
      %select_n3A_742 = arith.select %ge3A_733, %broadcast_in_dim3A_740, %broadcast_in_dim3A_741 : vector<16xi1>, vector<16xi32>
      %add3A_743 = arith.addi %sub3A_723, %select_n3A_742 : vector<16xi32>
      %sub3A_744 = arith.constant 1.000000e+00 : f32
      %sub3A_745 = vector.broadcast %sub3A_744 : f32 to vector<16xf32>
      %sub3A_746 = arith.subf %select_n3A_737, %sub3A_745 : vector<16xf32>
      %add3A_747 = arith.constant 1.000000e+00 : f32
      %add3A_748 = vector.broadcast %add3A_747 : f32 to vector<16xf32>
      %add3A_749 = arith.addf %select_n3A_737, %add3A_748 : vector<16xf32>
      %div3A_750 = arith.divf %sub3A_746, %add3A_749 : vector<16xf32>
      %mul3A_751 = arith.mulf %div3A_750, %div3A_750 : vector<16xf32>
      %mul3A_752 = arith.constant 0.111111112 : f32
      %mul3A_753 = vector.broadcast %mul3A_752 : f32 to vector<16xf32>
      %mul3A_754 = arith.mulf %mul3A_751, %mul3A_753 : vector<16xf32>
      %add3A_755 = arith.constant 0.142857149 : f32
      %add3A_756 = vector.broadcast %add3A_755 : f32 to vector<16xf32>
      %add3A_757 = arith.addf %add3A_756, %mul3A_754 : vector<16xf32>
      %mul3A_758 = arith.mulf %mul3A_751, %add3A_757 : vector<16xf32>
      %add3A_759 = arith.constant 2.000000e-01 : f32
      %add3A_760 = vector.broadcast %add3A_759 : f32 to vector<16xf32>
      %add3A_761 = arith.addf %add3A_760, %mul3A_758 : vector<16xf32>
      %mul3A_762 = arith.mulf %mul3A_751, %add3A_761 : vector<16xf32>
      %add3A_763 = arith.constant 0.333333343 : f32
      %add3A_764 = vector.broadcast %add3A_763 : f32 to vector<16xf32>
      %add3A_765 = arith.addf %add3A_764, %mul3A_762 : vector<16xf32>
      %mul3A_766 = arith.mulf %mul3A_751, %add3A_765 : vector<16xf32>
      %add3A_767 = arith.constant 1.000000e+00 : f32
      %add3A_768 = vector.broadcast %add3A_767 : f32 to vector<16xf32>
      %add3A_769 = arith.addf %add3A_768, %mul3A_766 : vector<16xf32>
      %convert_element_type3A_770 = arith.sitofp %add3A_743 : vector<16xi32> to vector<16xf32>
      %mul3A_771 = arith.constant 0.693147182 : f32
      %mul3A_772 = vector.broadcast %mul3A_771 : f32 to vector<16xf32>
      %mul3A_773 = arith.mulf %convert_element_type3A_770, %mul3A_772 : vector<16xf32>
      %mul3A_774 = arith.constant 2.000000e+00 : f32
      %mul3A_775 = vector.broadcast %mul3A_774 : f32 to vector<16xf32>
      %mul3A_776 = arith.mulf %mul3A_775, %div3A_750 : vector<16xf32>
      %mul3A_777 = arith.mulf %mul3A_776, %add3A_769 : vector<16xf32>
      %add3A_778 = arith.addf %mul3A_773, %mul3A_777 : vector<16xf32>
      %sub3A_779 = arith.subf %div3A_636, %gather3A_534 : vector<16xf32>
      %sub3A_780 = arith.subf %div3A_646, %gather3A_538 : vector<16xf32>
      %sub3A_781 = arith.subf %get3A_552, %add3A_712 : vector<16xf32>
      %sub3A_782 = arith.subf %get3A_554, %add3A_778 : vector<16xf32>
      %mul3A_783 = arith.mulf %sub3A_779, %sub3A_779 : vector<16xf32>
      %mul3A_784 = arith.mulf %sub3A_780, %sub3A_780 : vector<16xf32>
      %add3A_785 = arith.addf %mul3A_783, %mul3A_784 : vector<16xf32>
      %mul3A_786 = arith.mulf %sub3A_781, %sub3A_781 : vector<16xf32>
      %add3A_787 = arith.addf %add3A_785, %mul3A_786 : vector<16xf32>
      %mul3A_788 = arith.mulf %sub3A_782, %sub3A_782 : vector<16xf32>
      %add3A_789 = arith.addf %add3A_787, %mul3A_788 : vector<16xf32>
      %jit3A_790 = arith.constant 0.000000e+00 : f32
      %broadcast_in_dim3A_791 = vector.broadcast %jit3A_790 : f32 to vector<16xf32>
      %select_n3A_792 = arith.select %lt3A_238, %add3A_789, %broadcast_in_dim3A_791 : vector<16xi1>, vector<16xf32>
      %add3A_793 = arith.addf %add3A_527, %select_n3A_792 : vector<16xf32>
      scf.yield %add3A_793 : vector<16xf32>
    }
    %while3A_185 = arith.constant 1 : i32
    %while3A_186 = scf.for %while3A_194 = %while3A_182 to %while3A_178 step %while3A_185 iter_args(%while3A_195 = %while3A_184) -> (vector<16xf32>)  : i32 {
      %mul3A_196 = arith.constant 32 : i32
      %mul3A_197 = arith.muli %while3A_194, %mul3A_196 : i32
      %add3A_198 = arith.constant 0 : i32
      %add3A_199 = arith.addi %mul3A_197, %add3A_198 : i32
      %add3A_200 = vector.broadcast %add3A_199 : i32 to vector<16xi32>
      %add3A_201 = arith.addi %add3A_200, %iota3A_124 : vector<16xi32>
      %lt3A = vector.broadcast %reduce_max3A_147 : i32 to vector<16xi32>
      %lt3A_202 = arith.cmpi slt, %add3A_201, %lt3A : vector<16xi32>
      %gather3A = tpu.vector_load_idx %arg11[%add3A_201] : memref<8192xi32, #tpu.memory_space<vmem>>[vector<16xi32>], vector<16xi32>,
      %jit3A_203 = arith.constant 0 : i32
      %broadcast_in_dim3A_204 = vector.broadcast %jit3A_203 : i32 to vector<16xi32>
      %select_n3A_205 = arith.select %lt3A_202, %gather3A, %broadcast_in_dim3A_204 : vector<16xi1>, vector<16xi32>
      %add3A_206 = vector.broadcast %min3A_128 : i32 to vector<16xi32>
      %add3A_207 = arith.addi %add3A_206, %select_n3A_205 : vector<16xi32>
      %mul3A_208 = arith.constant 4 : i32
      %mul3A_209 = vector.broadcast %mul3A_208 : i32 to vector<16xi32>
      %mul3A_210 = arith.muli %add3A_207, %mul3A_209 : vector<16xi32>
      %add3A_211 = arith.constant 0 : i32
      %add3A_212 = vector.broadcast %add3A_211 : i32 to vector<16xi32>
      %add3A_213 = arith.addi %mul3A_210, %add3A_212 : vector<16xi32>
      %swap3A_214 = arith.constant 0 : index
      %swap3A_215 = tpu.vector_load %arg12[%swap3A_214] {strides = array<i32>} : memref<128xi32, #tpu.memory_space<vmem>>, vector<16xi32>,
      tpu.vector_store %arg12[%swap3A_214], %add3A_213 {strides = array<i32>} : memref<128xi32, #tpu.memory_space<vmem>>, vector<16xi32>,
      %add3A_216 = arith.constant 1 : i32
      %add3A_217 = vector.broadcast %add3A_216 : i32 to vector<16xi32>
      %add3A_218 = arith.addi %mul3A_210, %add3A_217 : vector<16xi32>
      %swap3A_219 = arith.constant 32 : index
      %swap3A_220 = tpu.vector_load %arg12[%swap3A_219] {strides = array<i32>} : memref<128xi32, #tpu.memory_space<vmem>>, vector<16xi32>,
      tpu.vector_store %arg12[%swap3A_219], %add3A_218 {strides = array<i32>} : memref<128xi32, #tpu.memory_space<vmem>>, vector<16xi32>,
      %add3A_221 = arith.constant 2 : i32
      %add3A_222 = vector.broadcast %add3A_221 : i32 to vector<16xi32>
      %add3A_223 = arith.addi %mul3A_210, %add3A_222 : vector<16xi32>
      %swap3A_224 = arith.constant 64 : index
      %swap3A_225 = tpu.vector_load %arg12[%swap3A_224] {strides = array<i32>} : memref<128xi32, #tpu.memory_space<vmem>>, vector<16xi32>,
      tpu.vector_store %arg12[%swap3A_224], %add3A_223 {strides = array<i32>} : memref<128xi32, #tpu.memory_space<vmem>>, vector<16xi32>,
      %add3A_226 = arith.constant 3 : i32
      %add3A_227 = vector.broadcast %add3A_226 : i32 to vector<16xi32>
      %add3A_228 = arith.addi %mul3A_210, %add3A_227 : vector<16xi32>
      %swap3A_229 = arith.constant 96 : index
      %swap3A_230 = tpu.vector_load %arg12[%swap3A_229] {strides = array<i32>} : memref<128xi32, #tpu.memory_space<vmem>>, vector<16xi32>,
      tpu.vector_store %arg12[%swap3A_229], %add3A_228 {strides = array<i32>} : memref<128xi32, #tpu.memory_space<vmem>>, vector<16xi32>,
      %mul3A_231 = arith.constant 32 : i32
      %mul3A_232 = arith.muli %while3A_194, %mul3A_231 : i32
      %add3A_233 = arith.constant 16 : i32
      %add3A_234 = arith.addi %mul3A_232, %add3A_233 : i32
      %add3A_235 = vector.broadcast %add3A_234 : i32 to vector<16xi32>
      %add3A_236 = arith.addi %add3A_235, %iota3A_124 : vector<16xi32>
      %lt3A_237 = vector.broadcast %reduce_max3A_147 : i32 to vector<16xi32>
      %lt3A_238 = arith.cmpi slt, %add3A_236, %lt3A_237 : vector<16xi32>
      %gather3A_239 = tpu.vector_load_idx %arg11[%add3A_236] : memref<8192xi32, #tpu.memory_space<vmem>>[vector<16xi32>], vector<16xi32>,
      %jit3A_240 = arith.constant 0 : i32
      %broadcast_in_dim3A_241 = vector.broadcast %jit3A_240 : i32 to vector<16xi32>
      %select_n3A_242 = arith.select %lt3A_238, %gather3A_239, %broadcast_in_dim3A_241 : vector<16xi1>, vector<16xi32>
      %add3A_243 = vector.broadcast %min3A_128 : i32 to vector<16xi32>
      %add3A_244 = arith.addi %add3A_243, %select_n3A_242 : vector<16xi32>
      %mul3A_245 = arith.constant 4 : i32
      %mul3A_246 = vector.broadcast %mul3A_245 : i32 to vector<16xi32>
      %mul3A_247 = arith.muli %add3A_244, %mul3A_246 : vector<16xi32>
      %add3A_248 = arith.constant 0 : i32
      %add3A_249 = vector.broadcast %add3A_248 : i32 to vector<16xi32>
      %add3A_250 = arith.addi %mul3A_247, %add3A_249 : vector<16xi32>
      %swap3A_251 = arith.constant 16 : index
      %swap3A_252 = tpu.vector_load %arg12[%swap3A_251] {strides = array<i32>} : memref<128xi32, #tpu.memory_space<vmem>>, vector<16xi32>,
      tpu.vector_store %arg12[%swap3A_251], %add3A_250 {strides = array<i32>} : memref<128xi32, #tpu.memory_space<vmem>>, vector<16xi32>,
      %add3A_253 = arith.constant 1 : i32
      %add3A_254 = vector.broadcast %add3A_253 : i32 to vector<16xi32>
      %add3A_255 = arith.addi %mul3A_247, %add3A_254 : vector<16xi32>
      %swap3A_256 = arith.constant 48 : index
      %swap3A_257 = tpu.vector_load %arg12[%swap3A_256] {strides = array<i32>} : memref<128xi32, #tpu.memory_space<vmem>>, vector<16xi32>,
      tpu.vector_store %arg12[%swap3A_256], %add3A_255 {strides = array<i32>} : memref<128xi32, #tpu.memory_space<vmem>>, vector<16xi32>,
      %add3A_258 = arith.constant 2 : i32
      %add3A_259 = vector.broadcast %add3A_258 : i32 to vector<16xi32>
      %add3A_260 = arith.addi %mul3A_247, %add3A_259 : vector<16xi32>
      %swap3A_261 = arith.constant 80 : index
      %swap3A_262 = tpu.vector_load %arg12[%swap3A_261] {strides = array<i32>} : memref<128xi32, #tpu.memory_space<vmem>>, vector<16xi32>,
      tpu.vector_store %arg12[%swap3A_261], %add3A_260 {strides = array<i32>} : memref<128xi32, #tpu.memory_space<vmem>>, vector<16xi32>,
      %add3A_263 = arith.constant 3 : i32
      %add3A_264 = vector.broadcast %add3A_263 : i32 to vector<16xi32>
      %add3A_265 = arith.addi %mul3A_247, %add3A_264 : vector<16xi32>
      %swap3A_266 = arith.constant 112 : index
      %swap3A_267 = tpu.vector_load %arg12[%swap3A_266] {strides = array<i32>} : memref<128xi32, #tpu.memory_space<vmem>>, vector<16xi32>,
      tpu.vector_store %arg12[%swap3A_266], %add3A_265 {strides = array<i32>} : memref<128xi32, #tpu.memory_space<vmem>>, vector<16xi32>,
      %dma_start3A = arith.constant 0 : i32
      %dma_start3A_268 = tpu.memref_slice %arg4[%dma_start3A] : memref<259584xf32, #tpu.memory_space<hbm>> -> memref<259584xf32, #tpu.memory_space<hbm>>
      tpu.enqueue_indirect_dma source(%dma_start3A_268 : memref<259584xf32, #tpu.memory_space<hbm>>) target(%arg13 : memref<128xf32, #tpu.memory_space<vmem>>) offsets(%arg12 : memref<128xi32, #tpu.memory_space<vmem>>) semaphore(%arg16 : memref<!tpu.dma_semaphore, #tpu.memory_space<semaphore_mem>>)
      %dma_wait3A = arith.constant 0 : i32
      %dma_wait3A_269 = tpu.memref_slice %arg4[%dma_wait3A] : memref<259584xf32, #tpu.memory_space<hbm>> -> memref<259584xf32, #tpu.memory_space<hbm>>
      tpu.wait_indirect_dma semaphore(%arg16 : memref<!tpu.dma_semaphore, #tpu.memory_space<semaphore_mem>>) src(%dma_wait3A_269 : memref<259584xf32, #tpu.memory_space<hbm>>) dst(%arg13 : memref<128xf32, #tpu.memory_space<vmem>>)
      %mul3A_270 = arith.constant 6 : i32
      %mul3A_271 = vector.broadcast %mul3A_270 : i32 to vector<16xi32>
      %mul3A_272 = arith.muli %select_n3A_205, %mul3A_271 : vector<16xi32>
      %add3A_273 = arith.constant 1 : i32
      %add3A_274 = vector.broadcast %add3A_273 : i32 to vector<16xi32>
      %add3A_275 = arith.addi %mul3A_272, %add3A_274 : vector<16xi32>
      %gather3A_276 = tpu.vector_load_idx %arg10[%add3A_275] : memref<48672xf32, #tpu.memory_space<vmem>>[vector<16xi32>], vector<16xf32>,
      %add3A_277 = arith.constant 2 : i32
      %add3A_278 = vector.broadcast %add3A_277 : i32 to vector<16xi32>
      %add3A_279 = arith.addi %mul3A_272, %add3A_278 : vector<16xi32>
      %gather3A_280 = tpu.vector_load_idx %arg10[%add3A_279] : memref<48672xf32, #tpu.memory_space<vmem>>[vector<16xi32>], vector<16xf32>,
      %add3A_281 = arith.constant 3 : i32
      %add3A_282 = vector.broadcast %add3A_281 : i32 to vector<16xi32>
      %add3A_283 = arith.addi %mul3A_272, %add3A_282 : vector<16xi32>
      %gather3A_284 = tpu.vector_load_idx %arg10[%add3A_283] : memref<48672xf32, #tpu.memory_space<vmem>>[vector<16xi32>], vector<16xf32>,
      %add3A_285 = arith.constant 4 : i32
      %add3A_286 = vector.broadcast %add3A_285 : i32 to vector<16xi32>
      %add3A_287 = arith.addi %mul3A_272, %add3A_286 : vector<16xi32>
      %gather3A_288 = tpu.vector_load_idx %arg10[%add3A_287] : memref<48672xf32, #tpu.memory_space<vmem>>[vector<16xi32>], vector<16xf32>,
      %get3A = arith.constant 0 : index
      %get3A_289 = tpu.vector_load %arg13[%get3A] {strides = array<i32>} : memref<128xf32, #tpu.memory_space<vmem>>, vector<16xf32>,
      %get3A_290 = arith.constant 32 : index
      %get3A_291 = tpu.vector_load %arg13[%get3A_290] {strides = array<i32>} : memref<128xf32, #tpu.memory_space<vmem>>, vector<16xf32>,
      %get3A_292 = arith.constant 64 : index
      %get3A_293 = tpu.vector_load %arg13[%get3A_292] {strides = array<i32>} : memref<128xf32, #tpu.memory_space<vmem>>, vector<16xf32>,
      %get3A_294 = arith.constant 96 : index
      %get3A_295 = tpu.vector_load %arg13[%get3A_294] {strides = array<i32>} : memref<128xf32, #tpu.memory_space<vmem>>, vector<16xf32>,
      %add3A_296 = vector.broadcast %min3A_128 : i32 to vector<16xi32>
      %add3A_297 = arith.addi %add3A_296, %select_n3A_205 : vector<16xi32>
      %jit3A_298 = arith.constant 2704 : i32
      %div3A_299 = vector.broadcast %jit3A_298 : i32 to vector<16xi32>
      %div3A_300 = arith.divsi %add3A_297, %div3A_299 : vector<16xi32>
      %sign3A_301 = arith.constant 0 : i32
      %sign3A_302 = vector.broadcast %sign3A_301 : i32 to vector<16xi32>
      %sign3A_303 = arith.cmpi sgt, %add3A_297, %sign3A_302 : vector<16xi32>
      %sign3A_304 = arith.extui %sign3A_303 : vector<16xi1> to vector<16xi32>
      %sign3A_305 = arith.constant 0 : i32
      %sign3A_306 = vector.broadcast %sign3A_305 : i32 to vector<16xi32>
      %sign3A_307 = arith.cmpi slt, %add3A_297, %sign3A_306 : vector<16xi32>
      %sign3A_308 = arith.extui %sign3A_307 : vector<16xi1> to vector<16xi32>
      %sign3A_309 = arith.subi %sign3A_304, %sign3A_308 : vector<16xi32>
      %sign3A_310 = arith.constant 0 : i32
      %sign3A_311 = arith.cmpi sgt, %jit3A_298, %sign3A_310 : i32
      %sign3A_312 = arith.extui %sign3A_311 : i1 to i32
      %sign3A_313 = arith.constant 0 : i32
      %sign3A_314 = arith.cmpi slt, %jit3A_298, %sign3A_313 : i32
      %sign3A_315 = arith.extui %sign3A_314 : i1 to i32
      %sign3A_316 = arith.subi %sign3A_312, %sign3A_315 : i32
      %ne3A_317 = vector.broadcast %sign3A_316 : i32 to vector<16xi32>
      %ne3A_318 = arith.cmpi ne, %sign3A_309, %ne3A_317 : vector<16xi32>
      %rem3A_319 = vector.broadcast %jit3A_298 : i32 to vector<16xi32>
      %rem3A_320 = arith.remsi %add3A_297, %rem3A_319 : vector<16xi32>
      %ne3A_321 = arith.constant 0 : i32
      %ne3A_322 = vector.broadcast %ne3A_321 : i32 to vector<16xi32>
      %ne3A_323 = arith.cmpi ne, %rem3A_320, %ne3A_322 : vector<16xi32>
      %and3A_324 = arith.andi %ne3A_318, %ne3A_323 : vector<16xi1>
      %sub3A_325 = arith.constant 1 : i32
      %sub3A_326 = vector.broadcast %sub3A_325 : i32 to vector<16xi32>
      %sub3A_327 = arith.subi %div3A_300, %sub3A_326 : vector<16xi32>
      %select_n3A_328 = arith.select %and3A_324, %sub3A_327, %div3A_300 : vector<16xi1>, vector<16xi32>
      %jit3A_329 = arith.constant 3 : i32
      %eq3A = arith.constant 0 : i32
      %eq3A_330 = arith.cmpi eq, %jit3A_329, %eq3A : i32
      %jit3A_331 = arith.constant 1 : i32
      %select_n3A_332 = arith.select %eq3A_330, %jit3A_331, %jit3A_329 : i32
      %rem3A_333 = vector.broadcast %select_n3A_332 : i32 to vector<16xi32>
      %rem3A_334 = arith.remsi %select_n3A_328, %rem3A_333 : vector<16xi32>
      %ne3A_335 = arith.constant 0 : i32
      %ne3A_336 = vector.broadcast %ne3A_335 : i32 to vector<16xi32>
      %ne3A_337 = arith.cmpi ne, %rem3A_334, %ne3A_336 : vector<16xi32>
      %lt3A_338 = arith.constant 0 : i32
      %lt3A_339 = vector.broadcast %lt3A_338 : i32 to vector<16xi32>
      %lt3A_340 = arith.cmpi slt, %rem3A_334, %lt3A_339 : vector<16xi32>
      %lt3A_341 = arith.constant 0 : i32
      %lt3A_342 = arith.cmpi slt, %select_n3A_332, %lt3A_341 : i32
      %ne3A_343 = vector.broadcast %lt3A_342 : i1 to vector<16xi1>
      %ne3A_344 = vector.broadcast %ne3A_343 : vector<16xi1> to vector<16xi1>
      %ne3A_345 = arith.xori %lt3A_340, %ne3A_344 : vector<16xi1>
      %and3A_346 = arith.andi %ne3A_345, %ne3A_337 : vector<16xi1>
      %add3A_347 = vector.broadcast %select_n3A_332 : i32 to vector<16xi32>
      %add3A_348 = arith.addi %rem3A_334, %add3A_347 : vector<16xi32>
      %select_n3A_349 = arith.select %and3A_346, %add3A_348, %rem3A_334 : vector<16xi1>, vector<16xi32>
      %mul3A_350 = arith.constant 2 : i32
      %mul3A_351 = vector.broadcast %mul3A_350 : i32 to vector<16xi32>
      %mul3A_352 = arith.muli %mul3A_351, %select_n3A_349 : vector<16xi32>
      %add3A_353 = arith.constant 16 : i32
      %add3A_354 = vector.broadcast %add3A_353 : i32 to vector<16xi32>
      %add3A_355 = arith.addi %add3A_354, %mul3A_352 : vector<16xi32>
      %gather3A_356 = tpu.vector_load_idx %arg14[%add3A_355] : memref<32xf32, #tpu.memory_space<vmem>>[vector<16xi32>], vector<16xf32>,
      %mul3A_357 = arith.constant 2 : i32
      %mul3A_358 = vector.broadcast %mul3A_357 : i32 to vector<16xi32>
      %mul3A_359 = arith.muli %mul3A_358, %select_n3A_349 : vector<16xi32>
      %add3A_360 = arith.constant 16 : i32
      %add3A_361 = vector.broadcast %add3A_360 : i32 to vector<16xi32>
      %add3A_362 = arith.addi %add3A_361, %mul3A_359 : vector<16xi32>
      %add3A_363 = arith.constant 1 : i32
      %add3A_364 = vector.broadcast %add3A_363 : i32 to vector<16xi32>
      %add3A_365 = arith.addi %add3A_362, %add3A_364 : vector<16xi32>
      %gather3A_366 = tpu.vector_load_idx %arg14[%add3A_365] : memref<32xf32, #tpu.memory_space<vmem>>[vector<16xi32>], vector<16xf32>,
      %neg3A = arith.constant 0.000000e+00 : f32
      %neg3A_367 = vector.broadcast %neg3A : f32 to vector<16xf32>
      %neg3A_368 = arith.subf %neg3A_367, %get3A_289 : vector<16xf32>
      %exp3A = math.exp %neg3A_368 : vector<16xf32>
      %add3A_369 = arith.constant 1.000000e+00 : f32
      %add3A_370 = vector.broadcast %add3A_369 : f32 to vector<16xf32>
      %add3A_371 = arith.addf %add3A_370, %exp3A : vector<16xf32>
      %div3A_372 = arith.constant 1.000000e+00 : f32
      %div3A_373 = vector.broadcast %div3A_372 : f32 to vector<16xf32>
      %div3A_374 = arith.divf %div3A_373, %add3A_371 : vector<16xf32>
      %neg3A_375 = arith.constant 0.000000e+00 : f32
      %neg3A_376 = vector.broadcast %neg3A_375 : f32 to vector<16xf32>
      %neg3A_377 = arith.subf %neg3A_376, %get3A_291 : vector<16xf32>
      %exp3A_378 = math.exp %neg3A_377 : vector<16xf32>
      %add3A_379 = arith.constant 1.000000e+00 : f32
      %add3A_380 = vector.broadcast %add3A_379 : f32 to vector<16xf32>
      %add3A_381 = arith.addf %add3A_380, %exp3A_378 : vector<16xf32>
      %div3A_382 = arith.constant 1.000000e+00 : f32
      %div3A_383 = vector.broadcast %div3A_382 : f32 to vector<16xf32>
      %div3A_384 = arith.divf %div3A_383, %add3A_381 : vector<16xf32>
      %mul3A_385 = arith.mulf %gather3A_284, %gather3A_356 : vector<16xf32>
      %add3A_386 = arith.constant 1.000000e-16 : f32
      %add3A_387 = vector.broadcast %add3A_386 : f32 to vector<16xf32>
      %add3A_388 = arith.addf %add3A_387, %mul3A_385 : vector<16xf32>
      %bitcast3A = vector.bitcast %add3A_388 : vector<16xf32> to vector<16xi32>
      %shift_right_logical3A = arith.constant 23 : i32
      %shift_right_logical3A_389 = vector.broadcast %shift_right_logical3A : i32 to vector<16xi32>
      %shift_right_logical3A_390 = arith.shrui %bitcast3A, %shift_right_logical3A_389 : vector<16xi32>
      %sub3A_391 = arith.constant 127 : i32
      %sub3A_392 = vector.broadcast %sub3A_391 : i32 to vector<16xi32>
      %sub3A_393 = arith.subi %shift_right_logical3A_390, %sub3A_392 : vector<16xi32>
      %and3A_394 = arith.constant 8388607 : i32
      %and3A_395 = vector.broadcast %and3A_394 : i32 to vector<16xi32>
      %and3A_396 = arith.andi %bitcast3A, %and3A_395 : vector<16xi32>
      %or3A = arith.constant 1065353216 : i32
      %or3A_397 = vector.broadcast %or3A : i32 to vector<16xi32>
      %or3A_398 = arith.ori %and3A_396, %or3A_397 : vector<16xi32>
      %bitcast3A_399 = vector.bitcast %or3A_398 : vector<16xi32> to vector<16xf32>
      %ge3A = arith.constant 1.41421354 : f32
      %ge3A_400 = vector.broadcast %ge3A : f32 to vector<16xf32>
      %ge3A_401 = arith.cmpf oge, %bitcast3A_399, %ge3A_400 : vector<16xf32>
      %mul3A_402 = arith.constant 5.000000e-01 : f32
      %mul3A_403 = vector.broadcast %mul3A_402 : f32 to vector<16xf32>
      %mul3A_404 = arith.mulf %bitcast3A_399, %mul3A_403 : vector<16xf32>
      %select_n3A_405 = arith.select %ge3A_401, %mul3A_404, %bitcast3A_399 : vector<16xi1>, vector<16xf32>
      %jit3A_406 = arith.constant 1 : i32
      %jit3A_407 = arith.constant 0 : i32
      %broadcast_in_dim3A_408 = vector.broadcast %jit3A_406 : i32 to vector<16xi32>
      %broadcast_in_dim3A_409 = vector.broadcast %jit3A_407 : i32 to vector<16xi32>
      %select_n3A_410 = arith.select %ge3A_401, %broadcast_in_dim3A_408, %broadcast_in_dim3A_409 : vector<16xi1>, vector<16xi32>
      %add3A_411 = arith.addi %sub3A_393, %select_n3A_410 : vector<16xi32>
      %sub3A_412 = arith.constant 1.000000e+00 : f32
      %sub3A_413 = vector.broadcast %sub3A_412 : f32 to vector<16xf32>
      %sub3A_414 = arith.subf %select_n3A_405, %sub3A_413 : vector<16xf32>
      %add3A_415 = arith.constant 1.000000e+00 : f32
      %add3A_416 = vector.broadcast %add3A_415 : f32 to vector<16xf32>
      %add3A_417 = arith.addf %select_n3A_405, %add3A_416 : vector<16xf32>
      %div3A_418 = arith.divf %sub3A_414, %add3A_417 : vector<16xf32>
      %mul3A_419 = arith.mulf %div3A_418, %div3A_418 : vector<16xf32>
      %mul3A_420 = arith.constant 0.111111112 : f32
      %mul3A_421 = vector.broadcast %mul3A_420 : f32 to vector<16xf32>
      %mul3A_422 = arith.mulf %mul3A_419, %mul3A_421 : vector<16xf32>
      %add3A_423 = arith.constant 0.142857149 : f32
      %add3A_424 = vector.broadcast %add3A_423 : f32 to vector<16xf32>
      %add3A_425 = arith.addf %add3A_424, %mul3A_422 : vector<16xf32>
      %mul3A_426 = arith.mulf %mul3A_419, %add3A_425 : vector<16xf32>
      %add3A_427 = arith.constant 2.000000e-01 : f32
      %add3A_428 = vector.broadcast %add3A_427 : f32 to vector<16xf32>
      %add3A_429 = arith.addf %add3A_428, %mul3A_426 : vector<16xf32>
      %mul3A_430 = arith.mulf %mul3A_419, %add3A_429 : vector<16xf32>
      %add3A_431 = arith.constant 0.333333343 : f32
      %add3A_432 = vector.broadcast %add3A_431 : f32 to vector<16xf32>
      %add3A_433 = arith.addf %add3A_432, %mul3A_430 : vector<16xf32>
      %mul3A_434 = arith.mulf %mul3A_419, %add3A_433 : vector<16xf32>
      %add3A_435 = arith.constant 1.000000e+00 : f32
      %add3A_436 = vector.broadcast %add3A_435 : f32 to vector<16xf32>
      %add3A_437 = arith.addf %add3A_436, %mul3A_434 : vector<16xf32>
      %convert_element_type3A_438 = arith.sitofp %add3A_411 : vector<16xi32> to vector<16xf32>
      %mul3A_439 = arith.constant 0.693147182 : f32
      %mul3A_440 = vector.broadcast %mul3A_439 : f32 to vector<16xf32>
      %mul3A_441 = arith.mulf %convert_element_type3A_438, %mul3A_440 : vector<16xf32>
      %mul3A_442 = arith.constant 2.000000e+00 : f32
      %mul3A_443 = vector.broadcast %mul3A_442 : f32 to vector<16xf32>
      %mul3A_444 = arith.mulf %mul3A_443, %div3A_418 : vector<16xf32>
      %mul3A_445 = arith.mulf %mul3A_444, %add3A_437 : vector<16xf32>
      %add3A_446 = arith.addf %mul3A_441, %mul3A_445 : vector<16xf32>
      %mul3A_447 = arith.mulf %gather3A_288, %gather3A_366 : vector<16xf32>
      %add3A_448 = arith.constant 1.000000e-16 : f32
      %add3A_449 = vector.broadcast %add3A_448 : f32 to vector<16xf32>
      %add3A_450 = arith.addf %add3A_449, %mul3A_447 : vector<16xf32>
      %bitcast3A_451 = vector.bitcast %add3A_450 : vector<16xf32> to vector<16xi32>
      %shift_right_logical3A_452 = arith.constant 23 : i32
      %shift_right_logical3A_453 = vector.broadcast %shift_right_logical3A_452 : i32 to vector<16xi32>
      %shift_right_logical3A_454 = arith.shrui %bitcast3A_451, %shift_right_logical3A_453 : vector<16xi32>
      %sub3A_455 = arith.constant 127 : i32
      %sub3A_456 = vector.broadcast %sub3A_455 : i32 to vector<16xi32>
      %sub3A_457 = arith.subi %shift_right_logical3A_454, %sub3A_456 : vector<16xi32>
      %and3A_458 = arith.constant 8388607 : i32
      %and3A_459 = vector.broadcast %and3A_458 : i32 to vector<16xi32>
      %and3A_460 = arith.andi %bitcast3A_451, %and3A_459 : vector<16xi32>
      %or3A_461 = arith.constant 1065353216 : i32
      %or3A_462 = vector.broadcast %or3A_461 : i32 to vector<16xi32>
      %or3A_463 = arith.ori %and3A_460, %or3A_462 : vector<16xi32>
      %bitcast3A_464 = vector.bitcast %or3A_463 : vector<16xi32> to vector<16xf32>
      %ge3A_465 = arith.constant 1.41421354 : f32
      %ge3A_466 = vector.broadcast %ge3A_465 : f32 to vector<16xf32>
      %ge3A_467 = arith.cmpf oge, %bitcast3A_464, %ge3A_466 : vector<16xf32>
      %mul3A_468 = arith.constant 5.000000e-01 : f32
      %mul3A_469 = vector.broadcast %mul3A_468 : f32 to vector<16xf32>
      %mul3A_470 = arith.mulf %bitcast3A_464, %mul3A_469 : vector<16xf32>
      %select_n3A_471 = arith.select %ge3A_467, %mul3A_470, %bitcast3A_464 : vector<16xi1>, vector<16xf32>
      %jit3A_472 = arith.constant 1 : i32
      %jit3A_473 = arith.constant 0 : i32
      %broadcast_in_dim3A_474 = vector.broadcast %jit3A_472 : i32 to vector<16xi32>
      %broadcast_in_dim3A_475 = vector.broadcast %jit3A_473 : i32 to vector<16xi32>
      %select_n3A_476 = arith.select %ge3A_467, %broadcast_in_dim3A_474, %broadcast_in_dim3A_475 : vector<16xi1>, vector<16xi32>
      %add3A_477 = arith.addi %sub3A_457, %select_n3A_476 : vector<16xi32>
      %sub3A_478 = arith.constant 1.000000e+00 : f32
      %sub3A_479 = vector.broadcast %sub3A_478 : f32 to vector<16xf32>
      %sub3A_480 = arith.subf %select_n3A_471, %sub3A_479 : vector<16xf32>
      %add3A_481 = arith.constant 1.000000e+00 : f32
      %add3A_482 = vector.broadcast %add3A_481 : f32 to vector<16xf32>
      %add3A_483 = arith.addf %select_n3A_471, %add3A_482 : vector<16xf32>
      %div3A_484 = arith.divf %sub3A_480, %add3A_483 : vector<16xf32>
      %mul3A_485 = arith.mulf %div3A_484, %div3A_484 : vector<16xf32>
      %mul3A_486 = arith.constant 0.111111112 : f32
      %mul3A_487 = vector.broadcast %mul3A_486 : f32 to vector<16xf32>
      %mul3A_488 = arith.mulf %mul3A_485, %mul3A_487 : vector<16xf32>
      %add3A_489 = arith.constant 0.142857149 : f32
      %add3A_490 = vector.broadcast %add3A_489 : f32 to vector<16xf32>
      %add3A_491 = arith.addf %add3A_490, %mul3A_488 : vector<16xf32>
      %mul3A_492 = arith.mulf %mul3A_485, %add3A_491 : vector<16xf32>
      %add3A_493 = arith.constant 2.000000e-01 : f32
      %add3A_494 = vector.broadcast %add3A_493 : f32 to vector<16xf32>
      %add3A_495 = arith.addf %add3A_494, %mul3A_492 : vector<16xf32>
      %mul3A_496 = arith.mulf %mul3A_485, %add3A_495 : vector<16xf32>
      %add3A_497 = arith.constant 0.333333343 : f32
      %add3A_498 = vector.broadcast %add3A_497 : f32 to vector<16xf32>
      %add3A_499 = arith.addf %add3A_498, %mul3A_496 : vector<16xf32>
      %mul3A_500 = arith.mulf %mul3A_485, %add3A_499 : vector<16xf32>
      %add3A_501 = arith.constant 1.000000e+00 : f32
      %add3A_502 = vector.broadcast %add3A_501 : f32 to vector<16xf32>
      %add3A_503 = arith.addf %add3A_502, %mul3A_500 : vector<16xf32>
      %convert_element_type3A_504 = arith.sitofp %add3A_477 : vector<16xi32> to vector<16xf32>
      %mul3A_505 = arith.constant 0.693147182 : f32
      %mul3A_506 = vector.broadcast %mul3A_505 : f32 to vector<16xf32>
      %mul3A_507 = arith.mulf %convert_element_type3A_504, %mul3A_506 : vector<16xf32>
      %mul3A_508 = arith.constant 2.000000e+00 : f32
      %mul3A_509 = vector.broadcast %mul3A_508 : f32 to vector<16xf32>
      %mul3A_510 = arith.mulf %mul3A_509, %div3A_484 : vector<16xf32>
      %mul3A_511 = arith.mulf %mul3A_510, %add3A_503 : vector<16xf32>
      %add3A_512 = arith.addf %mul3A_507, %mul3A_511 : vector<16xf32>
      %sub3A_513 = arith.subf %div3A_374, %gather3A_276 : vector<16xf32>
      %sub3A_514 = arith.subf %div3A_384, %gather3A_280 : vector<16xf32>
      %sub3A_515 = arith.subf %get3A_293, %add3A_446 : vector<16xf32>
      %sub3A_516 = arith.subf %get3A_295, %add3A_512 : vector<16xf32>
      %mul3A_517 = arith.mulf %sub3A_513, %sub3A_513 : vector<16xf32>
      %mul3A_518 = arith.mulf %sub3A_514, %sub3A_514 : vector<16xf32>
      %add3A_519 = arith.addf %mul3A_517, %mul3A_518 : vector<16xf32>
      %mul3A_520 = arith.mulf %sub3A_515, %sub3A_515 : vector<16xf32>
      %add3A_521 = arith.addf %add3A_519, %mul3A_520 : vector<16xf32>
      %mul3A_522 = arith.mulf %sub3A_516, %sub3A_516 : vector<16xf32>
      %add3A_523 = arith.addf %add3A_521, %mul3A_522 : vector<16xf32>
      %jit3A_524 = arith.constant 0.000000e+00 : f32
      %broadcast_in_dim3A_525 = vector.broadcast %jit3A_524 : f32 to vector<16xf32>
      %select_n3A_526 = arith.select %lt3A_202, %add3A_523, %broadcast_in_dim3A_525 : vector<16xi1>, vector<16xf32>
      %add3A_527 = arith.addf %while3A_195, %select_n3A_526 : vector<16xf32>
      %mul3A_528 = arith.constant 6 : i32
      %mul3A_529 = vector.broadcast %mul3A_528 : i32 to vector<16xi32>
      %mul3A_530 = arith.muli %select_n3A_242, %mul3A_529 : vector<16xi32>
      %add3A_531 = arith.constant 1 : i32
      %add3A_532 = vector.broadcast %add3A_531 : i32 to vector<16xi32>
      %add3A_533 = arith.addi %mul3A_530, %add3A_532 : vector<16xi32>
      %gather3A_534 = tpu.vector_load_idx %arg10[%add3A_533] : memref<48672xf32, #tpu.memory_space<vmem>>[vector<16xi32>], vector<16xf32>,
      %add3A_535 = arith.constant 2 : i32
      %add3A_536 = vector.broadcast %add3A_535 : i32 to vector<16xi32>
      %add3A_537 = arith.addi %mul3A_530, %add3A_536 : vector<16xi32>
      %gather3A_538 = tpu.vector_load_idx %arg10[%add3A_537] : memref<48672xf32, #tpu.memory_space<vmem>>[vector<16xi32>], vector<16xf32>,
      %add3A_539 = arith.constant 3 : i32
      %add3A_540 = vector.broadcast %add3A_539 : i32 to vector<16xi32>
      %add3A_541 = arith.addi %mul3A_530, %add3A_540 : vector<16xi32>
      %gather3A_542 = tpu.vector_load_idx %arg10[%add3A_541] : memref<48672xf32, #tpu.memory_space<vmem>>[vector<16xi32>], vector<16xf32>,
      %add3A_543 = arith.constant 4 : i32
      %add3A_544 = vector.broadcast %add3A_543 : i32 to vector<16xi32>
      %add3A_545 = arith.addi %mul3A_530, %add3A_544 : vector<16xi32>
      %gather3A_546 = tpu.vector_load_idx %arg10[%add3A_545] : memref<48672xf32, #tpu.memory_space<vmem>>[vector<16xi32>], vector<16xf32>,
      %get3A_547 = arith.constant 16 : index
      %get3A_548 = tpu.vector_load %arg13[%get3A_547] {strides = array<i32>} : memref<128xf32, #tpu.memory_space<vmem>>, vector<16xf32>,
      %get3A_549 = arith.constant 48 : index
      %get3A_550 = tpu.vector_load %arg13[%get3A_549] {strides = array<i32>} : memref<128xf32, #tpu.memory_space<vmem>>, vector<16xf32>,
      %get3A_551 = arith.constant 80 : index
      %get3A_552 = tpu.vector_load %arg13[%get3A_551] {strides = array<i32>} : memref<128xf32, #tpu.memory_space<vmem>>, vector<16xf32>,
      %get3A_553 = arith.constant 112 : index
      %get3A_554 = tpu.vector_load %arg13[%get3A_553] {strides = array<i32>} : memref<128xf32, #tpu.memory_space<vmem>>, vector<16xf32>,
      %add3A_555 = vector.broadcast %min3A_128 : i32 to vector<16xi32>
      %add3A_556 = arith.addi %add3A_555, %select_n3A_242 : vector<16xi32>
      %jit3A_557 = arith.constant 2704 : i32
      %div3A_558 = vector.broadcast %jit3A_557 : i32 to vector<16xi32>
      %div3A_559 = arith.divsi %add3A_556, %div3A_558 : vector<16xi32>
      %sign3A_560 = arith.constant 0 : i32
      %sign3A_561 = vector.broadcast %sign3A_560 : i32 to vector<16xi32>
      %sign3A_562 = arith.cmpi sgt, %add3A_556, %sign3A_561 : vector<16xi32>
      %sign3A_563 = arith.extui %sign3A_562 : vector<16xi1> to vector<16xi32>
      %sign3A_564 = arith.constant 0 : i32
      %sign3A_565 = vector.broadcast %sign3A_564 : i32 to vector<16xi32>
      %sign3A_566 = arith.cmpi slt, %add3A_556, %sign3A_565 : vector<16xi32>
      %sign3A_567 = arith.extui %sign3A_566 : vector<16xi1> to vector<16xi32>
      %sign3A_568 = arith.subi %sign3A_563, %sign3A_567 : vector<16xi32>
      %sign3A_569 = arith.constant 0 : i32
      %sign3A_570 = arith.cmpi sgt, %jit3A_557, %sign3A_569 : i32
      %sign3A_571 = arith.extui %sign3A_570 : i1 to i32
      %sign3A_572 = arith.constant 0 : i32
      %sign3A_573 = arith.cmpi slt, %jit3A_557, %sign3A_572 : i32
      %sign3A_574 = arith.extui %sign3A_573 : i1 to i32
      %sign3A_575 = arith.subi %sign3A_571, %sign3A_574 : i32
      %ne3A_576 = vector.broadcast %sign3A_575 : i32 to vector<16xi32>
      %ne3A_577 = arith.cmpi ne, %sign3A_568, %ne3A_576 : vector<16xi32>
      %rem3A_578 = vector.broadcast %jit3A_557 : i32 to vector<16xi32>
      %rem3A_579 = arith.remsi %add3A_556, %rem3A_578 : vector<16xi32>
      %ne3A_580 = arith.constant 0 : i32
      %ne3A_581 = vector.broadcast %ne3A_580 : i32 to vector<16xi32>
      %ne3A_582 = arith.cmpi ne, %rem3A_579, %ne3A_581 : vector<16xi32>
      %and3A_583 = arith.andi %ne3A_577, %ne3A_582 : vector<16xi1>
      %sub3A_584 = arith.constant 1 : i32
      %sub3A_585 = vector.broadcast %sub3A_584 : i32 to vector<16xi32>
      %sub3A_586 = arith.subi %div3A_559, %sub3A_585 : vector<16xi32>
      %select_n3A_587 = arith.select %and3A_583, %sub3A_586, %div3A_559 : vector<16xi1>, vector<16xi32>
      %jit3A_588 = arith.constant 3 : i32
      %eq3A_589 = arith.constant 0 : i32
      %eq3A_590 = arith.cmpi eq, %jit3A_588, %eq3A_589 : i32
      %jit3A_591 = arith.constant 1 : i32
      %select_n3A_592 = arith.select %eq3A_590, %jit3A_591, %jit3A_588 : i32
      %rem3A_593 = vector.broadcast %select_n3A_592 : i32 to vector<16xi32>
      %rem3A_594 = arith.remsi %select_n3A_587, %rem3A_593 : vector<16xi32>
      %ne3A_595 = arith.constant 0 : i32
      %ne3A_596 = vector.broadcast %ne3A_595 : i32 to vector<16xi32>
      %ne3A_597 = arith.cmpi ne, %rem3A_594, %ne3A_596 : vector<16xi32>
      %lt3A_598 = arith.constant 0 : i32
      %lt3A_599 = vector.broadcast %lt3A_598 : i32 to vector<16xi32>
      %lt3A_600 = arith.cmpi slt, %rem3A_594, %lt3A_599 : vector<16xi32>
      %lt3A_601 = arith.constant 0 : i32
      %lt3A_602 = arith.cmpi slt, %select_n3A_592, %lt3A_601 : i32
      %ne3A_603 = vector.broadcast %lt3A_602 : i1 to vector<16xi1>
      %ne3A_604 = vector.broadcast %ne3A_603 : vector<16xi1> to vector<16xi1>
      %ne3A_605 = arith.xori %lt3A_600, %ne3A_604 : vector<16xi1>
      %and3A_606 = arith.andi %ne3A_605, %ne3A_597 : vector<16xi1>
      %add3A_607 = vector.broadcast %select_n3A_592 : i32 to vector<16xi32>
      %add3A_608 = arith.addi %rem3A_594, %add3A_607 : vector<16xi32>
      %select_n3A_609 = arith.select %and3A_606, %add3A_608, %rem3A_594 : vector<16xi1>, vector<16xi32>
      %mul3A_610 = arith.constant 2 : i32
      %mul3A_611 = vector.broadcast %mul3A_610 : i32 to vector<16xi32>
      %mul3A_612 = arith.muli %mul3A_611, %select_n3A_609 : vector<16xi32>
      %add3A_613 = arith.constant 16 : i32
      %add3A_614 = vector.broadcast %add3A_613 : i32 to vector<16xi32>
      %add3A_615 = arith.addi %add3A_614, %mul3A_612 : vector<16xi32>
      %gather3A_616 = tpu.vector_load_idx %arg14[%add3A_615] : memref<32xf32, #tpu.memory_space<vmem>>[vector<16xi32>], vector<16xf32>,
      %mul3A_617 = arith.constant 2 : i32
      %mul3A_618 = vector.broadcast %mul3A_617 : i32 to vector<16xi32>
      %mul3A_619 = arith.muli %mul3A_618, %select_n3A_609 : vector<16xi32>
      %add3A_620 = arith.constant 16 : i32
      %add3A_621 = vector.broadcast %add3A_620 : i32 to vector<16xi32>
      %add3A_622 = arith.addi %add3A_621, %mul3A_619 : vector<16xi32>
      %add3A_623 = arith.constant 1 : i32
      %add3A_624 = vector.broadcast %add3A_623 : i32 to vector<16xi32>
      %add3A_625 = arith.addi %add3A_622, %add3A_624 : vector<16xi32>
      %gather3A_626 = tpu.vector_load_idx %arg14[%add3A_625] : memref<32xf32, #tpu.memory_space<vmem>>[vector<16xi32>], vector<16xf32>,
      %neg3A_627 = arith.constant 0.000000e+00 : f32
      %neg3A_628 = vector.broadcast %neg3A_627 : f32 to vector<16xf32>
      %neg3A_629 = arith.subf %neg3A_628, %get3A_548 : vector<16xf32>
      %exp3A_630 = math.exp %neg3A_629 : vector<16xf32>
      %add3A_631 = arith.constant 1.000000e+00 : f32
      %add3A_632 = vector.broadcast %add3A_631 : f32 to vector<16xf32>
      %add3A_633 = arith.addf %add3A_632, %exp3A_630 : vector<16xf32>
      %div3A_634 = arith.constant 1.000000e+00 : f32
      %div3A_635 = vector.broadcast %div3A_634 : f32 to vector<16xf32>
      %div3A_636 = arith.divf %div3A_635, %add3A_633 : vector<16xf32>
      %neg3A_637 = arith.constant 0.000000e+00 : f32
      %neg3A_638 = vector.broadcast %neg3A_637 : f32 to vector<16xf32>
      %neg3A_639 = arith.subf %neg3A_638, %get3A_550 : vector<16xf32>
      %exp3A_640 = math.exp %neg3A_639 : vector<16xf32>
      %add3A_641 = arith.constant 1.000000e+00 : f32
      %add3A_642 = vector.broadcast %add3A_641 : f32 to vector<16xf32>
      %add3A_643 = arith.addf %add3A_642, %exp3A_640 : vector<16xf32>
      %div3A_644 = arith.constant 1.000000e+00 : f32
      %div3A_645 = vector.broadcast %div3A_644 : f32 to vector<16xf32>
      %div3A_646 = arith.divf %div3A_645, %add3A_643 : vector<16xf32>
      %mul3A_647 = arith.mulf %gather3A_542, %gather3A_616 : vector<16xf32>
      %add3A_648 = arith.constant 1.000000e-16 : f32
      %add3A_649 = vector.broadcast %add3A_648 : f32 to vector<16xf32>
      %add3A_650 = arith.addf %add3A_649, %mul3A_647 : vector<16xf32>
      %bitcast3A_651 = vector.bitcast %add3A_650 : vector<16xf32> to vector<16xi32>
      %shift_right_logical3A_652 = arith.constant 23 : i32
      %shift_right_logical3A_653 = vector.broadcast %shift_right_logical3A_652 : i32 to vector<16xi32>
      %shift_right_logical3A_654 = arith.shrui %bitcast3A_651, %shift_right_logical3A_653 : vector<16xi32>
      %sub3A_655 = arith.constant 127 : i32
      %sub3A_656 = vector.broadcast %sub3A_655 : i32 to vector<16xi32>
      %sub3A_657 = arith.subi %shift_right_logical3A_654, %sub3A_656 : vector<16xi32>
      %and3A_658 = arith.constant 8388607 : i32
      %and3A_659 = vector.broadcast %and3A_658 : i32 to vector<16xi32>
      %and3A_660 = arith.andi %bitcast3A_651, %and3A_659 : vector<16xi32>
      %or3A_661 = arith.constant 1065353216 : i32
      %or3A_662 = vector.broadcast %or3A_661 : i32 to vector<16xi32>
      %or3A_663 = arith.ori %and3A_660, %or3A_662 : vector<16xi32>
      %bitcast3A_664 = vector.bitcast %or3A_663 : vector<16xi32> to vector<16xf32>
      %ge3A_665 = arith.constant 1.41421354 : f32
      %ge3A_666 = vector.broadcast %ge3A_665 : f32 to vector<16xf32>
      %ge3A_667 = arith.cmpf oge, %bitcast3A_664, %ge3A_666 : vector<16xf32>
      %mul3A_668 = arith.constant 5.000000e-01 : f32
      %mul3A_669 = vector.broadcast %mul3A_668 : f32 to vector<16xf32>
      %mul3A_670 = arith.mulf %bitcast3A_664, %mul3A_669 : vector<16xf32>
      %select_n3A_671 = arith.select %ge3A_667, %mul3A_670, %bitcast3A_664 : vector<16xi1>, vector<16xf32>
      %jit3A_672 = arith.constant 1 : i32
      %jit3A_673 = arith.constant 0 : i32
      %broadcast_in_dim3A_674 = vector.broadcast %jit3A_672 : i32 to vector<16xi32>
      %broadcast_in_dim3A_675 = vector.broadcast %jit3A_673 : i32 to vector<16xi32>
      %select_n3A_676 = arith.select %ge3A_667, %broadcast_in_dim3A_674, %broadcast_in_dim3A_675 : vector<16xi1>, vector<16xi32>
      %add3A_677 = arith.addi %sub3A_657, %select_n3A_676 : vector<16xi32>
      %sub3A_678 = arith.constant 1.000000e+00 : f32
      %sub3A_679 = vector.broadcast %sub3A_678 : f32 to vector<16xf32>
      %sub3A_680 = arith.subf %select_n3A_671, %sub3A_679 : vector<16xf32>
      %add3A_681 = arith.constant 1.000000e+00 : f32
      %add3A_682 = vector.broadcast %add3A_681 : f32 to vector<16xf32>
      %add3A_683 = arith.addf %select_n3A_671, %add3A_682 : vector<16xf32>
      %div3A_684 = arith.divf %sub3A_680, %add3A_683 : vector<16xf32>
      %mul3A_685 = arith.mulf %div3A_684, %div3A_684 : vector<16xf32>
      %mul3A_686 = arith.constant 0.111111112 : f32
      %mul3A_687 = vector.broadcast %mul3A_686 : f32 to vector<16xf32>
      %mul3A_688 = arith.mulf %mul3A_685, %mul3A_687 : vector<16xf32>
      %add3A_689 = arith.constant 0.142857149 : f32
      %add3A_690 = vector.broadcast %add3A_689 : f32 to vector<16xf32>
      %add3A_691 = arith.addf %add3A_690, %mul3A_688 : vector<16xf32>
      %mul3A_692 = arith.mulf %mul3A_685, %add3A_691 : vector<16xf32>
      %add3A_693 = arith.constant 2.000000e-01 : f32
      %add3A_694 = vector.broadcast %add3A_693 : f32 to vector<16xf32>
      %add3A_695 = arith.addf %add3A_694, %mul3A_692 : vector<16xf32>
      %mul3A_696 = arith.mulf %mul3A_685, %add3A_695 : vector<16xf32>
      %add3A_697 = arith.constant 0.333333343 : f32
      %add3A_698 = vector.broadcast %add3A_697 : f32 to vector<16xf32>
      %add3A_699 = arith.addf %add3A_698, %mul3A_696 : vector<16xf32>
      %mul3A_700 = arith.mulf %mul3A_685, %add3A_699 : vector<16xf32>
      %add3A_701 = arith.constant 1.000000e+00 : f32
      %add3A_702 = vector.broadcast %add3A_701 : f32 to vector<16xf32>
      %add3A_703 = arith.addf %add3A_702, %mul3A_700 : vector<16xf32>
      %convert_element_type3A_704 = arith.sitofp %add3A_677 : vector<16xi32> to vector<16xf32>
      %mul3A_705 = arith.constant 0.693147182 : f32
      %mul3A_706 = vector.broadcast %mul3A_705 : f32 to vector<16xf32>
      %mul3A_707 = arith.mulf %convert_element_type3A_704, %mul3A_706 : vector<16xf32>
      %mul3A_708 = arith.constant 2.000000e+00 : f32
      %mul3A_709 = vector.broadcast %mul3A_708 : f32 to vector<16xf32>
      %mul3A_710 = arith.mulf %mul3A_709, %div3A_684 : vector<16xf32>
      %mul3A_711 = arith.mulf %mul3A_710, %add3A_703 : vector<16xf32>
      %add3A_712 = arith.addf %mul3A_707, %mul3A_711 : vector<16xf32>
      %mul3A_713 = arith.mulf %gather3A_546, %gather3A_626 : vector<16xf32>
      %add3A_714 = arith.constant 1.000000e-16 : f32
      %add3A_715 = vector.broadcast %add3A_714 : f32 to vector<16xf32>
      %add3A_716 = arith.addf %add3A_715, %mul3A_713 : vector<16xf32>
      %bitcast3A_717 = vector.bitcast %add3A_716 : vector<16xf32> to vector<16xi32>
      %shift_right_logical3A_718 = arith.constant 23 : i32
      %shift_right_logical3A_719 = vector.broadcast %shift_right_logical3A_718 : i32 to vector<16xi32>
      %shift_right_logical3A_720 = arith.shrui %bitcast3A_717, %shift_right_logical3A_719 : vector<16xi32>
      %sub3A_721 = arith.constant 127 : i32
      %sub3A_722 = vector.broadcast %sub3A_721 : i32 to vector<16xi32>
      %sub3A_723 = arith.subi %shift_right_logical3A_720, %sub3A_722 : vector<16xi32>
      %and3A_724 = arith.constant 8388607 : i32
      %and3A_725 = vector.broadcast %and3A_724 : i32 to vector<16xi32>
      %and3A_726 = arith.andi %bitcast3A_717, %and3A_725 : vector<16xi32>
      %or3A_727 = arith.constant 1065353216 : i32
      %or3A_728 = vector.broadcast %or3A_727 : i32 to vector<16xi32>
      %or3A_729 = arith.ori %and3A_726, %or3A_728 : vector<16xi32>
      %bitcast3A_730 = vector.bitcast %or3A_729 : vector<16xi32> to vector<16xf32>
      %ge3A_731 = arith.constant 1.41421354 : f32
      %ge3A_732 = vector.broadcast %ge3A_731 : f32 to vector<16xf32>
      %ge3A_733 = arith.cmpf oge, %bitcast3A_730, %ge3A_732 : vector<16xf32>
      %mul3A_734 = arith.constant 5.000000e-01 : f32
      %mul3A_735 = vector.broadcast %mul3A_734 : f32 to vector<16xf32>
      %mul3A_736 = arith.mulf %bitcast3A_730, %mul3A_735 : vector<16xf32>
      %select_n3A_737 = arith.select %ge3A_733, %mul3A_736, %bitcast3A_730 : vector<16xi1>, vector<16xf32>
      %jit3A_738 = arith.constant 1 : i32
      %jit3A_739 = arith.constant 0 : i32
      %broadcast_in_dim3A_740 = vector.broadcast %jit3A_738 : i32 to vector<16xi32>
      %broadcast_in_dim3A_741 = vector.broadcast %jit3A_739 : i32 to vector<16xi32>
      %select_n3A_742 = arith.select %ge3A_733, %broadcast_in_dim3A_740, %broadcast_in_dim3A_741 : vector<16xi1>, vector<16xi32>
      %add3A_743 = arith.addi %sub3A_723, %select_n3A_742 : vector<16xi32>
      %sub3A_744 = arith.constant 1.000000e+00 : f32
      %sub3A_745 = vector.broadcast %sub3A_744 : f32 to vector<16xf32>
      %sub3A_746 = arith.subf %select_n3A_737, %sub3A_745 : vector<16xf32>
      %add3A_747 = arith.constant 1.000000e+00 : f32
      %add3A_748 = vector.broadcast %add3A_747 : f32 to vector<16xf32>
      %add3A_749 = arith.addf %select_n3A_737, %add3A_748 : vector<16xf32>
      %div3A_750 = arith.divf %sub3A_746, %add3A_749 : vector<16xf32>
      %mul3A_751 = arith.mulf %div3A_750, %div3A_750 : vector<16xf32>
      %mul3A_752 = arith.constant 0.111111112 : f32
      %mul3A_753 = vector.broadcast %mul3A_752 : f32 to vector<16xf32>
      %mul3A_754 = arith.mulf %mul3A_751, %mul3A_753 : vector<16xf32>
      %add3A_755 = arith.constant 0.142857149 : f32
      %add3A_756 = vector.broadcast %add3A_755 : f32 to vector<16xf32>
      %add3A_757 = arith.addf %add3A_756, %mul3A_754 : vector<16xf32>
      %mul3A_758 = arith.mulf %mul3A_751, %add3A_757 : vector<16xf32>
      %add3A_759 = arith.constant 2.000000e-01 : f32
      %add3A_760 = vector.broadcast %add3A_759 : f32 to vector<16xf32>
      %add3A_761 = arith.addf %add3A_760, %mul3A_758 : vector<16xf32>
      %mul3A_762 = arith.mulf %mul3A_751, %add3A_761 : vector<16xf32>
      %add3A_763 = arith.constant 0.333333343 : f32
      %add3A_764 = vector.broadcast %add3A_763 : f32 to vector<16xf32>
      %add3A_765 = arith.addf %add3A_764, %mul3A_762 : vector<16xf32>
      %mul3A_766 = arith.mulf %mul3A_751, %add3A_765 : vector<16xf32>
      %add3A_767 = arith.constant 1.000000e+00 : f32
      %add3A_768 = vector.broadcast %add3A_767 : f32 to vector<16xf32>
      %add3A_769 = arith.addf %add3A_768, %mul3A_766 : vector<16xf32>
      %convert_element_type3A_770 = arith.sitofp %add3A_743 : vector<16xi32> to vector<16xf32>
      %mul3A_771 = arith.constant 0.693147182 : f32
      %mul3A_772 = vector.broadcast %mul3A_771 : f32 to vector<16xf32>
      %mul3A_773 = arith.mulf %convert_element_type3A_770, %mul3A_772 : vector<16xf32>
      %mul3A_774 = arith.constant 2.000000e+00 : f32
      %mul3A_775 = vector.broadcast %mul3A_774 : f32 to vector<16xf32>
      %mul3A_776 = arith.mulf %mul3A_775, %div3A_750 : vector<16xf32>
      %mul3A_777 = arith.mulf %mul3A_776, %add3A_769 : vector<16xf32>
      %add3A_778 = arith.addf %mul3A_773, %mul3A_777 : vector<16xf32>
      %sub3A_779 = arith.subf %div3A_636, %gather3A_534 : vector<16xf32>
      %sub3A_780 = arith.subf %div3A_646, %gather3A_538 : vector<16xf32>
      %sub3A_781 = arith.subf %get3A_552, %add3A_712 : vector<16xf32>
      %sub3A_782 = arith.subf %get3A_554, %add3A_778 : vector<16xf32>
      %mul3A_783 = arith.mulf %sub3A_779, %sub3A_779 : vector<16xf32>
      %mul3A_784 = arith.mulf %sub3A_780, %sub3A_780 : vector<16xf32>
      %add3A_785 = arith.addf %mul3A_783, %mul3A_784 : vector<16xf32>
      %mul3A_786 = arith.mulf %sub3A_781, %sub3A_781 : vector<16xf32>
      %add3A_787 = arith.addf %add3A_785, %mul3A_786 : vector<16xf32>
      %mul3A_788 = arith.mulf %sub3A_782, %sub3A_782 : vector<16xf32>
      %add3A_789 = arith.addf %add3A_787, %mul3A_788 : vector<16xf32>
      %jit3A_790 = arith.constant 0.000000e+00 : f32
      %broadcast_in_dim3A_791 = vector.broadcast %jit3A_790 : f32 to vector<16xf32>
      %select_n3A_792 = arith.select %lt3A_238, %add3A_789, %broadcast_in_dim3A_791 : vector<16xi1>, vector<16xf32>
      %add3A_793 = arith.addf %add3A_527, %select_n3A_792 : vector<16xf32>
      scf.yield %add3A_793 : vector<16xf32>
    }
    %swap3A_187 = arith.constant 0 : index
    %swap3A_188 = tpu.vector_load %arg15[%swap3A_187] {strides = array<i32>} : memref<16xf32, #tpu.memory_space<vmem>>, vector<16xf32>,
    tpu.vector_store %arg15[%swap3A_187], %while3A_186 {strides = array<i32>} : memref<16xf32, #tpu.memory_space<vmem>>, vector<16xf32>,
    %run_scoped3A_189 = arith.constant 2 : i32
    "tpu.region"() ({
      %run_scoped3A_194 = tpu.sem_alloc : memref<!tpu.dma_semaphore, #tpu.memory_space<semaphore_mem>>
      %dma_start3A = arith.constant 0 : i32
      %dma_start3A_195 = tpu.memref_slice %arg9[%add3A, %run_scoped3A_189, %dma_start3A] : memref<32x8x16xf32, #tpu.memory_space<hbm>> -> memref<1x1x16xf32, #tpu.memory_space<hbm>>
      %dma_start3A_196 = tpu.memref_squeeze %dma_start3A_195 : memref<1x1x16xf32, #tpu.memory_space<hbm>> -> memref<16xf32, #tpu.memory_space<hbm>>
      %dma_start3A_197 = arith.constant 0 : i32
      %dma_start3A_198 = tpu.memref_slice %arg9[%add3A, %run_scoped3A_189, %dma_start3A_197] : memref<32x8x16xf32, #tpu.memory_space<hbm>> -> memref<1x1x16xf32, #tpu.memory_space<hbm>>
      %dma_start3A_199 = tpu.memref_squeeze %dma_start3A_198 : memref<1x1x16xf32, #tpu.memory_space<hbm>> -> memref<16xf32, #tpu.memory_space<hbm>>
      tpu.enqueue_dma source(%arg15 : memref<16xf32, #tpu.memory_space<vmem>>) target(%dma_start3A_199 : memref<16xf32, #tpu.memory_space<hbm>>) target_semaphore(%run_scoped3A_194 : memref<!tpu.dma_semaphore, #tpu.memory_space<semaphore_mem>>)
      %dma_wait3A = arith.constant 0 : i32
      %dma_wait3A_200 = tpu.memref_slice %arg9[%add3A, %run_scoped3A_189, %dma_wait3A] : memref<32x8x16xf32, #tpu.memory_space<hbm>> -> memref<1x1x16xf32, #tpu.memory_space<hbm>>
      %dma_wait3A_201 = tpu.memref_squeeze %dma_wait3A_200 : memref<1x1x16xf32, #tpu.memory_space<hbm>> -> memref<16xf32, #tpu.memory_space<hbm>>
      %dma_wait3A_202 = arith.constant 0 : i32
      %dma_wait3A_203 = tpu.memref_slice %arg9[%add3A, %run_scoped3A_189, %dma_wait3A_202] : memref<32x8x16xf32, #tpu.memory_space<hbm>> -> memref<1x1x16xf32, #tpu.memory_space<hbm>>
      %dma_wait3A_204 = tpu.memref_squeeze %dma_wait3A_203 : memref<1x1x16xf32, #tpu.memory_space<hbm>> -> memref<16xf32, #tpu.memory_space<hbm>>
      tpu.wait_dma2 semaphore(%run_scoped3A_194 : memref<!tpu.dma_semaphore, #tpu.memory_space<semaphore_mem>>) src(%arg15 : memref<16xf32, #tpu.memory_space<vmem>>) dst(%dma_wait3A_204 : memref<16xf32, #tpu.memory_space<hbm>>)
      tpu.yield
    }) : () -> ()
    %convert_element_type3A_190 = arith.sitofp %scan3A_138 : vector<16xi32> to vector<16xf32>
    %swap3A_191 = arith.constant 0 : index
    %swap3A_192 = tpu.vector_load %arg15[%swap3A_191] {strides = array<i32>} : memref<16xf32, #tpu.memory_space<vmem>>, vector<16xf32>,
    tpu.vector_store %arg15[%swap3A_191], %convert_element_type3A_190 {strides = array<i32>} : memref<16xf32, #tpu.memory_space<vmem>>, vector<16xf32>,
    %run_scoped3A_193 = arith.constant 5 : i32
    "tpu.region"() ({
      %run_scoped3A_194 = tpu.sem_alloc : memref<!tpu.dma_semaphore, #tpu.memory_space<semaphore_mem>>
      %dma_start3A = arith.constant 0 : i32
      %dma_start3A_195 = tpu.memref_slice %arg9[%add3A, %run_scoped3A_193, %dma_start3A] : memref<32x8x16xf32, #tpu.memory_space<hbm>> -> memref<1x1x16xf32, #tpu.memory_space<hbm>>
      %dma_start3A_196 = tpu.memref_squeeze %dma_start3A_195 : memref<1x1x16xf32, #tpu.memory_space<hbm>> -> memref<16xf32, #tpu.memory_space<hbm>>
      %dma_start3A_197 = arith.constant 0 : i32
      %dma_start3A_198 = tpu.memref_slice %arg9[%add3A, %run_scoped3A_193, %dma_start3A_197] : memref<32x8x16xf32, #tpu.memory_space<hbm>> -> memref<1x1x16xf32, #tpu.memory_space<hbm>>
      %dma_start3A_199 = tpu.memref_squeeze %dma_start3A_198 : memref<1x1x16xf32, #tpu.memory_space<hbm>> -> memref<16xf32, #tpu.memory_space<hbm>>
      tpu.enqueue_dma source(%arg15 : memref<16xf32, #tpu.memory_space<vmem>>) target(%dma_start3A_199 : memref<16xf32, #tpu.memory_space<hbm>>) target_semaphore(%run_scoped3A_194 : memref<!tpu.dma_semaphore, #tpu.memory_space<semaphore_mem>>)
      %dma_wait3A = arith.constant 0 : i32
      %dma_wait3A_200 = tpu.memref_slice %arg9[%add3A, %run_scoped3A_193, %dma_wait3A] : memref<32x8x16xf32, #tpu.memory_space<hbm>> -> memref<1x1x16xf32, #tpu.memory_space<hbm>>
      %dma_wait3A_201 = tpu.memref_squeeze %dma_wait3A_200 : memref<1x1x16xf32, #tpu.memory_space<hbm>> -> memref<16xf32, #tpu.memory_space<hbm>>
      %dma_wait3A_202 = arith.constant 0 : i32
      %dma_wait3A_203 = tpu.memref_slice %arg9[%add3A, %run_scoped3A_193, %dma_wait3A_202] : memref<32x8x16xf32, #tpu.memory_space<hbm>> -> memref<1x1x16xf32, #tpu.memory_space<hbm>>
      %dma_wait3A_204 = tpu.memref_squeeze %dma_wait3A_203 : memref<1x1x16xf32, #tpu.memory_space<hbm>> -> memref<16xf32, #tpu.memory_space<hbm>>
      tpu.wait_dma2 semaphore(%run_scoped3A_194 : memref<!tpu.dma_semaphore, #tpu.memory_space<semaphore_mem>>) src(%arg15 : memref<16xf32, #tpu.memory_space<vmem>>) dst(%dma_wait3A_204 : memref<16xf32, #tpu.memory_space<hbm>>)
      tpu.yield
    }) : () -> ()
    return
  }
}

</mosaic_0001>

<sc_bundles>
// kernel: kernel.3.cloned.1.call-start
scs
__scs_entry_jumppad:
0x0: {  	(pc) =	sbr.rel $0x88, $3  }
0x1: {  	(tag) =	ssettag $0x0;
	lr =	simm.s32 $0x1  }
0x2: {  	[smem:$0x3F9B] =	sst lr;
	_ =	strace $0xD0000000  }
0x3: {  	_ = 	snop  }
0x4: {  	_ = 	snop  }
0x5: {  	_ = 	snop  }
0x6: {  	_ = 	snop  }
0x7: {  	_ = 	snop  }
__scs_overlays_trampoline_lowered:
0x8: {  	[smem:$0x3FAA] =	sst s0  }
0x9: {  	[smem:$0x3FAB] =	sst s1  }
0xa: {  	[smem:$0x3FAC] =	sst s2  }
0xb: {  	[smem:$0x3FAD] =	sst s3  }
0xc: {  	[smem:$0x3FAE] =	sst s4  }
0xd: {  	[smem:$0x3FAF] =	sst s5  }
0xe: {  	[smem:$0x3FB0] =	sst s6  }
0xf: {  	[smem:$0x3FB1] =	sst s7  }
0x10: {  	[smem:$0x3FB2] =	sst s8  }
0x11: {  	[smem:$0x3FB3] =	sst s9;
	s0 =	simm.s32 @!p0 $0x0  }
0x12: {  	s1 =	sld [smem:$0x3F99];
	s0 =	simm.s32 @p0 $0x1  }
0x13: {  	[smem:$0x3FB4] =	sst s0;
	s0 =	simm.s32 @!p1 $0x0  }
0x14: {  	s2 =	sld [smem:$0x3F98];
	s0 =	simm.s32 @p1 $0x1  }
0x15: {  	[smem:$0x3FB5] =	sst s0;
	s0 =	simm.s32 @!p2 $0x0  }
0x16: {  	s3 =	sld [smem:$0x3FDB];
	s0 =	simm.s32 @p2 $0x1  }
0x17: {  	s4 =	simm.s32 $0x1BF5;
	[smem:$0x3FB7] =	sst s0  }
0x18: {  	s0 =	sld [smem:$0x3F9A];
	_ =	swait.ge [sflag:s4], $0x0  }
0x19: {  	s7 =	sld [smem:$0x3F9B]  }
0x1a: {  	s8 =	sadd.s32 $0xFFFFE003, lr  }
0x1b: {  	s9 =	sadd.s32 $0xFFFFFEF7, lr;
	s5 =	simm.s32 $0xFFFFFFFF;
	p2 =	slt.u32 s8, $0xFFFFF086  }
0x1c: {  	p1 =	slt.u32 s9, $0xF7A;
	s5 =	simm.s32 @!p2 $0x0  }
0x1d: {  	s5 =	simm.s32 @p1 $0x1;
	p0 =	seq.s32 s7, s2  }
0x1e: {  	s7 =	smul.u32 @!p0 $0xF7A, s2;
	p2 =	seq.s32 @!p0 s5, $0x0  }
0x1f: {  	s9 =	smul.u32 $0xF7A, s1;
	s8 =	simm.s32 @!p0 $0x1BF5;
	p2 =	por !p2, p0  }
0x20: {  	[sflag:s8] =	ssyncset.s32 @!p0 $0xFFFFF086;
	s6 =	sadd.s32 @!p0 s3, s7;
	s7 =	simm.s32 @!p0 $0x108  }
0x21: {  	s3 =	sadd.s32 s3, s9;
	s6 =	sadd.s32 @!p0 $0x88, s6;
	s7 =	simm.s32 @p2 $0x1082  }
0x22: {  	[simem:s7], [sflag:s8] =	dma.local @!p0 [hbm:s6], $0xF7A  }
0x23: {  	s9 =	sor.u32 $0xD0000000, s2;
	s6 =	simm.s32 $0x108;
	_ =	swait.ge @!p0 [sflag:s8], $0x0  }
0x24: {  	s3 =	sadd.s32 $0x88, s3;
	s6 =	simm.s32 @!p1 $0x1082;
	[sflag:s4] =	ssyncset.s32 $0xFFFFF086  }
0x25: {  	[simem:s6], [sflag:s4] =	dma.local [hbm:s3], $0xF7A  }
0x26: {  	[smem:$0x3F9B] =	sst s1;
	(tag) =	ssettag s2;
	_ =	strace s9  }
0x27: {  	s1 =	sld [smem:$0x3FAB]  }
0x28: {  	s2 =	sld [smem:$0x3FAC]  }
0x29: {  	s4 =	sld [smem:$0x3FAE]  }
0x2a: {  	p0 =	seq.s32 s5, $0x0;
	s5 =	sld [smem:$0x3FAF]  }
0x2b: {  	s6 =	sld [smem:$0x3FB0]  }
0x2c: {  	s7 =	sld [smem:$0x3FB1]  }
0x2d: {  	s3 =	simm.s32 $0x108;
	s8 =	sld [smem:$0x3FB2]  }
0x2e: {  	s3 =	simm.s32 @!p0 $0x1082;
	s9 =	sld [smem:$0x3FB3]  }
0x2f: {  	lr =	sadd.s32 s0, s3;
	s0 =	sld [smem:$0x3FAA]  }
0x30: {  	s3 =	sld [smem:$0x3FAD]  }
0x31: {  	[smem:$0x3FB6] =	sst s10  }
0x32: {  	s10 =	sld [smem:$0x3FB4];
	_ =	sdelay $0x3  }
0x33: {  	p0 =	seq.s32 s10, $0x1;
	s10 =	sld [smem:$0x3FB6];
	_ =	sdelay $0x3  }
0x34: {  	[smem:$0x3FB6] =	sst s10  }
0x35: {  	s10 =	sld [smem:$0x3FB5];
	_ =	sdelay $0x3  }
0x36: {  	p1 =	seq.s32 s10, $0x1;
	s10 =	sld [smem:$0x3FB6];
	_ =	sdelay $0x3  }
0x37: {  	[smem:$0x3FB6] =	sst s10  }
0x38: {  	s10 =	sld [smem:$0x3FB7]  }
0x39: {  	_ = 	snop;
	(pc) =	sbr.ind lr, $3  }
0x3a: {  	_ = 	snop  }
0x3b: {  	_ = 	snop  }
0x3c: {  	p2 =	seq.s32 s10, $0x1;
	s10 =	sld [smem:$0x3FB6]  }
0x3d: {  	_ =	shalt  }
0x3e: {  	_ =	shalt  }
0x3f: {  	_ =	shalt  }
0x40: {  	_ =	shalt  }
0x41: {  	_ =	shalt  }
0x42: {  	_ =	shalt  }
0x43: {  	_ =	shalt  }
0x44: {  	_ =	shalt  }
0x45: {  	_ =	shalt  }
0x46: {  	_ =	shalt  }
0x47: {  	_ =	shalt  }
0x48: {  	_ =	shalt  }
0x49: {  	_ =	shalt  }
0x4a: {  	_ =	shalt  }
0x4b: {  	_ =	shalt  }
0x4c: {  	_ =	shalt  }
0x4d: {  	_ =	shalt  }
0x4e: {  	_ =	shalt  }
0x4f: {  	_ =	shalt  }
0x50: {  	_ =	shalt  }
0x51: {  	_ =	shalt  }
0x52: {  	_ =	shalt  }
0x53: {  	_ =	shalt  }
0x54: {  	_ =	shalt  }
0x55: {  	_ =	shalt  }
0x56: {  	_ =	shalt  }
0x57: {  	_ =	shalt  }
0x58: {  	_ =	shalt  }
0x59: {  	_ =	shalt  }
0x5a: {  	_ =	shalt  }
0x5b: {  	_ =	shalt  }
0x5c: {  	_ =	shalt  }
0x5d: {  	_ =	shalt  }
0x5e: {  	_ =	shalt  }
0x5f: {  	_ =	shalt  }
0x60: {  	_ =	shalt  }
0x61: {  	_ =	shalt  }
0x62: {  	_ =	shalt  }
0x63: {  	_ =	shalt  }
0x64: {  	_ =	shalt  }
0x65: {  	_ =	shalt  }
0x66: {  	_ =	shalt  }
0x67: {  	_ =	shalt  }
0x68: {  	_ =	shalt  }
0x69: {  	_ =	shalt  }
0x6a: {  	_ =	shalt  }
0x6b: {  	_ =	shalt  }
0x6c: {  	_ =	shalt  }
0x6d: {  	_ =	shalt  }
0x6e: {  	_ =	shalt  }
0x6f: {  	_ =	shalt  }
0x70: {  	_ =	shalt  }
0x71: {  	_ =	shalt  }
0x72: {  	_ =	shalt  }
0x73: {  	_ =	shalt  }
0x74: {  	_ =	shalt  }
0x75: {  	_ =	shalt  }
0x76: {  	_ =	shalt  }
0x77: {  	_ =	shalt  }
0x78: {  	_ =	shalt  }
0x79: {  	_ =	shalt  }
0x7a: {  	_ =	shalt  }
0x7b: {  	_ =	shalt  }
0x7c: {  	_ =	shalt  }
0x7d: {  	_ =	shalt  }
0x7e: {  	_ =	shalt  }
0x7f: {  	_ =	shalt  }
0x80: {  	_ =	shalt  }
0x81: {  	_ =	shalt  }
0x82: {  	_ =	shalt  }
0x83: {  	_ =	shalt  }
0x84: {  	_ =	shalt  }
0x85: {  	_ =	shalt  }
0x86: {  	_ =	shalt  }
0x87: {  	_ =	shalt  }
.Lfunc_end0:
.L_simem_size_0:
called_computation_lowered:
.L_overlay_start_0:
0x88: {  	s2 =	sld [smem:$0x3FD9]  }
0x89: {  	s3 =	sld [smem:$0x3FFE];
	_ =	sdelay $0x1  }
0x8a: {  	s1 =	srdreg.scid  }
0x8b: {  	s0 =	sand.u32 $0x1, s1  }
0x8c: {  	s17 =	sshll.u32 s0, $0xA;
	s2 =	sadd.s32 s3, s2  }
0x8d: {  	s2 =	sadd.s32 s2, s17  }
0x8e: {  	[smem:$0x3FC2] =	sst s2  }
0x8f: {  	_ = 	snop  }
0x90: {  	s2 =	sld [smem:$0x3FD0];
	(tm) =	ssettm $0x1  }
0x91: {  	s18 =	sld [smem:$0x3FFB];
	_ =	sdelay $0x3  }
0x92: {  	_ =	strace s18  }
0x93: {  	s3 =	sld [smem:$0x3FFC];
	_ =	sdelay $0x3  }
0x94: {  	_ =	strace s3  }
0x95: {  	s3 =	sld [smem:$0x3FFD];
	_ =	sdelay $0x3  }
0x96: {  	_ =	strace s3  }
0x97: {  	_ =	strace $0x8FFFFFFF  }
0x98: {  	s19 =	sld [smem:$0x3FDB];
	_ =	sdelay $0x1  }
0x99: {  	s4 =	simm.s32 $_scs_section_size  }
0x9a: {  	s5 =	simm.s32 $_size__tile_overlayer_lowered;
	s6 =	simm.s32 $_tile_overlayer_lowered  }
0x9b: {  	s22 =	simm.s32 $0x1BFF;
	s21 =	sshll.u32 s6, $0x1;
	s3 =	sadd.s32 s4, s19  }
0x9c: {  	s7 =	simm.s32 $0x0;
	s20 =	sshll.u32 s5, $0x1;
	s5 =	sadd.s32 s21, s3  }
0x9d: {  	[timem:s7], [sflag:s22] =	dma.local [hbm:s5], s20  }
0x9e: {  	_ =	swait.ge [sflag:s22], s20  }
0x9f: {  	s4 =	ssub.s32 $0x0, s20;
	[sflag:s22] =	ssyncset.done $0x0  }
0xa0: {  	[sflag:s22] =	ssyncadd.s32 s4;
	_ =	sdelay $0x1  }
0xa1: {  	s23 =	simm.s32 $0x1B8B  }
0xa2: {  	_ =	swait.ge [sflag:s23], $0x1  }
0xa3: {  	[sflag:s23] =	ssyncset.done $0x0  }
0xa4: {  	s25 =	simm.s32 $0x1B8E;
	s24 =	sld [smem:$0x3FFE];
	[sflag:s23] =	ssyncadd.s32 $0xFFFFFFFF  }
0xa5: {  	s26 =	simm.s32 $execute0_lowered;
	[smem:$0x3FD2] =	sst s25  }
0xa6: {  	s5 =	sshll.u32 s26, $0x1;
	_ =	strace $0x80000046;
	[dreg:$0x1] =	wrdreg $0xFFFFFFFF  }
0xa7: {  	s28 =	simm.s32 $_size_execute0_lowered;
	s3 =	sadd.s32 s3, s5;
	[dreg:$0x0] =	wrdreg $0x0  }
0xa8: {  	s5 =	sshll.u32 s28, $0x1;
	[dreg:$0x2] =	wrdreg s3  }
0xa9: {  	[dreg:$0x3] =	wrdreg s5  }
0xaa: {  	[dreg:$0x4] =	wrdreg $0xC0  }
0xab: {  	_ =	task [dreg:s7], $0x5FFFF  }
0xac: {  	[dreg:$0x1] =	wrdreg $0xFFFFFFFF  }
0xad: {  	[dreg:$0x0] =	wrdreg $0x60  }
0xae: {  	[dreg:$0x2] =	wrdreg s24  }
0xaf: {  	[dreg:$0x3] =	wrdreg s2  }
0xb0: {  	[dreg:$0x4] =	wrdreg $0x9  }
0xb1: {  	_ =	task.clear_ibuf [dreg:s7], $0x5FFFF;
	_ =	strace $0x90000046  }
0xb2: {  	s29 =	simm.s32 $0x9;
	_ =	strace $0x80000048  }
0xb3: {  	_ =	swait.ge [sflag:s29], $0x1  }
0xb4: {  	[sflag:s29] =	ssyncadd.s32 $0xFFFFFFFF  }
0xb5: {  	_ =	strace $0x90000048  }
0xb6: {  	_ =	sfence  }
0xb7: {  	s30 =	sld [smem:$0x0];
	_ =	sdelay $0x2  }
0xb8: {  	s31 =	sshll.u32 s1, $0xD;
	s1 =	sshrl.u32 s1, $0x2  }
0xb9: {  	s3 =	sand.u32 $0x4000, s31;
	s1 =	sadd.s32 s1, s30  }
0xba: {  	s0 =	sor.u32 s3, s0;
	s1 =	sshll.u32 s1, $0x11  }
0xbb: {  	s0 =	sor.u32 s1, s0  }
0xbc: {  	s0 =	sadd.s32 $0x8F2B, s0  }
0xbd: {  	[sflag:s0] =	ssyncadd.remote.s32 $0x1  }
0xbe: {  	_ =	sfence.sel $0xFFFF  }
0xbf: {  	[dreg:$0x0] =	wrdreg $0xFFFFFFFF;
	(pc) =	sbr.abs _section_cstart, $3  }
0xc0: {  	[dreg:$0x1] =	wrdreg $0xFFFFFFFF  }
0xc1: {  	_ =	task.clear_ibuf [dreg:s7], $0x2FFFF;
	_ =	strace $0x9FFFFFFF  }
0xc2: {  	(tm) =	ssettm $0x7FFFFFFF  }
0xc3: {  	_ =	shalt  }
tec
execute0_lowered:
.L_overlay_start_1:
0x0: {  	(tag) =	ssettag $0x1  }
0x1: {  	s0 =	rddreg [dreg:$0x0];
	s20 =	simm.s32 $0x0;
	s1 =	srdreg.scid  }
0x2: {  	s2 =	stileid.u32;
	[smem:$0x7FF] =	sst s20  }
0x3: {  	s1 =	sand.u32 $0x1, s1;
	s2 =	sshll.u32 s2, $0x1;
	s4 =	sadd.s32 $0x1200, s0  }
0x4: {  	s7 =	sadd.s32 $0x3200, s0;
	_ =	strace $0x80000047;
	[dreg:$0x3] =	wrdreg s4  }
0x5: {  	s17 =	sadd.s32 $0x139200, s0;
	s2 =	sor.u32 s1, s2;
	[dreg:$0x4] =	wrdreg s7  }
0x6: {  	[dreg:$0x5] =	wrdreg s17;
	s6 =	smul.u32 $0x7F0, s2  }
0x7: {  	s1 =	ssub.s32 $0x2, s1;
	s5 =	sshll.u32 s2, $0x9;
	s21 =	smul.u32 $0x17C4, s2  }
0x8: {  	s11 =	sshll.u32 s2, $0x7;
	s2 =	smul.u32 $0x1FB0, s2;
	s16 =	smin.u32 s5, $0x3D60  }
0x9: {  	s12 =	sshrl.u32 s1, $0x1;
	s8 =	smul.u32 $0x6, s16;
	s9 =	smin.u32 s6, $0xF590  }
0xa: {  	s4 =	simm.s32 $0x80;
	s1 =	ssub.s32 s1, s12;
	s10 =	smul.u32 $0x6, s9  }
0xb: {  	s5 =	ssub.s32 s5, s16;
	s31 =	smax.u32 s1, $0x1;
	s18 =	sshrl.u32 s8, $0x3  }
0xc: {  	[dreg:$0xf] =	wrdreg s31;
	s19 =	sshrl.u32 s10, $0x3;
	s7 =	sadd.s32 s18, s0  }
0xd: {  	s10 =	sadd.s32 s21, s0;
	s8 =	sadd.s32 s19, s0;
	s3 =	sadd.s32 $0x141200, s7  }
0xe: {  	s0 =	sadd.s32 s11, s0;
	s29 =	sadd.s32 $0x6E6800, s10;
	[dreg:$0x6] =	wrdreg s3  }
0xf: {  	s1 =	simm.s32 $0x2;
	s23 =	sadd.s32 $0x5200, s0;
	[dreg:$0xc] =	wrdreg s29  }
0x10: {  	v6 =	vimm.s32 $0xECA86420;
	v4 =	vmov s2;
	s2 =	simm.s32 $0x0;
	s24 =	sadd.s32 $0x5230, s0;
	[dreg:$0x7] =	wrdreg s23  }
0x11: {  	v5 =	vlaneseq.u32;
	vm0 =	vcmask $0xB08;
	vm1 =	vcmask $0x1310;
	s22 =	ssub.s32 s6, s9;
	s25 =	sadd.s32 $0x445200, s8;
	[dreg:$0x8] =	wrdreg s24  }
.Ltmp0:
0x12: {  	vm2 =	vcmask $0x1B18;
	vm3 =	vcmask $0x300;
	vm4 =	vcmask $0x2320;
	s26 =	sadd.s32 $0x5210, s0;
	[dreg:$0x9] =	wrdreg s25;
	(pc) =	sbr.rel .LBB2_1-.Ltmp0, $4  }
0x13: {  	vm5 =	vcmask $0x2B28;
	vm6 =	vcmask $0x3330;
	v0 =	vmov s5;
	s5 =	simm.s32 $0xDE80;
	s28 =	sadd.s32 $0x5240, s0;
	[dreg:$0xa] =	wrdreg s26  }
0x14: {  	vm7 =	vcmask $0x3B38;
	vm8 =	vmmov $0xff;
	v7 =	vunpack.c.l.s4.s8 v6;
	s6 =	simm.s32 $0xDF00;
	s30 =	sadd.s32 $0x5220, s0;
	[dreg:$0xb] =	wrdreg s28  }
0x15: {  	v6 =	vimm.s32 $0x0;
	v8 =	vmul.u32 $0x2, v5;
	v2 =	vmov s22;
	s22 =	simm.s32 $0x1;
	s0 =	sadd.s32 $0x5250, s0;
	[dreg:$0xd] =	wrdreg s30  }
0x16: {  	v7 =	vunpack.c.0.s8.s32 v7;
	v1 =	vmov s16;
	v3 =	vmov s9;
	s21 =	simm.s32 $0xDF80;
	s3 =	simm.s32 $0xBE80;
	[dreg:$0xe] =	wrdreg s0  }
.LBB2_16:
0x17: {  	v11 =	vimm.f32 $0.0e+00  }
.LBB2_19:
0x18: {  	[tilespmem:$0xE000] =	vst v11;
	s0 =	rddreg [dreg:$0xd];
	s2 =	simm.s32 $0xE000;
	s1 =	simm.s32 $0x2  }
0x19: {  	[hbm4b:s0+s20] =	stream.linear.scatter [tilespmem:s2], [sflag:$0x2], $0x80, $0x38;
	[tilespmem:$0xE080] =	vst v63  }
0x1a: {  	_ =	swait.ge [sflag:s1], $0x80  }
0x1b: {  	v9 =	vcvt.s32.f32 v9;
	[sflag:s1] =	ssyncset.done $0x0  }
0x1c: {  	[sflag:s1] =	ssyncadd.s32 $0xFFFFFF80  }
0x1d: {  	s29 =	rddreg [dreg:$0xe];
	[tilespmem:$0xE000] =	vst v9  }
0x1e: {  	[hbm4b:s29+s20] =	stream.linear.scatter [tilespmem:s2], [sflag:$0x2], $0x80, $0x38;
	[tilespmem:$0xE080] =	vst v63  }
0x1f: {  	_ =	swait.ge [sflag:s1], $0x80  }
0x20: {  	s30 =	rddreg [dreg:$0x10]  }
0x21: {  	s31 =	rddreg [dreg:$0xf];
	s2 =	sadd.s32 $0x1, s30  }
0x22: {  	p0 =	sne.s32 s2, s31  }
.Ltmp1:
0x23: {  	_ = 	snop;
	(pc) =	sbr.rel @!p0 .LBB2_20-.Ltmp1, $3  }
0x24: {  	_ =	sdelay $0x1  }
0x25: {  	[sflag:s1] =	ssyncset.done $0x0  }
0x26: {  	[sflag:s1] =	ssyncadd.s32 $0xFFFFFF80  }
.LBB2_1:
0x27: {  	[dreg:$0x10] =	wrdreg s2  }
0x28: {  	s0 =	rddreg [dreg:$0x1]  }
0x29: {  	[tilespmem:s21], [sflag:$0x2] =	stream.linear.gather [hbm4b:s0+s20], $0x80, $0x38;
	[tilespmem:$0xE080] =	vst v63  }
0x2a: {  	v9 =	vor.u32 s20, v5;
	_ =	swait.ge [sflag:s1], $0x80  }
0x2b: {  	v10 =	vmul.u32 $0x6, v9;
	[sflag:s1] =	ssyncset.done $0x0  }
0x2c: {  	s30 =	rddreg [dreg:$0x6];
	[sflag:s1] =	ssyncadd.s32 $0xFFFFFF80  }
0x2d: {  	[tilespmem:s20], [sflag:$0x2] =	stream.linear.gather [hbm4b:s30+s20], $0xC00, $0x38;
	[tilespmem:$0xE080] =	vst v63  }
0x2e: {  	_ =	swait.ge [sflag:s1], $0xC00  }
0x2f: {  	[sflag:s1] =	ssyncset.done $0x0  }
0x30: {  	[sflag:s1] =	ssyncadd.s32 $0xFFFFF400  }
0x31: {  	v10 =	vld.idx.msk [tilespmem:v10+s20+$0x0], $0xffff;
	_ =	sdelay $0x4  }
0x32: {  	vm10 =	vge.u32 v9, v0;
	vm9 =	veq.f32 v10, $1.000000000e+00  }
0x33: {  	vm9 =	vmand vm10, vm9  }
0x34: {  	v10 =	vsel vm9, $0x1, v6  }
0x35: {  	(xrf0) =	vadd.scan.msk.s32 $0xffff, v10;
	_ =	sdelay $0x1  }
0x36: {  	v10 =	vmpcnt.ones.xlane vm9;
	_ =	sdelay $0x3  }
0x37: {  	s31 =	simm.s32 $0x10;
	v11 =	vadd.s32 v6, v10;
	v10, _, _ =	vpop (xrf0)  }
0x38: {  	v12 =	vor.u32 s31, v5;
	s0 =	simm.s32 $0x20;
	v13 =	vadd.s32 v10, v6;
	v10 =	vmov v11  }
.LBB2_2:
0x39: {  	p0 =	sne.s32 s0, $0x1F0;
	v14 =	vmul.u32 $0x6, v12;
	v13 =	vadd.s32 $0xFFFFFFFF, v13;
	_ =	sdelay $0x4  }
0x3a: {  	[tilespmem:v13+s3+$0x0] =	vst.idx.msk vm9, v9;
	v9 =	vmov v12  }
0x3b: {  	v12 =	vld.idx.msk [tilespmem:v14+s20+$0x0], $0xffff;
	_ =	sdelay $0x5  }
0x3c: {  	vm10 =	vge.u32 v9, v0;
	vm9 =	veq.f32 v12, $1.000000000e+00  }
0x3d: {  	vm9 =	vmand vm10, vm9  }
0x3e: {  	v12 =	vsel vm9, $0x1, v6;
	v13 =	vmpcnt.ones.xlane vm9  }
0x3f: {  	(xrf0) =	vadd.scan.msk.s32 $0xffff, v12  }
0x40: {  	v11 =	vadd.s32 v11, v13;
	_ =	sdelay $0x1  }
.Ltmp2:
0x41: {  	(pc) =	sbr.rel @p0 .LBB2_2-.Ltmp2, $3  }
0x42: {  	_ =	sdelay $0x1  }
0x43: {  	v13, _, _ =	vpop (xrf0)  }
0x44: {  	v12 =	vor.u32 s0, v5;
	s0 =	sadd.s32 $0x10, s0;
	v13 =	vadd.s32 v13, v10;
	v10 =	vmov v11  }
0x45: {  	v14 =	vmul.u32 $0x6, v12;
	v13 =	vadd.s32 $0xFFFFFFFF, v13;
	_ =	sdelay $0x4  }
0x46: {  	[tilespmem:v13+s3+$0x0] =	vst.idx.msk vm9, v9  }
0x47: {  	v9 =	vld.idx.msk [tilespmem:v14+s20+$0x0], $0xffff;
	_ =	sdelay $0x4  }
0x48: {  	vm10 =	vge.u32 v12, v0;
	vm9 =	veq.f32 v9, $1.000000000e+00  }
0x49: {  	vm9 =	vmand vm10, vm9  }
0x4a: {  	v9 =	vmpcnt.ones.xlane vm9;
	_ =	sdelay $0x1  }
0x4b: {  	v62 =	vsel vm9, $0x1, v6;
	v9 =	vadd.s32 v11, v9  }
0x4c: {  	(xrf0) =	vadd.scan.msk.s32 $0xffff, v62;
	v11 =	vxor.u32 $0x80000000, v9  }
0x4d: {  	(xrf0) =	vmax.scan.msk.u32 $0xffff, v11;
	_ =	sdelay $0x4  }
0x4e: {  	v11, _, _ =	vpop (xrf0)  }
0x4f: {  	v63, _, _ =	vpop (xrf0)  }
0x50: {  	(v2sf) =	vpush v63, $0xF;
	_ =	sdelay $0xe  }
0x51: {  	s0 =	spop (v2sf)  }
0x52: {  	s1 =	sadd.s32 $0x8000001F, s0  }
0x53: {  	s2 =	sand.u32 $0x1F, s1  }
0x54: {  	s31 =	sshra.s32 s1, $0x1F;
	p1 =	slt.s32 s1, $0x1;
	p0 =	sne.s32 s2, $0x0  }
0x55: {  	s2 =	sshrl.u32 s31, $0x1B;
	p0 =	por !p1, !p0  }
0x56: {  	s1 =	sadd.s32 s2, s1;
	s2 =	simm.s32 $0x1;
	p0 =	por !p0, !p0  }
0x57: {  	s1 =	sshra.s32 s1, $0x5;
	s2 =	simm.s32 @!p0 $0x0  }
0x58: {  	v10 =	vadd.s32 v11, v10;
	s1 =	ssub.s32 s1, s2  }
0x59: {  	v10 =	vadd.s32 $0xFFFFFFFF, v10;
	p0 =	slt.s32 s1, $0x1  }
.Ltmp3:
0x5a: {  	_ = 	snop;
	(pc) =	sbr.rel @p0 .LBB2_4-.Ltmp3, $2  }
0x5b: {  	_ =	sdelay $0x2  }
0x5c: {  	[tilespmem:v10+s3+$0x0] =	vst.idx.msk vm9, v12  }
0x5d: {  	s0 =	sxor.u32 $0x80000000, s0  }
0x5e: {  	v11 =	vimm.f32 $0.0e+00;
	v10 =	vmov s0;
	s0 =	simm.s32 $0x10  }
.LBB2_6:
0x5f: {  	[dreg:$0x16] =	wrdreg s0  }
0x60: {  	s0 =	rddreg [dreg:$0x16]  }
0x61: {  	s0 =	sadd.s32 $0xFFFFFFF0, s0  }
0x62: {  	v12 =	vor.u32 s0, v5;
	_ =	sdelay $0x4  }
0x63: {  	v13 =	vld.idx.msk [tilespmem:v12+s3+$0x0], $0xffff;
	_ =	sdelay $0x3  }
0x64: {  	vm9 =	vlt.s32 v12, v10  }
0x65: {  	v13 =	vnsel vm9, $0x0, v13  }
0x66: {  	s9 =	rddreg [dreg:$0x16];
	v15 =	vadd.s32 v1, v13  }
0x67: {  	v14 =	vor.u32 s9, v5;
	v31 =	vshll.u32 v15, $0x2  }
0x68: {  	[tilespmem:$0xDE80] =	vst v31;
	v16 =	vor.u32 $0x1, v31  }
0x69: {  	v32 =	vor.u32 $0x2, v31;
	[tilespmem:$0xDEA0] =	vst v16  }
0x6a: {  	v12 =	vor.u32 $0x3, v31;
	[tilespmem:$0xDEC0] =	vst v32  }
0x6b: {  	[tilespmem:$0xDEE0] =	vst v12  }
0x6c: {  	v12 =	vld.idx.msk [tilespmem:v14+s3+$0x0], $0xffff;
	_ =	sdelay $0x3  }
0x6d: {  	vm10 =	vlt.s32 v14, v10  }
0x6e: {  	v12 =	vnsel vm10, $0x0, v12  }
0x6f: {  	v33 =	vadd.s32 v1, v12  }
0x70: {  	v34 =	vshll.u32 v33, $0x2  }
0x71: {  	[tilespmem:$0xDE90] =	vst v34;
	v17 =	vor.u32 $0x1, v34  }
0x72: {  	v35 =	vor.u32 $0x2, v34;
	[tilespmem:$0xDEB0] =	vst v17  }
0x73: {  	[dreg:$0x13] =	wrdreg s1;
	v16 =	vor.u32 $0x3, v34;
	[tilespmem:$0xDED0] =	vst v35  }
0x74: {  	s10 =	rddreg [dreg:$0x3];
	[tilespmem:$0xDEF0] =	vst v16  }
0x75: {  	[tilespmem:s6], [sflag:$0x1] =	stream.indirect.gather [hbm4b:s10+s4], $0x1, s5, s4, $0xb8;
	[tilespmem:$0xE080] =	vst v63  }
0x76: {  	_ =	swait.ge [sflag:s22], $0x80  }
0x77: {  	(v2sf) =	vpush v15, $0xD;
	_ =	sdelay $0x1  }
0x78: {  	(v2sf) =	vpush v15, $0xC;
	_ =	sdelay $0x1  }
0x79: {  	(v2sf) =	vpush v15, $0xE;
	_ =	sdelay $0x1  }
0x7a: {  	(v2sf) =	vpush v15, $0xF;
	_ =	sdelay $0x1  }
0x7b: {  	(v2sf) =	vpush v15, $0x9;
	_ =	sdelay $0x1  }
0x7c: {  	(v2sf) =	vpush v15, $0x8;
	_ =	sdelay $0x1  }
0x7d: {  	(v2sf) =	vpush v15, $0xA;
	_ =	sdelay $0x1  }
0x7e: {  	(v2sf) =	vpush v15, $0xB  }
0x7f: {  	(v2sf) =	vpush v15, $0x0;
	s11 =	spop (v2sf)  }
0x80: {  	s12 =	smulhi.u32 $0x60F25DEB, s11;
	s0 =	sshra.s32 s11, $0x1F  }
0x81: {  	s2 =	spop (v2sf);
	s0 =	smul.u32 $0x60F25DEB, s0  }
0x82: {  	(v2sf) =	vpush v15, $0x1;
	s13 =	smulhi.u32 $0x60F25DEB, s2;
	s2 =	sshra.s32 s2, $0x1F  }
0x83: {  	s14 =	spop (v2sf);
	s2 =	smul.u32 $0x60F25DEB, s2  }
0x84: {  	(v2sf) =	vpush v15, $0x2;
	s15 =	smulhi.u32 $0x60F25DEB, s14;
	s5 =	sshra.s32 s14, $0x1F  }
0x85: {  	s17 =	spop (v2sf);
	s16 =	smul.u32 $0x60F25DEB, s5  }
0x86: {  	(v2sf) =	vpush v15, $0x3;
	s0 =	sadd.s32 s0, s12;
	s7 =	smulhi.u32 $0x60F25DEB, s17;
	s5 =	sshra.s32 s17, $0x1F  }
0x87: {  	s19 =	spop (v2sf);
	s9 =	sshrl.u32 s0, $0x1F;
	s18 =	smul.u32 $0x60F25DEB, s5  }
0x88: {  	(v2sf) =	vpush v15, $0x4;
	s4 =	sadd.s32 s2, s13;
	s8 =	smulhi.u32 $0x60F25DEB, s19;
	s5 =	sshra.s32 s19, $0x1F  }
0x89: {  	s20 =	spop (v2sf);
	s10 =	sshrl.u32 s4, $0x1F;
	s5 =	smul.u32 $0x60F25DEB, s5  }
0x8a: {  	(v2sf) =	vpush v15, $0x5;
	s1 =	sadd.s32 s16, s15;
	s12 =	smulhi.u32 $0x60F25DEB, s20;
	s6 =	sshra.s32 s20, $0x1F  }
0x8b: {  	s21 =	spop (v2sf);
	s11 =	sshrl.u32 s1, $0x1F;
	s6 =	smul.u32 $0x60F25DEB, s6  }
0x8c: {  	(v2sf) =	vpush v15, $0x6;
	s2 =	sadd.s32 s18, s7;
	s14 =	smulhi.u32 $0x60F25DEB, s21;
	s7 =	sshra.s32 s21, $0x1F  }
0x8d: {  	s22 =	spop (v2sf);
	s5 =	sadd.s32 s5, s8;
	s7 =	smul.u32 $0x60F25DEB, s7  }
0x8e: {  	s17 =	smulhi.u32 $0x60F25DEB, s22;
	s18 =	sshra.s32 s22, $0x1F;
	s24 =	spop (v2sf);
	(v2sf) =	vpush v15, $0x7  }
0x8f: {  	s13 =	sshrl.u32 s2, $0x1F;
	s15 =	sshrl.u32 s5, $0x1F;
	s23 =	smul.u32 $0x60F25DEB, s18  }
0x90: {  	s8 =	sadd.s32 s6, s12;
	s19 =	smulhi.u32 $0x60F25DEB, s24;
	s20 =	sshra.s32 s24, $0x1F  }
0x91: {  	s26 =	spop (v2sf);
	s18 =	sshrl.u32 s8, $0x1F;
	s25 =	smul.u32 $0x60F25DEB, s20  }
0x92: {  	s6 =	sadd.s32 s7, s14;
	s21 =	smulhi.u32 $0x60F25DEB, s26;
	s28 =	sshra.s32 s26, $0x1F  }
0x93: {  	s30 =	spop (v2sf);
	s20 =	sshrl.u32 s6, $0x1F;
	s29 =	smul.u32 $0x60F25DEB, s28  }
0x94: {  	s7 =	sadd.s32 s23, s17;
	s23 =	smulhi.u32 $0x60F25DEB, s30;
	s17 =	sshra.s32 s30, $0x1F  }
0x95: {  	s31 =	spop (v2sf);
	s22 =	sshrl.u32 s7, $0x1F;
	s17 =	smul.u32 $0x60F25DEB, s17  }
0x96: {  	s14 =	sadd.s32 s25, s19;
	s25 =	smulhi.u32 $0x60F25DEB, s31;
	s19 =	sshra.s32 s31, $0x1F  }
0x97: {  	v20 =	vmov s4;
	v36 =	vmov s10;
	s16 =	spop (v2sf);
	s24 =	sshrl.u32 s14, $0x1F;
	s3 =	smul.u32 $0x60F25DEB, s19  }
0x98: {  	v20 =	vsel vm0, s0, v20;
	v16 =	vsel vm0, s9, v36;
	s10 =	sadd.s32 s29, s21;
	s19 =	sshra.s32 s16, $0x1F;
	v37 =	vmov s24;
	s24 =	smulhi.u32 $0x60F25DEB, s16  }
0x99: {  	v20 =	vsel vm1, s1, v20;
	v16 =	vsel vm1, s11, v16;
	v18 =	vmov s18;
	s31 =	spop (v2sf);
	s21 =	sshrl.u32 s10, $0x1F;
	s28 =	smul.u32 $0x60F25DEB, s19  }
0x9a: {  	v18 =	vsel vm0, s15, v18;
	v19 =	vmov s14;
	s26 =	sadd.s32 s17, s23;
	s16 =	smulhi.u32 $0x60F25DEB, s31;
	s18 =	sshra.s32 s31, $0x1F;
	v17 =	vnsel vm3, $0x0, v37  }
0x9b: {  	v18 =	vsel vm1, s20, v18;
	v19 =	vnsel vm3, $0x0, v19;
	s12 =	sadd.s32 s3, s25;
	s20 =	smul.u32 $0x60F25DEB, s18;
	v17 =	vsel vm0, s21, v17;
	s21 =	spop (v2sf)  }
0x9c: {  	v20 =	vsel vm2, s2, v20;
	v18 =	vsel vm2, s22, v18;
	s29 =	sshrl.u32 s26, $0x1F;
	v19 =	vsel vm0, s10, v19;
	s22 =	smulhi.u32 $0x60F25DEB, s21;
	s17 =	sshra.s32 s21, $0x1F  }
0x9d: {  	v16 =	vsel vm2, s13, v16;
	v21 =	vmov s8;
	s3 =	sadd.s32 s28, s24;
	v19 =	vsel vm1, s26, v19;
	s23 =	smul.u32 $0x60F25DEB, s17;
	s24 =	spop (v2sf)  }
0x9e: {  	v21 =	vsel vm0, s5, v21;
	s30 =	sshrl.u32 s12, $0x1F;
	v17 =	vsel vm1, s29, v17;
	v19 =	vsel vm2, s12, v19;
	s25 =	smulhi.u32 $0x60F25DEB, s24;
	s26 =	sshra.s32 s24, $0x1F  }
0x9f: {  	v21 =	vsel vm1, s6, v21;
	s19 =	sshrl.u32 s3, $0x1F;
	s28 =	sadd.s32 s20, s16;
	v17 =	vsel vm2, s30, v17;
	v19 =	vsel vm4, s3, v19;
	s29 =	smul.u32 $0x60F25DEB, s26  }
0xa0: {  	v21 =	vsel vm2, s7, v21;
	s30 =	sshrl.u32 s28, $0x1F;
	v17 =	vsel vm4, s19, v17;
	v19 =	vsel vm5, s28, v19;
	s31 =	sadd.s32 s23, s22  }
0xa1: {  	v20 =	vcombine.low v21, v20;
	v17 =	vsel vm5, s30, v17;
	s2 =	sshrl.u32 s31, $0x1F;
	v19 =	vsel vm6, s31, v19;
	s3 =	sadd.s32 s29, s25  }
0xa2: {  	v16 =	vcombine.low v18, v16;
	v17 =	vsel vm6, s2, v17;
	s4 =	sshrl.u32 s3, $0x1F;
	v38 =	vsel vm7, s3, v19  }
0xa3: {  	v39 =	vperm.xlane v20, v7;
	v17 =	vsel vm7, s4, v17;
	v18 =	vperm.xlane v38, v8  }
0xa4: {  	v16 =	vperm.xlane v16, v7;
	v17 =	vperm.xlane v17, v8  }
0xa5: {  	v18 =	vsel vm8, v18, v39  }
0xa6: {  	v16 =	vsel vm8, v17, v16;
	v40 =	vshra.s32 v18, $0x6  }
0xa7: {  	v16 =	vadd.s32 v16, v40  }
0xa8: {  	v17 =	vmul.u32 $0xFFFFFF57, v16  }
0xa9: {  	v41 =	vsub.s32 $0x0, v15  }
0xaa: {  	vm11 =	vlt.s32 v15, $0x1;
	vm12 =	vne.s32 v17, v41  }
0xab: {  	vm11 =	vmand vm11, vm12  }
0xac: {  	v42 =	vsel vm11, $0xFFFFFFFF, v6  }
0xad: {  	v15 =	vadd.s32 v42, v16  }
0xae: {  	(v2sf) =	vpush v15, $0xD  }
0xaf: {  	(v2sf) =	vpush v15, $0xC  }
0xb0: {  	(v2sf) =	vpush v15, $0xE;
	_ =	sdelay $0x1  }
0xb1: {  	(v2sf) =	vpush v15, $0xF;
	_ =	sdelay $0x1  }
0xb2: {  	(v2sf) =	vpush v15, $0x9  }
0xb3: {  	(v2sf) =	vpush v15, $0x8  }
0xb4: {  	(v2sf) =	vpush v15, $0xA  }
0xb5: {  	(v2sf) =	vpush v15, $0xB  }
0xb6: {  	(v2sf) =	vpush v15, $0x1  }
0xb7: {  	(v2sf) =	vpush v15, $0x0  }
0xb8: {  	(v2sf) =	vpush v15, $0x2  }
0xb9: {  	(v2sf) =	vpush v15, $0x3  }
0xba: {  	(v2sf) =	vpush v15, $0x4  }
0xbb: {  	(v2sf) =	vpush v15, $0x5;
	s5 =	spop (v2sf)  }
0xbc: {  	(v2sf) =	vpush v15, $0x6;
	s6 =	spop (v2sf);
	s8 =	smulhi.u32 $0x55555556, s5;
	s0 =	sshra.s32 s5, $0x1F  }
0xbd: {  	(v2sf) =	vpush v15, $0x7;
	s7 =	spop (v2sf);
	s0 =	smul.u32 $0x55555556, s0  }
0xbe: {  	(v2sf) =	vpush v33, $0xD;
	s11 =	smulhi.u32 $0x55555556, s6;
	s12 =	sshra.s32 s6, $0x1F;
	[dreg:$0x17] =	wrdreg s8  }
0xbf: {  	s9 =	spop (v2sf);
	s8 =	smul.u32 $0x55555556, s12  }
0xc0: {  	(v2sf) =	vpush v33, $0xC;
	s16 =	smulhi.u32 $0x55555556, s7;
	[dreg:$0x1a] =	wrdreg s0  }
0xc1: {  	s17 =	sshra.s32 s7, $0x1F;
	s10 =	spop (v2sf);
	[smem:$0x7F7] =	sst s11  }
0xc2: {  	(v2sf) =	vpush v33, $0xE;
	s0 =	smul.u32 $0x55555556, s17;
	s13 =	spop (v2sf)  }
0xc3: {  	s19 =	smulhi.u32 $0x55555556, s9;
	s14 =	spop (v2sf)  }
0xc4: {  	(v2sf) =	vpush v33, $0xF;
	s23 =	smulhi.u32 $0x55555556, s10;
	s18 =	spop (v2sf)  }
0xc5: {  	s20 =	sshra.s32 s9, $0x1F;
	[smem:$0x7F8] =	sst s0;
	s15 =	spop (v2sf)  }
0xc6: {  	(v2sf) =	vpush v33, $0x9;
	s24 =	sshra.s32 s10, $0x1F;
	s0 =	smul.u32 $0x55555556, s20;
	s22 =	spop (v2sf)  }
0xc7: {  	s11 =	smul.u32 $0x55555556, s24;
	s21 =	spop (v2sf)  }
0xc8: {  	(v2sf) =	vpush v33, $0x8;
	s25 =	smulhi.u32 $0x55555556, s13;
	s12 =	spop (v2sf)  }
0xc9: {  	s10 =	smulhi.u32 $0x55555556, s14;
	s6 =	spop (v2sf)  }
0xca: {  	(v2sf) =	vpush v33, $0xA;
	[smem:$0x7FA] =	sst s0;
	s7 =	spop (v2sf)  }
0xcb: {  	s26 =	sshra.s32 s13, $0x1F;
	[smem:$0x7FC] =	sst s25;
	s9 =	spop (v2sf)  }
0xcc: {  	s28 =	sshra.s32 s14, $0x1F;
	s0 =	smul.u32 $0x55555556, s26;
	s25 =	spop (v2sf);
	(v2sf) =	vpush v33, $0xB  }
0xcd: {  	s13 =	smul.u32 $0x55555556, s28;
	s29 =	spop (v2sf)  }
0xce: {  	[smem:$0x7FD] =	sst s0;
	(v2sf) =	vpush v33, $0x0;
	s14 =	smulhi.u32 $0x60F25DEB, s29;
	s0 =	sshra.s32 s29, $0x1F  }
0xcf: {  	s30 =	spop (v2sf);
	s0 =	smul.u32 $0x60F25DEB, s0  }
0xd0: {  	[smem:$0x7F9] =	sst s19;
	(v2sf) =	vpush v33, $0x1;
	s19 =	smulhi.u32 $0x60F25DEB, s30;
	s17 =	sshra.s32 s30, $0x1F  }
0xd1: {  	s31 =	spop (v2sf);
	s17 =	smul.u32 $0x60F25DEB, s17  }
0xd2: {  	[smem:$0x7FB] =	sst s23;
	(v2sf) =	vpush v33, $0x2;
	s23 =	smulhi.u32 $0x60F25DEB, s31;
	s20 =	sshra.s32 s31, $0x1F  }
0xd3: {  	s1 =	spop (v2sf);
	s24 =	smul.u32 $0x60F25DEB, s20  }
0xd4: {  	[dreg:$0x1d] =	wrdreg s16;
	(v2sf) =	vpush v33, $0x3;
	s16 =	smulhi.u32 $0x60F25DEB, s1;
	s20 =	sshra.s32 s1, $0x1F  }
0xd5: {  	s2 =	spop (v2sf);
	s30 =	smul.u32 $0x60F25DEB, s20  }
0xd6: {  	(v2sf) =	vpush v33, $0x4;
	s31 =	smulhi.u32 $0x60F25DEB, s2;
	s20 =	sshra.s32 s2, $0x1F  }
0xd7: {  	s3 =	spop (v2sf);
	s28 =	smul.u32 $0x60F25DEB, s20  }
0xd8: {  	(v2sf) =	vpush v33, $0x5;
	s26 =	smulhi.u32 $0x60F25DEB, s3;
	s20 =	sshra.s32 s3, $0x1F  }
0xd9: {  	s4 =	spop (v2sf);
	s29 =	smul.u32 $0x60F25DEB, s20  }
0xda: {  	s3 =	smulhi.u32 $0x60F25DEB, s4;
	s20 =	sshra.s32 s4, $0x1F  }
0xdb: {  	s1 =	smul.u32 $0x60F25DEB, s20;
	s5 =	spop (v2sf)  }
0xdc: {  	s16 =	sadd.s32 s30, s16;
	s2 =	smulhi.u32 $0x60F25DEB, s5;
	s20 =	sshra.s32 s5, $0x1F  }
0xdd: {  	s5 =	sadd.s32 s0, s14;
	s4 =	spop (v2sf);
	s20 =	smul.u32 $0x60F25DEB, s20  }
0xde: {  	s14 =	sadd.s32 s17, s19;
	s19 =	smulhi.u32 $0x60F25DEB, s4;
	s0 =	sshra.s32 s4, $0x1F  }
0xdf: {  	s17 =	sadd.s32 s24, s23;
	s24 =	spop (v2sf);
	s23 =	smul.u32 $0x60F25DEB, s0  }
0xe0: {  	s26 =	sadd.s32 s29, s26;
	s30 =	smulhi.u32 $0x60F25DEB, s24;
	s0 =	sshra.s32 s24, $0x1F  }
0xe1: {  	s24 =	sadd.s32 s28, s31;
	s31 =	spop (v2sf);
	s28 =	smul.u32 $0x60F25DEB, s0  }
0xe2: {  	s1 =	sadd.s32 s1, s3;
	(v2sf) =	vpush v33, $0x6;
	s29 =	smulhi.u32 $0x60F25DEB, s31;
	s4 =	sshra.s32 s31, $0x1F  }
0xe3: {  	s0 =	spop (v2sf);
	s3 =	smul.u32 $0x60F25DEB, s4;
	s4 =	sadd.s32 s20, s2  }
0xe4: {  	(v2sf) =	vpush v33, $0x7;
	s2 =	smulhi.u32 $0x60F25DEB, s0;
	s0 =	sshra.s32 s0, $0x1F;
	s19 =	sadd.s32 s23, s19  }
0xe5: {  	s31 =	spop (v2sf);
	s20 =	smul.u32 $0x60F25DEB, s0;
	s28 =	sadd.s32 s28, s30  }
0xe6: {  	s30 =	smulhi.u32 $0x60F25DEB, s31;
	s23 =	sshra.s32 s31, $0x1F;
	s0 =	sshrl.u32 s14, $0x1F  }
0xe7: {  	s3 =	sadd.s32 s3, s29;
	s23 =	smul.u32 $0x60F25DEB, s23;
	s29 =	spop (v2sf)  }
0xe8: {  	v48 =	vmov s26;
	v43 =	vmov s0;
	s0 =	sshrl.u32 s19, $0x1F;
	s2 =	sadd.s32 s20, s2;
	s31 =	smulhi.u32 $0x60F25DEB, s29  }
0xe9: {  	v47 =	vmov s14;
	v46 =	vmov s19;
	s20 =	sshra.s32 s29, $0x1F;
	s29 =	sshrl.u32 s5, $0x1F;
	v44 =	vmov s0;
	s0 =	sadd.s32 s23, s30  }
0xea: {  	v20 =	vsel vm0, s5, v47;
	v19 =	vnsel vm3, $0x0, v46;
	v16 =	vsel vm0, s29, v43;
	s20 =	smul.u32 $0x60F25DEB, s20;
	s29 =	sshrl.u32 s17, $0x1F;
	s23 =	sshrl.u32 s16, $0x1F  }
0xeb: {  	v20 =	vsel vm1, s17, v20;
	v19 =	vsel vm0, s28, v19;
	s30 =	sshrl.u32 s28, $0x1F;
	s17 =	smulhi.u32 $0x55555556, s18;
	v16 =	vsel vm1, s29, v16;
	s29 =	sshrl.u32 s26, $0x1F  }
0xec: {  	v21 =	vsel vm0, s24, v48;
	v19 =	vsel vm1, s3, v19;
	s18 =	sshra.s32 s18, $0x1F;
	v45 =	vmov s29;
	s29 =	sshrl.u32 s3, $0x1F;
	s3 =	smulhi.u32 $0x55555556, s15  }
0xed: {  	v21 =	vsel vm1, s1, v21;
	v17 =	vnsel vm3, $0x0, v44;
	v16 =	vsel vm2, s23, v16;
	s23 =	sshrl.u32 s24, $0x1F;
	s24 =	sshra.s32 s15, $0x1F;
	s15 =	smulhi.u32 $0x55555556, s22  }
0xee: {  	v17 =	vsel vm0, s30, v17;
	v19 =	vsel vm2, s2, v19;
	v18 =	vsel vm0, s23, v45;
	s23 =	sshrl.u32 s2, $0x1F;
	s2 =	smul.u32 $0x55555556, s18  }
0xef: {  	v21 =	vsel vm2, s4, v21;
	s19 =	sshrl.u32 s1, $0x1F;
	s20 =	sadd.s32 s20, s31;
	v17 =	vsel vm1, s29, v17;
	s18 =	smulhi.u32 $0x55555556, s21  }
0xf0: {  	v19 =	vsel vm4, s0, v19;
	v18 =	vsel vm1, s19, v18;
	v17 =	vsel vm2, s23, v17;
	s23 =	sshrl.u32 s4, $0x1F;
	s4 =	smul.u32 $0x55555556, s24;
	s24 =	sld [smem:$0x7F8]  }
0xf1: {  	v19 =	vsel vm5, s20, v19;
	v18 =	vsel vm2, s23, v18;
	s23 =	sshrl.u32 s20, $0x1F;
	s20 =	rddreg [dreg:$0x1a];
	s30 =	spop (v2sf)  }
0xf2: {  	s29 =	smulhi.u32 $0x60F25DEB, s30;
	s19 =	sshra.s32 s30, $0x1F;
	s30 =	sshrl.u32 s0, $0x1F  }
0xf3: {  	s31 =	sshra.s32 s21, $0x1F;
	v17 =	vsel vm4, s30, v17;
	s19 =	smul.u32 $0x60F25DEB, s19;
	s30 =	spop (v2sf)  }
0xf4: {  	s28 =	smulhi.u32 $0x60F25DEB, s30;
	s30 =	sshra.s32 s30, $0x1F;
	v17 =	vsel vm5, s23, v17;
	s23 =	rddreg [dreg:$0x1d]  }
0xf5: {  	s5 =	smul.u32 $0x60F25DEB, s30;
	s14 =	sadd.s32 s19, s29;
	s30 =	sld [smem:$0x7F7]  }
0xf6: {  	s29 =	sshra.s32 s22, $0x1F;
	s1 =	sadd.s32 s24, s23;
	s23 =	sld [smem:$0x7FC]  }
0xf7: {  	v20 =	vsel vm2, s16, v20;
	s22 =	simm.s32 $0x1;
	s24 =	sld [smem:$0x7FD];
	s26 =	sshrl.u32 s14, $0x1F  }
0xf8: {  	v20 =	vcombine.low v21, v20;
	v19 =	vsel vm6, s14, v19;
	s16 =	smul.u32 $0x55555556, s29;
	s29 =	sld [smem:$0x7FB];
	s19 =	sadd.s32 s5, s28  }
0xf9: {  	v16 =	vcombine.low v18, v16;
	[sflag:s22] =	ssyncset.done $0x0;
	v17 =	vsel vm6, s26, v17;
	v49 =	vsel vm7, s19, v19;
	s28 =	sshrl.u32 s19, $0x1F;
	s19 =	rddreg [dreg:$0x17]  }
0xfa: {  	v50 =	vperm.xlane v20, v7;
	s14 =	sadd.s32 s8, s30;
	v17 =	vsel vm7, s28, v17;
	v18 =	vperm.xlane v49, v8;
	s8 =	sadd.s32 s20, s19;
	s19 =	smul.u32 $0x55555556, s31  }
0xfb: {  	v56 =	vsub.s32 $0x0, v33;
	v16 =	vperm.xlane v16, v7;
	s26 =	sld [smem:$0x7F9];
	[sflag:s22] =	ssyncadd.s32 $0xFFFFFF80;
	s20 =	smulhi.u32 $0x55555556, s12;
	v17 =	vperm.xlane v17, v8  }
0xfc: {  	vm11 =	vlt.s32 v33, $0x1;
	v51 =	vmov s14;
	s12 =	sshra.s32 s12, $0x1F;
	s28 =	sld [smem:$0x7FA];
	s5 =	sadd.s32 s11, s29;
	v18 =	vsel vm8, v18, v50  }
0xfd: {  	s31 =	smulhi.u32 $0x55555556, s6;
	s6 =	sshra.s32 s6, $0x1F;
	s14 =	sshrl.u32 s14, $0x1F;
	v53 =	vsel vm0, s8, v51;
	v16 =	vsel vm8, v17, v16;
	v52 =	vshra.s32 v18, $0x6  }
0xfe: {  	v24 =	vld [tilespmem:$0xDF00];
	s30 =	smul.u32 $0x55555556, s12;
	s12 =	sadd.s32 s16, s15;
	s16 =	sadd.s32 s24, s23;
	v22 =	vmov s14;
	v54 =	vsel vm1, s1, v53;
	v16 =	vadd.s32 v16, v52  }
0xff: {  	s29 =	smulhi.u32 $0x55555556, s9;
	s9 =	sshra.s32 s9, $0x1F;
	v57 =	vmov s12;
	v58 =	vmov s16;
	s12 =	sshrl.u32 s12, $0x1F;
	v55 =	vmul.u32 $0xFFFFFF57, v16  }
0x100: {  	s6 =	smul.u32 $0x55555556, s6;
	s16 =	sshrl.u32 s16, $0x1F;
	s0 =	sadd.s32 s28, s26;
	v59 =	vnsel vm3, $0x0, v57;
	v14 =	vsel vm0, s5, v58;
	v23 =	vmov s12  }
0x101: {  	s10 =	sadd.s32 s13, s10;
	s3 =	sadd.s32 s4, s3;
	s9 =	smul.u32 $0x55555556, s9;
	v25 =	vmov s16;
	v17 =	vsel vm2, s0, v54;
	vm12 =	vne.s32 v55, v56  }
0x102: {  	s2 =	sadd.s32 s2, s17;
	s26 =	smulhi.u32 $0x55555556, s7;
	v18 =	vsel vm0, s3, v59;
	v61 =	vsel vm1, s10, v14;
	vm11 =	vmand vm11, vm12  }
0x103: {  	s7 =	sshra.s32 s7, $0x1F;
	s28 =	sadd.s32 s19, s18;
	v19 =	vnsel vm3, $0x0, v23;
	s3 =	sshrl.u32 s3, $0x1F;
	v20 =	vsub.f32 $0.0e+00, v24;
	v60 =	vsel vm11, $0xFFFFFFFF, v6  }
0x104: {  	s11 =	sadd.s32 s30, s20;
	s7 =	smul.u32 $0x55555556, s7;
	s17 =	sshrl.u32 s28, $0x1F;
	v18 =	vsel vm1, s28, v18;
	v19 =	vsel vm0, s3, v19;
	v62 =	vadd.s32 v60, v16  }
0x105: {  	s8 =	sshrl.u32 s8, $0x1F;
	s6 =	sadd.s32 s6, s31;
	s19 =	sshrl.u32 s11, $0x1F;
	v18 =	vsel vm2, s11, v18;
	v19 =	vsel vm1, s17, v19;
	(v2sf) =	vpush v62, $0xD  }
0x106: {  	s1 =	sshrl.u32 s1, $0x1F;
	s24 =	sshrl.u32 s6, $0x1F;
	v63 =	vsel vm2, s2, v61;
	s4 =	sadd.s32 s7, s26;
	v21 =	vsel vm4, s6, v18;
	v19 =	vsel vm2, s19, v19  }
0x107: {  	s30 =	smulhi.u32 $0x55555556, s25;
	s31 =	sshra.s32 s25, $0x1F;
	v18 =	vsel vm0, s8, v22;
	s25 =	sshrl.u32 s4, $0x1F;
	v19 =	vsel vm4, s24, v19;
	(v2sf) =	vpush v62, $0xC  }
0x108: {  	s9 =	sadd.s32 s9, s29;
	s5 =	sshrl.u32 s5, $0x1F;
	s15 =	smul.u32 $0x55555556, s31;
	v18 =	vsel vm1, s1, v18;
	v19 =	vsel vm5, s25, v19;
	v16 =	vcombine.low v63, v17  }
0x109: {  	s18 =	sshrl.u32 s10, $0x1F;
	s0 =	sshrl.u32 s0, $0x1F;
	s26 =	sshrl.u32 s9, $0x1F;
	v17 =	vsel vm5, s4, v21;
	v21 =	vsel vm0, s5, v25;
	(v2sf) =	vpush v62, $0xE  }
0x10a: {  	s23 =	sshrl.u32 s2, $0x1F;
	s7 =	sadd.s32 s15, s30;
	v18 =	vsel vm2, s0, v18;
	v19 =	vsel vm6, s26, v19;
	v21 =	vsel vm1, s18, v21  }
0x10b: {  	s28 =	sshrl.u32 s7, $0x1F;
	v17 =	vsel vm6, s9, v17;
	v21 =	vsel vm2, s23, v21;
	(v2sf) =	vpush v62, $0xF  }
0x10c: {  	v19 =	vsel vm7, s28, v19;
	v16 =	vperm.xlane v16, v7;
	v18 =	vcombine.low v21, v18  }
0x10d: {  	v17 =	vsel vm7, s7, v17;
	v19 =	vperm.xlane v19, v8;
	(v2sf) =	vpush v62, $0x9  }
0x10e: {  	v17 =	vperm.xlane v17, v8;
	v18 =	vperm.xlane v18, v7  }
0x10f: {  	v20 =	vmul.f32 $1.442695020e+00, v20;
	(v2sf) =	vpush v62, $0x8  }
0x110: {  	v16 =	vsel vm8, v17, v16;
	v26 =	vsel vm8, v19, v18  }
0x111: {  	(erf) = vpow2.f32 v20;
	(v2sf) =	vpush v62, $0xA;
	v16 =	vadd.s32 v26, v16  }
0x112: {  	v16 =	vmul.u32 $0x3, v16  }
0x113: {  	v13 =	vmul.u32 $0x6, v13;
	(v2sf) =	vpush v62, $0xB  }
0x114: {  	v15 =	vsub.s32 v15, v16;
	s29 =	spop (v2sf)  }
0x115: {  	v28 =	vadd.s32 $0x3, v13;
	v27 =	vld [tilespmem:$0xDF20];
	v16 =	vshll.u32 v15, $0x1;
	(v2sf) =	vpush v62, $0x1;
	s30 =	smulhi.u32 $0x55555556, s29;
	s0 =	sshra.s32 s29, $0x1F  }
0x116: {  	v30 =	vadd.s32 $0x4, v13;
	vm11 =	vlt.s32 v15, $0x0;
	v29 =	vadd.s32 $0x6, v16;
	s3 =	spop (v2sf);
	s0 =	smul.u32 $0x55555556, s0  }
0x117: {  	v15 =	vsel vm11, v29, v16;
	(v2sf) =	vpush v62, $0x0;
	s4 =	smulhi.u32 $0x55555556, s3;
	s2 =	sshra.s32 s3, $0x1F  }
0x118: {  	v32 =	vor.u32 $0x1, v15;
	s5 =	spop (v2sf);
	s31 =	smul.u32 $0x55555556, s2  }
0x119: {  	s20 =	simm.s32 $0x0;
	(v2sf) =	vpush v62, $0x2;
	s6 =	smulhi.u32 $0x55555556, s5;
	s2 =	sshra.s32 s5, $0x1F  }
0x11a: {  	v17 =	vsub.f32 $0.0e+00, v27;
	v31 =	vpop (erf);
	v18 =	vld.idx.msk [tilespmem:v28+s20+$0x0], $0xffff;
	s8 =	spop (v2sf);
	s7 =	smul.u32 $0x55555556, s2  }
0x11b: {  	s21 =	simm.s32 $0xDF80;
	v19 =	vadd.f32 $1.000000000e+00, v31;
	v16 =	vld.idx.msk [tilespmem:v30+s20+$0x0], $0xffff;
	(v2sf) =	vpush v62, $0x3;
	s9 =	smulhi.u32 $0x55555556, s8;
	s2 =	sshra.s32 s8, $0x1F  }
0x11c: {  	v17 =	vmul.f32 $1.442695020e+00, v17;
	v15 =	vld.idx.msk [tilespmem:v15+s21+$0x0], $0xffff;
	s23 =	spop (v2sf);
	s10 =	smul.u32 $0x55555556, s2  }
0x11d: {  	(erf) = vrcp.f32 v19;
	(v2sf) =	vpush v62, $0x4;
	v33 =	vld.idx.msk [tilespmem:v32+s21+$0x0], $0xffff;
	s24 =	smulhi.u32 $0x55555556, s23;
	s2 =	sshra.s32 s23, $0x1F  }
0x11e: {  	(erf) = vpow2.f32 v17;
	s11 =	spop (v2sf);
	s25 =	smul.u32 $0x55555556, s2  }
0x11f: {  	(v2sf) =	vpush v62, $0x5;
	s12 =	smulhi.u32 $0x55555556, s11;
	s2 =	sshra.s32 s11, $0x1F  }
0x120: {  	s4 =	sadd.s32 s31, s4;
	s13 =	spop (v2sf);
	s26 =	smul.u32 $0x55555556, s2  }
0x121: {  	(v2sf) =	vpush v62, $0x6;
	s1 =	sadd.s32 s7, s6;
	s14 =	smulhi.u32 $0x55555556, s13;
	s2 =	sshra.s32 s13, $0x1F  }
0x122: {  	v23 =	vmov s4;
	s4 =	sshrl.u32 s4, $0x1F;
	s16 =	spop (v2sf);
	s28 =	smul.u32 $0x55555556, s2;
	v15 =	vmul.f32 v15, v18;
	v16 =	vmul.f32 v33, v16  }
0x123: {  	(v2sf) =	vpush v62, $0x7;
	s15 =	smulhi.u32 $0x55555556, s16;
	s2 =	sshra.s32 s16, $0x1F;
	s5 =	sadd.s32 s25, s24  }
0x124: {  	s19 =	smul.u32 $0x55555556, s2;
	s2 =	sadd.s32 s0, s30;
	v16 =	vadd.f32 $1.000000020e-16, v16;
	s17 =	spop (v2sf)  }
0x125: {  	s0 =	sadd.s32 s10, s9;
	s18 =	smulhi.u32 $0x55555556, s17;
	s29 =	sshra.s32 s17, $0x1F  }
0x126: {  	s8 =	sadd.s32 s26, s12;
	v17 =	vadd.f32 $1.000000020e-16, v15;
	v15 =	vpop (erf);
	v37 =	vand.u32 $0x7FFFFF, v16;
	s30 =	spop (v2sf);
	s3 =	smul.u32 $0x55555556, s29  }
0x127: {  	v40 =	vmov s8;
	s8 =	sshrl.u32 s8, $0x1F;
	v35 =	vpop (erf);
	v38 =	vor.u32 $0x3F800000, v37;
	s31 =	smulhi.u32 $0x55555556, s30;
	s16 =	sshra.s32 s30, $0x1F  }
0x128: {  	v39 =	vsel vm0, s2, v23;
	s2 =	sshrl.u32 s2, $0x1F;
	v19 =	vadd.f32 $1.000000000e+00, v35;
	v21 =	vmul.f32 $5.000000000e-01, v38;
	s23 =	spop (v2sf);
	s16 =	smul.u32 $0x55555556, s16  }
0x129: {  	v26 =	vld [tilespmem:$0xDF10];
	s7 =	sadd.s32 s19, s15;
	vm12 =	vge.f32 v38, $1.414213540e+00;
	s24 =	smulhi.u32 $0x55555556, s23;
	s6 =	sshra.s32 s23, $0x1F  }
0x12a: {  	(erf) = vrcp.f32 v19;
	v19 =	vsel vm12, v21, v38;
	v21 =	vsel vm1, s1, v39;
	s1 =	sshrl.u32 s1, $0x1F;
	s25 =	spop (v2sf);
	s26 =	smul.u32 $0x55555556, s6  }
0x12b: {  	s6 =	sadd.s32 s28, s14;
	s28 =	smulhi.u32 $0x55555556, s25;
	s29 =	sshra.s32 s25, $0x1F  }
0x12c: {  	v21 =	vsel vm2, s0, v21;
	s0 =	sshrl.u32 s0, $0x1F;
	s30 =	spop (v2sf);
	s12 =	smul.u32 $0x55555556, s29  }
0x12d: {  	v34 =	vand.u32 $0x7FFFFF, v17;
	s3 =	sadd.s32 s3, s18;
	s17 =	smulhi.u32 $0x55555556, s30;
	s13 =	sshra.s32 s30, $0x1F  }
0x12e: {  	v43 =	vsub.f32 $0.0e+00, v26;
	v18 =	vor.u32 $0x3F800000, v34;
	s31 =	sadd.s32 s16, s31;
	s19 =	spop (v2sf);
	s13 =	smul.u32 $0x55555556, s13  }
0x12f: {  	v42 =	vmov s4;
	v23 =	vsel vm0, s5, v40;
	v36 =	vmul.f32 $5.000000000e-01, v18;
	s9 =	sadd.s32 s26, s24;
	s23 =	smulhi.u32 $0x55555556, s19;
	s16 =	sshra.s32 s19, $0x1F  }
0x130: {  	v25 =	vmov s8;
	vm11 =	vge.f32 v18, $1.414213540e+00;
	v22 =	vmov s31;
	s24 =	spop (v2sf);
	s14 =	sshrl.u32 s31, $0x1F;
	s25 =	smul.u32 $0x55555556, s16  }
0x131: {  	v18 =	vsel vm11, v36, v18;
	v23 =	vsel vm1, s6, v23;
	v22 =	vnsel vm3, $0x0, v22;
	s11 =	sadd.s32 s12, s28;
	s26 =	smulhi.u32 $0x55555556, s24;
	s28 =	sshra.s32 s24, $0x1F  }
0x132: {  	v23 =	vsel vm2, s7, v23;
	s19 =	sshrl.u32 s6, $0x1F;
	s29 =	spop (v2sf);
	v24 =	vmov s14;
	v22 =	vsel vm0, s3, v22;
	s16 =	smul.u32 $0x55555556, s28  }
0x133: {  	v21 =	vcombine.low v23, v21;
	s13 =	sadd.s32 s13, s17;
	v24 =	vnsel vm3, $0x0, v24;
	s3 =	sshrl.u32 s3, $0x1F;
	s17 =	sshrl.u32 s5, $0x1F;
	v22 =	vsel vm1, s9, v22  }
0x134: {  	s24 =	sshrl.u32 s7, $0x1F;
	v41 =	vsel vm0, s3, v24;
	v24 =	vsel vm0, s2, v42;
	v25 =	vsel vm0, s17, v25;
	s15 =	sadd.s32 s16, s26;
	s16 =	sshrl.u32 s9, $0x1F  }
0x135: {  	s30 =	smulhi.u32 $0x55555556, s29;
	s31 =	sshra.s32 s29, $0x1F;
	s18 =	sshrl.u32 s11, $0x1F;
	v22 =	vsel vm2, s11, v22;
	v24 =	vsel vm1, s1, v24;
	v23 =	vsel vm1, s16, v41  }
0x136: {  	s10 =	sadd.s32 s25, s23;
	s14 =	smul.u32 $0x55555556, s31;
	s23 =	sshrl.u32 s13, $0x1F;
	v25 =	vsel vm1, s19, v25;
	v22 =	vsel vm4, s13, v22;
	v23 =	vsel vm2, s18, v23  }
0x137: {  	s25 =	sshrl.u32 s10, $0x1F;
	v24 =	vsel vm2, s0, v24;
	v25 =	vsel vm2, s24, v25;
	v23 =	vsel vm4, s23, v23  }
0x138: {  	s26 =	sadd.s32 s14, s30;
	s29 =	sshrl.u32 s15, $0x1F;
	v22 =	vsel vm5, s10, v22;
	v24 =	vcombine.low v25, v24;
	v23 =	vsel vm5, s25, v23  }
0x139: {  	v21 =	vperm.xlane v21, v7;
	s30 =	sshrl.u32 s26, $0x1F;
	v22 =	vsel vm6, s15, v22;
	v23 =	vsel vm6, s29, v23  }
0x13a: {  	v22 =	vsel vm7, s26, v22;
	v24 =	vperm.xlane v24, v7;
	v23 =	vsel vm7, s30, v23  }
0x13b: {  	v20 =	vadd.f32 $1.000000000e+00, v18;
	v22 =	vperm.xlane v22, v8;
	v23 =	vperm.xlane v23, v8  }
0x13c: {  	v46 =	vmul.f32 $1.442695020e+00, v43;
	v44 =	vadd.f32 $1.000000000e+00, v19  }
0x13d: {  	(erf) = vrcp.f32 v20;
	v21 =	vsel vm8, v22, v21;
	v45 =	vsel vm8, v23, v24  }
0x13e: {  	(erf) = vrcp.f32 v44;
	v47 =	vadd.s32 v45, v21  }
0x13f: {  	(erf) = vpow2.f32 v46;
	v20 =	vmul.u32 $0x3, v47;
	_ =	sdelay $0x1  }
0x140: {  	v12 =	vmul.u32 $0x6, v12;
	v14 =	vsub.s32 v62, v20  }
0x141: {  	v20 =	vshll.u32 v14, $0x1  }
0x142: {  	v48 =	vadd.s32 $0x3, v12;
	v49 =	vld [tilespmem:$0xDF30];
	vm13 =	vlt.s32 v14, $0x0;
	v50 =	vadd.s32 $0x6, v20  }
0x143: {  	v14 =	vsel vm13, v50, v20  }
0x144: {  	v53 =	vadd.s32 $0x4, v12;
	v20 =	vpop (erf)  }
0x145: {  	v54 =	vor.u32 $0x1, v14;
	v51 =	vpop (erf)  }
0x146: {  	v52 =	vpop (erf)  }
0x147: {  	v22 =	vsub.f32 $0.0e+00, v49;
	v21 =	vld.idx.msk [tilespmem:v48+s20+$0x0], $0xffff;
	v27 =	vpop (erf)  }
0x148: {  	v14 =	vld.idx.msk [tilespmem:v14+s21+$0x0], $0xffff;
	v27 =	vadd.f32 $1.000000000e+00, v27  }
0x149: {  	v25 =	vld.idx.msk [tilespmem:v53+s20+$0x0], $0xffff;
	v22 =	vmul.f32 $1.442695020e+00, v22  }
0x14a: {  	v55 =	vld.idx.msk [tilespmem:v54+s21+$0x0], $0xffff;
	(erf) = vrcp.f32 v27  }
0x14b: {  	(erf) = vpow2.f32 v22;
	_ =	sdelay $0x1  }
0x14c: {  	v14 =	vmul.f32 v14, v21;
	_ =	sdelay $0x1  }
0x14d: {  	v22 =	vmul.f32 v55, v25;
	v14 =	vadd.f32 $1.000000020e-16, v14;
	_ =	sdelay $0x1  }
0x14e: {  	v22 =	vadd.f32 $1.000000020e-16, v22;
	v56 =	vand.u32 $0x7FFFFF, v14  }
0x14f: {  	v21 =	vor.u32 $0x3F800000, v56  }
0x150: {  	v60 =	vand.u32 $0x7FFFFF, v22;
	v23 =	vpop (erf);
	v57 =	vmul.f32 $5.000000000e-01, v21  }
0x151: {  	v19 =	vadd.f32 $-1.000000000e+00, v19;
	vm14 =	vge.f32 v21, $1.414213540e+00;
	v25 =	vor.u32 $0x3F800000, v60;
	v59 =	vpop (erf)  }
0x152: {  	v62 =	vmul.f32 $5.000000000e-01, v25;
	v24 =	vadd.f32 $1.000000000e+00, v59;
	v21 =	vsel vm14, v57, v21  }
0x153: {  	v18 =	vadd.f32 $-1.000000000e+00, v18;
	vm13 =	vge.f32 v25, $1.414213540e+00;
	v28 =	vadd.f32 $1.000000000e+00, v21  }
0x154: {  	v19 =	vmul.f32 v52, v19;
	(erf) = vrcp.f32 v24;
	v24 =	vsel vm13, v62, v25  }
0x155: {  	(erf) = vrcp.f32 v28;
	v33 =	vadd.f32 $1.000000000e+00, v24  }
0x156: {  	v18 =	vmul.f32 v51, v18;
	v61 =	vmul.f32 v19, v19  }
0x157: {  	(erf) = vrcp.f32 v33  }
0x158: {  	v37 =	vor.u32 $0x1, v13;
	v58 =	vmul.f32 v18, v18;
	v63 =	vmul.f32 $1.111111120e-01, v61  }
0x159: {  	v17 =	vshrl.u32 v17, $0x17  }
0x15a: {  	v16 =	vshrl.u32 v16, $0x17;
	v29 =	vmul.f32 $1.111111120e-01, v58;
	v28 =	vadd.f32 $1.428571490e-01, v63  }
0x15b: {  	v13 =	vadd.s32 $0x2, v13;
	v30 =	vsel vm11, $0x1, v6;
	v35 =	vsel vm12, $0x1, v6  }
0x15c: {  	v17 =	vadd.s32 v30, v17;
	v32 =	vadd.f32 $1.428571490e-01, v29;
	v28 =	vmul.f32 v28, v61  }
0x15d: {  	v17 =	vadd.s32 $0xFFFFFF81, v17;
	v16 =	vadd.s32 v35, v16;
	v46 =	vld.idx.msk [tilespmem:v37+s20+$0x0], $0xffff;
	v21 =	vadd.f32 $-1.000000000e+00, v21;
	v34 =	vpop (erf)  }
0x15e: {  	v16 =	vadd.s32 $0xFFFFFF81, v16;
	v25 =	vmul.f32 v32, v58;
	v28 =	vadd.f32 $2.000000030e-01, v28;
	v31 =	vpop (erf)  }
0x15f: {  	v17 =	vcvt.s32.f32 v17;
	v24 =	vadd.f32 $-1.000000000e+00, v24;
	v21 =	vmul.f32 v31, v21  }
0x160: {  	v16 =	vcvt.s32.f32 v16;
	v25 =	vadd.f32 $2.000000030e-01, v25;
	v28 =	vmul.f32 v28, v61;
	v38 =	vpop (erf)  }
0x161: {  	v13 =	vld.idx.msk [tilespmem:v13+s20+$0x0], $0xffff;
	v36 =	vmul.f32 v21, v21;
	v24 =	vmul.f32 v38, v24  }
0x162: {  	v17 =	vmul.f32 $6.931471820e-01, v17;
	v15 =	vsub.f32 v15, v46;
	v25 =	vmul.f32 v25, v58  }
0x163: {  	v28 =	vadd.f32 $3.333333430e-01, v28;
	v39 =	vmul.f32 $1.111111120e-01, v36;
	v40 =	vmul.f32 v24, v24  }
0x164: {  	v16 =	vmul.f32 $6.931471820e-01, v16;
	v15 =	vmul.f32 v15, v15;
	v25 =	vadd.f32 $3.333333430e-01, v25  }
0x165: {  	v27 =	vmul.f32 v28, v61;
	v28 =	vadd.f32 $1.428571490e-01, v39;
	v43 =	vmul.f32 $1.111111120e-01, v40  }
0x166: {  	v47 =	vor.u32 $0x1, v12;
	v13 =	vsub.f32 v20, v13;
	v25 =	vmul.f32 v25, v58  }
0x167: {  	v12 =	vadd.s32 $0x2, v12;
	v42 =	vmul.f32 v28, v36;
	v45 =	vadd.f32 $1.428571490e-01, v43  }
0x168: {  	v13 =	vmul.f32 v13, v13;
	v18 =	vadd.f32 v18, v18;
	v25 =	vadd.f32 $1.000000000e+00, v25  }
0x169: {  	v41 =	vadd.f32 $1.000000000e+00, v27;
	v44 =	vadd.f32 $2.000000030e-01, v42;
	v27 =	vmul.f32 v45, v40  }
0x16a: {  	v19 =	vadd.f32 v19, v19;
	v14 =	vshrl.u32 v14, $0x17;
	v51 =	vsel vm14, $0x1, v6  }
0x16b: {  	v18 =	vmul.f32 v25, v18;
	v25 =	vmul.f32 v44, v36;
	v49 =	vadd.f32 $2.000000030e-01, v27  }
0x16c: {  	v22 =	vshrl.u32 v22, $0x17;
	v14 =	vadd.s32 v51, v14;
	v53 =	vsel vm13, $0x1, v6  }
0x16d: {  	v12 =	vld.idx.msk [tilespmem:v12+s20+$0x0], $0xffff;
	v19 =	vmul.f32 v41, v19;
	v48 =	vadd.f32 $3.333333430e-01, v25;
	v25 =	vmul.f32 v49, v40  }
0x16e: {  	v50 =	vld [tilespmem:$0xDF40];
	v14 =	vadd.s32 $0xFFFFFF81, v14;
	v22 =	vadd.s32 v53, v22;
	v17 =	vadd.f32 v18, v17  }
0x16f: {  	v18 =	vld.idx.msk [tilespmem:v47+s20+$0x0], $0xffff;
	v16 =	vadd.f32 v19, v16;
	v19 =	vmul.f32 v48, v36;
	v25 =	vadd.f32 $3.333333430e-01, v25  }
0x170: {  	v13 =	vadd.f32 v13, v15;
	v14 =	vcvt.s32.f32 v14;
	v54 =	vadd.s32 $0xFFFFFF81, v22  }
0x171: {  	v52 =	vld [tilespmem:$0xDF60];
	v21 =	vadd.f32 v21, v21;
	v19 =	vadd.f32 $1.000000000e+00, v19;
	v25 =	vmul.f32 v25, v40  }
0x172: {  	v55 =	vld [tilespmem:$0xDF50];
	v14 =	vmul.f32 $6.931471820e-01, v14;
	v12 =	vsub.f32 v34, v12;
	v24 =	vadd.f32 v24, v24  }
0x173: {  	v19 =	vmul.f32 v19, v21;
	v25 =	vadd.f32 $1.000000000e+00, v25;
	v21 =	vcvt.s32.f32 v54  }
0x174: {  	v56 =	vld [tilespmem:$0xDF70];
	v17 =	vsub.f32 v50, v17;
	v18 =	vsub.f32 v23, v18  }
0x175: {  	v14 =	vadd.f32 v19, v14;
	v57 =	vmul.f32 $6.931471820e-01, v21;
	v58 =	vmul.f32 v25, v24  }
0x176: {  	v12 =	vmul.f32 v12, v12;
	v59 =	vmul.f32 v17, v17;
	v16 =	vsub.f32 v52, v16  }
0x177: {  	v18 =	vmul.f32 v18, v18;
	v60 =	vadd.f32 v58, v57;
	v14 =	vsub.f32 v55, v14  }
0x178: {  	v13 =	vadd.f32 v59, v13;
	v61 =	vmul.f32 v16, v16  }
0x179: {  	v12 =	vadd.f32 v12, v18;
	v62 =	vsub.f32 v56, v60;
	v14 =	vmul.f32 v14, v14  }
0x17a: {  	s28 =	rddreg [dreg:$0x13]  }
0x17b: {  	p0 =	sne.s32 s28, $0x1;
	v13 =	vadd.f32 v61, v13;
	v12 =	vadd.f32 v14, v12;
	v63 =	vmul.f32 v62, v62  }
.Ltmp4:
0x17c: {  	_ = 	snop;
	(pc) =	sbr.rel @p0 .LBB2_6-.Ltmp4, $4  }
0x17d: {  	v13 =	vnsel vm9, $0x0, v13;
	v12 =	vadd.f32 v63, v12  }
0x17e: {  	s4 =	simm.s32 $0x80;
	v11 =	vadd.f32 v13, v11  }
0x17f: {  	s6 =	simm.s32 $0xDF00;
	s5 =	simm.s32 $0xDE80;
	s31 =	rddreg [dreg:$0x16];
	v12 =	vnsel vm10, $0x0, v12  }
0x180: {  	s3 =	simm.s32 $0xBE80;
	s1 =	sadd.s32 $0xFFFFFFFF, s28;
	s0 =	sadd.s32 $0x20, s31;
	v11 =	vadd.f32 v12, v11  }
.Ltmp5:
0x181: {  	_ = 	snop;
	(pc) =	sbr.rel .LBB2_7-.Ltmp5, $1  }
0x182: {  	_ =	sdelay $0x3  }
.LBB2_4:
0x183: {  	v11 =	vimm.f32 $0.0e+00  }
.LBB2_7:
0x184: {  	s0 =	simm.s32 $0x0  }
0x185: {  	[tilespmem:$0xE000] =	vst v11;
	s1 =	rddreg [dreg:$0x7];
	s7 =	simm.s32 $0xE000;
	s2 =	simm.s32 $0x2  }
0x186: {  	[hbm4b:s1+s0] =	stream.linear.scatter [tilespmem:s7], [sflag:$0x2], $0x80, $0x38;
	[tilespmem:$0xE080] =	vst v63  }
0x187: {  	_ =	swait.ge [sflag:s2], $0x80  }
0x188: {  	v9 =	vcvt.s32.f32 v9;
	[sflag:s2] =	ssyncset.done $0x0  }
0x189: {  	[sflag:s2] =	ssyncadd.s32 $0xFFFFFF80  }
0x18a: {  	s29 =	rddreg [dreg:$0x8];
	[tilespmem:$0xE000] =	vst v9  }
0x18b: {  	[hbm4b:s29+s0] =	stream.linear.scatter [tilespmem:s7], [sflag:$0x2], $0x80, $0x38;
	[tilespmem:$0xE080] =	vst v63  }
0x18c: {  	v9 =	vor.u32 s0, v5;
	_ =	swait.ge [sflag:s2], $0x80  }
0x18d: {  	v10 =	vmul.u32 $0x6, v9;
	[sflag:s2] =	ssyncset.done $0x0  }
0x18e: {  	s30 =	rddreg [dreg:$0x9];
	[sflag:s2] =	ssyncadd.s32 $0xFFFFFF80  }
0x18f: {  	[tilespmem:s0], [sflag:$0x2] =	stream.linear.gather [hbm4b:s30+s0], $0x2FA0, $0x38;
	[tilespmem:$0xE080] =	vst v63  }
0x190: {  	_ =	swait.ge [sflag:s2], $0x2FA0  }
0x191: {  	[sflag:s2] =	ssyncset.done $0x0  }
0x192: {  	[sflag:s2] =	ssyncadd.s32 $0xFFFFD060  }
0x193: {  	v10 =	vld.idx.msk [tilespmem:v10+s20+$0x0], $0xffff;
	_ =	sdelay $0x4  }
0x194: {  	vm10 =	vge.u32 v9, v2;
	vm9 =	veq.f32 v10, $1.000000000e+00  }
0x195: {  	vm9 =	vmand vm10, vm9  }
0x196: {  	v10 =	vsel vm9, $0x1, v6  }
0x197: {  	(xrf0) =	vadd.scan.msk.s32 $0xffff, v10;
	_ =	sdelay $0x1  }
0x198: {  	v10 =	vmpcnt.ones.xlane vm9;
	_ =	sdelay $0x2  }
0x199: {  	v13 =	vimm.s32 $0x0  }
0x19a: {  	s31 =	simm.s32 $0x10;
	v11 =	vadd.s32 v13, v10;
	v10, _, _ =	vpop (xrf0)  }
0x19b: {  	v12 =	vor.u32 s31, v5;
	s0 =	simm.s32 $0x20;
	v13 =	vadd.s32 v10, v13;
	v10 =	vmov v11  }
.LBB2_8:
0x19c: {  	p0 =	sne.s32 s0, $0x7E0;
	v14 =	vmul.u32 $0x6, v12;
	v13 =	vadd.s32 $0xFFFFFFFF, v13;
	_ =	sdelay $0x4  }
0x19d: {  	[tilespmem:v13+s3+$0x0] =	vst.idx.msk vm9, v9;
	v9 =	vmov v12  }
0x19e: {  	v12 =	vld.idx.msk [tilespmem:v14+s20+$0x0], $0xffff;
	_ =	sdelay $0x5  }
0x19f: {  	vm10 =	vge.u32 v9, v2;
	vm9 =	veq.f32 v12, $1.000000000e+00  }
0x1a0: {  	vm9 =	vmand vm10, vm9  }
0x1a1: {  	v12 =	vsel vm9, $0x1, v6;
	v13 =	vmpcnt.ones.xlane vm9  }
0x1a2: {  	(xrf0) =	vadd.scan.msk.s32 $0xffff, v12  }
0x1a3: {  	v11 =	vadd.s32 v11, v13;
	_ =	sdelay $0x1  }
.Ltmp6:
0x1a4: {  	(pc) =	sbr.rel @p0 .LBB2_8-.Ltmp6, $3  }
0x1a5: {  	_ =	sdelay $0x1  }
0x1a6: {  	v13, _, _ =	vpop (xrf0)  }
0x1a7: {  	v12 =	vor.u32 s0, v5;
	s0 =	sadd.s32 $0x10, s0;
	v13 =	vadd.s32 v13, v10;
	v10 =	vmov v11  }
0x1a8: {  	v14 =	vmul.u32 $0x6, v12;
	v13 =	vadd.s32 $0xFFFFFFFF, v13;
	_ =	sdelay $0x4  }
0x1a9: {  	[tilespmem:v13+s3+$0x0] =	vst.idx.msk vm9, v9  }
0x1aa: {  	v9 =	vld.idx.msk [tilespmem:v14+s20+$0x0], $0xffff;
	_ =	sdelay $0x4  }
0x1ab: {  	vm10 =	vge.u32 v12, v2;
	vm9 =	veq.f32 v9, $1.000000000e+00  }
0x1ac: {  	vm9 =	vmand vm10, vm9  }
0x1ad: {  	v9 =	vmpcnt.ones.xlane vm9;
	_ =	sdelay $0x1  }
0x1ae: {  	v62 =	vsel vm9, $0x1, v6;
	v9 =	vadd.s32 v11, v9  }
0x1af: {  	(xrf0) =	vadd.scan.msk.s32 $0xffff, v62;
	v11 =	vxor.u32 $0x80000000, v9  }
0x1b0: {  	(xrf0) =	vmax.scan.msk.u32 $0xffff, v11;
	_ =	sdelay $0x4  }
0x1b1: {  	v11, _, _ =	vpop (xrf0)  }
0x1b2: {  	v63, _, _ =	vpop (xrf0)  }
0x1b3: {  	(v2sf) =	vpush v63, $0xF;
	_ =	sdelay $0xe  }
0x1b4: {  	s0 =	spop (v2sf)  }
0x1b5: {  	s1 =	sadd.s32 $0x8000001F, s0  }
0x1b6: {  	s2 =	sand.u32 $0x1F, s1  }
0x1b7: {  	s31 =	sshra.s32 s1, $0x1F;
	p1 =	slt.s32 s1, $0x1;
	p0 =	sne.s32 s2, $0x0  }
0x1b8: {  	s2 =	sshrl.u32 s31, $0x1B;
	p0 =	por !p1, !p0  }
0x1b9: {  	s1 =	sadd.s32 s2, s1;
	s2 =	simm.s32 $0x1;
	p0 =	por !p0, !p0  }
0x1ba: {  	s1 =	sshra.s32 s1, $0x5;
	s2 =	simm.s32 @!p0 $0x0  }
0x1bb: {  	v10 =	vadd.s32 v11, v10;
	s1 =	ssub.s32 s1, s2  }
0x1bc: {  	v10 =	vadd.s32 $0xFFFFFFFF, v10;
	p0 =	slt.s32 s1, $0x1  }
.Ltmp7:
0x1bd: {  	_ = 	snop;
	(pc) =	sbr.rel @p0 .LBB2_10-.Ltmp7, $2  }
0x1be: {  	_ =	sdelay $0x2  }
0x1bf: {  	[tilespmem:v10+s3+$0x0] =	vst.idx.msk vm9, v12  }
0x1c0: {  	s0 =	sxor.u32 $0x80000000, s0  }
0x1c1: {  	v11 =	vimm.f32 $0.0e+00;
	v10 =	vmov s0;
	s0 =	simm.s32 $0x10  }
.LBB2_12:
0x1c2: {  	[dreg:$0x14] =	wrdreg s0  }
0x1c3: {  	s0 =	rddreg [dreg:$0x14]  }
0x1c4: {  	s0 =	sadd.s32 $0xFFFFFFF0, s0  }
0x1c5: {  	v12 =	vor.u32 s0, v5;
	_ =	sdelay $0x4  }
0x1c6: {  	v13 =	vld.idx.msk [tilespmem:v12+s3+$0x0], $0xffff;
	_ =	sdelay $0x3  }
0x1c7: {  	vm9 =	vlt.s32 v12, v10  }
0x1c8: {  	v13 =	vnsel vm9, $0x0, v13  }
0x1c9: {  	s11 =	rddreg [dreg:$0x14];
	v15 =	vadd.s32 v3, v13  }
0x1ca: {  	v14 =	vor.u32 s11, v5;
	v32 =	vshll.u32 v15, $0x2  }
0x1cb: {  	[tilespmem:$0xDE80] =	vst v32;
	v16 =	vor.u32 $0x1, v32  }
0x1cc: {  	v33 =	vor.u32 $0x2, v32;
	[tilespmem:$0xDEA0] =	vst v16  }
0x1cd: {  	v12 =	vor.u32 $0x3, v32;
	[tilespmem:$0xDEC0] =	vst v33  }
0x1ce: {  	[tilespmem:$0xDEE0] =	vst v12  }
0x1cf: {  	v12 =	vld.idx.msk [tilespmem:v14+s3+$0x0], $0xffff;
	_ =	sdelay $0x3  }
0x1d0: {  	vm10 =	vlt.s32 v14, v10  }
0x1d1: {  	v12 =	vnsel vm10, $0x0, v12  }
0x1d2: {  	v34 =	vadd.s32 v3, v12  }
0x1d3: {  	v35 =	vshll.u32 v34, $0x2  }
0x1d4: {  	[tilespmem:$0xDE90] =	vst v35;
	v17 =	vor.u32 $0x1, v35  }
0x1d5: {  	v36 =	vor.u32 $0x2, v35;
	[tilespmem:$0xDEB0] =	vst v17  }
0x1d6: {  	[dreg:$0x11] =	wrdreg s1;
	v16 =	vor.u32 $0x3, v35;
	[tilespmem:$0xDED0] =	vst v36  }
0x1d7: {  	s12 =	rddreg [dreg:$0x4];
	[tilespmem:$0xDEF0] =	vst v16  }
0x1d8: {  	[tilespmem:s6], [sflag:$0x1] =	stream.indirect.gather [hbm4b:s12+s4], $0x1, s5, s4, $0xb8;
	[tilespmem:$0xE080] =	vst v63  }
0x1d9: {  	_ =	swait.ge [sflag:s22], $0x80  }
0x1da: {  	(v2sf) =	vpush v15, $0xD;
	_ =	sdelay $0x1  }
0x1db: {  	(v2sf) =	vpush v15, $0xC;
	_ =	sdelay $0x1  }
0x1dc: {  	(v2sf) =	vpush v15, $0xE;
	_ =	sdelay $0x1  }
0x1dd: {  	(v2sf) =	vpush v15, $0xF;
	_ =	sdelay $0x1  }
0x1de: {  	(v2sf) =	vpush v15, $0x9;
	_ =	sdelay $0x1  }
0x1df: {  	(v2sf) =	vpush v15, $0x8;
	_ =	sdelay $0x1  }
0x1e0: {  	(v2sf) =	vpush v15, $0xA;
	_ =	sdelay $0x1  }
0x1e1: {  	(v2sf) =	vpush v15, $0xB  }
0x1e2: {  	(v2sf) =	vpush v15, $0x0;
	s13 =	spop (v2sf)  }
0x1e3: {  	s14 =	smulhi.u32 $0x60F25DEB, s13;
	s0 =	sshra.s32 s13, $0x1F  }
0x1e4: {  	s2 =	spop (v2sf);
	s0 =	smul.u32 $0x60F25DEB, s0  }
0x1e5: {  	(v2sf) =	vpush v15, $0x1;
	s15 =	smulhi.u32 $0x60F25DEB, s2;
	s2 =	sshra.s32 s2, $0x1F  }
0x1e6: {  	s16 =	spop (v2sf);
	s2 =	smul.u32 $0x60F25DEB, s2  }
0x1e7: {  	(v2sf) =	vpush v15, $0x2;
	s17 =	smulhi.u32 $0x60F25DEB, s16;
	s4 =	sshra.s32 s16, $0x1F  }
0x1e8: {  	s19 =	spop (v2sf);
	s18 =	smul.u32 $0x60F25DEB, s4  }
0x1e9: {  	(v2sf) =	vpush v15, $0x3;
	s0 =	sadd.s32 s0, s14;
	s20 =	smulhi.u32 $0x60F25DEB, s19;
	s7 =	sshra.s32 s19, $0x1F  }
0x1ea: {  	(v2sf) =	vpush v15, $0x4;
	s22 =	spop (v2sf);
	s9 =	sshrl.u32 s0, $0x1F;
	s21 =	smul.u32 $0x60F25DEB, s7  }
0x1eb: {  	s4 =	sadd.s32 s2, s15;
	s23 =	smulhi.u32 $0x60F25DEB, s22;
	s3 =	sshra.s32 s22, $0x1F  }
0x1ec: {  	s24 =	spop (v2sf);
	s10 =	sshrl.u32 s4, $0x1F;
	s3 =	smul.u32 $0x60F25DEB, s3  }
0x1ed: {  	(v2sf) =	vpush v15, $0x5;
	s1 =	sadd.s32 s18, s17;
	s8 =	smulhi.u32 $0x60F25DEB, s24;
	s5 =	sshra.s32 s24, $0x1F  }
0x1ee: {  	s26 =	spop (v2sf);
	s11 =	sshrl.u32 s1, $0x1F;
	s25 =	smul.u32 $0x60F25DEB, s5  }
0x1ef: {  	(v2sf) =	vpush v15, $0x6;
	s2 =	sadd.s32 s21, s20;
	s13 =	smulhi.u32 $0x60F25DEB, s26;
	s14 =	sshra.s32 s26, $0x1F  }
0x1f0: {  	s29 =	spop (v2sf);
	s5 =	sadd.s32 s3, s23;
	s28 =	smul.u32 $0x60F25DEB, s14  }
0x1f1: {  	s15 =	smulhi.u32 $0x60F25DEB, s29;
	s7 =	sshra.s32 s29, $0x1F;
	s30 =	spop (v2sf);
	(v2sf) =	vpush v15, $0x7  }
0x1f2: {  	s12 =	sshrl.u32 s2, $0x1F;
	s14 =	sshrl.u32 s5, $0x1F;
	s7 =	smul.u32 $0x60F25DEB, s7  }
0x1f3: {  	s8 =	sadd.s32 s25, s8;
	s17 =	smulhi.u32 $0x60F25DEB, s30;
	s18 =	sshra.s32 s30, $0x1F  }
0x1f4: {  	s22 =	spop (v2sf);
	s16 =	sshrl.u32 s8, $0x1F;
	s31 =	smul.u32 $0x60F25DEB, s18  }
0x1f5: {  	s6 =	sadd.s32 s28, s13;
	s19 =	smulhi.u32 $0x60F25DEB, s22;
	s13 =	sshra.s32 s22, $0x1F  }
0x1f6: {  	s23 =	spop (v2sf);
	s18 =	sshrl.u32 s6, $0x1F;
	s13 =	smul.u32 $0x60F25DEB, s13  }
0x1f7: {  	s7 =	sadd.s32 s7, s15;
	s21 =	smulhi.u32 $0x60F25DEB, s23;
	s15 =	sshra.s32 s23, $0x1F  }
0x1f8: {  	s24 =	spop (v2sf);
	s3 =	sadd.s32 s31, s17;
	s15 =	smul.u32 $0x60F25DEB, s15  }
0x1f9: {  	v20 =	vmov s4;
	v37 =	vmov s10;
	s23 =	smulhi.u32 $0x60F25DEB, s24;
	s17 =	sshra.s32 s24, $0x1F;
	s28 =	spop (v2sf)  }
0x1fa: {  	v20 =	vsel vm0, s0, v20;
	v16 =	vsel vm0, s9, v37;
	s25 =	sshrl.u32 s3, $0x1F;
	s10 =	sadd.s32 s13, s19;
	s26 =	smul.u32 $0x60F25DEB, s17  }
0x1fb: {  	v20 =	vsel vm1, s1, v20;
	v16 =	vsel vm1, s11, v16;
	s30 =	smulhi.u32 $0x60F25DEB, s28;
	s17 =	sshra.s32 s28, $0x1F;
	s29 =	sshrl.u32 s10, $0x1F  }
0x1fc: {  	v20 =	vsel vm2, s2, v20;
	v16 =	vsel vm2, s12, v16;
	s11 =	sadd.s32 s15, s21;
	s31 =	smul.u32 $0x60F25DEB, s17;
	s21 =	spop (v2sf)  }
0x1fd: {  	v21 =	vmov s8;
	v19 =	vmov s3;
	v38 =	vmov s25;
	s13 =	sadd.s32 s26, s23;
	s23 =	smulhi.u32 $0x60F25DEB, s21;
	s24 =	sshra.s32 s21, $0x1F  }
0x1fe: {  	v18 =	vmov s16;
	v19 =	vnsel vm3, $0x0, v19;
	v17 =	vnsel vm3, $0x0, v38;
	s16 =	sshrl.u32 s11, $0x1F;
	s28 =	spop (v2sf);
	s26 =	smul.u32 $0x60F25DEB, s24  }
0x1ff: {  	v21 =	vsel vm0, s5, v21;
	v19 =	vsel vm0, s10, v19;
	v17 =	vsel vm0, s29, v17;
	s17 =	sshrl.u32 s13, $0x1F;
	s29 =	smulhi.u32 $0x60F25DEB, s28;
	s15 =	sshra.s32 s28, $0x1F  }
0x200: {  	v18 =	vsel vm0, s14, v18;
	s22 =	sadd.s32 s31, s30;
	v19 =	vsel vm1, s11, v19;
	v17 =	vsel vm1, s16, v17;
	s30 =	smul.u32 $0x60F25DEB, s15;
	s31 =	spop (v2sf)  }
0x201: {  	s20 =	sshrl.u32 s7, $0x1F;
	v21 =	vsel vm1, s6, v21;
	v19 =	vsel vm2, s13, v19;
	v17 =	vsel vm2, s17, v17;
	s16 =	smulhi.u32 $0x60F25DEB, s31;
	s17 =	sshra.s32 s31, $0x1F  }
0x202: {  	v18 =	vsel vm1, s18, v18;
	v21 =	vsel vm2, s7, v21;
	s25 =	sshrl.u32 s22, $0x1F;
	s18 =	sadd.s32 s26, s23;
	v19 =	vsel vm4, s22, v19;
	s19 =	smul.u32 $0x60F25DEB, s17  }
0x203: {  	v18 =	vsel vm2, s20, v18;
	v17 =	vsel vm4, s25, v17;
	s20 =	sshrl.u32 s18, $0x1F;
	s3 =	sadd.s32 s30, s29;
	v19 =	vsel vm5, s18, v19  }
0x204: {  	v20 =	vcombine.low v21, v20;
	v17 =	vsel vm5, s20, v17;
	s21 =	sshrl.u32 s3, $0x1F;
	v19 =	vsel vm6, s3, v19;
	s22 =	sadd.s32 s19, s16  }
0x205: {  	v16 =	vcombine.low v18, v16;
	v17 =	vsel vm6, s21, v17;
	s23 =	sshrl.u32 s22, $0x1F;
	v39 =	vsel vm7, s22, v19  }
0x206: {  	v40 =	vperm.xlane v20, v7;
	v17 =	vsel vm7, s23, v17;
	v18 =	vperm.xlane v39, v8  }
0x207: {  	v16 =	vperm.xlane v16, v7;
	v17 =	vperm.xlane v17, v8  }
0x208: {  	v18 =	vsel vm8, v18, v40  }
0x209: {  	v16 =	vsel vm8, v17, v16;
	v41 =	vshra.s32 v18, $0x8  }
0x20a: {  	v16 =	vadd.s32 v16, v41  }
0x20b: {  	v17 =	vmul.u32 $0xFFFFFD5C, v16  }
0x20c: {  	v42 =	vsub.s32 $0x0, v15  }
0x20d: {  	vm11 =	vlt.s32 v15, $0x1;
	vm12 =	vne.s32 v17, v42  }
0x20e: {  	vm11 =	vmand vm11, vm12  }
0x20f: {  	v43 =	vsel vm11, $0xFFFFFFFF, v6  }
0x210: {  	v15 =	vadd.s32 v43, v16  }
0x211: {  	(v2sf) =	vpush v15, $0xD;
	_ =	sdelay $0x1  }
0x212: {  	(v2sf) =	vpush v15, $0xC  }
0x213: {  	(v2sf) =	vpush v15, $0xE;
	_ =	sdelay $0x1  }
0x214: {  	(v2sf) =	vpush v15, $0xF  }
0x215: {  	(v2sf) =	vpush v15, $0x9;
	_ =	sdelay $0x1  }
0x216: {  	(v2sf) =	vpush v15, $0x8  }
0x217: {  	(v2sf) =	vpush v15, $0xA  }
0x218: {  	(v2sf) =	vpush v15, $0xB  }
0x219: {  	(v2sf) =	vpush v15, $0x1  }
0x21a: {  	(v2sf) =	vpush v15, $0x0  }
0x21b: {  	(v2sf) =	vpush v15, $0x2  }
0x21c: {  	(v2sf) =	vpush v15, $0x3  }
0x21d: {  	(v2sf) =	vpush v15, $0x4;
	s24 =	spop (v2sf)  }
0x21e: {  	(v2sf) =	vpush v15, $0x5;
	s28 =	smulhi.u32 $0x55555556, s24;
	s0 =	sshra.s32 s24, $0x1F  }
0x21f: {  	(v2sf) =	vpush v15, $0x6;
	s25 =	spop (v2sf);
	s0 =	smul.u32 $0x55555556, s0  }
0x220: {  	(v2sf) =	vpush v15, $0x7;
	s26 =	spop (v2sf);
	s1 =	smulhi.u32 $0x55555556, s25;
	s5 =	sshra.s32 s25, $0x1F  }
0x221: {  	(v2sf) =	vpush v34, $0xD;
	[dreg:$0x18] =	wrdreg s28;
	s30 =	smul.u32 $0x55555556, s5  }
0x222: {  	s29 =	spop (v2sf);
	s8 =	smulhi.u32 $0x55555556, s26  }
0x223: {  	(v2sf) =	vpush v34, $0xC;
	s11 =	sshra.s32 s26, $0x1F;
	s31 =	spop (v2sf);
	[dreg:$0x1b] =	wrdreg s0  }
0x224: {  	[smem:$0x7F0] =	sst s1;
	s0 =	smul.u32 $0x55555556, s11  }
0x225: {  	(v2sf) =	vpush v34, $0xE;
	s12 =	smulhi.u32 $0x55555556, s29;
	s6 =	spop (v2sf)  }
0x226: {  	[dreg:$0x1e] =	wrdreg s8;
	s7 =	spop (v2sf)  }
0x227: {  	(v2sf) =	vpush v34, $0xF;
	s16 =	smulhi.u32 $0x55555556, s31;
	s18 =	spop (v2sf)  }
0x228: {  	[smem:$0x7F1] =	sst s0;
	s15 =	spop (v2sf)  }
0x229: {  	s14 =	sshra.s32 s29, $0x1F;
	(v2sf) =	vpush v34, $0x9;
	[smem:$0x7F2] =	sst s12;
	s22 =	spop (v2sf)  }
0x22a: {  	s0 =	smul.u32 $0x55555556, s14;
	s21 =	spop (v2sf)  }
0x22b: {  	(v2sf) =	vpush v34, $0x8;
	s19 =	smulhi.u32 $0x55555556, s6;
	s12 =	spop (v2sf)  }
0x22c: {  	s17 =	sshra.s32 s31, $0x1F;
	[smem:$0x7F4] =	sst s16;
	s11 =	spop (v2sf)  }
0x22d: {  	s20 =	sshra.s32 s6, $0x1F;
	s16 =	smul.u32 $0x55555556, s17;
	(v2sf) =	vpush v34, $0xA;
	s26 =	spop (v2sf)  }
0x22e: {  	s31 =	smul.u32 $0x55555556, s20;
	s28 =	spop (v2sf)  }
0x22f: {  	s23 =	smulhi.u32 $0x55555556, s7;
	s24 =	sshra.s32 s7, $0x1F;
	s25 =	spop (v2sf);
	(v2sf) =	vpush v34, $0xB  }
0x230: {  	s13 =	smul.u32 $0x55555556, s24;
	s29 =	spop (v2sf)  }
0x231: {  	[smem:$0x7F3] =	sst s0;
	(v2sf) =	vpush v34, $0x0;
	s8 =	smulhi.u32 $0x60F25DEB, s29;
	s0 =	sshra.s32 s29, $0x1F  }
0x232: {  	s1 =	smul.u32 $0x60F25DEB, s0;
	s0 =	spop (v2sf)  }
0x233: {  	[smem:$0x7F5] =	sst s19;
	(v2sf) =	vpush v34, $0x1;
	s17 =	smulhi.u32 $0x60F25DEB, s0;
	s14 =	sshra.s32 s0, $0x1F  }
0x234: {  	s2 =	spop (v2sf);
	s14 =	smul.u32 $0x60F25DEB, s14  }
0x235: {  	[smem:$0x7F6] =	sst s23;
	(v2sf) =	vpush v34, $0x2;
	s23 =	smulhi.u32 $0x60F25DEB, s2;
	s19 =	sshra.s32 s2, $0x1F  }
0x236: {  	s3 =	spop (v2sf);
	s19 =	smul.u32 $0x60F25DEB, s19  }
0x237: {  	(v2sf) =	vpush v34, $0x3;
	s24 =	smulhi.u32 $0x60F25DEB, s3;
	s20 =	sshra.s32 s3, $0x1F  }
0x238: {  	s4 =	spop (v2sf);
	s29 =	smul.u32 $0x60F25DEB, s20  }
0x239: {  	(v2sf) =	vpush v34, $0x4;
	s7 =	smulhi.u32 $0x60F25DEB, s4;
	s20 =	sshra.s32 s4, $0x1F  }
0x23a: {  	s5 =	spop (v2sf);
	s20 =	smul.u32 $0x60F25DEB, s20  }
0x23b: {  	s6 =	smulhi.u32 $0x60F25DEB, s5;
	s0 =	sshra.s32 s5, $0x1F  }
0x23c: {  	(v2sf) =	vpush v34, $0x5;
	s9 =	spop (v2sf);
	s4 =	smul.u32 $0x60F25DEB, s0  }
0x23d: {  	s5 =	smulhi.u32 $0x60F25DEB, s9;
	s0 =	sshra.s32 s9, $0x1F  }
0x23e: {  	s2 =	smul.u32 $0x60F25DEB, s0;
	s10 =	spop (v2sf)  }
0x23f: {  	s3 =	smulhi.u32 $0x60F25DEB, s10;
	s0 =	sshra.s32 s10, $0x1F  }
0x240: {  	s10 =	sadd.s32 s1, s8;
	s9 =	spop (v2sf);
	s8 =	smul.u32 $0x60F25DEB, s0  }
0x241: {  	s14 =	sadd.s32 s14, s17;
	(v2sf) =	vpush v34, $0x6;
	s1 =	smulhi.u32 $0x60F25DEB, s9;
	s0 =	sshra.s32 s9, $0x1F  }
0x242: {  	s17 =	sadd.s32 s19, s23;
	s19 =	smul.u32 $0x60F25DEB, s0;
	s9 =	spop (v2sf)  }
0x243: {  	s29 =	sadd.s32 s29, s24;
	(v2sf) =	vpush v34, $0x7;
	s23 =	smulhi.u32 $0x60F25DEB, s9;
	s0 =	sshra.s32 s9, $0x1F  }
0x244: {  	s24 =	sadd.s32 s20, s7;
	s20 =	spop (v2sf);
	s7 =	smul.u32 $0x60F25DEB, s0  }
0x245: {  	s4 =	sadd.s32 s4, s6;
	s6 =	smulhi.u32 $0x60F25DEB, s20;
	s9 =	sshra.s32 s20, $0x1F  }
0x246: {  	s2 =	sadd.s32 s2, s5;
	s0 =	spop (v2sf);
	s5 =	smul.u32 $0x60F25DEB, s9  }
0x247: {  	s9 =	sadd.s32 s8, s3;
	s3 =	smulhi.u32 $0x60F25DEB, s0;
	s20 =	sshra.s32 s0, $0x1F  }
0x248: {  	s1 =	sadd.s32 s19, s1;
	s0 =	spop (v2sf);
	s8 =	smul.u32 $0x60F25DEB, s20  }
0x249: {  	s7 =	sadd.s32 s7, s23;
	s20 =	smulhi.u32 $0x60F25DEB, s0;
	s19 =	sshra.s32 s0, $0x1F  }
0x24a: {  	s0 =	sshrl.u32 s14, $0x1F;
	s5 =	sadd.s32 s5, s6;
	s6 =	smul.u32 $0x60F25DEB, s19  }
0x24b: {  	s19 =	spop (v2sf);
	v44 =	vmov s0;
	s0 =	sshrl.u32 s1, $0x1F;
	s3 =	sadd.s32 s8, s3  }
0x24c: {  	v48 =	vmov s14;
	s23 =	smulhi.u32 $0x60F25DEB, s19;
	s8 =	sshra.s32 s19, $0x1F;
	s19 =	sshrl.u32 s10, $0x1F  }
0x24d: {  	v49 =	vmov s4;
	v45 =	vmov s0;
	v16 =	vsel vm0, s19, v44;
	s0 =	sadd.s32 s6, s20;
	s6 =	smul.u32 $0x60F25DEB, s8;
	s20 =	sshrl.u32 s17, $0x1F  }
0x24e: {  	v47 =	vmov s1;
	v17 =	vnsel vm3, $0x0, v45;
	s8 =	sshrl.u32 s29, $0x1F;
	s19 =	sshrl.u32 s4, $0x1F;
	v16 =	vsel vm1, s20, v16;
	s20 =	sshrl.u32 s7, $0x1F  }
0x24f: {  	v46 =	vmov s19;
	s19 =	sshrl.u32 s5, $0x1F;
	v16 =	vsel vm2, s8, v16;
	v17 =	vsel vm0, s20, v17;
	s8 =	sshrl.u32 s24, $0x1F  }
0x250: {  	v19 =	vnsel vm3, $0x0, v47;
	s1 =	sshrl.u32 s2, $0x1F;
	v18 =	vsel vm0, s8, v46;
	v17 =	vsel vm1, s19, v17;
	s8 =	sshrl.u32 s3, $0x1F;
	s20 =	spop (v2sf)  }
0x251: {  	v19 =	vsel vm0, s7, v19;
	v18 =	vsel vm1, s1, v18;
	v17 =	vsel vm2, s8, v17;
	s8 =	sshrl.u32 s9, $0x1F;
	s19 =	smulhi.u32 $0x60F25DEB, s20;
	s1 =	sshra.s32 s20, $0x1F  }
0x252: {  	v20 =	vsel vm0, s10, v48;
	v19 =	vsel vm1, s5, v19;
	v18 =	vsel vm2, s8, v18;
	s8 =	spop (v2sf);
	s1 =	smul.u32 $0x60F25DEB, s1  }
0x253: {  	v21 =	vsel vm0, s24, v49;
	v20 =	vsel vm1, s17, v20;
	s10 =	sshra.s32 s18, $0x1F;
	v19 =	vsel vm2, s3, v19;
	s14 =	smulhi.u32 $0x60F25DEB, s8;
	s7 =	sshra.s32 s8, $0x1F  }
0x254: {  	v21 =	vsel vm1, s2, v21;
	v20 =	vsel vm2, s29, v20;
	v19 =	vsel vm4, s0, v19;
	s6 =	sadd.s32 s6, s23;
	s20 =	sshrl.u32 s0, $0x1F;
	s8 =	smul.u32 $0x60F25DEB, s7  }
0x255: {  	v21 =	vsel vm2, s9, v21;
	s17 =	smulhi.u32 $0x55555556, s18;
	v19 =	vsel vm5, s6, v19;
	s18 =	sshrl.u32 s6, $0x1F;
	v17 =	vsel vm4, s20, v17;
	s1 =	sadd.s32 s1, s19  }
0x256: {  	v20 =	vcombine.low v21, v20;
	s2 =	smulhi.u32 $0x55555556, s22;
	v17 =	vsel vm5, s18, v17;
	s14 =	sadd.s32 s8, s14;
	v19 =	vsel vm6, s1, v19;
	s1 =	sshrl.u32 s1, $0x1F  }
0x257: {  	s4 =	smulhi.u32 $0x55555556, s15;
	s29 =	sld [smem:$0x7F0];
	v16 =	vcombine.low v18, v16;
	v17 =	vsel vm6, s1, v17;
	v50 =	vsel vm7, s14, v19;
	s23 =	sshrl.u32 s14, $0x1F  }
0x258: {  	v51 =	vperm.xlane v20, v7;
	s24 =	sshra.s32 s22, $0x1F;
	s22 =	simm.s32 $0x1;
	s3 =	smul.u32 $0x55555556, s10;
	v17 =	vsel vm7, s23, v17;
	v18 =	vperm.xlane v50, v8  }
0x259: {  	s10 =	rddreg [dreg:$0x18];
	[sflag:s22] =	ssyncset.done $0x0;
	s9 =	smulhi.u32 $0x55555556, s21;
	v16 =	vperm.xlane v16, v7;
	v17 =	vperm.xlane v17, v8  }
0x25a: {  	[sflag:s22] =	ssyncadd.s32 $0xFFFFFF80;
	s3 =	sadd.s32 s3, s17;
	s18 =	rddreg [dreg:$0x1e];
	v18 =	vsel vm8, v18, v51  }
0x25b: {  	s7 =	smul.u32 $0x55555556, s24;
	s19 =	sshra.s32 s15, $0x1F;
	s15 =	rddreg [dreg:$0x1b];
	v16 =	vsel vm8, v17, v16;
	v53 =	vshra.s32 v18, $0x8  }
0x25c: {  	s24 =	sld [smem:$0x7F3];
	s6 =	smul.u32 $0x55555556, s19;
	s8 =	sadd.s32 s15, s10;
	v16 =	vadd.s32 v16, v53  }
0x25d: {  	v28 =	vld [tilespmem:$0xDF00];
	s19 =	sld [smem:$0x7F1];
	s15 =	smulhi.u32 $0x55555556, s12;
	s12 =	sshra.s32 s12, $0x1F;
	v56 =	vmul.u32 $0xFFFFFD5C, v16  }
0x25e: {  	v57 =	vsub.s32 $0x0, v34;
	s2 =	sadd.s32 s7, s2;
	s7 =	smulhi.u32 $0x55555556, s11;
	s11 =	sshra.s32 s11, $0x1F  }
0x25f: {  	vm11 =	vlt.s32 v34, $0x1;
	s14 =	sadd.s32 s30, s29;
	s29 =	sld [smem:$0x7F4];
	s12 =	smul.u32 $0x55555556, s12;
	vm12 =	vne.s32 v56, v57  }
0x260: {  	s30 =	sshra.s32 s21, $0x1F;
	s11 =	smul.u32 $0x55555556, s11;
	s23 =	sld [smem:$0x7F2];
	vm11 =	vmand vm11, vm12  }
0x261: {  	v58 =	vmov s2;
	s2 =	sshrl.u32 s2, $0x1F;
	s10 =	smul.u32 $0x55555556, s30;
	s30 =	sld [smem:$0x7F5];
	v61 =	vsel vm11, $0xFFFFFFFF, v6  }
0x262: {  	v20 =	vsub.f32 $0.0e+00, v28;
	v52 =	vmov s14;
	s4 =	sadd.s32 s6, s4;
	s14 =	sshrl.u32 s14, $0x1F;
	s1 =	sadd.s32 s19, s18;
	v63 =	vadd.s32 v61, v16  }
0x263: {  	v60 =	vnsel vm3, $0x0, v58;
	v27 =	vmov s2;
	s19 =	smulhi.u32 $0x55555556, s26;
	s12 =	sadd.s32 s12, s15;
	s7 =	sadd.s32 s11, s7;
	(v2sf) =	vpush v63, $0xD  }
0x264: {  	v20 =	vmul.f32 $1.442695020e+00, v20;
	v54 =	vsel vm0, s8, v52;
	s18 =	sshra.s32 s25, $0x1F;
	v26 =	vmov s14;
	s5 =	sadd.s32 s16, s29;
	s9 =	sadd.s32 s10, s9  }
0x265: {  	v19 =	vnsel vm3, $0x0, v27;
	v55 =	vsel vm1, s1, v54;
	s0 =	sadd.s32 s24, s23;
	s16 =	sadd.s32 s31, s30;
	s31 =	sld [smem:$0x7F6];
	(v2sf) =	vpush v63, $0xC  }
0x266: {  	s23 =	sshra.s32 s26, $0x1F;
	v18 =	vsel vm0, s4, v60;
	s26 =	smulhi.u32 $0x55555556, s28;
	s4 =	sshrl.u32 s4, $0x1F;
	v17 =	vsel vm2, s0, v55;
	v59 =	vmov s16  }
0x267: {  	s29 =	sshra.s32 s28, $0x1F;
	s24 =	smul.u32 $0x55555556, s23;
	v18 =	vsel vm1, s9, v18;
	s23 =	sshrl.u32 s16, $0x1F;
	v19 =	vsel vm0, s4, v19;
	(v2sf) =	vpush v63, $0xE  }
0x268: {  	s8 =	sshrl.u32 s8, $0x1F;
	s1 =	sshrl.u32 s1, $0x1F;
	s30 =	smul.u32 $0x55555556, s29;
	v14 =	vsel vm0, s5, v59;
	v18 =	vsel vm2, s12, v18;
	v29 =	vmov s23  }
0x269: {  	s0 =	sshrl.u32 s0, $0x1F;
	s5 =	sshrl.u32 s5, $0x1F;
	s13 =	sadd.s32 s13, s31;
	v25 =	vsel vm4, s7, v18;
	v18 =	vsel vm0, s8, v26;
	(v2sf) =	vpush v63, $0xF  }
0x26a: {  	s11 =	sadd.s32 s30, s26;
	s6 =	sadd.s32 s24, s19;
	s24 =	sshrl.u32 s9, $0x1F;
	v21 =	vsel vm0, s5, v29;
	v62 =	vsel vm1, s13, v14;
	v18 =	vsel vm1, s1, v18  }
0x26b: {  	s26 =	sshrl.u32 s12, $0x1F;
	s31 =	smulhi.u32 $0x55555556, s25;
	s25 =	sshrl.u32 s13, $0x1F;
	v19 =	vsel vm1, s24, v19;
	v24 =	vsel vm2, s3, v62;
	(v2sf) =	vpush v63, $0x9  }
0x26c: {  	s28 =	sshrl.u32 s3, $0x1F;
	s29 =	sshrl.u32 s7, $0x1F;
	v21 =	vsel vm1, s25, v21;
	v19 =	vsel vm2, s26, v19;
	v18 =	vsel vm2, s0, v18  }
0x26d: {  	s19 =	smul.u32 $0x55555556, s18;
	v21 =	vsel vm2, s28, v21;
	v19 =	vsel vm4, s29, v19;
	(v2sf) =	vpush v63, $0x8  }
0x26e: {  	s30 =	sshrl.u32 s6, $0x1F;
	v16 =	vcombine.low v24, v17;
	v17 =	vsel vm5, s6, v25;
	v18 =	vcombine.low v21, v18  }
0x26f: {  	s10 =	sadd.s32 s19, s31;
	s31 =	sshrl.u32 s11, $0x1F;
	v19 =	vsel vm5, s30, v19;
	v17 =	vsel vm6, s11, v17;
	(v2sf) =	vpush v63, $0xA  }
0x270: {  	s1 =	sshrl.u32 s10, $0x1F;
	v19 =	vsel vm6, s31, v19;
	v16 =	vperm.xlane v16, v7;
	v17 =	vsel vm7, s10, v17  }
0x271: {  	v18 =	vperm.xlane v18, v7;
	v19 =	vsel vm7, s1, v19;
	(v2sf) =	vpush v63, $0xB  }
0x272: {  	v17 =	vperm.xlane v17, v8;
	v19 =	vperm.xlane v19, v8;
	s2 =	spop (v2sf)  }
0x273: {  	(v2sf) =	vpush v63, $0x1;
	s3 =	smulhi.u32 $0x55555556, s2;
	s0 =	sshra.s32 s2, $0x1F  }
0x274: {  	(erf) = vpow2.f32 v20;
	v16 =	vsel vm8, v17, v16;
	v30 =	vsel vm8, v19, v18;
	s5 =	spop (v2sf);
	s0 =	smul.u32 $0x55555556, s0  }
0x275: {  	v16 =	vadd.s32 v30, v16;
	(v2sf) =	vpush v63, $0x0;
	s6 =	smulhi.u32 $0x55555556, s5;
	s2 =	sshra.s32 s5, $0x1F  }
0x276: {  	v16 =	vmul.u32 $0x3, v16;
	s19 =	spop (v2sf);
	s2 =	smul.u32 $0x55555556, s2  }
0x277: {  	(v2sf) =	vpush v63, $0x2;
	s23 =	smulhi.u32 $0x55555556, s19;
	s4 =	sshra.s32 s19, $0x1F  }
0x278: {  	v13 =	vmul.u32 $0x6, v13;
	v31 =	vld [tilespmem:$0xDF20];
	v15 =	vsub.s32 v15, v16;
	s25 =	spop (v2sf);
	s24 =	smul.u32 $0x55555556, s4  }
0x279: {  	v16 =	vshll.u32 v15, $0x1;
	(v2sf) =	vpush v63, $0x3;
	s7 =	smulhi.u32 $0x55555556, s25;
	s4 =	sshra.s32 s25, $0x1F  }
0x27a: {  	v35 =	vadd.s32 $0x4, v13;
	vm11 =	vlt.s32 v15, $0x0;
	v32 =	vadd.s32 $0x6, v16;
	s26 =	spop (v2sf);
	s8 =	smul.u32 $0x55555556, s4  }
0x27b: {  	v33 =	vadd.s32 $0x3, v13;
	v15 =	vsel vm11, v32, v16;
	(v2sf) =	vpush v63, $0x4;
	s9 =	smulhi.u32 $0x55555556, s26;
	s4 =	sshra.s32 s26, $0x1F  }
0x27c: {  	v16 =	vadd.s32 $0x8, v15;
	s28 =	spop (v2sf);
	s10 =	smul.u32 $0x55555556, s4  }
0x27d: {  	s20 =	simm.s32 $0x0;
	v34 =	vpop (erf);
	v17 =	vsub.f32 $0.0e+00, v31;
	v15 =	vadd.s32 $0x9, v15;
	(v2sf) =	vpush v63, $0x5;
	s11 =	smulhi.u32 $0x55555556, s28;
	s4 =	sshra.s32 s28, $0x1F  }
0x27e: {  	s21 =	simm.s32 $0xDF80;
	v19 =	vadd.f32 $1.000000000e+00, v34;
	s29 =	spop (v2sf);
	s12 =	smul.u32 $0x55555556, s4  }
0x27f: {  	v36 =	vld.idx.msk [tilespmem:v35+s20+$0x0], $0xffff;
	v17 =	vmul.f32 $1.442695020e+00, v17;
	s1 =	sadd.s32 s0, s3;
	(v2sf) =	vpush v63, $0x6;
	s13 =	smulhi.u32 $0x55555556, s29;
	s4 =	sshra.s32 s29, $0x1F  }
0x280: {  	v18 =	vld.idx.msk [tilespmem:v33+s20+$0x0], $0xffff;
	(erf) = vrcp.f32 v19;
	s30 =	spop (v2sf);
	s0 =	sadd.s32 s8, s7;
	s14 =	smul.u32 $0x55555556, s4  }
0x281: {  	(erf) = vpow2.f32 v17;
	v16 =	vld.idx.msk [tilespmem:v16+s21+$0x0], $0xffff;
	(v2sf) =	vpush v63, $0x7;
	s15 =	smulhi.u32 $0x55555556, s30;
	s4 =	sshra.s32 s30, $0x1F;
	s5 =	sadd.s32 s10, s9  }
0x282: {  	v37 =	vld.idx.msk [tilespmem:v15+s21+$0x0], $0xffff;
	s17 =	smul.u32 $0x55555556, s4;
	s4 =	sadd.s32 s2, s6;
	s31 =	spop (v2sf)  }
0x283: {  	s2 =	sadd.s32 s24, s23;
	s18 =	smulhi.u32 $0x55555556, s31;
	s16 =	sshra.s32 s31, $0x1F  }
0x284: {  	s11 =	sadd.s32 s12, s11;
	s19 =	spop (v2sf);
	s3 =	smul.u32 $0x55555556, s16  }
0x285: {  	v26 =	vld [tilespmem:$0xDF10];
	s7 =	sadd.s32 s14, s13;
	s23 =	smulhi.u32 $0x55555556, s19;
	s24 =	sshra.s32 s19, $0x1F  }
0x286: {  	v38 =	vmul.f32 v16, v18;
	v45 =	vmov s4;
	s4 =	sshrl.u32 s4, $0x1F;
	s25 =	spop (v2sf);
	s26 =	smul.u32 $0x55555556, s24  }
0x287: {  	v17 =	vmul.f32 v37, v36;
	v23 =	vmov s11;
	s11 =	sshrl.u32 s11, $0x1F;
	v21 =	vsel vm0, s1, v45;
	s28 =	smulhi.u32 $0x55555556, s25;
	s6 =	sshra.s32 s25, $0x1F  }
0x288: {  	s1 =	sshrl.u32 s1, $0x1F;
	v21 =	vsel vm1, s2, v21;
	s29 =	spop (v2sf);
	s30 =	smul.u32 $0x55555556, s6  }
0x289: {  	v15 =	vpop (erf);
	v16 =	vadd.f32 $1.000000020e-16, v38;
	v17 =	vadd.f32 $1.000000020e-16, v17;
	v21 =	vsel vm2, s0, v21;
	s0 =	sshrl.u32 s0, $0x1F;
	s31 =	smulhi.u32 $0x55555556, s29;
	s10 =	sshra.s32 s29, $0x1F  }
0x28a: {  	v49 =	vsub.f32 $0.0e+00, v26;
	v39 =	vpop (erf);
	s16 =	spop (v2sf);
	s6 =	sadd.s32 s17, s15;
	s10 =	smul.u32 $0x55555556, s10  }
0x28b: {  	v18 =	vadd.f32 $1.000000000e+00, v39;
	v40 =	vand.u32 $0x7FFFFF, v16;
	v43 =	vand.u32 $0x7FFFFF, v17;
	s3 =	sadd.s32 s3, s18;
	s17 =	smulhi.u32 $0x55555556, s16;
	s14 =	sshra.s32 s16, $0x1F  }
0x28c: {  	v23 =	vsel vm0, s5, v23;
	v47 =	vmov s4;
	v41 =	vor.u32 $0x3F800000, v40;
	s18 =	sshrl.u32 s2, $0x1F;
	s19 =	spop (v2sf);
	s14 =	smul.u32 $0x55555556, s14  }
0x28d: {  	v25 =	vmov s11;
	v19 =	vor.u32 $0x3F800000, v43;
	v20 =	vmul.f32 $5.000000000e-01, v41;
	s8 =	sadd.s32 s26, s23;
	s9 =	sadd.s32 s30, s28;
	s23 =	smulhi.u32 $0x55555556, s19  }
0x28e: {  	v23 =	vsel vm1, s7, v23;
	vm11 =	vge.f32 v41, $1.414213540e+00;
	v44 =	vmov s8;
	s16 =	sshra.s32 s19, $0x1F;
	s24 =	spop (v2sf);
	s8 =	sshrl.u32 s8, $0x1F  }
0x28f: {  	v22 =	vmul.f32 $5.000000000e-01, v19;
	v42 =	vsel vm11, v20, v41;
	s19 =	sshrl.u32 s7, $0x1F;
	v20 =	vnsel vm3, $0x0, v44;
	s10 =	sadd.s32 s10, s31;
	s25 =	smul.u32 $0x55555556, s16  }
0x290: {  	v23 =	vsel vm2, s6, v23;
	s26 =	smulhi.u32 $0x55555556, s24;
	s28 =	sshra.s32 s24, $0x1F;
	s29 =	spop (v2sf);
	v24 =	vmov s8;
	v20 =	vsel vm0, s3, v20  }
0x291: {  	v21 =	vcombine.low v23, v21;
	s14 =	sadd.s32 s14, s17;
	s16 =	smul.u32 $0x55555556, s28;
	v24 =	vnsel vm3, $0x0, v24;
	s3 =	sshrl.u32 s3, $0x1F;
	v20 =	vsel vm1, s9, v20  }
0x292: {  	s30 =	smulhi.u32 $0x55555556, s29;
	s31 =	sshra.s32 s29, $0x1F;
	v46 =	vsel vm0, s3, v24;
	s9 =	sshrl.u32 s9, $0x1F;
	v24 =	vsel vm0, s1, v47;
	v20 =	vsel vm2, s10, v20  }
0x293: {  	s17 =	sshrl.u32 s10, $0x1F;
	s15 =	sadd.s32 s16, s26;
	s16 =	sshrl.u32 s5, $0x1F;
	v23 =	vsel vm1, s9, v46;
	v24 =	vsel vm1, s18, v24;
	v20 =	vsel vm4, s14, v20  }
0x294: {  	s12 =	sadd.s32 s25, s23;
	s13 =	smul.u32 $0x55555556, s31;
	s23 =	sshrl.u32 s14, $0x1F;
	v25 =	vsel vm0, s16, v25;
	v23 =	vsel vm2, s17, v23;
	v24 =	vsel vm2, s0, v24  }
0x295: {  	s24 =	sshrl.u32 s6, $0x1F;
	s25 =	sshrl.u32 s12, $0x1F;
	v20 =	vsel vm5, s12, v20;
	v25 =	vsel vm1, s19, v25;
	v23 =	vsel vm4, s23, v23  }
0x296: {  	s26 =	sadd.s32 s13, s30;
	s29 =	sshrl.u32 s15, $0x1F;
	v20 =	vsel vm6, s15, v20;
	v25 =	vsel vm2, s24, v25;
	v23 =	vsel vm5, s25, v23  }
0x297: {  	s30 =	sshrl.u32 s26, $0x1F;
	v20 =	vsel vm7, s26, v20;
	v24 =	vcombine.low v25, v24;
	v23 =	vsel vm6, s29, v23  }
0x298: {  	v21 =	vperm.xlane v21, v7;
	v20 =	vperm.xlane v20, v8;
	v23 =	vsel vm7, s30, v23  }
0x299: {  	vm12 =	vge.f32 v19, $1.414213540e+00;
	v24 =	vperm.xlane v24, v7;
	v23 =	vperm.xlane v23, v8  }
0x29a: {  	(erf) = vrcp.f32 v18;
	v19 =	vsel vm12, v22, v19;
	v48 =	vadd.f32 $1.000000000e+00, v42  }
0x29b: {  	v50 =	vadd.f32 $1.000000000e+00, v19;
	v20 =	vsel vm8, v20, v21;
	v51 =	vsel vm8, v23, v24  }
0x29c: {  	v52 =	vmul.f32 $1.442695020e+00, v49;
	(erf) = vrcp.f32 v48;
	v20 =	vadd.s32 v51, v20  }
0x29d: {  	(erf) = vrcp.f32 v50;
	v20 =	vmul.u32 $0x3, v20  }
0x29e: {  	(erf) = vpow2.f32 v52  }
0x29f: {  	v14 =	vsub.s32 v63, v20  }
0x2a0: {  	v12 =	vmul.u32 $0x6, v12;
	v20 =	vshll.u32 v14, $0x1  }
0x2a1: {  	vm13 =	vlt.s32 v14, $0x0;
	v53 =	vadd.s32 $0x6, v20  }
0x2a2: {  	v54 =	vadd.s32 $0x3, v12;
	v55 =	vld [tilespmem:$0xDF30];
	v14 =	vsel vm13, v53, v20  }
0x2a3: {  	v20 =	vadd.s32 $0x8, v14  }
0x2a4: {  	v59 =	vadd.s32 $0x4, v12;
	v56 =	vpop (erf)  }
0x2a5: {  	v57 =	vpop (erf);
	v14 =	vadd.s32 $0x9, v14  }
0x2a6: {  	v58 =	vpop (erf)  }
0x2a7: {  	v22 =	vsub.f32 $0.0e+00, v55;
	v27 =	vpop (erf);
	v21 =	vld.idx.msk [tilespmem:v54+s20+$0x0], $0xffff  }
0x2a8: {  	v27 =	vadd.f32 $1.000000000e+00, v27;
	v20 =	vld.idx.msk [tilespmem:v20+s21+$0x0], $0xffff  }
0x2a9: {  	v26 =	vld.idx.msk [tilespmem:v59+s20+$0x0], $0xffff;
	v22 =	vmul.f32 $1.442695020e+00, v22  }
0x2aa: {  	(erf) = vrcp.f32 v27;
	v14 =	vld.idx.msk [tilespmem:v14+s21+$0x0], $0xffff  }
0x2ab: {  	(erf) = vpow2.f32 v22;
	_ =	sdelay $0x1  }
0x2ac: {  	v20 =	vmul.f32 v20, v21;
	_ =	sdelay $0x1  }
0x2ad: {  	v14 =	vmul.f32 v14, v26;
	v20 =	vadd.f32 $1.000000020e-16, v20;
	_ =	sdelay $0x1  }
0x2ae: {  	v14 =	vadd.f32 $1.000000020e-16, v14;
	v60 =	vand.u32 $0x7FFFFF, v20  }
0x2af: {  	v21 =	vor.u32 $0x3F800000, v60  }
0x2b0: {  	v61 =	vpop (erf);
	v32 =	vand.u32 $0x7FFFFF, v14;
	v62 =	vmul.f32 $5.000000000e-01, v21  }
0x2b1: {  	v19 =	vadd.f32 $-1.000000000e+00, v19;
	v31 =	vpop (erf);
	v24 =	vor.u32 $0x3F800000, v32;
	vm14 =	vge.f32 v21, $1.414213540e+00  }
0x2b2: {  	v25 =	vadd.f32 $1.000000000e+00, v31;
	v34 =	vmul.f32 $5.000000000e-01, v24;
	v21 =	vsel vm14, v62, v21  }
0x2b3: {  	v18 =	vadd.f32 $-1.000000000e+00, v42;
	vm13 =	vge.f32 v24, $1.414213540e+00;
	v28 =	vadd.f32 $1.000000000e+00, v21  }
0x2b4: {  	v19 =	vmul.f32 v58, v19;
	(erf) = vrcp.f32 v25;
	v24 =	vsel vm13, v34, v24  }
0x2b5: {  	v37 =	vadd.f32 $1.000000000e+00, v24;
	(erf) = vrcp.f32 v28  }
0x2b6: {  	v18 =	vmul.f32 v57, v18;
	v33 =	vmul.f32 v19, v19  }
0x2b7: {  	(erf) = vrcp.f32 v37  }
0x2b8: {  	v41 =	vor.u32 $0x1, v13;
	v35 =	vmul.f32 $1.111111120e-01, v33;
	v63 =	vmul.f32 v18, v18  }
0x2b9: {  	v16 =	vshrl.u32 v16, $0x17;
	v30 =	vsel vm11, $0x1, v6  }
0x2ba: {  	v13 =	vadd.s32 $0x2, v13;
	v29 =	vmul.f32 $1.111111120e-01, v63;
	v28 =	vadd.f32 $1.428571490e-01, v35  }
0x2bb: {  	v17 =	vshrl.u32 v17, $0x17;
	v39 =	vsel vm12, $0x1, v6;
	v16 =	vadd.s32 v30, v16  }
0x2bc: {  	v17 =	vadd.s32 v39, v17;
	v36 =	vadd.f32 $1.428571490e-01, v29;
	v28 =	vmul.f32 v28, v33  }
0x2bd: {  	v16 =	vadd.s32 $0xFFFFFF81, v16;
	v17 =	vadd.s32 $0xFFFFFF81, v17;
	v50 =	vld.idx.msk [tilespmem:v41+s20+$0x0], $0xffff;
	v38 =	vpop (erf);
	v21 =	vadd.f32 $-1.000000000e+00, v21  }
0x2be: {  	v16 =	vcvt.s32.f32 v16;
	v25 =	vmul.f32 v36, v63;
	v28 =	vadd.f32 $2.000000030e-01, v28;
	v31 =	vpop (erf)  }
0x2bf: {  	v17 =	vcvt.s32.f32 v17;
	v13 =	vld.idx.msk [tilespmem:v13+s20+$0x0], $0xffff;
	v24 =	vadd.f32 $-1.000000000e+00, v24;
	v21 =	vmul.f32 v31, v21  }
0x2c0: {  	v16 =	vmul.f32 $6.931471820e-01, v16;
	v25 =	vadd.f32 $2.000000030e-01, v25;
	v28 =	vmul.f32 v28, v33;
	v42 =	vpop (erf)  }
0x2c1: {  	v24 =	vmul.f32 v42, v24;
	v40 =	vmul.f32 v21, v21  }
0x2c2: {  	v17 =	vmul.f32 $6.931471820e-01, v17;
	v15 =	vsub.f32 v15, v50;
	v25 =	vmul.f32 v25, v63  }
0x2c3: {  	v28 =	vadd.f32 $3.333333430e-01, v28;
	v44 =	vmul.f32 v24, v24;
	v43 =	vmul.f32 $1.111111120e-01, v40  }
0x2c4: {  	v13 =	vsub.f32 v56, v13;
	v15 =	vmul.f32 v15, v15;
	v25 =	vadd.f32 $3.333333430e-01, v25  }
0x2c5: {  	v27 =	vmul.f32 v28, v33;
	v47 =	vmul.f32 $1.111111120e-01, v44;
	v28 =	vadd.f32 $1.428571490e-01, v43  }
0x2c6: {  	v13 =	vmul.f32 v13, v13;
	v25 =	vmul.f32 v25, v63  }
0x2c7: {  	v51 =	vor.u32 $0x1, v12;
	v49 =	vadd.f32 $1.428571490e-01, v47;
	v46 =	vmul.f32 v28, v40  }
0x2c8: {  	v12 =	vadd.s32 $0x2, v12;
	v18 =	vadd.f32 v18, v18;
	v25 =	vadd.f32 $1.000000000e+00, v25  }
0x2c9: {  	v45 =	vadd.f32 $1.000000000e+00, v27;
	v27 =	vmul.f32 v49, v44;
	v48 =	vadd.f32 $2.000000030e-01, v46  }
0x2ca: {  	v19 =	vadd.f32 v19, v19;
	v20 =	vshrl.u32 v20, $0x17;
	v18 =	vmul.f32 v25, v18  }
0x2cb: {  	v55 =	vsel vm14, $0x1, v6;
	v53 =	vadd.f32 $2.000000030e-01, v27;
	v25 =	vmul.f32 v48, v40  }
0x2cc: {  	v14 =	vshrl.u32 v14, $0x17;
	v57 =	vsel vm13, $0x1, v6;
	v20 =	vadd.s32 v55, v20  }
0x2cd: {  	v12 =	vld.idx.msk [tilespmem:v12+s20+$0x0], $0xffff;
	v19 =	vmul.f32 v45, v19;
	v52 =	vadd.f32 $3.333333430e-01, v25;
	v25 =	vmul.f32 v53, v44  }
0x2ce: {  	v54 =	vld [tilespmem:$0xDF40];
	v16 =	vadd.f32 v18, v16;
	v14 =	vadd.s32 v57, v14;
	v20 =	vadd.s32 $0xFFFFFF81, v20  }
0x2cf: {  	v18 =	vld.idx.msk [tilespmem:v51+s20+$0x0], $0xffff;
	v17 =	vadd.f32 v19, v17;
	v19 =	vmul.f32 v52, v40;
	v25 =	vadd.f32 $3.333333430e-01, v25  }
0x2d0: {  	v13 =	vadd.f32 v13, v15;
	v14 =	vadd.s32 $0xFFFFFF81, v14;
	v20 =	vcvt.s32.f32 v20  }
0x2d1: {  	v56 =	vld [tilespmem:$0xDF60];
	v21 =	vadd.f32 v21, v21;
	v19 =	vadd.f32 $1.000000000e+00, v19;
	v25 =	vmul.f32 v25, v44  }
0x2d2: {  	v58 =	vld [tilespmem:$0xDF50];
	v12 =	vsub.f32 v38, v12;
	v14 =	vcvt.s32.f32 v14;
	v20 =	vmul.f32 $6.931471820e-01, v20  }
0x2d3: {  	v24 =	vadd.f32 v24, v24;
	v19 =	vmul.f32 v19, v21;
	v25 =	vadd.f32 $1.000000000e+00, v25  }
0x2d4: {  	v59 =	vld [tilespmem:$0xDF70];
	v12 =	vmul.f32 v12, v12;
	v16 =	vsub.f32 v54, v16;
	v18 =	vsub.f32 v61, v18  }
0x2d5: {  	v14 =	vmul.f32 $6.931471820e-01, v14;
	v19 =	vadd.f32 v19, v20;
	v60 =	vmul.f32 v25, v24  }
0x2d6: {  	v61 =	vmul.f32 v16, v16;
	v18 =	vmul.f32 v18, v18;
	v17 =	vsub.f32 v56, v17  }
0x2d7: {  	v14 =	vadd.f32 v60, v14;
	v62 =	vsub.f32 v58, v19  }
0x2d8: {  	v13 =	vadd.f32 v61, v13;
	v12 =	vadd.f32 v12, v18  }
0x2d9: {  	v63 =	vmul.f32 v17, v17;
	v14 =	vsub.f32 v59, v14;
	v16 =	vmul.f32 v62, v62  }
0x2da: {  	s28 =	rddreg [dreg:$0x11]  }
0x2db: {  	p0 =	sne.s32 s28, $0x1;
	v13 =	vadd.f32 v63, v13;
	v12 =	vadd.f32 v16, v12;
	v14 =	vmul.f32 v14, v14  }
.Ltmp8:
0x2dc: {  	_ = 	snop;
	(pc) =	sbr.rel @p0 .LBB2_12-.Ltmp8, $4  }
0x2dd: {  	v13 =	vnsel vm9, $0x0, v13;
	v12 =	vadd.f32 v14, v12  }
0x2de: {  	s4 =	simm.s32 $0x80;
	v11 =	vadd.f32 v13, v11  }
0x2df: {  	s6 =	simm.s32 $0xDF00;
	s3 =	simm.s32 $0xBE80;
	s31 =	rddreg [dreg:$0x14];
	v12 =	vnsel vm10, $0x0, v12  }
0x2e0: {  	s1 =	sadd.s32 $0xFFFFFFFF, s28;
	s5 =	simm.s32 $0xDE80;
	s0 =	sadd.s32 $0x20, s31;
	v11 =	vadd.f32 v12, v11  }
.Ltmp9:
0x2e1: {  	_ = 	snop;
	(pc) =	sbr.rel .LBB2_13-.Ltmp9, $1  }
0x2e2: {  	_ =	sdelay $0x3  }
.LBB2_10:
0x2e3: {  	v11 =	vimm.f32 $0.0e+00  }
.LBB2_13:
0x2e4: {  	s0 =	simm.s32 $0x0  }
0x2e5: {  	[tilespmem:$0xE000] =	vst v11;
	s1 =	rddreg [dreg:$0xa];
	s7 =	simm.s32 $0xE000;
	s2 =	simm.s32 $0x2  }
0x2e6: {  	[hbm4b:s1+s0] =	stream.linear.scatter [tilespmem:s7], [sflag:$0x2], $0x80, $0x38;
	[tilespmem:$0xE080] =	vst v63  }
0x2e7: {  	_ =	swait.ge [sflag:s2], $0x80  }
0x2e8: {  	v9 =	vcvt.s32.f32 v9;
	[sflag:s2] =	ssyncset.done $0x0  }
0x2e9: {  	[sflag:s2] =	ssyncadd.s32 $0xFFFFFF80  }
0x2ea: {  	s29 =	rddreg [dreg:$0xb];
	[tilespmem:$0xE000] =	vst v9  }
0x2eb: {  	[hbm4b:s29+s0] =	stream.linear.scatter [tilespmem:s7], [sflag:$0x2], $0x80, $0x38;
	[tilespmem:$0xE080] =	vst v63  }
0x2ec: {  	v9 =	vor.u32 s0, v5;
	_ =	swait.ge [sflag:s2], $0x80  }
0x2ed: {  	v10 =	vmul.u32 $0x6, v9;
	[sflag:s2] =	ssyncset.done $0x0  }
0x2ee: {  	s30 =	rddreg [dreg:$0xc];
	[sflag:s2] =	ssyncadd.s32 $0xFFFFFF80  }
0x2ef: {  	[tilespmem:s0], [sflag:$0x2] =	stream.linear.gather [hbm4b:s30+s0], $0xBE20, $0x38;
	[tilespmem:$0xE080] =	vst v63  }
0x2f0: {  	_ =	swait.ge [sflag:s2], $0xBE20  }
0x2f1: {  	[sflag:s2] =	ssyncset.done $0x0  }
0x2f2: {  	[sflag:s2] =	ssyncadd.s32 $0xFFFF41E0  }
0x2f3: {  	v10 =	vld.idx.msk [tilespmem:v10+s20+$0x0], $0xffff;
	_ =	sdelay $0x4  }
0x2f4: {  	vm9 =	veq.f32 v10, $1.000000000e+00  }
0x2f5: {  	v10 =	vsel vm9, $0x1, v6  }
0x2f6: {  	(xrf0) =	vadd.scan.msk.s32 $0xffff, v10;
	_ =	sdelay $0x1  }
0x2f7: {  	v10 =	vmpcnt.ones.xlane vm9;
	_ =	sdelay $0x2  }
0x2f8: {  	v13 =	vimm.s32 $0x0  }
0x2f9: {  	s31 =	simm.s32 $0x10;
	v11 =	vadd.s32 v13, v10;
	v10, _, _ =	vpop (xrf0)  }
0x2fa: {  	v12 =	vor.u32 s31, v5;
	s0 =	simm.s32 $0x20;
	v13 =	vadd.s32 v10, v13;
	v10 =	vmov v11  }
.LBB2_14:
0x2fb: {  	p0 =	sne.s32 s0, $0x1FA0;
	v14 =	vmul.u32 $0x6, v12;
	v13 =	vadd.s32 $0xFFFFFFFF, v13;
	_ =	sdelay $0x4  }
0x2fc: {  	[tilespmem:v13+s3+$0x0] =	vst.idx.msk vm9, v9;
	v9 =	vmov v12  }
0x2fd: {  	v12 =	vld.idx.msk [tilespmem:v14+s20+$0x0], $0xffff;
	_ =	sdelay $0x5  }
0x2fe: {  	vm9 =	veq.f32 v12, $1.000000000e+00  }
0x2ff: {  	v12 =	vsel vm9, $0x1, v6;
	v13 =	vmpcnt.ones.xlane vm9  }
0x300: {  	(xrf0) =	vadd.scan.msk.s32 $0xffff, v12  }
0x301: {  	v11 =	vadd.s32 v11, v13;
	_ =	sdelay $0x1  }
.Ltmp10:
0x302: {  	(pc) =	sbr.rel @p0 .LBB2_14-.Ltmp10, $3  }
0x303: {  	_ =	sdelay $0x1  }
0x304: {  	v13, _, _ =	vpop (xrf0)  }
0x305: {  	v12 =	vor.u32 s0, v5;
	s0 =	sadd.s32 $0x10, s0;
	v13 =	vadd.s32 v13, v10;
	v10 =	vmov v11  }
0x306: {  	v14 =	vmul.u32 $0x6, v12;
	v13 =	vadd.s32 $0xFFFFFFFF, v13;
	_ =	sdelay $0x4  }
0x307: {  	[tilespmem:v13+s3+$0x0] =	vst.idx.msk vm9, v9  }
0x308: {  	v9 =	vld.idx.msk [tilespmem:v14+s20+$0x0], $0xffff;
	_ =	sdelay $0x4  }
0x309: {  	vm9 =	veq.f32 v9, $1.000000000e+00  }
0x30a: {  	v9 =	vmpcnt.ones.xlane vm9;
	_ =	sdelay $0x1  }
0x30b: {  	v62 =	vsel vm9, $0x1, v6;
	v9 =	vadd.s32 v11, v9  }
0x30c: {  	(xrf0) =	vadd.scan.msk.s32 $0xffff, v62;
	v11 =	vxor.u32 $0x80000000, v9  }
0x30d: {  	(xrf0) =	vmax.scan.msk.u32 $0xffff, v11;
	_ =	sdelay $0x4  }
0x30e: {  	v11, _, _ =	vpop (xrf0)  }
0x30f: {  	v63, _, _ =	vpop (xrf0)  }
0x310: {  	(v2sf) =	vpush v63, $0xF;
	_ =	sdelay $0xe  }
0x311: {  	s0 =	spop (v2sf)  }
0x312: {  	s1 =	sadd.s32 $0x8000001F, s0  }
0x313: {  	s2 =	sand.u32 $0x1F, s1  }
0x314: {  	s31 =	sshra.s32 s1, $0x1F;
	p1 =	slt.s32 s1, $0x1;
	p0 =	sne.s32 s2, $0x0  }
0x315: {  	s2 =	sshrl.u32 s31, $0x1B;
	p0 =	por !p1, !p0  }
0x316: {  	s1 =	sadd.s32 s2, s1;
	s2 =	simm.s32 $0x1;
	p0 =	por !p0, !p0  }
0x317: {  	s1 =	sshra.s32 s1, $0x5;
	s2 =	simm.s32 @!p0 $0x0  }
0x318: {  	v10 =	vadd.s32 v11, v10;
	s1 =	ssub.s32 s1, s2  }
0x319: {  	v10 =	vadd.s32 $0xFFFFFFFF, v10;
	p0 =	slt.s32 s1, $0x1  }
.Ltmp11:
0x31a: {  	_ = 	snop;
	(pc) =	sbr.rel @p0 .LBB2_16-.Ltmp11, $2  }
0x31b: {  	_ =	sdelay $0x2  }
0x31c: {  	[tilespmem:v10+s3+$0x0] =	vst.idx.msk vm9, v12  }
0x31d: {  	s0 =	sxor.u32 $0x80000000, s0  }
0x31e: {  	v11 =	vimm.f32 $0.0e+00;
	v10 =	vmov s0;
	s0 =	simm.s32 $0x10  }
.LBB2_18:
0x31f: {  	[dreg:$0x15] =	wrdreg s0  }
0x320: {  	s0 =	rddreg [dreg:$0x15]  }
0x321: {  	s0 =	sadd.s32 $0xFFFFFFF0, s0  }
0x322: {  	v12 =	vor.u32 s0, v5;
	_ =	sdelay $0x4  }
0x323: {  	v13 =	vld.idx.msk [tilespmem:v12+s3+$0x0], $0xffff;
	_ =	sdelay $0x3  }
0x324: {  	vm9 =	vlt.s32 v12, v10  }
0x325: {  	v13 =	vnsel vm9, $0x0, v13  }
0x326: {  	s11 =	rddreg [dreg:$0x15];
	v15 =	vadd.s32 v4, v13  }
0x327: {  	v14 =	vor.u32 s11, v5;
	v32 =	vshll.u32 v15, $0x2  }
0x328: {  	[tilespmem:$0xDE80] =	vst v32;
	v16 =	vor.u32 $0x1, v32  }
0x329: {  	v33 =	vor.u32 $0x2, v32;
	[tilespmem:$0xDEA0] =	vst v16  }
0x32a: {  	v12 =	vor.u32 $0x3, v32;
	[tilespmem:$0xDEC0] =	vst v33  }
0x32b: {  	[tilespmem:$0xDEE0] =	vst v12  }
0x32c: {  	v12 =	vld.idx.msk [tilespmem:v14+s3+$0x0], $0xffff;
	_ =	sdelay $0x3  }
0x32d: {  	vm10 =	vlt.s32 v14, v10  }
0x32e: {  	v12 =	vnsel vm10, $0x0, v12  }
0x32f: {  	v34 =	vadd.s32 v4, v12  }
0x330: {  	v35 =	vshll.u32 v34, $0x2  }
0x331: {  	[tilespmem:$0xDE90] =	vst v35;
	v17 =	vor.u32 $0x1, v35  }
0x332: {  	v36 =	vor.u32 $0x2, v35;
	[tilespmem:$0xDEB0] =	vst v17  }
0x333: {  	[dreg:$0x12] =	wrdreg s1;
	v16 =	vor.u32 $0x3, v35;
	[tilespmem:$0xDED0] =	vst v36  }
0x334: {  	s12 =	rddreg [dreg:$0x5];
	[tilespmem:$0xDEF0] =	vst v16  }
0x335: {  	[tilespmem:s6], [sflag:$0x1] =	stream.indirect.gather [hbm4b:s12+s4], $0x1, s5, s4, $0xb8;
	[tilespmem:$0xE080] =	vst v63  }
0x336: {  	_ =	swait.ge [sflag:s22], $0x80  }
0x337: {  	(v2sf) =	vpush v15, $0xD;
	_ =	sdelay $0x1  }
0x338: {  	(v2sf) =	vpush v15, $0xC;
	_ =	sdelay $0x1  }
0x339: {  	(v2sf) =	vpush v15, $0xE;
	_ =	sdelay $0x1  }
0x33a: {  	(v2sf) =	vpush v15, $0xF;
	_ =	sdelay $0x1  }
0x33b: {  	(v2sf) =	vpush v15, $0x9;
	_ =	sdelay $0x1  }
0x33c: {  	(v2sf) =	vpush v15, $0x8;
	_ =	sdelay $0x1  }
0x33d: {  	(v2sf) =	vpush v15, $0xA;
	_ =	sdelay $0x1  }
0x33e: {  	(v2sf) =	vpush v15, $0xB  }
0x33f: {  	(v2sf) =	vpush v15, $0x0;
	s13 =	spop (v2sf)  }
0x340: {  	s14 =	smulhi.u32 $0x60F25DEB, s13;
	s0 =	sshra.s32 s13, $0x1F  }
0x341: {  	s2 =	spop (v2sf);
	s0 =	smul.u32 $0x60F25DEB, s0  }
0x342: {  	(v2sf) =	vpush v15, $0x1;
	s15 =	smulhi.u32 $0x60F25DEB, s2;
	s2 =	sshra.s32 s2, $0x1F  }
0x343: {  	s16 =	spop (v2sf);
	s2 =	smul.u32 $0x60F25DEB, s2  }
0x344: {  	(v2sf) =	vpush v15, $0x2;
	s17 =	smulhi.u32 $0x60F25DEB, s16;
	s4 =	sshra.s32 s16, $0x1F  }
0x345: {  	s19 =	spop (v2sf);
	s18 =	smul.u32 $0x60F25DEB, s4  }
0x346: {  	(v2sf) =	vpush v15, $0x3;
	s0 =	sadd.s32 s0, s14;
	s20 =	smulhi.u32 $0x60F25DEB, s19;
	s7 =	sshra.s32 s19, $0x1F  }
0x347: {  	(v2sf) =	vpush v15, $0x4;
	s22 =	spop (v2sf);
	s9 =	sshrl.u32 s0, $0x1F;
	s21 =	smul.u32 $0x60F25DEB, s7  }
0x348: {  	s4 =	sadd.s32 s2, s15;
	s23 =	smulhi.u32 $0x60F25DEB, s22;
	s3 =	sshra.s32 s22, $0x1F  }
0x349: {  	s24 =	spop (v2sf);
	s10 =	sshrl.u32 s4, $0x1F;
	s3 =	smul.u32 $0x60F25DEB, s3  }
0x34a: {  	(v2sf) =	vpush v15, $0x5;
	s1 =	sadd.s32 s18, s17;
	s8 =	smulhi.u32 $0x60F25DEB, s24;
	s5 =	sshra.s32 s24, $0x1F  }
0x34b: {  	s26 =	spop (v2sf);
	s11 =	sshrl.u32 s1, $0x1F;
	s25 =	smul.u32 $0x60F25DEB, s5  }
0x34c: {  	(v2sf) =	vpush v15, $0x6;
	s2 =	sadd.s32 s21, s20;
	s13 =	smulhi.u32 $0x60F25DEB, s26;
	s14 =	sshra.s32 s26, $0x1F  }
0x34d: {  	s29 =	spop (v2sf);
	s5 =	sadd.s32 s3, s23;
	s28 =	smul.u32 $0x60F25DEB, s14  }
0x34e: {  	s15 =	smulhi.u32 $0x60F25DEB, s29;
	s7 =	sshra.s32 s29, $0x1F;
	s30 =	spop (v2sf);
	(v2sf) =	vpush v15, $0x7  }
0x34f: {  	s12 =	sshrl.u32 s2, $0x1F;
	s14 =	sshrl.u32 s5, $0x1F;
	s7 =	smul.u32 $0x60F25DEB, s7  }
0x350: {  	s8 =	sadd.s32 s25, s8;
	s17 =	smulhi.u32 $0x60F25DEB, s30;
	s18 =	sshra.s32 s30, $0x1F  }
0x351: {  	s22 =	spop (v2sf);
	s16 =	sshrl.u32 s8, $0x1F;
	s31 =	smul.u32 $0x60F25DEB, s18  }
0x352: {  	s6 =	sadd.s32 s28, s13;
	s19 =	smulhi.u32 $0x60F25DEB, s22;
	s13 =	sshra.s32 s22, $0x1F  }
0x353: {  	s23 =	spop (v2sf);
	s18 =	sshrl.u32 s6, $0x1F;
	s13 =	smul.u32 $0x60F25DEB, s13  }
0x354: {  	s7 =	sadd.s32 s7, s15;
	s21 =	smulhi.u32 $0x60F25DEB, s23;
	s15 =	sshra.s32 s23, $0x1F  }
0x355: {  	s24 =	spop (v2sf);
	s3 =	sadd.s32 s31, s17;
	s15 =	smul.u32 $0x60F25DEB, s15  }
0x356: {  	v20 =	vmov s4;
	v37 =	vmov s10;
	s23 =	smulhi.u32 $0x60F25DEB, s24;
	s17 =	sshra.s32 s24, $0x1F;
	s28 =	spop (v2sf)  }
0x357: {  	v20 =	vsel vm0, s0, v20;
	v16 =	vsel vm0, s9, v37;
	s25 =	sshrl.u32 s3, $0x1F;
	s10 =	sadd.s32 s13, s19;
	s26 =	smul.u32 $0x60F25DEB, s17  }
0x358: {  	v20 =	vsel vm1, s1, v20;
	v16 =	vsel vm1, s11, v16;
	s30 =	smulhi.u32 $0x60F25DEB, s28;
	s17 =	sshra.s32 s28, $0x1F;
	s29 =	sshrl.u32 s10, $0x1F  }
0x359: {  	v20 =	vsel vm2, s2, v20;
	v16 =	vsel vm2, s12, v16;
	s11 =	sadd.s32 s15, s21;
	s31 =	smul.u32 $0x60F25DEB, s17;
	s21 =	spop (v2sf)  }
0x35a: {  	v21 =	vmov s8;
	v19 =	vmov s3;
	v38 =	vmov s25;
	s13 =	sadd.s32 s26, s23;
	s23 =	smulhi.u32 $0x60F25DEB, s21;
	s24 =	sshra.s32 s21, $0x1F  }
0x35b: {  	v18 =	vmov s16;
	v19 =	vnsel vm3, $0x0, v19;
	v17 =	vnsel vm3, $0x0, v38;
	s16 =	sshrl.u32 s11, $0x1F;
	s28 =	spop (v2sf);
	s26 =	smul.u32 $0x60F25DEB, s24  }
0x35c: {  	v21 =	vsel vm0, s5, v21;
	v19 =	vsel vm0, s10, v19;
	v17 =	vsel vm0, s29, v17;
	s17 =	sshrl.u32 s13, $0x1F;
	s29 =	smulhi.u32 $0x60F25DEB, s28;
	s15 =	sshra.s32 s28, $0x1F  }
0x35d: {  	v18 =	vsel vm0, s14, v18;
	s22 =	sadd.s32 s31, s30;
	v19 =	vsel vm1, s11, v19;
	v17 =	vsel vm1, s16, v17;
	s30 =	smul.u32 $0x60F25DEB, s15;
	s31 =	spop (v2sf)  }
0x35e: {  	s20 =	sshrl.u32 s7, $0x1F;
	v21 =	vsel vm1, s6, v21;
	v19 =	vsel vm2, s13, v19;
	v17 =	vsel vm2, s17, v17;
	s16 =	smulhi.u32 $0x60F25DEB, s31;
	s17 =	sshra.s32 s31, $0x1F  }
0x35f: {  	v18 =	vsel vm1, s18, v18;
	v21 =	vsel vm2, s7, v21;
	s25 =	sshrl.u32 s22, $0x1F;
	s18 =	sadd.s32 s26, s23;
	v19 =	vsel vm4, s22, v19;
	s19 =	smul.u32 $0x60F25DEB, s17  }
0x360: {  	v18 =	vsel vm2, s20, v18;
	v17 =	vsel vm4, s25, v17;
	s20 =	sshrl.u32 s18, $0x1F;
	s3 =	sadd.s32 s30, s29;
	v19 =	vsel vm5, s18, v19  }
0x361: {  	v20 =	vcombine.low v21, v20;
	v17 =	vsel vm5, s20, v17;
	s21 =	sshrl.u32 s3, $0x1F;
	v19 =	vsel vm6, s3, v19;
	s22 =	sadd.s32 s19, s16  }
0x362: {  	v16 =	vcombine.low v18, v16;
	v17 =	vsel vm6, s21, v17;
	s23 =	sshrl.u32 s22, $0x1F;
	v39 =	vsel vm7, s22, v19  }
0x363: {  	v40 =	vperm.xlane v20, v7;
	v17 =	vsel vm7, s23, v17;
	v18 =	vperm.xlane v39, v8  }
0x364: {  	v16 =	vperm.xlane v16, v7;
	v17 =	vperm.xlane v17, v8  }
0x365: {  	v18 =	vsel vm8, v18, v40  }
0x366: {  	v16 =	vsel vm8, v17, v16;
	v41 =	vshra.s32 v18, $0xA  }
0x367: {  	v16 =	vadd.s32 v16, v41  }
0x368: {  	v17 =	vmul.u32 $0xFFFFF570, v16  }
0x369: {  	v42 =	vsub.s32 $0x0, v15  }
0x36a: {  	vm11 =	vlt.s32 v15, $0x1;
	vm12 =	vne.s32 v17, v42  }
0x36b: {  	vm11 =	vmand vm11, vm12  }
0x36c: {  	v43 =	vsel vm11, $0xFFFFFFFF, v6  }
0x36d: {  	v15 =	vadd.s32 v43, v16  }
0x36e: {  	(v2sf) =	vpush v15, $0xD;
	_ =	sdelay $0x1  }
0x36f: {  	(v2sf) =	vpush v15, $0xC  }
0x370: {  	(v2sf) =	vpush v15, $0xE;
	_ =	sdelay $0x1  }
0x371: {  	(v2sf) =	vpush v15, $0xF  }
0x372: {  	(v2sf) =	vpush v15, $0x9;
	_ =	sdelay $0x1  }
0x373: {  	(v2sf) =	vpush v15, $0x8  }
0x374: {  	(v2sf) =	vpush v15, $0xA  }
0x375: {  	(v2sf) =	vpush v15, $0xB  }
0x376: {  	(v2sf) =	vpush v15, $0x1  }
0x377: {  	(v2sf) =	vpush v15, $0x0  }
0x378: {  	(v2sf) =	vpush v15, $0x2  }
0x379: {  	(v2sf) =	vpush v15, $0x3  }
0x37a: {  	(v2sf) =	vpush v15, $0x4;
	s24 =	spop (v2sf)  }
0x37b: {  	(v2sf) =	vpush v15, $0x5;
	s28 =	smulhi.u32 $0x55555556, s24;
	s0 =	sshra.s32 s24, $0x1F  }
0x37c: {  	(v2sf) =	vpush v15, $0x6;
	s25 =	spop (v2sf);
	s0 =	smul.u32 $0x55555556, s0  }
0x37d: {  	(v2sf) =	vpush v15, $0x7;
	s26 =	spop (v2sf);
	s1 =	smulhi.u32 $0x55555556, s25;
	s5 =	sshra.s32 s25, $0x1F  }
0x37e: {  	(v2sf) =	vpush v34, $0xD;
	[dreg:$0x19] =	wrdreg s28;
	s30 =	smul.u32 $0x55555556, s5  }
0x37f: {  	s29 =	spop (v2sf);
	s8 =	smulhi.u32 $0x55555556, s26  }
0x380: {  	(v2sf) =	vpush v34, $0xC;
	s11 =	sshra.s32 s26, $0x1F;
	s31 =	spop (v2sf);
	[dreg:$0x1c] =	wrdreg s0  }
0x381: {  	[smem:$0x7E9] =	sst s1;
	s0 =	smul.u32 $0x55555556, s11  }
0x382: {  	(v2sf) =	vpush v34, $0xE;
	s12 =	smulhi.u32 $0x55555556, s29;
	s6 =	spop (v2sf)  }
0x383: {  	[dreg:$0x1f] =	wrdreg s8;
	s7 =	spop (v2sf)  }
0x384: {  	(v2sf) =	vpush v34, $0xF;
	s16 =	smulhi.u32 $0x55555556, s31;
	s18 =	spop (v2sf)  }
0x385: {  	[smem:$0x7EA] =	sst s0;
	s15 =	spop (v2sf)  }
0x386: {  	s14 =	sshra.s32 s29, $0x1F;
	(v2sf) =	vpush v34, $0x9;
	[smem:$0x7EB] =	sst s12;
	s22 =	spop (v2sf)  }
0x387: {  	s0 =	smul.u32 $0x55555556, s14;
	s21 =	spop (v2sf)  }
0x388: {  	(v2sf) =	vpush v34, $0x8;
	s19 =	smulhi.u32 $0x55555556, s6;
	s12 =	spop (v2sf)  }
0x389: {  	s17 =	sshra.s32 s31, $0x1F;
	[smem:$0x7ED] =	sst s16;
	s11 =	spop (v2sf)  }
0x38a: {  	s20 =	sshra.s32 s6, $0x1F;
	s16 =	smul.u32 $0x55555556, s17;
	(v2sf) =	vpush v34, $0xA;
	s26 =	spop (v2sf)  }
0x38b: {  	s31 =	smul.u32 $0x55555556, s20;
	s28 =	spop (v2sf)  }
0x38c: {  	s23 =	smulhi.u32 $0x55555556, s7;
	s24 =	sshra.s32 s7, $0x1F;
	s25 =	spop (v2sf);
	(v2sf) =	vpush v34, $0xB  }
0x38d: {  	s13 =	smul.u32 $0x55555556, s24;
	s29 =	spop (v2sf)  }
0x38e: {  	[smem:$0x7EC] =	sst s0;
	(v2sf) =	vpush v34, $0x0;
	s8 =	smulhi.u32 $0x60F25DEB, s29;
	s0 =	sshra.s32 s29, $0x1F  }
0x38f: {  	s1 =	smul.u32 $0x60F25DEB, s0;
	s0 =	spop (v2sf)  }
0x390: {  	[smem:$0x7EE] =	sst s19;
	(v2sf) =	vpush v34, $0x1;
	s17 =	smulhi.u32 $0x60F25DEB, s0;
	s14 =	sshra.s32 s0, $0x1F  }
0x391: {  	s2 =	spop (v2sf);
	s14 =	smul.u32 $0x60F25DEB, s14  }
0x392: {  	[smem:$0x7EF] =	sst s23;
	(v2sf) =	vpush v34, $0x2;
	s23 =	smulhi.u32 $0x60F25DEB, s2;
	s19 =	sshra.s32 s2, $0x1F  }
0x393: {  	s3 =	spop (v2sf);
	s19 =	smul.u32 $0x60F25DEB, s19  }
0x394: {  	(v2sf) =	vpush v34, $0x3;
	s24 =	smulhi.u32 $0x60F25DEB, s3;
	s20 =	sshra.s32 s3, $0x1F  }
0x395: {  	s4 =	spop (v2sf);
	s29 =	smul.u32 $0x60F25DEB, s20  }
0x396: {  	(v2sf) =	vpush v34, $0x4;
	s7 =	smulhi.u32 $0x60F25DEB, s4;
	s20 =	sshra.s32 s4, $0x1F  }
0x397: {  	s5 =	spop (v2sf);
	s20 =	smul.u32 $0x60F25DEB, s20  }
0x398: {  	s6 =	smulhi.u32 $0x60F25DEB, s5;
	s0 =	sshra.s32 s5, $0x1F  }
0x399: {  	(v2sf) =	vpush v34, $0x5;
	s9 =	spop (v2sf);
	s4 =	smul.u32 $0x60F25DEB, s0  }
0x39a: {  	s5 =	smulhi.u32 $0x60F25DEB, s9;
	s0 =	sshra.s32 s9, $0x1F  }
0x39b: {  	s2 =	smul.u32 $0x60F25DEB, s0;
	s10 =	spop (v2sf)  }
0x39c: {  	s3 =	smulhi.u32 $0x60F25DEB, s10;
	s0 =	sshra.s32 s10, $0x1F  }
0x39d: {  	s10 =	sadd.s32 s1, s8;
	s9 =	spop (v2sf);
	s8 =	smul.u32 $0x60F25DEB, s0  }
0x39e: {  	s14 =	sadd.s32 s14, s17;
	(v2sf) =	vpush v34, $0x6;
	s1 =	smulhi.u32 $0x60F25DEB, s9;
	s0 =	sshra.s32 s9, $0x1F  }
0x39f: {  	s17 =	sadd.s32 s19, s23;
	s19 =	smul.u32 $0x60F25DEB, s0;
	s9 =	spop (v2sf)  }
0x3a0: {  	s29 =	sadd.s32 s29, s24;
	(v2sf) =	vpush v34, $0x7;
	s23 =	smulhi.u32 $0x60F25DEB, s9;
	s0 =	sshra.s32 s9, $0x1F  }
0x3a1: {  	s24 =	sadd.s32 s20, s7;
	s20 =	spop (v2sf);
	s7 =	smul.u32 $0x60F25DEB, s0  }
0x3a2: {  	s4 =	sadd.s32 s4, s6;
	s6 =	smulhi.u32 $0x60F25DEB, s20;
	s9 =	sshra.s32 s20, $0x1F  }
0x3a3: {  	s2 =	sadd.s32 s2, s5;
	s0 =	spop (v2sf);
	s5 =	smul.u32 $0x60F25DEB, s9  }
0x3a4: {  	s9 =	sadd.s32 s8, s3;
	s3 =	smulhi.u32 $0x60F25DEB, s0;
	s20 =	sshra.s32 s0, $0x1F  }
0x3a5: {  	s1 =	sadd.s32 s19, s1;
	s0 =	spop (v2sf);
	s8 =	smul.u32 $0x60F25DEB, s20  }
0x3a6: {  	s7 =	sadd.s32 s7, s23;
	s20 =	smulhi.u32 $0x60F25DEB, s0;
	s19 =	sshra.s32 s0, $0x1F  }
0x3a7: {  	s0 =	sshrl.u32 s14, $0x1F;
	s5 =	sadd.s32 s5, s6;
	s6 =	smul.u32 $0x60F25DEB, s19  }
0x3a8: {  	s19 =	spop (v2sf);
	v44 =	vmov s0;
	s0 =	sshrl.u32 s1, $0x1F;
	s3 =	sadd.s32 s8, s3  }
0x3a9: {  	v48 =	vmov s14;
	s23 =	smulhi.u32 $0x60F25DEB, s19;
	s8 =	sshra.s32 s19, $0x1F;
	s19 =	sshrl.u32 s10, $0x1F  }
0x3aa: {  	v49 =	vmov s4;
	v45 =	vmov s0;
	v16 =	vsel vm0, s19, v44;
	s0 =	sadd.s32 s6, s20;
	s6 =	smul.u32 $0x60F25DEB, s8;
	s20 =	sshrl.u32 s17, $0x1F  }
0x3ab: {  	v47 =	vmov s1;
	v17 =	vnsel vm3, $0x0, v45;
	s8 =	sshrl.u32 s29, $0x1F;
	s19 =	sshrl.u32 s4, $0x1F;
	v16 =	vsel vm1, s20, v16;
	s20 =	sshrl.u32 s7, $0x1F  }
0x3ac: {  	v46 =	vmov s19;
	s19 =	sshrl.u32 s5, $0x1F;
	v16 =	vsel vm2, s8, v16;
	v17 =	vsel vm0, s20, v17;
	s8 =	sshrl.u32 s24, $0x1F  }
0x3ad: {  	v19 =	vnsel vm3, $0x0, v47;
	s1 =	sshrl.u32 s2, $0x1F;
	v18 =	vsel vm0, s8, v46;
	v17 =	vsel vm1, s19, v17;
	s8 =	sshrl.u32 s3, $0x1F;
	s20 =	spop (v2sf)  }
0x3ae: {  	v19 =	vsel vm0, s7, v19;
	v18 =	vsel vm1, s1, v18;
	v17 =	vsel vm2, s8, v17;
	s8 =	sshrl.u32 s9, $0x1F;
	s19 =	smulhi.u32 $0x60F25DEB, s20;
	s1 =	sshra.s32 s20, $0x1F  }
0x3af: {  	v20 =	vsel vm0, s10, v48;
	v19 =	vsel vm1, s5, v19;
	v18 =	vsel vm2, s8, v18;
	s8 =	spop (v2sf);
	s1 =	smul.u32 $0x60F25DEB, s1  }
0x3b0: {  	v21 =	vsel vm0, s24, v49;
	v20 =	vsel vm1, s17, v20;
	s10 =	sshra.s32 s18, $0x1F;
	v19 =	vsel vm2, s3, v19;
	s14 =	smulhi.u32 $0x60F25DEB, s8;
	s7 =	sshra.s32 s8, $0x1F  }
0x3b1: {  	v21 =	vsel vm1, s2, v21;
	v20 =	vsel vm2, s29, v20;
	v19 =	vsel vm4, s0, v19;
	s6 =	sadd.s32 s6, s23;
	s20 =	sshrl.u32 s0, $0x1F;
	s8 =	smul.u32 $0x60F25DEB, s7  }
0x3b2: {  	v21 =	vsel vm2, s9, v21;
	s17 =	smulhi.u32 $0x55555556, s18;
	v19 =	vsel vm5, s6, v19;
	s18 =	sshrl.u32 s6, $0x1F;
	v17 =	vsel vm4, s20, v17;
	s1 =	sadd.s32 s1, s19  }
0x3b3: {  	v20 =	vcombine.low v21, v20;
	s2 =	smulhi.u32 $0x55555556, s22;
	v17 =	vsel vm5, s18, v17;
	s14 =	sadd.s32 s8, s14;
	v19 =	vsel vm6, s1, v19;
	s1 =	sshrl.u32 s1, $0x1F  }
0x3b4: {  	s4 =	smulhi.u32 $0x55555556, s15;
	s29 =	sld [smem:$0x7E9];
	v16 =	vcombine.low v18, v16;
	v17 =	vsel vm6, s1, v17;
	v50 =	vsel vm7, s14, v19;
	s23 =	sshrl.u32 s14, $0x1F  }
0x3b5: {  	v51 =	vperm.xlane v20, v7;
	s24 =	sshra.s32 s22, $0x1F;
	s22 =	simm.s32 $0x1;
	s3 =	smul.u32 $0x55555556, s10;
	v17 =	vsel vm7, s23, v17;
	v18 =	vperm.xlane v50, v8  }
0x3b6: {  	s10 =	rddreg [dreg:$0x19];
	[sflag:s22] =	ssyncset.done $0x0;
	s9 =	smulhi.u32 $0x55555556, s21;
	v16 =	vperm.xlane v16, v7;
	v17 =	vperm.xlane v17, v8  }
0x3b7: {  	[sflag:s22] =	ssyncadd.s32 $0xFFFFFF80;
	s3 =	sadd.s32 s3, s17;
	s18 =	rddreg [dreg:$0x1f];
	v18 =	vsel vm8, v18, v51  }
0x3b8: {  	s7 =	smul.u32 $0x55555556, s24;
	s19 =	sshra.s32 s15, $0x1F;
	s15 =	rddreg [dreg:$0x1c];
	v16 =	vsel vm8, v17, v16;
	v53 =	vshra.s32 v18, $0xA  }
0x3b9: {  	s24 =	sld [smem:$0x7EC];
	s6 =	smul.u32 $0x55555556, s19;
	s8 =	sadd.s32 s15, s10;
	v16 =	vadd.s32 v16, v53  }
0x3ba: {  	v28 =	vld [tilespmem:$0xDF00];
	s19 =	sld [smem:$0x7EA];
	s15 =	smulhi.u32 $0x55555556, s12;
	s12 =	sshra.s32 s12, $0x1F;
	v56 =	vmul.u32 $0xFFFFF570, v16  }
0x3bb: {  	v57 =	vsub.s32 $0x0, v34;
	s2 =	sadd.s32 s7, s2;
	s7 =	smulhi.u32 $0x55555556, s11;
	s11 =	sshra.s32 s11, $0x1F  }
0x3bc: {  	vm11 =	vlt.s32 v34, $0x1;
	s14 =	sadd.s32 s30, s29;
	s29 =	sld [smem:$0x7ED];
	s12 =	smul.u32 $0x55555556, s12;
	vm12 =	vne.s32 v56, v57  }
0x3bd: {  	s30 =	sshra.s32 s21, $0x1F;
	s11 =	smul.u32 $0x55555556, s11;
	s23 =	sld [smem:$0x7EB];
	vm11 =	vmand vm11, vm12  }
0x3be: {  	v58 =	vmov s2;
	s2 =	sshrl.u32 s2, $0x1F;
	s10 =	smul.u32 $0x55555556, s30;
	s30 =	sld [smem:$0x7EE];
	v61 =	vsel vm11, $0xFFFFFFFF, v6  }
0x3bf: {  	v20 =	vsub.f32 $0.0e+00, v28;
	v52 =	vmov s14;
	s4 =	sadd.s32 s6, s4;
	s14 =	sshrl.u32 s14, $0x1F;
	s1 =	sadd.s32 s19, s18;
	v63 =	vadd.s32 v61, v16  }
0x3c0: {  	v60 =	vnsel vm3, $0x0, v58;
	v27 =	vmov s2;
	s19 =	smulhi.u32 $0x55555556, s26;
	s12 =	sadd.s32 s12, s15;
	s7 =	sadd.s32 s11, s7;
	(v2sf) =	vpush v63, $0xD  }
0x3c1: {  	v20 =	vmul.f32 $1.442695020e+00, v20;
	v54 =	vsel vm0, s8, v52;
	s18 =	sshra.s32 s25, $0x1F;
	v26 =	vmov s14;
	s5 =	sadd.s32 s16, s29;
	s9 =	sadd.s32 s10, s9  }
0x3c2: {  	v19 =	vnsel vm3, $0x0, v27;
	v55 =	vsel vm1, s1, v54;
	s0 =	sadd.s32 s24, s23;
	s16 =	sadd.s32 s31, s30;
	s31 =	sld [smem:$0x7EF];
	(v2sf) =	vpush v63, $0xC  }
0x3c3: {  	s23 =	sshra.s32 s26, $0x1F;
	v18 =	vsel vm0, s4, v60;
	s26 =	smulhi.u32 $0x55555556, s28;
	s4 =	sshrl.u32 s4, $0x1F;
	v17 =	vsel vm2, s0, v55;
	v59 =	vmov s16  }
0x3c4: {  	s29 =	sshra.s32 s28, $0x1F;
	s24 =	smul.u32 $0x55555556, s23;
	v18 =	vsel vm1, s9, v18;
	s23 =	sshrl.u32 s16, $0x1F;
	v19 =	vsel vm0, s4, v19;
	(v2sf) =	vpush v63, $0xE  }
0x3c5: {  	s8 =	sshrl.u32 s8, $0x1F;
	s1 =	sshrl.u32 s1, $0x1F;
	s30 =	smul.u32 $0x55555556, s29;
	v14 =	vsel vm0, s5, v59;
	v18 =	vsel vm2, s12, v18;
	v29 =	vmov s23  }
0x3c6: {  	s0 =	sshrl.u32 s0, $0x1F;
	s5 =	sshrl.u32 s5, $0x1F;
	s13 =	sadd.s32 s13, s31;
	v25 =	vsel vm4, s7, v18;
	v18 =	vsel vm0, s8, v26;
	(v2sf) =	vpush v63, $0xF  }
0x3c7: {  	s11 =	sadd.s32 s30, s26;
	s6 =	sadd.s32 s24, s19;
	s24 =	sshrl.u32 s9, $0x1F;
	v21 =	vsel vm0, s5, v29;
	v62 =	vsel vm1, s13, v14;
	v18 =	vsel vm1, s1, v18  }
0x3c8: {  	s26 =	sshrl.u32 s12, $0x1F;
	s31 =	smulhi.u32 $0x55555556, s25;
	s25 =	sshrl.u32 s13, $0x1F;
	v19 =	vsel vm1, s24, v19;
	v24 =	vsel vm2, s3, v62;
	(v2sf) =	vpush v63, $0x9  }
0x3c9: {  	s28 =	sshrl.u32 s3, $0x1F;
	s29 =	sshrl.u32 s7, $0x1F;
	v21 =	vsel vm1, s25, v21;
	v19 =	vsel vm2, s26, v19;
	v18 =	vsel vm2, s0, v18  }
0x3ca: {  	s19 =	smul.u32 $0x55555556, s18;
	v21 =	vsel vm2, s28, v21;
	v19 =	vsel vm4, s29, v19;
	(v2sf) =	vpush v63, $0x8  }
0x3cb: {  	s30 =	sshrl.u32 s6, $0x1F;
	v16 =	vcombine.low v24, v17;
	v17 =	vsel vm5, s6, v25;
	v18 =	vcombine.low v21, v18  }
0x3cc: {  	s10 =	sadd.s32 s19, s31;
	s31 =	sshrl.u32 s11, $0x1F;
	v19 =	vsel vm5, s30, v19;
	v17 =	vsel vm6, s11, v17;
	(v2sf) =	vpush v63, $0xA  }
0x3cd: {  	s1 =	sshrl.u32 s10, $0x1F;
	v19 =	vsel vm6, s31, v19;
	v16 =	vperm.xlane v16, v7;
	v17 =	vsel vm7, s10, v17  }
0x3ce: {  	v18 =	vperm.xlane v18, v7;
	v19 =	vsel vm7, s1, v19;
	(v2sf) =	vpush v63, $0xB  }
0x3cf: {  	v17 =	vperm.xlane v17, v8;
	v19 =	vperm.xlane v19, v8;
	s2 =	spop (v2sf)  }
0x3d0: {  	(v2sf) =	vpush v63, $0x1;
	s3 =	smulhi.u32 $0x55555556, s2;
	s0 =	sshra.s32 s2, $0x1F  }
0x3d1: {  	(erf) = vpow2.f32 v20;
	v16 =	vsel vm8, v17, v16;
	v30 =	vsel vm8, v19, v18;
	s5 =	spop (v2sf);
	s0 =	smul.u32 $0x55555556, s0  }
0x3d2: {  	v16 =	vadd.s32 v30, v16;
	(v2sf) =	vpush v63, $0x0;
	s6 =	smulhi.u32 $0x55555556, s5;
	s2 =	sshra.s32 s5, $0x1F  }
0x3d3: {  	v16 =	vmul.u32 $0x3, v16;
	s19 =	spop (v2sf);
	s2 =	smul.u32 $0x55555556, s2  }
0x3d4: {  	(v2sf) =	vpush v63, $0x2;
	s23 =	smulhi.u32 $0x55555556, s19;
	s4 =	sshra.s32 s19, $0x1F  }
0x3d5: {  	v13 =	vmul.u32 $0x6, v13;
	v31 =	vld [tilespmem:$0xDF20];
	v15 =	vsub.s32 v15, v16;
	s25 =	spop (v2sf);
	s24 =	smul.u32 $0x55555556, s4  }
0x3d6: {  	v16 =	vshll.u32 v15, $0x1;
	(v2sf) =	vpush v63, $0x3;
	s7 =	smulhi.u32 $0x55555556, s25;
	s4 =	sshra.s32 s25, $0x1F  }
0x3d7: {  	v35 =	vadd.s32 $0x4, v13;
	vm11 =	vlt.s32 v15, $0x0;
	v32 =	vadd.s32 $0x6, v16;
	s26 =	spop (v2sf);
	s8 =	smul.u32 $0x55555556, s4  }
0x3d8: {  	v33 =	vadd.s32 $0x3, v13;
	v15 =	vsel vm11, v32, v16;
	(v2sf) =	vpush v63, $0x4;
	s9 =	smulhi.u32 $0x55555556, s26;
	s4 =	sshra.s32 s26, $0x1F  }
0x3d9: {  	v16 =	vadd.s32 $0x10, v15;
	s28 =	spop (v2sf);
	s10 =	smul.u32 $0x55555556, s4  }
0x3da: {  	s20 =	simm.s32 $0x0;
	v34 =	vpop (erf);
	v17 =	vsub.f32 $0.0e+00, v31;
	v15 =	vadd.s32 $0x11, v15;
	(v2sf) =	vpush v63, $0x5;
	s11 =	smulhi.u32 $0x55555556, s28;
	s4 =	sshra.s32 s28, $0x1F  }
0x3db: {  	s21 =	simm.s32 $0xDF80;
	v19 =	vadd.f32 $1.000000000e+00, v34;
	s29 =	spop (v2sf);
	s12 =	smul.u32 $0x55555556, s4  }
0x3dc: {  	v36 =	vld.idx.msk [tilespmem:v35+s20+$0x0], $0xffff;
	v17 =	vmul.f32 $1.442695020e+00, v17;
	s1 =	sadd.s32 s0, s3;
	(v2sf) =	vpush v63, $0x6;
	s13 =	smulhi.u32 $0x55555556, s29;
	s4 =	sshra.s32 s29, $0x1F  }
0x3dd: {  	v18 =	vld.idx.msk [tilespmem:v33+s20+$0x0], $0xffff;
	(erf) = vrcp.f32 v19;
	s30 =	spop (v2sf);
	s0 =	sadd.s32 s8, s7;
	s14 =	smul.u32 $0x55555556, s4  }
0x3de: {  	(erf) = vpow2.f32 v17;
	v16 =	vld.idx.msk [tilespmem:v16+s21+$0x0], $0xffff;
	(v2sf) =	vpush v63, $0x7;
	s15 =	smulhi.u32 $0x55555556, s30;
	s4 =	sshra.s32 s30, $0x1F;
	s5 =	sadd.s32 s10, s9  }
0x3df: {  	v37 =	vld.idx.msk [tilespmem:v15+s21+$0x0], $0xffff;
	s17 =	smul.u32 $0x55555556, s4;
	s4 =	sadd.s32 s2, s6;
	s31 =	spop (v2sf)  }
0x3e0: {  	s2 =	sadd.s32 s24, s23;
	s18 =	smulhi.u32 $0x55555556, s31;
	s16 =	sshra.s32 s31, $0x1F  }
0x3e1: {  	s11 =	sadd.s32 s12, s11;
	s19 =	spop (v2sf);
	s3 =	smul.u32 $0x55555556, s16  }
0x3e2: {  	v26 =	vld [tilespmem:$0xDF10];
	s7 =	sadd.s32 s14, s13;
	s23 =	smulhi.u32 $0x55555556, s19;
	s24 =	sshra.s32 s19, $0x1F  }
0x3e3: {  	v38 =	vmul.f32 v16, v18;
	v45 =	vmov s4;
	s4 =	sshrl.u32 s4, $0x1F;
	s25 =	spop (v2sf);
	s26 =	smul.u32 $0x55555556, s24  }
0x3e4: {  	v17 =	vmul.f32 v37, v36;
	v23 =	vmov s11;
	s11 =	sshrl.u32 s11, $0x1F;
	v21 =	vsel vm0, s1, v45;
	s28 =	smulhi.u32 $0x55555556, s25;
	s6 =	sshra.s32 s25, $0x1F  }
0x3e5: {  	s1 =	sshrl.u32 s1, $0x1F;
	v21 =	vsel vm1, s2, v21;
	s29 =	spop (v2sf);
	s30 =	smul.u32 $0x55555556, s6  }
0x3e6: {  	v15 =	vpop (erf);
	v16 =	vadd.f32 $1.000000020e-16, v38;
	v17 =	vadd.f32 $1.000000020e-16, v17;
	v21 =	vsel vm2, s0, v21;
	s0 =	sshrl.u32 s0, $0x1F;
	s31 =	smulhi.u32 $0x55555556, s29;
	s10 =	sshra.s32 s29, $0x1F  }
0x3e7: {  	v49 =	vsub.f32 $0.0e+00, v26;
	v39 =	vpop (erf);
	s16 =	spop (v2sf);
	s6 =	sadd.s32 s17, s15;
	s10 =	smul.u32 $0x55555556, s10  }
0x3e8: {  	v18 =	vadd.f32 $1.000000000e+00, v39;
	v40 =	vand.u32 $0x7FFFFF, v16;
	v43 =	vand.u32 $0x7FFFFF, v17;
	s3 =	sadd.s32 s3, s18;
	s17 =	smulhi.u32 $0x55555556, s16;
	s14 =	sshra.s32 s16, $0x1F  }
0x3e9: {  	v23 =	vsel vm0, s5, v23;
	v47 =	vmov s4;
	v41 =	vor.u32 $0x3F800000, v40;
	s18 =	sshrl.u32 s2, $0x1F;
	s19 =	spop (v2sf);
	s14 =	smul.u32 $0x55555556, s14  }
0x3ea: {  	v25 =	vmov s11;
	v19 =	vor.u32 $0x3F800000, v43;
	v20 =	vmul.f32 $5.000000000e-01, v41;
	s8 =	sadd.s32 s26, s23;
	s9 =	sadd.s32 s30, s28;
	s23 =	smulhi.u32 $0x55555556, s19  }
0x3eb: {  	v23 =	vsel vm1, s7, v23;
	vm11 =	vge.f32 v41, $1.414213540e+00;
	v44 =	vmov s8;
	s16 =	sshra.s32 s19, $0x1F;
	s24 =	spop (v2sf);
	s8 =	sshrl.u32 s8, $0x1F  }
0x3ec: {  	v22 =	vmul.f32 $5.000000000e-01, v19;
	v42 =	vsel vm11, v20, v41;
	s19 =	sshrl.u32 s7, $0x1F;
	v20 =	vnsel vm3, $0x0, v44;
	s10 =	sadd.s32 s10, s31;
	s25 =	smul.u32 $0x55555556, s16  }
0x3ed: {  	v23 =	vsel vm2, s6, v23;
	s26 =	smulhi.u32 $0x55555556, s24;
	s28 =	sshra.s32 s24, $0x1F;
	s29 =	spop (v2sf);
	v24 =	vmov s8;
	v20 =	vsel vm0, s3, v20  }
0x3ee: {  	v21 =	vcombine.low v23, v21;
	s14 =	sadd.s32 s14, s17;
	s16 =	smul.u32 $0x55555556, s28;
	v24 =	vnsel vm3, $0x0, v24;
	s3 =	sshrl.u32 s3, $0x1F;
	v20 =	vsel vm1, s9, v20  }
0x3ef: {  	s30 =	smulhi.u32 $0x55555556, s29;
	s31 =	sshra.s32 s29, $0x1F;
	v46 =	vsel vm0, s3, v24;
	s9 =	sshrl.u32 s9, $0x1F;
	v24 =	vsel vm0, s1, v47;
	v20 =	vsel vm2, s10, v20  }
0x3f0: {  	s17 =	sshrl.u32 s10, $0x1F;
	s15 =	sadd.s32 s16, s26;
	s16 =	sshrl.u32 s5, $0x1F;
	v23 =	vsel vm1, s9, v46;
	v24 =	vsel vm1, s18, v24;
	v20 =	vsel vm4, s14, v20  }
0x3f1: {  	s12 =	sadd.s32 s25, s23;
	s13 =	smul.u32 $0x55555556, s31;
	s23 =	sshrl.u32 s14, $0x1F;
	v25 =	vsel vm0, s16, v25;
	v23 =	vsel vm2, s17, v23;
	v24 =	vsel vm2, s0, v24  }
0x3f2: {  	s24 =	sshrl.u32 s6, $0x1F;
	s25 =	sshrl.u32 s12, $0x1F;
	v20 =	vsel vm5, s12, v20;
	v25 =	vsel vm1, s19, v25;
	v23 =	vsel vm4, s23, v23  }
0x3f3: {  	s26 =	sadd.s32 s13, s30;
	s29 =	sshrl.u32 s15, $0x1F;
	v20 =	vsel vm6, s15, v20;
	v25 =	vsel vm2, s24, v25;
	v23 =	vsel vm5, s25, v23  }
0x3f4: {  	s30 =	sshrl.u32 s26, $0x1F;
	v20 =	vsel vm7, s26, v20;
	v24 =	vcombine.low v25, v24;
	v23 =	vsel vm6, s29, v23  }
0x3f5: {  	v21 =	vperm.xlane v21, v7;
	v20 =	vperm.xlane v20, v8;
	v23 =	vsel vm7, s30, v23  }
0x3f6: {  	vm12 =	vge.f32 v19, $1.414213540e+00;
	v24 =	vperm.xlane v24, v7;
	v23 =	vperm.xlane v23, v8  }
0x3f7: {  	(erf) = vrcp.f32 v18;
	v19 =	vsel vm12, v22, v19;
	v48 =	vadd.f32 $1.000000000e+00, v42  }
0x3f8: {  	v50 =	vadd.f32 $1.000000000e+00, v19;
	v20 =	vsel vm8, v20, v21;
	v51 =	vsel vm8, v23, v24  }
0x3f9: {  	v52 =	vmul.f32 $1.442695020e+00, v49;
	(erf) = vrcp.f32 v48;
	v20 =	vadd.s32 v51, v20  }
0x3fa: {  	(erf) = vrcp.f32 v50;
	v20 =	vmul.u32 $0x3, v20  }
0x3fb: {  	(erf) = vpow2.f32 v52  }
0x3fc: {  	v14 =	vsub.s32 v63, v20  }
0x3fd: {  	v12 =	vmul.u32 $0x6, v12;
	v20 =	vshll.u32 v14, $0x1  }
0x3fe: {  	vm13 =	vlt.s32 v14, $0x0;
	v53 =	vadd.s32 $0x6, v20  }
0x3ff: {  	v54 =	vadd.s32 $0x3, v12;
	v55 =	vld [tilespmem:$0xDF30];
	v14 =	vsel vm13, v53, v20  }
0x400: {  	v20 =	vadd.s32 $0x10, v14  }
0x401: {  	v59 =	vadd.s32 $0x4, v12;
	v56 =	vpop (erf)  }
0x402: {  	v57 =	vpop (erf);
	v14 =	vadd.s32 $0x11, v14  }
0x403: {  	v58 =	vpop (erf)  }
0x404: {  	v22 =	vsub.f32 $0.0e+00, v55;
	v27 =	vpop (erf);
	v21 =	vld.idx.msk [tilespmem:v54+s20+$0x0], $0xffff  }
0x405: {  	v27 =	vadd.f32 $1.000000000e+00, v27;
	v20 =	vld.idx.msk [tilespmem:v20+s21+$0x0], $0xffff  }
0x406: {  	v26 =	vld.idx.msk [tilespmem:v59+s20+$0x0], $0xffff;
	v22 =	vmul.f32 $1.442695020e+00, v22  }
0x407: {  	(erf) = vrcp.f32 v27;
	v14 =	vld.idx.msk [tilespmem:v14+s21+$0x0], $0xffff  }
0x408: {  	(erf) = vpow2.f32 v22;
	_ =	sdelay $0x1  }
0x409: {  	v20 =	vmul.f32 v20, v21;
	_ =	sdelay $0x1  }
0x40a: {  	v14 =	vmul.f32 v14, v26;
	v20 =	vadd.f32 $1.000000020e-16, v20;
	_ =	sdelay $0x1  }
0x40b: {  	v14 =	vadd.f32 $1.000000020e-16, v14;
	v60 =	vand.u32 $0x7FFFFF, v20  }
0x40c: {  	v21 =	vor.u32 $0x3F800000, v60  }
0x40d: {  	v61 =	vpop (erf);
	v32 =	vand.u32 $0x7FFFFF, v14;
	v62 =	vmul.f32 $5.000000000e-01, v21  }
0x40e: {  	v19 =	vadd.f32 $-1.000000000e+00, v19;
	v31 =	vpop (erf);
	v24 =	vor.u32 $0x3F800000, v32;
	vm14 =	vge.f32 v21, $1.414213540e+00  }
0x40f: {  	v25 =	vadd.f32 $1.000000000e+00, v31;
	v34 =	vmul.f32 $5.000000000e-01, v24;
	v21 =	vsel vm14, v62, v21  }
0x410: {  	v18 =	vadd.f32 $-1.000000000e+00, v42;
	vm13 =	vge.f32 v24, $1.414213540e+00;
	v28 =	vadd.f32 $1.000000000e+00, v21  }
0x411: {  	v19 =	vmul.f32 v58, v19;
	(erf) = vrcp.f32 v25;
	v24 =	vsel vm13, v34, v24  }
0x412: {  	v37 =	vadd.f32 $1.000000000e+00, v24;
	(erf) = vrcp.f32 v28  }
0x413: {  	v18 =	vmul.f32 v57, v18;
	v33 =	vmul.f32 v19, v19  }
0x414: {  	(erf) = vrcp.f32 v37  }
0x415: {  	v41 =	vor.u32 $0x1, v13;
	v35 =	vmul.f32 $1.111111120e-01, v33;
	v63 =	vmul.f32 v18, v18  }
0x416: {  	v16 =	vshrl.u32 v16, $0x17;
	v30 =	vsel vm11, $0x1, v6  }
0x417: {  	v13 =	vadd.s32 $0x2, v13;
	v29 =	vmul.f32 $1.111111120e-01, v63;
	v28 =	vadd.f32 $1.428571490e-01, v35  }
0x418: {  	v17 =	vshrl.u32 v17, $0x17;
	v39 =	vsel vm12, $0x1, v6;
	v16 =	vadd.s32 v30, v16  }
0x419: {  	v17 =	vadd.s32 v39, v17;
	v36 =	vadd.f32 $1.428571490e-01, v29;
	v28 =	vmul.f32 v28, v33  }
0x41a: {  	v16 =	vadd.s32 $0xFFFFFF81, v16;
	v17 =	vadd.s32 $0xFFFFFF81, v17;
	v50 =	vld.idx.msk [tilespmem:v41+s20+$0x0], $0xffff;
	v38 =	vpop (erf);
	v21 =	vadd.f32 $-1.000000000e+00, v21  }
0x41b: {  	v16 =	vcvt.s32.f32 v16;
	v25 =	vmul.f32 v36, v63;
	v28 =	vadd.f32 $2.000000030e-01, v28;
	v31 =	vpop (erf)  }
0x41c: {  	v17 =	vcvt.s32.f32 v17;
	v13 =	vld.idx.msk [tilespmem:v13+s20+$0x0], $0xffff;
	v24 =	vadd.f32 $-1.000000000e+00, v24;
	v21 =	vmul.f32 v31, v21  }
0x41d: {  	v16 =	vmul.f32 $6.931471820e-01, v16;
	v25 =	vadd.f32 $2.000000030e-01, v25;
	v28 =	vmul.f32 v28, v33;
	v42 =	vpop (erf)  }
0x41e: {  	v24 =	vmul.f32 v42, v24;
	v40 =	vmul.f32 v21, v21  }
0x41f: {  	v17 =	vmul.f32 $6.931471820e-01, v17;
	v15 =	vsub.f32 v15, v50;
	v25 =	vmul.f32 v25, v63  }
0x420: {  	v28 =	vadd.f32 $3.333333430e-01, v28;
	v44 =	vmul.f32 v24, v24;
	v43 =	vmul.f32 $1.111111120e-01, v40  }
0x421: {  	v13 =	vsub.f32 v56, v13;
	v15 =	vmul.f32 v15, v15;
	v25 =	vadd.f32 $3.333333430e-01, v25  }
0x422: {  	v27 =	vmul.f32 v28, v33;
	v47 =	vmul.f32 $1.111111120e-01, v44;
	v28 =	vadd.f32 $1.428571490e-01, v43  }
0x423: {  	v13 =	vmul.f32 v13, v13;
	v25 =	vmul.f32 v25, v63  }
0x424: {  	v51 =	vor.u32 $0x1, v12;
	v49 =	vadd.f32 $1.428571490e-01, v47;
	v46 =	vmul.f32 v28, v40  }
0x425: {  	v12 =	vadd.s32 $0x2, v12;
	v18 =	vadd.f32 v18, v18;
	v25 =	vadd.f32 $1.000000000e+00, v25  }
0x426: {  	v45 =	vadd.f32 $1.000000000e+00, v27;
	v27 =	vmul.f32 v49, v44;
	v48 =	vadd.f32 $2.000000030e-01, v46  }
0x427: {  	v19 =	vadd.f32 v19, v19;
	v20 =	vshrl.u32 v20, $0x17;
	v18 =	vmul.f32 v25, v18  }
0x428: {  	v55 =	vsel vm14, $0x1, v6;
	v53 =	vadd.f32 $2.000000030e-01, v27;
	v25 =	vmul.f32 v48, v40  }
0x429: {  	v14 =	vshrl.u32 v14, $0x17;
	v57 =	vsel vm13, $0x1, v6;
	v20 =	vadd.s32 v55, v20  }
0x42a: {  	v12 =	vld.idx.msk [tilespmem:v12+s20+$0x0], $0xffff;
	v19 =	vmul.f32 v45, v19;
	v52 =	vadd.f32 $3.333333430e-01, v25;
	v25 =	vmul.f32 v53, v44  }
0x42b: {  	v54 =	vld [tilespmem:$0xDF40];
	v16 =	vadd.f32 v18, v16;
	v14 =	vadd.s32 v57, v14;
	v20 =	vadd.s32 $0xFFFFFF81, v20  }
0x42c: {  	v18 =	vld.idx.msk [tilespmem:v51+s20+$0x0], $0xffff;
	v17 =	vadd.f32 v19, v17;
	v19 =	vmul.f32 v52, v40;
	v25 =	vadd.f32 $3.333333430e-01, v25  }
0x42d: {  	v13 =	vadd.f32 v13, v15;
	v14 =	vadd.s32 $0xFFFFFF81, v14;
	v20 =	vcvt.s32.f32 v20  }
0x42e: {  	v56 =	vld [tilespmem:$0xDF60];
	v21 =	vadd.f32 v21, v21;
	v19 =	vadd.f32 $1.000000000e+00, v19;
	v25 =	vmul.f32 v25, v44  }
0x42f: {  	v58 =	vld [tilespmem:$0xDF50];
	v12 =	vsub.f32 v38, v12;
	v14 =	vcvt.s32.f32 v14;
	v20 =	vmul.f32 $6.931471820e-01, v20  }
0x430: {  	v24 =	vadd.f32 v24, v24;
	v19 =	vmul.f32 v19, v21;
	v25 =	vadd.f32 $1.000000000e+00, v25  }
0x431: {  	v59 =	vld [tilespmem:$0xDF70];
	v12 =	vmul.f32 v12, v12;
	v16 =	vsub.f32 v54, v16;
	v18 =	vsub.f32 v61, v18  }
0x432: {  	v14 =	vmul.f32 $6.931471820e-01, v14;
	v19 =	vadd.f32 v19, v20;
	v60 =	vmul.f32 v25, v24  }
0x433: {  	v61 =	vmul.f32 v16, v16;
	v18 =	vmul.f32 v18, v18;
	v17 =	vsub.f32 v56, v17  }
0x434: {  	v14 =	vadd.f32 v60, v14;
	v62 =	vsub.f32 v58, v19  }
0x435: {  	v13 =	vadd.f32 v61, v13;
	v12 =	vadd.f32 v12, v18  }
0x436: {  	v63 =	vmul.f32 v17, v17;
	v14 =	vsub.f32 v59, v14;
	v16 =	vmul.f32 v62, v62  }
0x437: {  	s28 =	rddreg [dreg:$0x12]  }
0x438: {  	p0 =	sne.s32 s28, $0x1;
	v13 =	vadd.f32 v63, v13;
	v12 =	vadd.f32 v16, v12;
	v14 =	vmul.f32 v14, v14  }
.Ltmp12:
0x439: {  	_ = 	snop;
	(pc) =	sbr.rel @p0 .LBB2_18-.Ltmp12, $4  }
0x43a: {  	v13 =	vnsel vm9, $0x0, v13;
	v12 =	vadd.f32 v14, v12  }
0x43b: {  	s4 =	simm.s32 $0x80;
	v11 =	vadd.f32 v13, v11  }
0x43c: {  	s6 =	simm.s32 $0xDF00;
	s3 =	simm.s32 $0xBE80;
	s31 =	rddreg [dreg:$0x15];
	v12 =	vnsel vm10, $0x0, v12  }
0x43d: {  	s1 =	sadd.s32 $0xFFFFFFFF, s28;
	s5 =	simm.s32 $0xDE80;
	s0 =	sadd.s32 $0x20, s31;
	v11 =	vadd.f32 v12, v11  }
.Ltmp13:
0x43e: {  	_ = 	snop;
	(pc) =	sbr.rel .LBB2_19-.Ltmp13, $1  }
0x43f: {  	_ =	sdelay $0x3  }
.LBB2_20:
0x440: {  	_ =	sfence.sel $0x180000  }
0x441: {  	[bflag:$0x0] =	sbarrier.arrive $0xFFFF  }
0x442: {  	_ =	strace $0x90000047  }
0x443: {  	s0 =	stileid.u32;
	[bflag:$0x2] =	sbarrier.arrive $0xFFFF  }
0x444: {  	p0 =	sne.s32 s0, $0x0;
	s0 =	rddreg [dreg:$0x2]  }
0x445: {  	s0 =	sadd.s32 @!p0 $0x100000, s0  }
0x446: {  	[sflag:s0] =	ssyncadd.tile.s32 @!p0 $0x1;
	_ =	shalt  }
.Lfunc_end2:
_tile_overlayer_lowered:
.L_overlay_start_2:
0x447: {  	(tag) =	ssettag $0x2  }
0x448: {  	s0 =	rddreg [dreg:$0x0];
	s2 =	stileid.u32  }
0x449: {  	s1 =	rddreg [dreg:$0x1];
	p0 =	sne.s32 s2, $0x0  }
0x44a: {  	s3 =	rddreg [dreg:$0x2];
	[bflag:$0x3] =	sbarrier.arrive $0xFFFF;
	s2 =	simm.s32 @!p0 $0x1C02  }
0x44b: {  	[timem:s3], [sflag:s2] =	dma.local @!p0 [hbm:s0], s1  }
0x44c: {  	s0 =	simm.s32 @!p0 $0x2  }
0x44d: {  	_ =	swait.ge @!p0 [sflag:s0], s1  }
0x44e: {  	s1 =	ssub.s32 @!p0 $0x0, s1;
	[sflag:s0] =	ssyncset.done @!p0 $0x0  }
0x44f: {  	[sflag:s0] =	ssyncadd.s32 @!p0 s1  }
0x450: {  	[bflag:$0x3] =	sbarrier.arrive $0xFFFF  }
0x451: {  	_ =	shalt  }

</sc_bundles>
